<compile_context>
chip_gen: v7x
topology: tpu7x:2x2x1
jax: 0.10.2.dev20260603
libtpu: 0.0.44.dev20260713+nightly
codegen_flags: <defaults>
</compile_context>

<pallas_src>
import functools
import math

import jax
import jax.numpy as jnp
from jax import lax
from jax.experimental import pallas as pl
from jax.experimental.pallas import tpu as pltpu
from jax.experimental.pallas import tpu_sc as plsc

_N = 10000
_E = 160000
_F = 16
_OUT = 8

_NC = 2
_NS = 16
_NW = _NC * _NS
_EPW = _E // _NW
_EPT = _E // _NS
_CH = 625
_GCH = _EPW // _CH
_SCH = _EPT // _CH
_IDXROWS = _E // _CH

_NP = 10240
_RPT = _NP // _NS

_STG = 1250
_SRND = _EPT // _STG
_GRND = _EPW // _STG
_CPR = _STG // _CH

_EROWS = _E * _F // 128
_NROWS = _NP * _F // 128
_GRID = 20
_BER = _EROWS // _GRID
_NBR = _NROWS // _GRID

_SC_PARAMS = pltpu.CompilerParams(use_tc_tiling_on_sc=False)
_MESH_CACHE = []


def _mesh():
    if not _MESH_CACHE:
        _MESH_CACHE.append(plsc.VectorSubcoreMesh(
            core_axis_name="c", subcore_axis_name="s",
            num_cores=_NC, num_subcores=_NS))
    return _MESH_CACHE[0]



def _sc_gather_count(x, src2d, dst2d, ones_blk, zeros_blk):

    @functools.partial(
        pl.kernel,
        out_type=[
            jax.ShapeDtypeStruct((_E, _F), jnp.float32),
            jax.ShapeDtypeStruct((_NP, _F), jnp.float32),
        ],
        mesh=_mesh(),
        compiler_params=_SC_PARAMS,
        scratch_types=[
            pltpu.VMEM((_GCH, _CH), jnp.int32),
            pltpu.VMEM((_SCH, _CH), jnp.int32),
            pltpu.VMEM((_STG, _F), jnp.float32),
            pltpu.VMEM((_CH, _F), jnp.float32),
            pltpu.SemaphoreType.DMA,
            pltpu.SemaphoreType.DMA,
            pltpu.VMEM_SHARED((_NP, _F), jnp.float32),
        ],
    )
    def k(x_hbm, src_hbm, dst_hbm, ones_hbm, zeros_hbm, xs_out, cnt_out,
          src_v, dst_v, stg_v, ones_v, gsem, ssem, acc):
        c = lax.axis_index("c")
        s = lax.axis_index("s")
        wid = c * _NS + s
        base = wid * _EPW
        pltpu.sync_copy(src_hbm.at[pl.ds(wid * _GCH, _GCH)], src_v)
        pltpu.sync_copy(dst_hbm.at[pl.ds(s * _SCH, _SCH)], dst_v)
        pltpu.sync_copy(ones_hbm, ones_v)
        pltpu.sync_copy(zeros_hbm, acc.at[pl.ds(s * _RPT, _RPT)])
        plsc.subcore_barrier()
        sds = []
        for j in range(_SCH):
            sds.append(pltpu.async_copy(
                ones_v, acc.at[dst_v.at[j]], ssem, add=True))
        for r in range(_GRND):
            gds = []
            for j in range(_CPR):
                gds.append(pltpu.async_copy(
                    x_hbm.at[src_v.at[r * _CPR + j]],
                    stg_v.at[pl.ds(j * _CH, _CH)], gsem))
            for d in gds:
                d.wait()
            pltpu.sync_copy(stg_v, xs_out.at[pl.ds(base + r * _STG, _STG)])
        for d in sds:
            d.wait()
        plsc.subcore_barrier()
        @pl.when(c == 0)
        def _():
            pltpu.sync_copy(acc.at[pl.ds(s * _RPT, _RPT)],
                            cnt_out.at[pl.ds(s * _RPT, _RPT)])

    return k(x, src2d, dst2d, ones_blk, zeros_blk)


def _sc_scatter_finish_gather(msg, dst2d, src2d, cnt, xroot, gvec, bvec,
                              zeros_blk, write_node_out):
    out_type = [jax.ShapeDtypeStruct((_E, _F), jnp.float32)]
    if write_node_out:
        out_type.append(jax.ShapeDtypeStruct((_NP, _F), jnp.float32))

    @functools.partial(
        pl.kernel,
        out_type=out_type,
        mesh=_mesh(),
        compiler_params=_SC_PARAMS,
        scratch_types=[
            pltpu.VMEM((_SCH, _CH), jnp.int32),
            pltpu.VMEM((_GCH, _CH), jnp.int32),
            pltpu.VMEM((_STG, _F), jnp.float32),
            pltpu.VMEM((_RPT, _F), jnp.float32),
            pltpu.VMEM((_RPT, _F), jnp.float32),
            pltpu.VMEM((_RPT, _F), jnp.float32),
            pltpu.VMEM((_F,), jnp.float32),
            pltpu.VMEM((_F,), jnp.float32),
            pltpu.SemaphoreType.DMA,
            pltpu.SemaphoreType.DMA,
            pltpu.VMEM_SHARED((_NP, _F), jnp.float32),
        ],
    )
    def k(msg_hbm, dst_hbm, src_hbm, cnt_hbm, xr_hbm, g_hbm, b_hbm,
          zeros_hbm, hs_out, *rest):
        if write_node_out:
            h_out = rest[0]
            (dst_v, src_v, stg_v, cnt_v, xr_v, acc_v,
             g_v, b_v, ssem, gsem, acc) = rest[1:]
        else:
            (dst_v, src_v, stg_v, cnt_v, xr_v, acc_v,
             g_v, b_v, ssem, gsem, acc) = rest
        c = lax.axis_index("c")
        s = lax.axis_index("s")
        wid = c * _NS + s
        base = wid * _EPW
        pltpu.sync_copy(dst_hbm.at[pl.ds(s * _SCH, _SCH)], dst_v)
        pltpu.sync_copy(src_hbm.at[pl.ds(wid * _GCH, _GCH)], src_v)
        pltpu.sync_copy(cnt_hbm.at[pl.ds(s * _RPT, _RPT)], cnt_v)
        pltpu.sync_copy(xr_hbm.at[pl.ds(s * _RPT, _RPT)], xr_v)
        pltpu.sync_copy(g_hbm, g_v)
        pltpu.sync_copy(b_hbm, b_v)
        pltpu.sync_copy(zeros_hbm, acc.at[pl.ds(s * _RPT, _RPT)])
        plsc.subcore_barrier()
        for r in range(_SRND):
            pltpu.sync_copy(
                msg_hbm.at[pl.ds(s * _EPT + r * _STG, _STG)], stg_v)
            sds = []
            for j in range(_CPR):
                sds.append(pltpu.async_copy(
                    stg_v.at[pl.ds(j * _CH, _CH)],
                    acc.at[dst_v.at[r * _CPR + j]], ssem, add=True))
            for d in sds:
                d.wait()
        plsc.subcore_barrier()
        pltpu.sync_copy(acc.at[pl.ds(s * _RPT, _RPT)], acc_v)
        gv = g_v[...]
        bv = b_v[...]

        def row(i, _):
            agg = acc_v[i] / jnp.maximum(cnt_v[i], 1.0)
            acc_v[i] = jnp.maximum((agg + xr_v[i]) * gv + bv, 0.0)
            return 0

        lax.fori_loop(0, _RPT, row, 0)
        pltpu.sync_copy(acc_v, acc.at[pl.ds(s * _RPT, _RPT)])
        if write_node_out:
            @pl.when(c == 0)
            def _():
                pltpu.sync_copy(acc_v, h_out.at[pl.ds(s * _RPT, _RPT)])
        plsc.subcore_barrier()
        for r in range(_GRND):
            gds = []
            for j in range(_CPR):
                gds.append(pltpu.async_copy(
                    acc.at[src_v.at[r * _CPR + j]],
                    stg_v.at[pl.ds(j * _CH, _CH)], gsem))
            for d in gds:
                d.wait()
            pltpu.sync_copy(stg_v, hs_out.at[pl.ds(base + r * _STG, _STG)])

    return k(msg, dst2d, src2d, cnt, xroot, gvec, bvec, zeros_blk)



def _msg_consts(w2, b2):
    f = _F
    k_idx = jnp.tile(jnp.arange(f), (f,))
    o_idx = jnp.repeat(jnp.arange(f), f)
    s_mat = (jnp.arange(f)[:, None] == k_idx[None, :]).astype(jnp.float32)
    c_mat = (o_idx[:, None] == jnp.arange(f)[None, :]).astype(jnp.float32)
    u_mat = w2.reshape(f, f, f).transpose(0, 2, 1)[:, k_idx, o_idx]
    b2m = b2.reshape(f, f)
    eye8 = jnp.eye(8, dtype=jnp.float32)
    return (jnp.kron(eye8, s_mat), jnp.kron(eye8, u_mat),
            jnp.kron(eye8, c_mat), jnp.kron(eye8, b2m))


def _bd8(w):
    return jnp.kron(jnp.eye(8, dtype=jnp.float32), w)


def _tile8(b):
    return jnp.tile(b.reshape(1, -1), (1, 8))


def _tc_msg(ea_pk, xs_pk, xn_pk, w1t8, b1t, s8, u8, c8, b8, root8, biast):

    def body(ea_ref, xs_ref, xn_ref, w1t_ref, b1_ref, s_ref, u_ref, c_ref,
             b8_ref, root_ref, biast_ref, out_ref, xr_ref):
        he = jnp.maximum(
            jnp.dot(ea_ref[...], w1t_ref[...],
                    preferred_element_type=jnp.float32) + b1_ref[...], 0.0)
        xsb = xs_ref[...]
        acc = jnp.dot(xsb, b8_ref[...], preferred_element_type=jnp.float32)
        for j in range(8):
            thj = jnp.dot(he, s_ref[:, j * 256:(j + 1) * 256],
                          preferred_element_type=jnp.float32)
            gj = jnp.dot(xsb, u_ref[:, j * 256:(j + 1) * 256],
                         preferred_element_type=jnp.float32)
            acc = acc + jnp.dot(thj * gj, c_ref[j * 256:(j + 1) * 256, :],
                                preferred_element_type=jnp.float32)
        out_ref[...] = acc
        xr_ref[...] = jnp.dot(
            xn_ref[...], root_ref[...],
            preferred_element_type=jnp.float32) + biast_ref[...]

    l = 128
    ll = 2048
    return pl.pallas_call(
        body,
        grid=(_GRID,),
        in_specs=[
            pl.BlockSpec((_BER, l), lambda i: (i, 0)),
            pl.BlockSpec((_BER, l), lambda i: (i, 0)),
            pl.BlockSpec((_NBR, l), lambda i: (i, 0)),
            pl.BlockSpec((l, l), lambda i: (0, 0)),
            pl.BlockSpec((1, l), lambda i: (0, 0)),
            pl.BlockSpec((l, ll), lambda i: (0, 0)),
            pl.BlockSpec((l, ll), lambda i: (0, 0)),
            pl.BlockSpec((ll, l), lambda i: (0, 0)),
            pl.BlockSpec((l, l), lambda i: (0, 0)),
            pl.BlockSpec((l, l), lambda i: (0, 0)),
            pl.BlockSpec((1, l), lambda i: (0, 0)),
        ],
        out_specs=[
            pl.BlockSpec((_BER, l), lambda i: (i, 0)),
            pl.BlockSpec((_NBR, l), lambda i: (i, 0)),
        ],
        out_shape=[
            jax.ShapeDtypeStruct((_EROWS, l), jnp.float32),
            jax.ShapeDtypeStruct((_NROWS, l), jnp.float32),
        ],
    )(ea_pk, xs_pk, xn_pk, w1t8, b1t, s8, u8, c8, b8, root8, biast)


def _tc_edge_mlp(hs2_pk, l1t8, l1bt, l2t8, l2bt):

    def body(h_ref, l1t_ref, l1b_ref, l2t_ref, l2b_ref, out_ref):
        h3 = jnp.maximum(
            jnp.dot(h_ref[...], l1t_ref[...],
                    preferred_element_type=jnp.float32) + l1b_ref[...], 0.0)
        out_ref[...] = jnp.dot(
            h3, l2t_ref[...], preferred_element_type=jnp.float32) + l2b_ref[...]

    l = 128
    lo = 64
    return pl.pallas_call(
        body,
        grid=(_GRID,),
        in_specs=[
            pl.BlockSpec((_BER, l), lambda i: (i, 0)),
            pl.BlockSpec((l, lo), lambda i: (0, 0)),
            pl.BlockSpec((1, lo), lambda i: (0, 0)),
            pl.BlockSpec((lo, lo), lambda i: (0, 0)),
            pl.BlockSpec((1, lo), lambda i: (0, 0)),
        ],
        out_specs=pl.BlockSpec((_BER, lo), lambda i: (i, 0)),
        out_shape=jax.ShapeDtypeStruct((_EROWS, lo), jnp.float32),
    )(hs2_pk, l1t8, l1bt, l2t8, l2bt)


def _bd16(w):
    return jnp.kron(jnp.eye(16, dtype=jnp.float32), w)


def _tile16(b):
    return jnp.tile(b.reshape(1, -1), (1, 16))



def kernel(x, edge_index, edge_attr, nn1_w1, nn1_b1, nn1_w2, nn1_b2, root1,
           bias1, bn1_g, bn1_b, nn2_w1, nn2_b1, nn2_w2, nn2_b2, root2, bias2,
           bn2_g, bn2_b, lin1_w, lin1_b, lin2_w, lin2_b):
    src2d = edge_index[0].reshape(_IDXROWS, _CH)
    dst2d = edge_index[1].reshape(_IDXROWS, _CH)
    ones_blk = jnp.ones((_CH, _F), jnp.float32)
    zeros_blk = jnp.zeros((_RPT, _F), jnp.float32)

    bn_scale = 1.0 / math.sqrt(1.0 + 1e-5)
    g1 = bn1_g * bn_scale
    g2 = bn2_g * bn_scale

    s1, u1, c1, b1m = _msg_consts(nn1_w2, nn1_b2)
    s2, u2, c2, b2m = _msg_consts(nn2_w2, nn2_b2)

    xp = jnp.pad(x, ((0, _NP - _N), (0, 0)))
    ea_pk = edge_attr.reshape(_EROWS, 128)

    xs, cnt = _sc_gather_count(xp, src2d, dst2d, ones_blk, zeros_blk)
    msg1_pk, xr1_pk = _tc_msg(ea_pk, xs.reshape(_EROWS, 128),
                              xp.reshape(_NROWS, 128),
                              _bd8(nn1_w1.T), _tile8(nn1_b1), s1, u1, c1, b1m,
                              _bd8(root1), _tile8(bias1))
    hs, h1 = _sc_scatter_finish_gather(
        msg1_pk.reshape(_E, _F), dst2d, src2d, cnt,
        xr1_pk.reshape(_NP, _F), g1, bn1_b, zeros_blk, True)
    msg2_pk, xr2_pk = _tc_msg(ea_pk, hs.reshape(_EROWS, 128),
                              h1.reshape(_NROWS, 128),
                              _bd8(nn2_w1.T), _tile8(nn2_b1), s2, u2, c2, b2m,
                              _bd8(root2), _tile8(bias2))
    hs2 = _sc_scatter_finish_gather(
        msg2_pk.reshape(_E, _F), dst2d, src2d, cnt,
        xr2_pk.reshape(_NP, _F), g2, bn2_b, zeros_blk, False)[0]
    out_pk = _tc_edge_mlp(hs2.reshape(_EROWS, 128),
                          _bd8(lin1_w.T), _tile8(lin1_b),
                          _bd8(lin2_w.T), _tile8(lin2_b))
    return out_pk.reshape(_E, _OUT)

# --- scband reference (transcript-rebuilt; emitter-appended) ---
"""Pipeline reference for scband-edge-gnn-13013750907308 (READ-ONLY COPY).

The authoritative reference and input builder live on the scoring server;
editing this copy changes nothing except your own understanding.
"""

import jax, jax.numpy as jnp
import numpy as np

N = 10000
E = 160000
IN = 16
H = 16
OUT = 8

def _lin_init(key, out_f, in_f):
    k1, k2 = jax.random.split(key)
    s = 1.0 / np.sqrt(in_f)
    w = jax.random.uniform(k1, (out_f, in_f), minval=-s, maxval=s, dtype=jnp.float32)
    b = jax.random.uniform(k2, (out_f,), minval=-s, maxval=s, dtype=jnp.float32)
    return w, b

def setup_inputs(seed: int = 0):
    key = jax.random.key(seed)
    ks = jax.random.split(key, 16)
    d = {}
    d["x"] = jax.random.normal(ks[0], (N, IN), dtype=jnp.float32)
    d["edge_index"] = jax.random.randint(ks[1], (2, E), 0, N, dtype=jnp.int32)
    d["edge_attr"] = jax.random.normal(ks[2], (E, IN), dtype=jnp.float32)
    d["nn1_w1"], d["nn1_b1"] = _lin_init(ks[3], H, IN)
    d["nn1_w2"], d["nn1_b2"] = _lin_init(ks[4], IN * H, H)
    d["root1"] = jax.random.normal(ks[5], (IN, H), dtype=jnp.float32) * (1.0 / np.sqrt(IN))
    d["bias1"] = jnp.zeros((H,), jnp.float32)
    d["bn1_g"] = jnp.ones((H,), jnp.float32)
    d["bn1_b"] = jnp.zeros((H,), jnp.float32)
    d["nn2_w1"], d["nn2_b1"] = _lin_init(ks[6], H, IN)
    d["nn2_w2"], d["nn2_b2"] = _lin_init(ks[7], H * H, H)
    d["root2"] = jax.random.normal(ks[8], (H, H), dtype=jnp.float32) * (1.0 / np.sqrt(H))
    d["bias2"] = jnp.zeros((H,), jnp.float32)
    d["bn2_g"] = jnp.ones((H,), jnp.float32)
    d["bn2_b"] = jnp.zeros((H,), jnp.float32)
    d["lin1_w"], d["lin1_b"] = _lin_init(ks[9], H // 2, H)
    d["lin2_w"], d["lin2_b"] = _lin_init(ks[10], OUT, H // 2)
    return d

def _nnconv(x, src, dst, ea, w1, b1, w2, b2, root, bias, in_ch, out_ch):
    # edge network: MLP on edge_attr -> per-edge weight matrix [in_ch, out_ch]
    h = jax.nn.relu(ea @ w1.T + b1)
    W = (h @ w2.T + b2).reshape(-1, in_ch, out_ch)
    # message: x_j (gather by src) transformed by per-edge matrix
    msg = jnp.einsum('ei,eio->eo', x[src], W)
    # mean aggregation at dst
    s = jax.ops.segment_sum(msg, dst, num_segments=x.shape[0])
    cnt = jax.ops.segment_sum(jnp.ones((msg.shape[0],), jnp.float32), dst, num_segments=x.shape[0])
    agg = s / jnp.clip(cnt, 1.0)[:, None]
    # root weight + bias (PyG NNConv defaults)
    return agg + x @ root + bias

def _bn_eval(x, g, b):
    # eval-mode BatchNorm with running_mean=0, running_var=1
    return x / jnp.sqrt(1.0 + 1e-5) * g + b

def reference(x, edge_index, edge_attr, nn1_w1, nn1_b1, nn1_w2, nn1_b2, root1, bias1, bn1_g, bn1_b, nn2_w1, nn2_b1, nn2_w2, nn2_b2, root2, bias2, bn2_g, bn2_b, lin1_w, lin1_b, lin2_w, lin2_b):
    src = edge_index[0]
    dst = edge_index[1]
    h = _nnconv(x, src, dst, edge_attr, nn1_w1, nn1_b1, nn1_w2, nn1_b2, root1, bias1, IN, H)
    h = jax.nn.relu(_bn_eval(h, bn1_g, bn1_b))
    h = _nnconv(h, src, dst, edge_attr, nn2_w1, nn2_b1, nn2_w2, nn2_b2, root2, bias2, H, H)
    h = jax.nn.relu(_bn_eval(h, bn2_g, bn2_b))
    h = jax.nn.relu(h @ lin1_w.T + lin1_b)
    out = h @ lin2_w.T + lin2_b
    return out[src]

if __name__ == "__main__":
    import jax
    _d = setup_inputs()
    print(jax.jit(kernel)(*tuple(_d.values())))

</pallas_src>

<mosaic_0001>
#map = affine_map<(d0, d1) -> (0, 0)>
module attributes {stable_mosaic.version = 14 : i64} {
  func.func @k(%arg0: i32, %arg1: i32, %arg2: memref<10240x16xf32, #tpu.memory_space<hbm>>, %arg3: memref<256x625xi32, #tpu.memory_space<hbm>>, %arg4: memref<256x625xi32, #tpu.memory_space<hbm>>, %arg5: memref<625x16xf32, #tpu.memory_space<hbm>>, %arg6: memref<640x16xf32, #tpu.memory_space<hbm>>, %arg7: memref<160000x16xf32, #tpu.memory_space<hbm>>, %arg8: memref<10240x16xf32, #tpu.memory_space<hbm>>, %arg9: memref<8x625xi32, #tpu.memory_space<vmem>>, %arg10: memref<16x625xi32, #tpu.memory_space<vmem>>, %arg11: memref<1250x16xf32, #tpu.memory_space<vmem>>, %arg12: memref<625x16xf32, #tpu.memory_space<vmem>>, %arg13: memref<!tpu.dma_semaphore, #tpu.memory_space<semaphore_mem>>, %arg14: memref<!tpu.dma_semaphore, #tpu.memory_space<semaphore_mem>>, %arg15: memref<10240x16xf32, #tpu.memory_space<vmem_shared>>) attributes {dimension_semantics = [#tpu.dimension_semantics<core_parallel>, #tpu.dimension_semantics<subcore_parallel>], iteration_bounds = array<i64: 2, 16>, scalar_prefetch = 0 : i64, scratch_operands = 7 : i64, tpu.core_type = #tpu.core_type<sc_vector_subcore>, window_params = [{transform_indices = #map}, {transform_indices = #map}, {transform_indices = #map}, {transform_indices = #map}, {transform_indices = #map}, {transform_indices = #map}, {transform_indices = #map}]} {
    %mul3A = arith.constant 16 : i32
    %mul3A_0 = arith.muli %arg0, %mul3A : i32
    %add3A = arith.addi %mul3A_0, %arg1 : i32
    %mul3A_1 = arith.constant 5000 : i32
    %mul3A_2 = arith.muli %add3A, %mul3A_1 : i32
    %mul3A_3 = arith.constant 8 : i32
    %mul3A_4 = arith.muli %add3A, %mul3A_3 : i32
    "tpu.region"() ({
      %run_scoped3A = tpu.sem_alloc : memref<!tpu.dma_semaphore, #tpu.memory_space<semaphore_mem>>
      %dma_start3A_402 = arith.constant 0 : i32
      %dma_start3A_403 = tpu.memref_slice %arg3[%mul3A_4, %dma_start3A_402] : memref<256x625xi32, #tpu.memory_space<hbm>> -> memref<8x625xi32, #tpu.memory_space<hbm>>
      %dma_start3A_404 = arith.constant 0 : i32
      %dma_start3A_405 = tpu.memref_slice %arg3[%mul3A_4, %dma_start3A_404] : memref<256x625xi32, #tpu.memory_space<hbm>> -> memref<8x625xi32, #tpu.memory_space<hbm>>
      tpu.enqueue_dma source(%dma_start3A_405 : memref<8x625xi32, #tpu.memory_space<hbm>>) target(%arg9 : memref<8x625xi32, #tpu.memory_space<vmem>>) target_semaphore(%run_scoped3A : memref<!tpu.dma_semaphore, #tpu.memory_space<semaphore_mem>>)
      %dma_wait3A_406 = arith.constant 0 : i32
      %dma_wait3A_407 = tpu.memref_slice %arg3[%mul3A_4, %dma_wait3A_406] : memref<256x625xi32, #tpu.memory_space<hbm>> -> memref<8x625xi32, #tpu.memory_space<hbm>>
      %dma_wait3A_408 = arith.constant 0 : i32
      %dma_wait3A_409 = tpu.memref_slice %arg3[%mul3A_4, %dma_wait3A_408] : memref<256x625xi32, #tpu.memory_space<hbm>> -> memref<8x625xi32, #tpu.memory_space<hbm>>
      tpu.wait_dma2 semaphore(%run_scoped3A : memref<!tpu.dma_semaphore, #tpu.memory_space<semaphore_mem>>) src(%dma_wait3A_409 : memref<8x625xi32, #tpu.memory_space<hbm>>) dst(%arg9 : memref<8x625xi32, #tpu.memory_space<vmem>>)
      tpu.yield
    }) : () -> ()
    %mul3A_5 = arith.constant 16 : i32
    %mul3A_6 = arith.muli %arg1, %mul3A_5 : i32
    "tpu.region"() ({
      %run_scoped3A = tpu.sem_alloc : memref<!tpu.dma_semaphore, #tpu.memory_space<semaphore_mem>>
      %dma_start3A_402 = arith.constant 0 : i32
      %dma_start3A_403 = tpu.memref_slice %arg4[%mul3A_6, %dma_start3A_402] : memref<256x625xi32, #tpu.memory_space<hbm>> -> memref<16x625xi32, #tpu.memory_space<hbm>>
      %dma_start3A_404 = arith.constant 0 : i32
      %dma_start3A_405 = tpu.memref_slice %arg4[%mul3A_6, %dma_start3A_404] : memref<256x625xi32, #tpu.memory_space<hbm>> -> memref<16x625xi32, #tpu.memory_space<hbm>>
      tpu.enqueue_dma source(%dma_start3A_405 : memref<16x625xi32, #tpu.memory_space<hbm>>) target(%arg10 : memref<16x625xi32, #tpu.memory_space<vmem>>) target_semaphore(%run_scoped3A : memref<!tpu.dma_semaphore, #tpu.memory_space<semaphore_mem>>)
      %dma_wait3A_406 = arith.constant 0 : i32
      %dma_wait3A_407 = tpu.memref_slice %arg4[%mul3A_6, %dma_wait3A_406] : memref<256x625xi32, #tpu.memory_space<hbm>> -> memref<16x625xi32, #tpu.memory_space<hbm>>
      %dma_wait3A_408 = arith.constant 0 : i32
      %dma_wait3A_409 = tpu.memref_slice %arg4[%mul3A_6, %dma_wait3A_408] : memref<256x625xi32, #tpu.memory_space<hbm>> -> memref<16x625xi32, #tpu.memory_space<hbm>>
      tpu.wait_dma2 semaphore(%run_scoped3A : memref<!tpu.dma_semaphore, #tpu.memory_space<semaphore_mem>>) src(%dma_wait3A_409 : memref<16x625xi32, #tpu.memory_space<hbm>>) dst(%arg10 : memref<16x625xi32, #tpu.memory_space<vmem>>)
      tpu.yield
    }) : () -> ()
    "tpu.region"() ({
      %run_scoped3A = tpu.sem_alloc : memref<!tpu.dma_semaphore, #tpu.memory_space<semaphore_mem>>
      tpu.enqueue_dma source(%arg5 : memref<625x16xf32, #tpu.memory_space<hbm>>) target(%arg12 : memref<625x16xf32, #tpu.memory_space<vmem>>) target_semaphore(%run_scoped3A : memref<!tpu.dma_semaphore, #tpu.memory_space<semaphore_mem>>)
      tpu.wait_dma2 semaphore(%run_scoped3A : memref<!tpu.dma_semaphore, #tpu.memory_space<semaphore_mem>>) src(%arg5 : memref<625x16xf32, #tpu.memory_space<hbm>>) dst(%arg12 : memref<625x16xf32, #tpu.memory_space<vmem>>)
      tpu.yield
    }) : () -> ()
    %mul3A_7 = arith.constant 640 : i32
    %mul3A_8 = arith.muli %arg1, %mul3A_7 : i32
    "tpu.region"() ({
      %run_scoped3A = tpu.sem_alloc : memref<!tpu.dma_semaphore, #tpu.memory_space<semaphore_mem>>
      %dma_start3A_402 = arith.constant 0 : i32
      %dma_start3A_403 = tpu.memref_slice %arg15[%mul3A_8, %dma_start3A_402] : memref<10240x16xf32, #tpu.memory_space<vmem_shared>> -> memref<640x16xf32, #tpu.memory_space<vmem_shared>>
      tpu.enqueue_dma source(%arg6 : memref<640x16xf32, #tpu.memory_space<hbm>>) target(%dma_start3A_403 : memref<640x16xf32, #tpu.memory_space<vmem_shared>>) target_semaphore(%run_scoped3A : memref<!tpu.dma_semaphore, #tpu.memory_space<semaphore_mem>>)
      %dma_wait3A_404 = arith.constant 0 : i32
      %dma_wait3A_405 = tpu.memref_slice %arg15[%mul3A_8, %dma_wait3A_404] : memref<10240x16xf32, #tpu.memory_space<vmem_shared>> -> memref<640x16xf32, #tpu.memory_space<vmem_shared>>
      tpu.wait_dma2 semaphore(%run_scoped3A : memref<!tpu.dma_semaphore, #tpu.memory_space<semaphore_mem>>) src(%arg6 : memref<640x16xf32, #tpu.memory_space<hbm>>) dst(%dma_wait3A_405 : memref<640x16xf32, #tpu.memory_space<vmem_shared>>)
      tpu.yield
    }) : () -> ()
    %barrier3A = arith.constant 0 : index
    tpu.barrier barrier_id(%barrier3A)
    %dma_start3A = arith.constant 0 : i32
    %dma_start3A_9 = arith.constant 0 : i32
    %dma_start3A_10 = tpu.memref_slice %arg10[%dma_start3A, %dma_start3A_9] : memref<16x625xi32, #tpu.memory_space<vmem>> -> memref<1x625xi32, #tpu.memory_space<vmem>>
    %dma_start3A_11 = tpu.memref_squeeze %dma_start3A_10 : memref<1x625xi32, #tpu.memory_space<vmem>> -> memref<625xi32, #tpu.memory_space<vmem>>
    %dma_start3A_12 = arith.constant 0 : i32
    %dma_start3A_13 = arith.constant 0 : i32
    %dma_start3A_14 = tpu.memref_slice %arg15[%dma_start3A_12, %dma_start3A_13] : memref<10240x16xf32, #tpu.memory_space<vmem_shared>> -> memref<10240x16xf32, #tpu.memory_space<vmem_shared>>
    tpu.enqueue_indirect_dma source(%arg12 : memref<625x16xf32, #tpu.memory_space<vmem>>) target(%dma_start3A_14 : memref<10240x16xf32, #tpu.memory_space<vmem_shared>>) offsets(%dma_start3A_11 : memref<625xi32, #tpu.memory_space<vmem>>) semaphore(%arg14 : memref<!tpu.dma_semaphore, #tpu.memory_space<semaphore_mem>>) {add = true}
    %dma_start3A_15 = arith.constant 1 : i32
    %dma_start3A_16 = arith.constant 0 : i32
    %dma_start3A_17 = tpu.memref_slice %arg10[%dma_start3A_15, %dma_start3A_16] : memref<16x625xi32, #tpu.memory_space<vmem>> -> memref<1x625xi32, #tpu.memory_space<vmem>>
    %dma_start3A_18 = tpu.memref_squeeze %dma_start3A_17 : memref<1x625xi32, #tpu.memory_space<vmem>> -> memref<625xi32, #tpu.memory_space<vmem>>
    %dma_start3A_19 = arith.constant 0 : i32
    %dma_start3A_20 = arith.constant 0 : i32
    %dma_start3A_21 = tpu.memref_slice %arg15[%dma_start3A_19, %dma_start3A_20] : memref<10240x16xf32, #tpu.memory_space<vmem_shared>> -> memref<10240x16xf32, #tpu.memory_space<vmem_shared>>
    tpu.enqueue_indirect_dma source(%arg12 : memref<625x16xf32, #tpu.memory_space<vmem>>) target(%dma_start3A_21 : memref<10240x16xf32, #tpu.memory_space<vmem_shared>>) offsets(%dma_start3A_18 : memref<625xi32, #tpu.memory_space<vmem>>) semaphore(%arg14 : memref<!tpu.dma_semaphore, #tpu.memory_space<semaphore_mem>>) {add = true}
    %dma_start3A_22 = arith.constant 2 : i32
    %dma_start3A_23 = arith.constant 0 : i32
    %dma_start3A_24 = tpu.memref_slice %arg10[%dma_start3A_22, %dma_start3A_23] : memref<16x625xi32, #tpu.memory_space<vmem>> -> memref<1x625xi32, #tpu.memory_space<vmem>>
    %dma_start3A_25 = tpu.memref_squeeze %dma_start3A_24 : memref<1x625xi32, #tpu.memory_space<vmem>> -> memref<625xi32, #tpu.memory_space<vmem>>
    %dma_start3A_26 = arith.constant 0 : i32
    %dma_start3A_27 = arith.constant 0 : i32
    %dma_start3A_28 = tpu.memref_slice %arg15[%dma_start3A_26, %dma_start3A_27] : memref<10240x16xf32, #tpu.memory_space<vmem_shared>> -> memref<10240x16xf32, #tpu.memory_space<vmem_shared>>
    tpu.enqueue_indirect_dma source(%arg12 : memref<625x16xf32, #tpu.memory_space<vmem>>) target(%dma_start3A_28 : memref<10240x16xf32, #tpu.memory_space<vmem_shared>>) offsets(%dma_start3A_25 : memref<625xi32, #tpu.memory_space<vmem>>) semaphore(%arg14 : memref<!tpu.dma_semaphore, #tpu.memory_space<semaphore_mem>>) {add = true}
    %dma_start3A_29 = arith.constant 3 : i32
    %dma_start3A_30 = arith.constant 0 : i32
    %dma_start3A_31 = tpu.memref_slice %arg10[%dma_start3A_29, %dma_start3A_30] : memref<16x625xi32, #tpu.memory_space<vmem>> -> memref<1x625xi32, #tpu.memory_space<vmem>>
    %dma_start3A_32 = tpu.memref_squeeze %dma_start3A_31 : memref<1x625xi32, #tpu.memory_space<vmem>> -> memref<625xi32, #tpu.memory_space<vmem>>
    %dma_start3A_33 = arith.constant 0 : i32
    %dma_start3A_34 = arith.constant 0 : i32
    %dma_start3A_35 = tpu.memref_slice %arg15[%dma_start3A_33, %dma_start3A_34] : memref<10240x16xf32, #tpu.memory_space<vmem_shared>> -> memref<10240x16xf32, #tpu.memory_space<vmem_shared>>
    tpu.enqueue_indirect_dma source(%arg12 : memref<625x16xf32, #tpu.memory_space<vmem>>) target(%dma_start3A_35 : memref<10240x16xf32, #tpu.memory_space<vmem_shared>>) offsets(%dma_start3A_32 : memref<625xi32, #tpu.memory_space<vmem>>) semaphore(%arg14 : memref<!tpu.dma_semaphore, #tpu.memory_space<semaphore_mem>>) {add = true}
    %dma_start3A_36 = arith.constant 4 : i32
    %dma_start3A_37 = arith.constant 0 : i32
    %dma_start3A_38 = tpu.memref_slice %arg10[%dma_start3A_36, %dma_start3A_37] : memref<16x625xi32, #tpu.memory_space<vmem>> -> memref<1x625xi32, #tpu.memory_space<vmem>>
    %dma_start3A_39 = tpu.memref_squeeze %dma_start3A_38 : memref<1x625xi32, #tpu.memory_space<vmem>> -> memref<625xi32, #tpu.memory_space<vmem>>
    %dma_start3A_40 = arith.constant 0 : i32
    %dma_start3A_41 = arith.constant 0 : i32
    %dma_start3A_42 = tpu.memref_slice %arg15[%dma_start3A_40, %dma_start3A_41] : memref<10240x16xf32, #tpu.memory_space<vmem_shared>> -> memref<10240x16xf32, #tpu.memory_space<vmem_shared>>
    tpu.enqueue_indirect_dma source(%arg12 : memref<625x16xf32, #tpu.memory_space<vmem>>) target(%dma_start3A_42 : memref<10240x16xf32, #tpu.memory_space<vmem_shared>>) offsets(%dma_start3A_39 : memref<625xi32, #tpu.memory_space<vmem>>) semaphore(%arg14 : memref<!tpu.dma_semaphore, #tpu.memory_space<semaphore_mem>>) {add = true}
    %dma_start3A_43 = arith.constant 5 : i32
    %dma_start3A_44 = arith.constant 0 : i32
    %dma_start3A_45 = tpu.memref_slice %arg10[%dma_start3A_43, %dma_start3A_44] : memref<16x625xi32, #tpu.memory_space<vmem>> -> memref<1x625xi32, #tpu.memory_space<vmem>>
    %dma_start3A_46 = tpu.memref_squeeze %dma_start3A_45 : memref<1x625xi32, #tpu.memory_space<vmem>> -> memref<625xi32, #tpu.memory_space<vmem>>
    %dma_start3A_47 = arith.constant 0 : i32
    %dma_start3A_48 = arith.constant 0 : i32
    %dma_start3A_49 = tpu.memref_slice %arg15[%dma_start3A_47, %dma_start3A_48] : memref<10240x16xf32, #tpu.memory_space<vmem_shared>> -> memref<10240x16xf32, #tpu.memory_space<vmem_shared>>
    tpu.enqueue_indirect_dma source(%arg12 : memref<625x16xf32, #tpu.memory_space<vmem>>) target(%dma_start3A_49 : memref<10240x16xf32, #tpu.memory_space<vmem_shared>>) offsets(%dma_start3A_46 : memref<625xi32, #tpu.memory_space<vmem>>) semaphore(%arg14 : memref<!tpu.dma_semaphore, #tpu.memory_space<semaphore_mem>>) {add = true}
    %dma_start3A_50 = arith.constant 6 : i32
    %dma_start3A_51 = arith.constant 0 : i32
    %dma_start3A_52 = tpu.memref_slice %arg10[%dma_start3A_50, %dma_start3A_51] : memref<16x625xi32, #tpu.memory_space<vmem>> -> memref<1x625xi32, #tpu.memory_space<vmem>>
    %dma_start3A_53 = tpu.memref_squeeze %dma_start3A_52 : memref<1x625xi32, #tpu.memory_space<vmem>> -> memref<625xi32, #tpu.memory_space<vmem>>
    %dma_start3A_54 = arith.constant 0 : i32
    %dma_start3A_55 = arith.constant 0 : i32
    %dma_start3A_56 = tpu.memref_slice %arg15[%dma_start3A_54, %dma_start3A_55] : memref<10240x16xf32, #tpu.memory_space<vmem_shared>> -> memref<10240x16xf32, #tpu.memory_space<vmem_shared>>
    tpu.enqueue_indirect_dma source(%arg12 : memref<625x16xf32, #tpu.memory_space<vmem>>) target(%dma_start3A_56 : memref<10240x16xf32, #tpu.memory_space<vmem_shared>>) offsets(%dma_start3A_53 : memref<625xi32, #tpu.memory_space<vmem>>) semaphore(%arg14 : memref<!tpu.dma_semaphore, #tpu.memory_space<semaphore_mem>>) {add = true}
    %dma_start3A_57 = arith.constant 7 : i32
    %dma_start3A_58 = arith.constant 0 : i32
    %dma_start3A_59 = tpu.memref_slice %arg10[%dma_start3A_57, %dma_start3A_58] : memref<16x625xi32, #tpu.memory_space<vmem>> -> memref<1x625xi32, #tpu.memory_space<vmem>>
    %dma_start3A_60 = tpu.memref_squeeze %dma_start3A_59 : memref<1x625xi32, #tpu.memory_space<vmem>> -> memref<625xi32, #tpu.memory_space<vmem>>
    %dma_start3A_61 = arith.constant 0 : i32
    %dma_start3A_62 = arith.constant 0 : i32
    %dma_start3A_63 = tpu.memref_slice %arg15[%dma_start3A_61, %dma_start3A_62] : memref<10240x16xf32, #tpu.memory_space<vmem_shared>> -> memref<10240x16xf32, #tpu.memory_space<vmem_shared>>
    tpu.enqueue_indirect_dma source(%arg12 : memref<625x16xf32, #tpu.memory_space<vmem>>) target(%dma_start3A_63 : memref<10240x16xf32, #tpu.memory_space<vmem_shared>>) offsets(%dma_start3A_60 : memref<625xi32, #tpu.memory_space<vmem>>) semaphore(%arg14 : memref<!tpu.dma_semaphore, #tpu.memory_space<semaphore_mem>>) {add = true}
    %dma_start3A_64 = arith.constant 8 : i32
    %dma_start3A_65 = arith.constant 0 : i32
    %dma_start3A_66 = tpu.memref_slice %arg10[%dma_start3A_64, %dma_start3A_65] : memref<16x625xi32, #tpu.memory_space<vmem>> -> memref<1x625xi32, #tpu.memory_space<vmem>>
    %dma_start3A_67 = tpu.memref_squeeze %dma_start3A_66 : memref<1x625xi32, #tpu.memory_space<vmem>> -> memref<625xi32, #tpu.memory_space<vmem>>
    %dma_start3A_68 = arith.constant 0 : i32
    %dma_start3A_69 = arith.constant 0 : i32
    %dma_start3A_70 = tpu.memref_slice %arg15[%dma_start3A_68, %dma_start3A_69] : memref<10240x16xf32, #tpu.memory_space<vmem_shared>> -> memref<10240x16xf32, #tpu.memory_space<vmem_shared>>
    tpu.enqueue_indirect_dma source(%arg12 : memref<625x16xf32, #tpu.memory_space<vmem>>) target(%dma_start3A_70 : memref<10240x16xf32, #tpu.memory_space<vmem_shared>>) offsets(%dma_start3A_67 : memref<625xi32, #tpu.memory_space<vmem>>) semaphore(%arg14 : memref<!tpu.dma_semaphore, #tpu.memory_space<semaphore_mem>>) {add = true}
    %dma_start3A_71 = arith.constant 9 : i32
    %dma_start3A_72 = arith.constant 0 : i32
    %dma_start3A_73 = tpu.memref_slice %arg10[%dma_start3A_71, %dma_start3A_72] : memref<16x625xi32, #tpu.memory_space<vmem>> -> memref<1x625xi32, #tpu.memory_space<vmem>>
    %dma_start3A_74 = tpu.memref_squeeze %dma_start3A_73 : memref<1x625xi32, #tpu.memory_space<vmem>> -> memref<625xi32, #tpu.memory_space<vmem>>
    %dma_start3A_75 = arith.constant 0 : i32
    %dma_start3A_76 = arith.constant 0 : i32
    %dma_start3A_77 = tpu.memref_slice %arg15[%dma_start3A_75, %dma_start3A_76] : memref<10240x16xf32, #tpu.memory_space<vmem_shared>> -> memref<10240x16xf32, #tpu.memory_space<vmem_shared>>
    tpu.enqueue_indirect_dma source(%arg12 : memref<625x16xf32, #tpu.memory_space<vmem>>) target(%dma_start3A_77 : memref<10240x16xf32, #tpu.memory_space<vmem_shared>>) offsets(%dma_start3A_74 : memref<625xi32, #tpu.memory_space<vmem>>) semaphore(%arg14 : memref<!tpu.dma_semaphore, #tpu.memory_space<semaphore_mem>>) {add = true}
    %dma_start3A_78 = arith.constant 10 : i32
    %dma_start3A_79 = arith.constant 0 : i32
    %dma_start3A_80 = tpu.memref_slice %arg10[%dma_start3A_78, %dma_start3A_79] : memref<16x625xi32, #tpu.memory_space<vmem>> -> memref<1x625xi32, #tpu.memory_space<vmem>>
    %dma_start3A_81 = tpu.memref_squeeze %dma_start3A_80 : memref<1x625xi32, #tpu.memory_space<vmem>> -> memref<625xi32, #tpu.memory_space<vmem>>
    %dma_start3A_82 = arith.constant 0 : i32
    %dma_start3A_83 = arith.constant 0 : i32
    %dma_start3A_84 = tpu.memref_slice %arg15[%dma_start3A_82, %dma_start3A_83] : memref<10240x16xf32, #tpu.memory_space<vmem_shared>> -> memref<10240x16xf32, #tpu.memory_space<vmem_shared>>
    tpu.enqueue_indirect_dma source(%arg12 : memref<625x16xf32, #tpu.memory_space<vmem>>) target(%dma_start3A_84 : memref<10240x16xf32, #tpu.memory_space<vmem_shared>>) offsets(%dma_start3A_81 : memref<625xi32, #tpu.memory_space<vmem>>) semaphore(%arg14 : memref<!tpu.dma_semaphore, #tpu.memory_space<semaphore_mem>>) {add = true}
    %dma_start3A_85 = arith.constant 11 : i32
    %dma_start3A_86 = arith.constant 0 : i32
    %dma_start3A_87 = tpu.memref_slice %arg10[%dma_start3A_85, %dma_start3A_86] : memref<16x625xi32, #tpu.memory_space<vmem>> -> memref<1x625xi32, #tpu.memory_space<vmem>>
    %dma_start3A_88 = tpu.memref_squeeze %dma_start3A_87 : memref<1x625xi32, #tpu.memory_space<vmem>> -> memref<625xi32, #tpu.memory_space<vmem>>
    %dma_start3A_89 = arith.constant 0 : i32
    %dma_start3A_90 = arith.constant 0 : i32
    %dma_start3A_91 = tpu.memref_slice %arg15[%dma_start3A_89, %dma_start3A_90] : memref<10240x16xf32, #tpu.memory_space<vmem_shared>> -> memref<10240x16xf32, #tpu.memory_space<vmem_shared>>
    tpu.enqueue_indirect_dma source(%arg12 : memref<625x16xf32, #tpu.memory_space<vmem>>) target(%dma_start3A_91 : memref<10240x16xf32, #tpu.memory_space<vmem_shared>>) offsets(%dma_start3A_88 : memref<625xi32, #tpu.memory_space<vmem>>) semaphore(%arg14 : memref<!tpu.dma_semaphore, #tpu.memory_space<semaphore_mem>>) {add = true}
    %dma_start3A_92 = arith.constant 12 : i32
    %dma_start3A_93 = arith.constant 0 : i32
    %dma_start3A_94 = tpu.memref_slice %arg10[%dma_start3A_92, %dma_start3A_93] : memref<16x625xi32, #tpu.memory_space<vmem>> -> memref<1x625xi32, #tpu.memory_space<vmem>>
    %dma_start3A_95 = tpu.memref_squeeze %dma_start3A_94 : memref<1x625xi32, #tpu.memory_space<vmem>> -> memref<625xi32, #tpu.memory_space<vmem>>
    %dma_start3A_96 = arith.constant 0 : i32
    %dma_start3A_97 = arith.constant 0 : i32
    %dma_start3A_98 = tpu.memref_slice %arg15[%dma_start3A_96, %dma_start3A_97] : memref<10240x16xf32, #tpu.memory_space<vmem_shared>> -> memref<10240x16xf32, #tpu.memory_space<vmem_shared>>
    tpu.enqueue_indirect_dma source(%arg12 : memref<625x16xf32, #tpu.memory_space<vmem>>) target(%dma_start3A_98 : memref<10240x16xf32, #tpu.memory_space<vmem_shared>>) offsets(%dma_start3A_95 : memref<625xi32, #tpu.memory_space<vmem>>) semaphore(%arg14 : memref<!tpu.dma_semaphore, #tpu.memory_space<semaphore_mem>>) {add = true}
    %dma_start3A_99 = arith.constant 13 : i32
    %dma_start3A_100 = arith.constant 0 : i32
    %dma_start3A_101 = tpu.memref_slice %arg10[%dma_start3A_99, %dma_start3A_100] : memref<16x625xi32, #tpu.memory_space<vmem>> -> memref<1x625xi32, #tpu.memory_space<vmem>>
    %dma_start3A_102 = tpu.memref_squeeze %dma_start3A_101 : memref<1x625xi32, #tpu.memory_space<vmem>> -> memref<625xi32, #tpu.memory_space<vmem>>
    %dma_start3A_103 = arith.constant 0 : i32
    %dma_start3A_104 = arith.constant 0 : i32
    %dma_start3A_105 = tpu.memref_slice %arg15[%dma_start3A_103, %dma_start3A_104] : memref<10240x16xf32, #tpu.memory_space<vmem_shared>> -> memref<10240x16xf32, #tpu.memory_space<vmem_shared>>
    tpu.enqueue_indirect_dma source(%arg12 : memref<625x16xf32, #tpu.memory_space<vmem>>) target(%dma_start3A_105 : memref<10240x16xf32, #tpu.memory_space<vmem_shared>>) offsets(%dma_start3A_102 : memref<625xi32, #tpu.memory_space<vmem>>) semaphore(%arg14 : memref<!tpu.dma_semaphore, #tpu.memory_space<semaphore_mem>>) {add = true}
    %dma_start3A_106 = arith.constant 14 : i32
    %dma_start3A_107 = arith.constant 0 : i32
    %dma_start3A_108 = tpu.memref_slice %arg10[%dma_start3A_106, %dma_start3A_107] : memref<16x625xi32, #tpu.memory_space<vmem>> -> memref<1x625xi32, #tpu.memory_space<vmem>>
    %dma_start3A_109 = tpu.memref_squeeze %dma_start3A_108 : memref<1x625xi32, #tpu.memory_space<vmem>> -> memref<625xi32, #tpu.memory_space<vmem>>
    %dma_start3A_110 = arith.constant 0 : i32
    %dma_start3A_111 = arith.constant 0 : i32
    %dma_start3A_112 = tpu.memref_slice %arg15[%dma_start3A_110, %dma_start3A_111] : memref<10240x16xf32, #tpu.memory_space<vmem_shared>> -> memref<10240x16xf32, #tpu.memory_space<vmem_shared>>
    tpu.enqueue_indirect_dma source(%arg12 : memref<625x16xf32, #tpu.memory_space<vmem>>) target(%dma_start3A_112 : memref<10240x16xf32, #tpu.memory_space<vmem_shared>>) offsets(%dma_start3A_109 : memref<625xi32, #tpu.memory_space<vmem>>) semaphore(%arg14 : memref<!tpu.dma_semaphore, #tpu.memory_space<semaphore_mem>>) {add = true}
    %dma_start3A_113 = arith.constant 15 : i32
    %dma_start3A_114 = arith.constant 0 : i32
    %dma_start3A_115 = tpu.memref_slice %arg10[%dma_start3A_113, %dma_start3A_114] : memref<16x625xi32, #tpu.memory_space<vmem>> -> memref<1x625xi32, #tpu.memory_space<vmem>>
    %dma_start3A_116 = tpu.memref_squeeze %dma_start3A_115 : memref<1x625xi32, #tpu.memory_space<vmem>> -> memref<625xi32, #tpu.memory_space<vmem>>
    %dma_start3A_117 = arith.constant 0 : i32
    %dma_start3A_118 = arith.constant 0 : i32
    %dma_start3A_119 = tpu.memref_slice %arg15[%dma_start3A_117, %dma_start3A_118] : memref<10240x16xf32, #tpu.memory_space<vmem_shared>> -> memref<10240x16xf32, #tpu.memory_space<vmem_shared>>
    tpu.enqueue_indirect_dma source(%arg12 : memref<625x16xf32, #tpu.memory_space<vmem>>) target(%dma_start3A_119 : memref<10240x16xf32, #tpu.memory_space<vmem_shared>>) offsets(%dma_start3A_116 : memref<625xi32, #tpu.memory_space<vmem>>) semaphore(%arg14 : memref<!tpu.dma_semaphore, #tpu.memory_space<semaphore_mem>>) {add = true}
    %dma_start3A_120 = arith.constant 0 : i32
    %dma_start3A_121 = arith.constant 0 : i32
    %dma_start3A_122 = arith.constant 0 : i32
    %dma_start3A_123 = tpu.memref_slice %arg11[%dma_start3A_121, %dma_start3A_122] : memref<1250x16xf32, #tpu.memory_space<vmem>> -> memref<625x16xf32, #tpu.memory_space<vmem>>
    %dma_start3A_124 = arith.constant 0 : i32
    %dma_start3A_125 = tpu.memref_slice %arg9[%dma_start3A_120, %dma_start3A_124] : memref<8x625xi32, #tpu.memory_space<vmem>> -> memref<1x625xi32, #tpu.memory_space<vmem>>
    %dma_start3A_126 = tpu.memref_squeeze %dma_start3A_125 : memref<1x625xi32, #tpu.memory_space<vmem>> -> memref<625xi32, #tpu.memory_space<vmem>>
    %dma_start3A_127 = arith.constant 0 : i32
    %dma_start3A_128 = arith.constant 0 : i32
    %dma_start3A_129 = tpu.memref_slice %arg2[%dma_start3A_127, %dma_start3A_128] : memref<10240x16xf32, #tpu.memory_space<hbm>> -> memref<10240x16xf32, #tpu.memory_space<hbm>>
    tpu.enqueue_indirect_dma source(%dma_start3A_129 : memref<10240x16xf32, #tpu.memory_space<hbm>>) target(%dma_start3A_123 : memref<625x16xf32, #tpu.memory_space<vmem>>) offsets(%dma_start3A_126 : memref<625xi32, #tpu.memory_space<vmem>>) semaphore(%arg13 : memref<!tpu.dma_semaphore, #tpu.memory_space<semaphore_mem>>)
    %dma_start3A_130 = arith.constant 1 : i32
    %dma_start3A_131 = arith.constant 625 : i32
    %dma_start3A_132 = arith.constant 0 : i32
    %dma_start3A_133 = tpu.memref_slice %arg11[%dma_start3A_131, %dma_start3A_132] : memref<1250x16xf32, #tpu.memory_space<vmem>> -> memref<625x16xf32, #tpu.memory_space<vmem>>
    %dma_start3A_134 = arith.constant 0 : i32
    %dma_start3A_135 = tpu.memref_slice %arg9[%dma_start3A_130, %dma_start3A_134] : memref<8x625xi32, #tpu.memory_space<vmem>> -> memref<1x625xi32, #tpu.memory_space<vmem>>
    %dma_start3A_136 = tpu.memref_squeeze %dma_start3A_135 : memref<1x625xi32, #tpu.memory_space<vmem>> -> memref<625xi32, #tpu.memory_space<vmem>>
    %dma_start3A_137 = arith.constant 0 : i32
    %dma_start3A_138 = arith.constant 0 : i32
    %dma_start3A_139 = tpu.memref_slice %arg2[%dma_start3A_137, %dma_start3A_138] : memref<10240x16xf32, #tpu.memory_space<hbm>> -> memref<10240x16xf32, #tpu.memory_space<hbm>>
    tpu.enqueue_indirect_dma source(%dma_start3A_139 : memref<10240x16xf32, #tpu.memory_space<hbm>>) target(%dma_start3A_133 : memref<625x16xf32, #tpu.memory_space<vmem>>) offsets(%dma_start3A_136 : memref<625xi32, #tpu.memory_space<vmem>>) semaphore(%arg13 : memref<!tpu.dma_semaphore, #tpu.memory_space<semaphore_mem>>)
    %dma_wait3A = arith.constant 0 : i32
    %dma_wait3A_140 = arith.constant 0 : i32
    %dma_wait3A_141 = arith.constant 0 : i32
    %dma_wait3A_142 = tpu.memref_slice %arg11[%dma_wait3A_140, %dma_wait3A_141] : memref<1250x16xf32, #tpu.memory_space<vmem>> -> memref<625x16xf32, #tpu.memory_space<vmem>>
    %dma_wait3A_143 = arith.constant 0 : i32
    %dma_wait3A_144 = tpu.memref_slice %arg9[%dma_wait3A, %dma_wait3A_143] : memref<8x625xi32, #tpu.memory_space<vmem>> -> memref<1x625xi32, #tpu.memory_space<vmem>>
    %dma_wait3A_145 = tpu.memref_squeeze %dma_wait3A_144 : memref<1x625xi32, #tpu.memory_space<vmem>> -> memref<625xi32, #tpu.memory_space<vmem>>
    %dma_wait3A_146 = arith.constant 0 : i32
    %dma_wait3A_147 = arith.constant 0 : i32
    %dma_wait3A_148 = tpu.memref_slice %arg2[%dma_wait3A_146, %dma_wait3A_147] : memref<10240x16xf32, #tpu.memory_space<hbm>> -> memref<10240x16xf32, #tpu.memory_space<hbm>>
    tpu.wait_indirect_dma semaphore(%arg13 : memref<!tpu.dma_semaphore, #tpu.memory_space<semaphore_mem>>) src(%dma_wait3A_148 : memref<10240x16xf32, #tpu.memory_space<hbm>>) dst(%dma_wait3A_142 : memref<625x16xf32, #tpu.memory_space<vmem>>)
    %dma_wait3A_149 = arith.constant 1 : i32
    %dma_wait3A_150 = arith.constant 625 : i32
    %dma_wait3A_151 = arith.constant 0 : i32
    %dma_wait3A_152 = tpu.memref_slice %arg11[%dma_wait3A_150, %dma_wait3A_151] : memref<1250x16xf32, #tpu.memory_space<vmem>> -> memref<625x16xf32, #tpu.memory_space<vmem>>
    %dma_wait3A_153 = arith.constant 0 : i32
    %dma_wait3A_154 = tpu.memref_slice %arg9[%dma_wait3A_149, %dma_wait3A_153] : memref<8x625xi32, #tpu.memory_space<vmem>> -> memref<1x625xi32, #tpu.memory_space<vmem>>
    %dma_wait3A_155 = tpu.memref_squeeze %dma_wait3A_154 : memref<1x625xi32, #tpu.memory_space<vmem>> -> memref<625xi32, #tpu.memory_space<vmem>>
    %dma_wait3A_156 = arith.constant 0 : i32
    %dma_wait3A_157 = arith.constant 0 : i32
    %dma_wait3A_158 = tpu.memref_slice %arg2[%dma_wait3A_156, %dma_wait3A_157] : memref<10240x16xf32, #tpu.memory_space<hbm>> -> memref<10240x16xf32, #tpu.memory_space<hbm>>
    tpu.wait_indirect_dma semaphore(%arg13 : memref<!tpu.dma_semaphore, #tpu.memory_space<semaphore_mem>>) src(%dma_wait3A_158 : memref<10240x16xf32, #tpu.memory_space<hbm>>) dst(%dma_wait3A_152 : memref<625x16xf32, #tpu.memory_space<vmem>>)
    %add3A_159 = arith.constant 0 : i32
    %add3A_160 = arith.addi %mul3A_2, %add3A_159 : i32
    "tpu.region"() ({
      %run_scoped3A = tpu.sem_alloc : memref<!tpu.dma_semaphore, #tpu.memory_space<semaphore_mem>>
      %dma_start3A_402 = arith.constant 0 : i32
      %dma_start3A_403 = tpu.memref_slice %arg7[%add3A_160, %dma_start3A_402] : memref<160000x16xf32, #tpu.memory_space<hbm>> -> memref<1250x16xf32, #tpu.memory_space<hbm>>
      %dma_start3A_404 = arith.constant 0 : i32
      %dma_start3A_405 = tpu.memref_slice %arg7[%add3A_160, %dma_start3A_404] : memref<160000x16xf32, #tpu.memory_space<hbm>> -> memref<1250x16xf32, #tpu.memory_space<hbm>>
      tpu.enqueue_dma source(%arg11 : memref<1250x16xf32, #tpu.memory_space<vmem>>) target(%dma_start3A_405 : memref<1250x16xf32, #tpu.memory_space<hbm>>) target_semaphore(%run_scoped3A : memref<!tpu.dma_semaphore, #tpu.memory_space<semaphore_mem>>)
      %dma_wait3A_406 = arith.constant 0 : i32
      %dma_wait3A_407 = tpu.memref_slice %arg7[%add3A_160, %dma_wait3A_406] : memref<160000x16xf32, #tpu.memory_space<hbm>> -> memref<1250x16xf32, #tpu.memory_space<hbm>>
      %dma_wait3A_408 = arith.constant 0 : i32
      %dma_wait3A_409 = tpu.memref_slice %arg7[%add3A_160, %dma_wait3A_408] : memref<160000x16xf32, #tpu.memory_space<hbm>> -> memref<1250x16xf32, #tpu.memory_space<hbm>>
      tpu.wait_dma2 semaphore(%run_scoped3A : memref<!tpu.dma_semaphore, #tpu.memory_space<semaphore_mem>>) src(%arg11 : memref<1250x16xf32, #tpu.memory_space<vmem>>) dst(%dma_wait3A_409 : memref<1250x16xf32, #tpu.memory_space<hbm>>)
      tpu.yield
    }) : () -> ()
    %dma_start3A_161 = arith.constant 2 : i32
    %dma_start3A_162 = arith.constant 0 : i32
    %dma_start3A_163 = arith.constant 0 : i32
    %dma_start3A_164 = tpu.memref_slice %arg11[%dma_start3A_162, %dma_start3A_163] : memref<1250x16xf32, #tpu.memory_space<vmem>> -> memref<625x16xf32, #tpu.memory_space<vmem>>
    %dma_start3A_165 = arith.constant 0 : i32
    %dma_start3A_166 = tpu.memref_slice %arg9[%dma_start3A_161, %dma_start3A_165] : memref<8x625xi32, #tpu.memory_space<vmem>> -> memref<1x625xi32, #tpu.memory_space<vmem>>
    %dma_start3A_167 = tpu.memref_squeeze %dma_start3A_166 : memref<1x625xi32, #tpu.memory_space<vmem>> -> memref<625xi32, #tpu.memory_space<vmem>>
    %dma_start3A_168 = arith.constant 0 : i32
    %dma_start3A_169 = arith.constant 0 : i32
    %dma_start3A_170 = tpu.memref_slice %arg2[%dma_start3A_168, %dma_start3A_169] : memref<10240x16xf32, #tpu.memory_space<hbm>> -> memref<10240x16xf32, #tpu.memory_space<hbm>>
    tpu.enqueue_indirect_dma source(%dma_start3A_170 : memref<10240x16xf32, #tpu.memory_space<hbm>>) target(%dma_start3A_164 : memref<625x16xf32, #tpu.memory_space<vmem>>) offsets(%dma_start3A_167 : memref<625xi32, #tpu.memory_space<vmem>>) semaphore(%arg13 : memref<!tpu.dma_semaphore, #tpu.memory_space<semaphore_mem>>)
    %dma_start3A_171 = arith.constant 3 : i32
    %dma_start3A_172 = arith.constant 625 : i32
    %dma_start3A_173 = arith.constant 0 : i32
    %dma_start3A_174 = tpu.memref_slice %arg11[%dma_start3A_172, %dma_start3A_173] : memref<1250x16xf32, #tpu.memory_space<vmem>> -> memref<625x16xf32, #tpu.memory_space<vmem>>
    %dma_start3A_175 = arith.constant 0 : i32
    %dma_start3A_176 = tpu.memref_slice %arg9[%dma_start3A_171, %dma_start3A_175] : memref<8x625xi32, #tpu.memory_space<vmem>> -> memref<1x625xi32, #tpu.memory_space<vmem>>
    %dma_start3A_177 = tpu.memref_squeeze %dma_start3A_176 : memref<1x625xi32, #tpu.memory_space<vmem>> -> memref<625xi32, #tpu.memory_space<vmem>>
    %dma_start3A_178 = arith.constant 0 : i32
    %dma_start3A_179 = arith.constant 0 : i32
    %dma_start3A_180 = tpu.memref_slice %arg2[%dma_start3A_178, %dma_start3A_179] : memref<10240x16xf32, #tpu.memory_space<hbm>> -> memref<10240x16xf32, #tpu.memory_space<hbm>>
    tpu.enqueue_indirect_dma source(%dma_start3A_180 : memref<10240x16xf32, #tpu.memory_space<hbm>>) target(%dma_start3A_174 : memref<625x16xf32, #tpu.memory_space<vmem>>) offsets(%dma_start3A_177 : memref<625xi32, #tpu.memory_space<vmem>>) semaphore(%arg13 : memref<!tpu.dma_semaphore, #tpu.memory_space<semaphore_mem>>)
    %dma_wait3A_181 = arith.constant 2 : i32
    %dma_wait3A_182 = arith.constant 0 : i32
    %dma_wait3A_183 = arith.constant 0 : i32
    %dma_wait3A_184 = tpu.memref_slice %arg11[%dma_wait3A_182, %dma_wait3A_183] : memref<1250x16xf32, #tpu.memory_space<vmem>> -> memref<625x16xf32, #tpu.memory_space<vmem>>
    %dma_wait3A_185 = arith.constant 0 : i32
    %dma_wait3A_186 = tpu.memref_slice %arg9[%dma_wait3A_181, %dma_wait3A_185] : memref<8x625xi32, #tpu.memory_space<vmem>> -> memref<1x625xi32, #tpu.memory_space<vmem>>
    %dma_wait3A_187 = tpu.memref_squeeze %dma_wait3A_186 : memref<1x625xi32, #tpu.memory_space<vmem>> -> memref<625xi32, #tpu.memory_space<vmem>>
    %dma_wait3A_188 = arith.constant 0 : i32
    %dma_wait3A_189 = arith.constant 0 : i32
    %dma_wait3A_190 = tpu.memref_slice %arg2[%dma_wait3A_188, %dma_wait3A_189] : memref<10240x16xf32, #tpu.memory_space<hbm>> -> memref<10240x16xf32, #tpu.memory_space<hbm>>
    tpu.wait_indirect_dma semaphore(%arg13 : memref<!tpu.dma_semaphore, #tpu.memory_space<semaphore_mem>>) src(%dma_wait3A_190 : memref<10240x16xf32, #tpu.memory_space<hbm>>) dst(%dma_wait3A_184 : memref<625x16xf32, #tpu.memory_space<vmem>>)
    %dma_wait3A_191 = arith.constant 3 : i32
    %dma_wait3A_192 = arith.constant 625 : i32
    %dma_wait3A_193 = arith.constant 0 : i32
    %dma_wait3A_194 = tpu.memref_slice %arg11[%dma_wait3A_192, %dma_wait3A_193] : memref<1250x16xf32, #tpu.memory_space<vmem>> -> memref<625x16xf32, #tpu.memory_space<vmem>>
    %dma_wait3A_195 = arith.constant 0 : i32
    %dma_wait3A_196 = tpu.memref_slice %arg9[%dma_wait3A_191, %dma_wait3A_195] : memref<8x625xi32, #tpu.memory_space<vmem>> -> memref<1x625xi32, #tpu.memory_space<vmem>>
    %dma_wait3A_197 = tpu.memref_squeeze %dma_wait3A_196 : memref<1x625xi32, #tpu.memory_space<vmem>> -> memref<625xi32, #tpu.memory_space<vmem>>
    %dma_wait3A_198 = arith.constant 0 : i32
    %dma_wait3A_199 = arith.constant 0 : i32
    %dma_wait3A_200 = tpu.memref_slice %arg2[%dma_wait3A_198, %dma_wait3A_199] : memref<10240x16xf32, #tpu.memory_space<hbm>> -> memref<10240x16xf32, #tpu.memory_space<hbm>>
    tpu.wait_indirect_dma semaphore(%arg13 : memref<!tpu.dma_semaphore, #tpu.memory_space<semaphore_mem>>) src(%dma_wait3A_200 : memref<10240x16xf32, #tpu.memory_space<hbm>>) dst(%dma_wait3A_194 : memref<625x16xf32, #tpu.memory_space<vmem>>)
    %add3A_201 = arith.constant 1250 : i32
    %add3A_202 = arith.addi %mul3A_2, %add3A_201 : i32
    "tpu.region"() ({
      %run_scoped3A = tpu.sem_alloc : memref<!tpu.dma_semaphore, #tpu.memory_space<semaphore_mem>>
      %dma_start3A_402 = arith.constant 0 : i32
      %dma_start3A_403 = tpu.memref_slice %arg7[%add3A_202, %dma_start3A_402] : memref<160000x16xf32, #tpu.memory_space<hbm>> -> memref<1250x16xf32, #tpu.memory_space<hbm>>
      %dma_start3A_404 = arith.constant 0 : i32
      %dma_start3A_405 = tpu.memref_slice %arg7[%add3A_202, %dma_start3A_404] : memref<160000x16xf32, #tpu.memory_space<hbm>> -> memref<1250x16xf32, #tpu.memory_space<hbm>>
      tpu.enqueue_dma source(%arg11 : memref<1250x16xf32, #tpu.memory_space<vmem>>) target(%dma_start3A_405 : memref<1250x16xf32, #tpu.memory_space<hbm>>) target_semaphore(%run_scoped3A : memref<!tpu.dma_semaphore, #tpu.memory_space<semaphore_mem>>)
      %dma_wait3A_406 = arith.constant 0 : i32
      %dma_wait3A_407 = tpu.memref_slice %arg7[%add3A_202, %dma_wait3A_406] : memref<160000x16xf32, #tpu.memory_space<hbm>> -> memref<1250x16xf32, #tpu.memory_space<hbm>>
      %dma_wait3A_408 = arith.constant 0 : i32
      %dma_wait3A_409 = tpu.memref_slice %arg7[%add3A_202, %dma_wait3A_408] : memref<160000x16xf32, #tpu.memory_space<hbm>> -> memref<1250x16xf32, #tpu.memory_space<hbm>>
      tpu.wait_dma2 semaphore(%run_scoped3A : memref<!tpu.dma_semaphore, #tpu.memory_space<semaphore_mem>>) src(%arg11 : memref<1250x16xf32, #tpu.memory_space<vmem>>) dst(%dma_wait3A_409 : memref<1250x16xf32, #tpu.memory_space<hbm>>)
      tpu.yield
    }) : () -> ()
    %dma_start3A_203 = arith.constant 4 : i32
    %dma_start3A_204 = arith.constant 0 : i32
    %dma_start3A_205 = arith.constant 0 : i32
    %dma_start3A_206 = tpu.memref_slice %arg11[%dma_start3A_204, %dma_start3A_205] : memref<1250x16xf32, #tpu.memory_space<vmem>> -> memref<625x16xf32, #tpu.memory_space<vmem>>
    %dma_start3A_207 = arith.constant 0 : i32
    %dma_start3A_208 = tpu.memref_slice %arg9[%dma_start3A_203, %dma_start3A_207] : memref<8x625xi32, #tpu.memory_space<vmem>> -> memref<1x625xi32, #tpu.memory_space<vmem>>
    %dma_start3A_209 = tpu.memref_squeeze %dma_start3A_208 : memref<1x625xi32, #tpu.memory_space<vmem>> -> memref<625xi32, #tpu.memory_space<vmem>>
    %dma_start3A_210 = arith.constant 0 : i32
    %dma_start3A_211 = arith.constant 0 : i32
    %dma_start3A_212 = tpu.memref_slice %arg2[%dma_start3A_210, %dma_start3A_211] : memref<10240x16xf32, #tpu.memory_space<hbm>> -> memref<10240x16xf32, #tpu.memory_space<hbm>>
    tpu.enqueue_indirect_dma source(%dma_start3A_212 : memref<10240x16xf32, #tpu.memory_space<hbm>>) target(%dma_start3A_206 : memref<625x16xf32, #tpu.memory_space<vmem>>) offsets(%dma_start3A_209 : memref<625xi32, #tpu.memory_space<vmem>>) semaphore(%arg13 : memref<!tpu.dma_semaphore, #tpu.memory_space<semaphore_mem>>)
    %dma_start3A_213 = arith.constant 5 : i32
    %dma_start3A_214 = arith.constant 625 : i32
    %dma_start3A_215 = arith.constant 0 : i32
    %dma_start3A_216 = tpu.memref_slice %arg11[%dma_start3A_214, %dma_start3A_215] : memref<1250x16xf32, #tpu.memory_space<vmem>> -> memref<625x16xf32, #tpu.memory_space<vmem>>
    %dma_start3A_217 = arith.constant 0 : i32
    %dma_start3A_218 = tpu.memref_slice %arg9[%dma_start3A_213, %dma_start3A_217] : memref<8x625xi32, #tpu.memory_space<vmem>> -> memref<1x625xi32, #tpu.memory_space<vmem>>
    %dma_start3A_219 = tpu.memref_squeeze %dma_start3A_218 : memref<1x625xi32, #tpu.memory_space<vmem>> -> memref<625xi32, #tpu.memory_space<vmem>>
    %dma_start3A_220 = arith.constant 0 : i32
    %dma_start3A_221 = arith.constant 0 : i32
    %dma_start3A_222 = tpu.memref_slice %arg2[%dma_start3A_220, %dma_start3A_221] : memref<10240x16xf32, #tpu.memory_space<hbm>> -> memref<10240x16xf32, #tpu.memory_space<hbm>>
    tpu.enqueue_indirect_dma source(%dma_start3A_222 : memref<10240x16xf32, #tpu.memory_space<hbm>>) target(%dma_start3A_216 : memref<625x16xf32, #tpu.memory_space<vmem>>) offsets(%dma_start3A_219 : memref<625xi32, #tpu.memory_space<vmem>>) semaphore(%arg13 : memref<!tpu.dma_semaphore, #tpu.memory_space<semaphore_mem>>)
    %dma_wait3A_223 = arith.constant 4 : i32
    %dma_wait3A_224 = arith.constant 0 : i32
    %dma_wait3A_225 = arith.constant 0 : i32
    %dma_wait3A_226 = tpu.memref_slice %arg11[%dma_wait3A_224, %dma_wait3A_225] : memref<1250x16xf32, #tpu.memory_space<vmem>> -> memref<625x16xf32, #tpu.memory_space<vmem>>
    %dma_wait3A_227 = arith.constant 0 : i32
    %dma_wait3A_228 = tpu.memref_slice %arg9[%dma_wait3A_223, %dma_wait3A_227] : memref<8x625xi32, #tpu.memory_space<vmem>> -> memref<1x625xi32, #tpu.memory_space<vmem>>
    %dma_wait3A_229 = tpu.memref_squeeze %dma_wait3A_228 : memref<1x625xi32, #tpu.memory_space<vmem>> -> memref<625xi32, #tpu.memory_space<vmem>>
    %dma_wait3A_230 = arith.constant 0 : i32
    %dma_wait3A_231 = arith.constant 0 : i32
    %dma_wait3A_232 = tpu.memref_slice %arg2[%dma_wait3A_230, %dma_wait3A_231] : memref<10240x16xf32, #tpu.memory_space<hbm>> -> memref<10240x16xf32, #tpu.memory_space<hbm>>
    tpu.wait_indirect_dma semaphore(%arg13 : memref<!tpu.dma_semaphore, #tpu.memory_space<semaphore_mem>>) src(%dma_wait3A_232 : memref<10240x16xf32, #tpu.memory_space<hbm>>) dst(%dma_wait3A_226 : memref<625x16xf32, #tpu.memory_space<vmem>>)
    %dma_wait3A_233 = arith.constant 5 : i32
    %dma_wait3A_234 = arith.constant 625 : i32
    %dma_wait3A_235 = arith.constant 0 : i32
    %dma_wait3A_236 = tpu.memref_slice %arg11[%dma_wait3A_234, %dma_wait3A_235] : memref<1250x16xf32, #tpu.memory_space<vmem>> -> memref<625x16xf32, #tpu.memory_space<vmem>>
    %dma_wait3A_237 = arith.constant 0 : i32
    %dma_wait3A_238 = tpu.memref_slice %arg9[%dma_wait3A_233, %dma_wait3A_237] : memref<8x625xi32, #tpu.memory_space<vmem>> -> memref<1x625xi32, #tpu.memory_space<vmem>>
    %dma_wait3A_239 = tpu.memref_squeeze %dma_wait3A_238 : memref<1x625xi32, #tpu.memory_space<vmem>> -> memref<625xi32, #tpu.memory_space<vmem>>
    %dma_wait3A_240 = arith.constant 0 : i32
    %dma_wait3A_241 = arith.constant 0 : i32
    %dma_wait3A_242 = tpu.memref_slice %arg2[%dma_wait3A_240, %dma_wait3A_241] : memref<10240x16xf32, #tpu.memory_space<hbm>> -> memref<10240x16xf32, #tpu.memory_space<hbm>>
    tpu.wait_indirect_dma semaphore(%arg13 : memref<!tpu.dma_semaphore, #tpu.memory_space<semaphore_mem>>) src(%dma_wait3A_242 : memref<10240x16xf32, #tpu.memory_space<hbm>>) dst(%dma_wait3A_236 : memref<625x16xf32, #tpu.memory_space<vmem>>)
    %add3A_243 = arith.constant 2500 : i32
    %add3A_244 = arith.addi %mul3A_2, %add3A_243 : i32
    "tpu.region"() ({
      %run_scoped3A = tpu.sem_alloc : memref<!tpu.dma_semaphore, #tpu.memory_space<semaphore_mem>>
      %dma_start3A_402 = arith.constant 0 : i32
      %dma_start3A_403 = tpu.memref_slice %arg7[%add3A_244, %dma_start3A_402] : memref<160000x16xf32, #tpu.memory_space<hbm>> -> memref<1250x16xf32, #tpu.memory_space<hbm>>
      %dma_start3A_404 = arith.constant 0 : i32
      %dma_start3A_405 = tpu.memref_slice %arg7[%add3A_244, %dma_start3A_404] : memref<160000x16xf32, #tpu.memory_space<hbm>> -> memref<1250x16xf32, #tpu.memory_space<hbm>>
      tpu.enqueue_dma source(%arg11 : memref<1250x16xf32, #tpu.memory_space<vmem>>) target(%dma_start3A_405 : memref<1250x16xf32, #tpu.memory_space<hbm>>) target_semaphore(%run_scoped3A : memref<!tpu.dma_semaphore, #tpu.memory_space<semaphore_mem>>)
      %dma_wait3A_406 = arith.constant 0 : i32
      %dma_wait3A_407 = tpu.memref_slice %arg7[%add3A_244, %dma_wait3A_406] : memref<160000x16xf32, #tpu.memory_space<hbm>> -> memref<1250x16xf32, #tpu.memory_space<hbm>>
      %dma_wait3A_408 = arith.constant 0 : i32
      %dma_wait3A_409 = tpu.memref_slice %arg7[%add3A_244, %dma_wait3A_408] : memref<160000x16xf32, #tpu.memory_space<hbm>> -> memref<1250x16xf32, #tpu.memory_space<hbm>>
      tpu.wait_dma2 semaphore(%run_scoped3A : memref<!tpu.dma_semaphore, #tpu.memory_space<semaphore_mem>>) src(%arg11 : memref<1250x16xf32, #tpu.memory_space<vmem>>) dst(%dma_wait3A_409 : memref<1250x16xf32, #tpu.memory_space<hbm>>)
      tpu.yield
    }) : () -> ()
    %dma_start3A_245 = arith.constant 6 : i32
    %dma_start3A_246 = arith.constant 0 : i32
    %dma_start3A_247 = arith.constant 0 : i32
    %dma_start3A_248 = tpu.memref_slice %arg11[%dma_start3A_246, %dma_start3A_247] : memref<1250x16xf32, #tpu.memory_space<vmem>> -> memref<625x16xf32, #tpu.memory_space<vmem>>
    %dma_start3A_249 = arith.constant 0 : i32
    %dma_start3A_250 = tpu.memref_slice %arg9[%dma_start3A_245, %dma_start3A_249] : memref<8x625xi32, #tpu.memory_space<vmem>> -> memref<1x625xi32, #tpu.memory_space<vmem>>
    %dma_start3A_251 = tpu.memref_squeeze %dma_start3A_250 : memref<1x625xi32, #tpu.memory_space<vmem>> -> memref<625xi32, #tpu.memory_space<vmem>>
    %dma_start3A_252 = arith.constant 0 : i32
    %dma_start3A_253 = arith.constant 0 : i32
    %dma_start3A_254 = tpu.memref_slice %arg2[%dma_start3A_252, %dma_start3A_253] : memref<10240x16xf32, #tpu.memory_space<hbm>> -> memref<10240x16xf32, #tpu.memory_space<hbm>>
    tpu.enqueue_indirect_dma source(%dma_start3A_254 : memref<10240x16xf32, #tpu.memory_space<hbm>>) target(%dma_start3A_248 : memref<625x16xf32, #tpu.memory_space<vmem>>) offsets(%dma_start3A_251 : memref<625xi32, #tpu.memory_space<vmem>>) semaphore(%arg13 : memref<!tpu.dma_semaphore, #tpu.memory_space<semaphore_mem>>)
    %dma_start3A_255 = arith.constant 7 : i32
    %dma_start3A_256 = arith.constant 625 : i32
    %dma_start3A_257 = arith.constant 0 : i32
    %dma_start3A_258 = tpu.memref_slice %arg11[%dma_start3A_256, %dma_start3A_257] : memref<1250x16xf32, #tpu.memory_space<vmem>> -> memref<625x16xf32, #tpu.memory_space<vmem>>
    %dma_start3A_259 = arith.constant 0 : i32
    %dma_start3A_260 = tpu.memref_slice %arg9[%dma_start3A_255, %dma_start3A_259] : memref<8x625xi32, #tpu.memory_space<vmem>> -> memref<1x625xi32, #tpu.memory_space<vmem>>
    %dma_start3A_261 = tpu.memref_squeeze %dma_start3A_260 : memref<1x625xi32, #tpu.memory_space<vmem>> -> memref<625xi32, #tpu.memory_space<vmem>>
    %dma_start3A_262 = arith.constant 0 : i32
    %dma_start3A_263 = arith.constant 0 : i32
    %dma_start3A_264 = tpu.memref_slice %arg2[%dma_start3A_262, %dma_start3A_263] : memref<10240x16xf32, #tpu.memory_space<hbm>> -> memref<10240x16xf32, #tpu.memory_space<hbm>>
    tpu.enqueue_indirect_dma source(%dma_start3A_264 : memref<10240x16xf32, #tpu.memory_space<hbm>>) target(%dma_start3A_258 : memref<625x16xf32, #tpu.memory_space<vmem>>) offsets(%dma_start3A_261 : memref<625xi32, #tpu.memory_space<vmem>>) semaphore(%arg13 : memref<!tpu.dma_semaphore, #tpu.memory_space<semaphore_mem>>)
    %dma_wait3A_265 = arith.constant 6 : i32
    %dma_wait3A_266 = arith.constant 0 : i32
    %dma_wait3A_267 = arith.constant 0 : i32
    %dma_wait3A_268 = tpu.memref_slice %arg11[%dma_wait3A_266, %dma_wait3A_267] : memref<1250x16xf32, #tpu.memory_space<vmem>> -> memref<625x16xf32, #tpu.memory_space<vmem>>
    %dma_wait3A_269 = arith.constant 0 : i32
    %dma_wait3A_270 = tpu.memref_slice %arg9[%dma_wait3A_265, %dma_wait3A_269] : memref<8x625xi32, #tpu.memory_space<vmem>> -> memref<1x625xi32, #tpu.memory_space<vmem>>
    %dma_wait3A_271 = tpu.memref_squeeze %dma_wait3A_270 : memref<1x625xi32, #tpu.memory_space<vmem>> -> memref<625xi32, #tpu.memory_space<vmem>>
    %dma_wait3A_272 = arith.constant 0 : i32
    %dma_wait3A_273 = arith.constant 0 : i32
    %dma_wait3A_274 = tpu.memref_slice %arg2[%dma_wait3A_272, %dma_wait3A_273] : memref<10240x16xf32, #tpu.memory_space<hbm>> -> memref<10240x16xf32, #tpu.memory_space<hbm>>
    tpu.wait_indirect_dma semaphore(%arg13 : memref<!tpu.dma_semaphore, #tpu.memory_space<semaphore_mem>>) src(%dma_wait3A_274 : memref<10240x16xf32, #tpu.memory_space<hbm>>) dst(%dma_wait3A_268 : memref<625x16xf32, #tpu.memory_space<vmem>>)
    %dma_wait3A_275 = arith.constant 7 : i32
    %dma_wait3A_276 = arith.constant 625 : i32
    %dma_wait3A_277 = arith.constant 0 : i32
    %dma_wait3A_278 = tpu.memref_slice %arg11[%dma_wait3A_276, %dma_wait3A_277] : memref<1250x16xf32, #tpu.memory_space<vmem>> -> memref<625x16xf32, #tpu.memory_space<vmem>>
    %dma_wait3A_279 = arith.constant 0 : i32
    %dma_wait3A_280 = tpu.memref_slice %arg9[%dma_wait3A_275, %dma_wait3A_279] : memref<8x625xi32, #tpu.memory_space<vmem>> -> memref<1x625xi32, #tpu.memory_space<vmem>>
    %dma_wait3A_281 = tpu.memref_squeeze %dma_wait3A_280 : memref<1x625xi32, #tpu.memory_space<vmem>> -> memref<625xi32, #tpu.memory_space<vmem>>
    %dma_wait3A_282 = arith.constant 0 : i32
    %dma_wait3A_283 = arith.constant 0 : i32
    %dma_wait3A_284 = tpu.memref_slice %arg2[%dma_wait3A_282, %dma_wait3A_283] : memref<10240x16xf32, #tpu.memory_space<hbm>> -> memref<10240x16xf32, #tpu.memory_space<hbm>>
    tpu.wait_indirect_dma semaphore(%arg13 : memref<!tpu.dma_semaphore, #tpu.memory_space<semaphore_mem>>) src(%dma_wait3A_284 : memref<10240x16xf32, #tpu.memory_space<hbm>>) dst(%dma_wait3A_278 : memref<625x16xf32, #tpu.memory_space<vmem>>)
    %add3A_285 = arith.constant 3750 : i32
    %add3A_286 = arith.addi %mul3A_2, %add3A_285 : i32
    "tpu.region"() ({
      %run_scoped3A = tpu.sem_alloc : memref<!tpu.dma_semaphore, #tpu.memory_space<semaphore_mem>>
      %dma_start3A_402 = arith.constant 0 : i32
      %dma_start3A_403 = tpu.memref_slice %arg7[%add3A_286, %dma_start3A_402] : memref<160000x16xf32, #tpu.memory_space<hbm>> -> memref<1250x16xf32, #tpu.memory_space<hbm>>
      %dma_start3A_404 = arith.constant 0 : i32
      %dma_start3A_405 = tpu.memref_slice %arg7[%add3A_286, %dma_start3A_404] : memref<160000x16xf32, #tpu.memory_space<hbm>> -> memref<1250x16xf32, #tpu.memory_space<hbm>>
      tpu.enqueue_dma source(%arg11 : memref<1250x16xf32, #tpu.memory_space<vmem>>) target(%dma_start3A_405 : memref<1250x16xf32, #tpu.memory_space<hbm>>) target_semaphore(%run_scoped3A : memref<!tpu.dma_semaphore, #tpu.memory_space<semaphore_mem>>)
      %dma_wait3A_406 = arith.constant 0 : i32
      %dma_wait3A_407 = tpu.memref_slice %arg7[%add3A_286, %dma_wait3A_406] : memref<160000x16xf32, #tpu.memory_space<hbm>> -> memref<1250x16xf32, #tpu.memory_space<hbm>>
      %dma_wait3A_408 = arith.constant 0 : i32
      %dma_wait3A_409 = tpu.memref_slice %arg7[%add3A_286, %dma_wait3A_408] : memref<160000x16xf32, #tpu.memory_space<hbm>> -> memref<1250x16xf32, #tpu.memory_space<hbm>>
      tpu.wait_dma2 semaphore(%run_scoped3A : memref<!tpu.dma_semaphore, #tpu.memory_space<semaphore_mem>>) src(%arg11 : memref<1250x16xf32, #tpu.memory_space<vmem>>) dst(%dma_wait3A_409 : memref<1250x16xf32, #tpu.memory_space<hbm>>)
      tpu.yield
    }) : () -> ()
    %dma_wait3A_287 = arith.constant 0 : i32
    %dma_wait3A_288 = arith.constant 0 : i32
    %dma_wait3A_289 = tpu.memref_slice %arg10[%dma_wait3A_287, %dma_wait3A_288] : memref<16x625xi32, #tpu.memory_space<vmem>> -> memref<1x625xi32, #tpu.memory_space<vmem>>
    %dma_wait3A_290 = tpu.memref_squeeze %dma_wait3A_289 : memref<1x625xi32, #tpu.memory_space<vmem>> -> memref<625xi32, #tpu.memory_space<vmem>>
    %dma_wait3A_291 = arith.constant 0 : i32
    %dma_wait3A_292 = arith.constant 0 : i32
    %dma_wait3A_293 = tpu.memref_slice %arg15[%dma_wait3A_291, %dma_wait3A_292] : memref<10240x16xf32, #tpu.memory_space<vmem_shared>> -> memref<10240x16xf32, #tpu.memory_space<vmem_shared>>
    tpu.wait_indirect_dma semaphore(%arg14 : memref<!tpu.dma_semaphore, #tpu.memory_space<semaphore_mem>>) src(%arg12 : memref<625x16xf32, #tpu.memory_space<vmem>>) dst(%dma_wait3A_293 : memref<10240x16xf32, #tpu.memory_space<vmem_shared>>)
    %dma_wait3A_294 = arith.constant 1 : i32
    %dma_wait3A_295 = arith.constant 0 : i32
    %dma_wait3A_296 = tpu.memref_slice %arg10[%dma_wait3A_294, %dma_wait3A_295] : memref<16x625xi32, #tpu.memory_space<vmem>> -> memref<1x625xi32, #tpu.memory_space<vmem>>
    %dma_wait3A_297 = tpu.memref_squeeze %dma_wait3A_296 : memref<1x625xi32, #tpu.memory_space<vmem>> -> memref<625xi32, #tpu.memory_space<vmem>>
    %dma_wait3A_298 = arith.constant 0 : i32
    %dma_wait3A_299 = arith.constant 0 : i32
    %dma_wait3A_300 = tpu.memref_slice %arg15[%dma_wait3A_298, %dma_wait3A_299] : memref<10240x16xf32, #tpu.memory_space<vmem_shared>> -> memref<10240x16xf32, #tpu.memory_space<vmem_shared>>
    tpu.wait_indirect_dma semaphore(%arg14 : memref<!tpu.dma_semaphore, #tpu.memory_space<semaphore_mem>>) src(%arg12 : memref<625x16xf32, #tpu.memory_space<vmem>>) dst(%dma_wait3A_300 : memref<10240x16xf32, #tpu.memory_space<vmem_shared>>)
    %dma_wait3A_301 = arith.constant 2 : i32
    %dma_wait3A_302 = arith.constant 0 : i32
    %dma_wait3A_303 = tpu.memref_slice %arg10[%dma_wait3A_301, %dma_wait3A_302] : memref<16x625xi32, #tpu.memory_space<vmem>> -> memref<1x625xi32, #tpu.memory_space<vmem>>
    %dma_wait3A_304 = tpu.memref_squeeze %dma_wait3A_303 : memref<1x625xi32, #tpu.memory_space<vmem>> -> memref<625xi32, #tpu.memory_space<vmem>>
    %dma_wait3A_305 = arith.constant 0 : i32
    %dma_wait3A_306 = arith.constant 0 : i32
    %dma_wait3A_307 = tpu.memref_slice %arg15[%dma_wait3A_305, %dma_wait3A_306] : memref<10240x16xf32, #tpu.memory_space<vmem_shared>> -> memref<10240x16xf32, #tpu.memory_space<vmem_shared>>
    tpu.wait_indirect_dma semaphore(%arg14 : memref<!tpu.dma_semaphore, #tpu.memory_space<semaphore_mem>>) src(%arg12 : memref<625x16xf32, #tpu.memory_space<vmem>>) dst(%dma_wait3A_307 : memref<10240x16xf32, #tpu.memory_space<vmem_shared>>)
    %dma_wait3A_308 = arith.constant 3 : i32
    %dma_wait3A_309 = arith.constant 0 : i32
    %dma_wait3A_310 = tpu.memref_slice %arg10[%dma_wait3A_308, %dma_wait3A_309] : memref<16x625xi32, #tpu.memory_space<vmem>> -> memref<1x625xi32, #tpu.memory_space<vmem>>
    %dma_wait3A_311 = tpu.memref_squeeze %dma_wait3A_310 : memref<1x625xi32, #tpu.memory_space<vmem>> -> memref<625xi32, #tpu.memory_space<vmem>>
    %dma_wait3A_312 = arith.constant 0 : i32
    %dma_wait3A_313 = arith.constant 0 : i32
    %dma_wait3A_314 = tpu.memref_slice %arg15[%dma_wait3A_312, %dma_wait3A_313] : memref<10240x16xf32, #tpu.memory_space<vmem_shared>> -> memref<10240x16xf32, #tpu.memory_space<vmem_shared>>
    tpu.wait_indirect_dma semaphore(%arg14 : memref<!tpu.dma_semaphore, #tpu.memory_space<semaphore_mem>>) src(%arg12 : memref<625x16xf32, #tpu.memory_space<vmem>>) dst(%dma_wait3A_314 : memref<10240x16xf32, #tpu.memory_space<vmem_shared>>)
    %dma_wait3A_315 = arith.constant 4 : i32
    %dma_wait3A_316 = arith.constant 0 : i32
    %dma_wait3A_317 = tpu.memref_slice %arg10[%dma_wait3A_315, %dma_wait3A_316] : memref<16x625xi32, #tpu.memory_space<vmem>> -> memref<1x625xi32, #tpu.memory_space<vmem>>
    %dma_wait3A_318 = tpu.memref_squeeze %dma_wait3A_317 : memref<1x625xi32, #tpu.memory_space<vmem>> -> memref<625xi32, #tpu.memory_space<vmem>>
    %dma_wait3A_319 = arith.constant 0 : i32
    %dma_wait3A_320 = arith.constant 0 : i32
    %dma_wait3A_321 = tpu.memref_slice %arg15[%dma_wait3A_319, %dma_wait3A_320] : memref<10240x16xf32, #tpu.memory_space<vmem_shared>> -> memref<10240x16xf32, #tpu.memory_space<vmem_shared>>
    tpu.wait_indirect_dma semaphore(%arg14 : memref<!tpu.dma_semaphore, #tpu.memory_space<semaphore_mem>>) src(%arg12 : memref<625x16xf32, #tpu.memory_space<vmem>>) dst(%dma_wait3A_321 : memref<10240x16xf32, #tpu.memory_space<vmem_shared>>)
    %dma_wait3A_322 = arith.constant 5 : i32
    %dma_wait3A_323 = arith.constant 0 : i32
    %dma_wait3A_324 = tpu.memref_slice %arg10[%dma_wait3A_322, %dma_wait3A_323] : memref<16x625xi32, #tpu.memory_space<vmem>> -> memref<1x625xi32, #tpu.memory_space<vmem>>
    %dma_wait3A_325 = tpu.memref_squeeze %dma_wait3A_324 : memref<1x625xi32, #tpu.memory_space<vmem>> -> memref<625xi32, #tpu.memory_space<vmem>>
    %dma_wait3A_326 = arith.constant 0 : i32
    %dma_wait3A_327 = arith.constant 0 : i32
    %dma_wait3A_328 = tpu.memref_slice %arg15[%dma_wait3A_326, %dma_wait3A_327] : memref<10240x16xf32, #tpu.memory_space<vmem_shared>> -> memref<10240x16xf32, #tpu.memory_space<vmem_shared>>
    tpu.wait_indirect_dma semaphore(%arg14 : memref<!tpu.dma_semaphore, #tpu.memory_space<semaphore_mem>>) src(%arg12 : memref<625x16xf32, #tpu.memory_space<vmem>>) dst(%dma_wait3A_328 : memref<10240x16xf32, #tpu.memory_space<vmem_shared>>)
    %dma_wait3A_329 = arith.constant 6 : i32
    %dma_wait3A_330 = arith.constant 0 : i32
    %dma_wait3A_331 = tpu.memref_slice %arg10[%dma_wait3A_329, %dma_wait3A_330] : memref<16x625xi32, #tpu.memory_space<vmem>> -> memref<1x625xi32, #tpu.memory_space<vmem>>
    %dma_wait3A_332 = tpu.memref_squeeze %dma_wait3A_331 : memref<1x625xi32, #tpu.memory_space<vmem>> -> memref<625xi32, #tpu.memory_space<vmem>>
    %dma_wait3A_333 = arith.constant 0 : i32
    %dma_wait3A_334 = arith.constant 0 : i32
    %dma_wait3A_335 = tpu.memref_slice %arg15[%dma_wait3A_333, %dma_wait3A_334] : memref<10240x16xf32, #tpu.memory_space<vmem_shared>> -> memref<10240x16xf32, #tpu.memory_space<vmem_shared>>
    tpu.wait_indirect_dma semaphore(%arg14 : memref<!tpu.dma_semaphore, #tpu.memory_space<semaphore_mem>>) src(%arg12 : memref<625x16xf32, #tpu.memory_space<vmem>>) dst(%dma_wait3A_335 : memref<10240x16xf32, #tpu.memory_space<vmem_shared>>)
    %dma_wait3A_336 = arith.constant 7 : i32
    %dma_wait3A_337 = arith.constant 0 : i32
    %dma_wait3A_338 = tpu.memref_slice %arg10[%dma_wait3A_336, %dma_wait3A_337] : memref<16x625xi32, #tpu.memory_space<vmem>> -> memref<1x625xi32, #tpu.memory_space<vmem>>
    %dma_wait3A_339 = tpu.memref_squeeze %dma_wait3A_338 : memref<1x625xi32, #tpu.memory_space<vmem>> -> memref<625xi32, #tpu.memory_space<vmem>>
    %dma_wait3A_340 = arith.constant 0 : i32
    %dma_wait3A_341 = arith.constant 0 : i32
    %dma_wait3A_342 = tpu.memref_slice %arg15[%dma_wait3A_340, %dma_wait3A_341] : memref<10240x16xf32, #tpu.memory_space<vmem_shared>> -> memref<10240x16xf32, #tpu.memory_space<vmem_shared>>
    tpu.wait_indirect_dma semaphore(%arg14 : memref<!tpu.dma_semaphore, #tpu.memory_space<semaphore_mem>>) src(%arg12 : memref<625x16xf32, #tpu.memory_space<vmem>>) dst(%dma_wait3A_342 : memref<10240x16xf32, #tpu.memory_space<vmem_shared>>)
    %dma_wait3A_343 = arith.constant 8 : i32
    %dma_wait3A_344 = arith.constant 0 : i32
    %dma_wait3A_345 = tpu.memref_slice %arg10[%dma_wait3A_343, %dma_wait3A_344] : memref<16x625xi32, #tpu.memory_space<vmem>> -> memref<1x625xi32, #tpu.memory_space<vmem>>
    %dma_wait3A_346 = tpu.memref_squeeze %dma_wait3A_345 : memref<1x625xi32, #tpu.memory_space<vmem>> -> memref<625xi32, #tpu.memory_space<vmem>>
    %dma_wait3A_347 = arith.constant 0 : i32
    %dma_wait3A_348 = arith.constant 0 : i32
    %dma_wait3A_349 = tpu.memref_slice %arg15[%dma_wait3A_347, %dma_wait3A_348] : memref<10240x16xf32, #tpu.memory_space<vmem_shared>> -> memref<10240x16xf32, #tpu.memory_space<vmem_shared>>
    tpu.wait_indirect_dma semaphore(%arg14 : memref<!tpu.dma_semaphore, #tpu.memory_space<semaphore_mem>>) src(%arg12 : memref<625x16xf32, #tpu.memory_space<vmem>>) dst(%dma_wait3A_349 : memref<10240x16xf32, #tpu.memory_space<vmem_shared>>)
    %dma_wait3A_350 = arith.constant 9 : i32
    %dma_wait3A_351 = arith.constant 0 : i32
    %dma_wait3A_352 = tpu.memref_slice %arg10[%dma_wait3A_350, %dma_wait3A_351] : memref<16x625xi32, #tpu.memory_space<vmem>> -> memref<1x625xi32, #tpu.memory_space<vmem>>
    %dma_wait3A_353 = tpu.memref_squeeze %dma_wait3A_352 : memref<1x625xi32, #tpu.memory_space<vmem>> -> memref<625xi32, #tpu.memory_space<vmem>>
    %dma_wait3A_354 = arith.constant 0 : i32
    %dma_wait3A_355 = arith.constant 0 : i32
    %dma_wait3A_356 = tpu.memref_slice %arg15[%dma_wait3A_354, %dma_wait3A_355] : memref<10240x16xf32, #tpu.memory_space<vmem_shared>> -> memref<10240x16xf32, #tpu.memory_space<vmem_shared>>
    tpu.wait_indirect_dma semaphore(%arg14 : memref<!tpu.dma_semaphore, #tpu.memory_space<semaphore_mem>>) src(%arg12 : memref<625x16xf32, #tpu.memory_space<vmem>>) dst(%dma_wait3A_356 : memref<10240x16xf32, #tpu.memory_space<vmem_shared>>)
    %dma_wait3A_357 = arith.constant 10 : i32
    %dma_wait3A_358 = arith.constant 0 : i32
    %dma_wait3A_359 = tpu.memref_slice %arg10[%dma_wait3A_357, %dma_wait3A_358] : memref<16x625xi32, #tpu.memory_space<vmem>> -> memref<1x625xi32, #tpu.memory_space<vmem>>
    %dma_wait3A_360 = tpu.memref_squeeze %dma_wait3A_359 : memref<1x625xi32, #tpu.memory_space<vmem>> -> memref<625xi32, #tpu.memory_space<vmem>>
    %dma_wait3A_361 = arith.constant 0 : i32
    %dma_wait3A_362 = arith.constant 0 : i32
    %dma_wait3A_363 = tpu.memref_slice %arg15[%dma_wait3A_361, %dma_wait3A_362] : memref<10240x16xf32, #tpu.memory_space<vmem_shared>> -> memref<10240x16xf32, #tpu.memory_space<vmem_shared>>
    tpu.wait_indirect_dma semaphore(%arg14 : memref<!tpu.dma_semaphore, #tpu.memory_space<semaphore_mem>>) src(%arg12 : memref<625x16xf32, #tpu.memory_space<vmem>>) dst(%dma_wait3A_363 : memref<10240x16xf32, #tpu.memory_space<vmem_shared>>)
    %dma_wait3A_364 = arith.constant 11 : i32
    %dma_wait3A_365 = arith.constant 0 : i32
    %dma_wait3A_366 = tpu.memref_slice %arg10[%dma_wait3A_364, %dma_wait3A_365] : memref<16x625xi32, #tpu.memory_space<vmem>> -> memref<1x625xi32, #tpu.memory_space<vmem>>
    %dma_wait3A_367 = tpu.memref_squeeze %dma_wait3A_366 : memref<1x625xi32, #tpu.memory_space<vmem>> -> memref<625xi32, #tpu.memory_space<vmem>>
    %dma_wait3A_368 = arith.constant 0 : i32
    %dma_wait3A_369 = arith.constant 0 : i32
    %dma_wait3A_370 = tpu.memref_slice %arg15[%dma_wait3A_368, %dma_wait3A_369] : memref<10240x16xf32, #tpu.memory_space<vmem_shared>> -> memref<10240x16xf32, #tpu.memory_space<vmem_shared>>
    tpu.wait_indirect_dma semaphore(%arg14 : memref<!tpu.dma_semaphore, #tpu.memory_space<semaphore_mem>>) src(%arg12 : memref<625x16xf32, #tpu.memory_space<vmem>>) dst(%dma_wait3A_370 : memref<10240x16xf32, #tpu.memory_space<vmem_shared>>)
    %dma_wait3A_371 = arith.constant 12 : i32
    %dma_wait3A_372 = arith.constant 0 : i32
    %dma_wait3A_373 = tpu.memref_slice %arg10[%dma_wait3A_371, %dma_wait3A_372] : memref<16x625xi32, #tpu.memory_space<vmem>> -> memref<1x625xi32, #tpu.memory_space<vmem>>
    %dma_wait3A_374 = tpu.memref_squeeze %dma_wait3A_373 : memref<1x625xi32, #tpu.memory_space<vmem>> -> memref<625xi32, #tpu.memory_space<vmem>>
    %dma_wait3A_375 = arith.constant 0 : i32
    %dma_wait3A_376 = arith.constant 0 : i32
    %dma_wait3A_377 = tpu.memref_slice %arg15[%dma_wait3A_375, %dma_wait3A_376] : memref<10240x16xf32, #tpu.memory_space<vmem_shared>> -> memref<10240x16xf32, #tpu.memory_space<vmem_shared>>
    tpu.wait_indirect_dma semaphore(%arg14 : memref<!tpu.dma_semaphore, #tpu.memory_space<semaphore_mem>>) src(%arg12 : memref<625x16xf32, #tpu.memory_space<vmem>>) dst(%dma_wait3A_377 : memref<10240x16xf32, #tpu.memory_space<vmem_shared>>)
    %dma_wait3A_378 = arith.constant 13 : i32
    %dma_wait3A_379 = arith.constant 0 : i32
    %dma_wait3A_380 = tpu.memref_slice %arg10[%dma_wait3A_378, %dma_wait3A_379] : memref<16x625xi32, #tpu.memory_space<vmem>> -> memref<1x625xi32, #tpu.memory_space<vmem>>
    %dma_wait3A_381 = tpu.memref_squeeze %dma_wait3A_380 : memref<1x625xi32, #tpu.memory_space<vmem>> -> memref<625xi32, #tpu.memory_space<vmem>>
    %dma_wait3A_382 = arith.constant 0 : i32
    %dma_wait3A_383 = arith.constant 0 : i32
    %dma_wait3A_384 = tpu.memref_slice %arg15[%dma_wait3A_382, %dma_wait3A_383] : memref<10240x16xf32, #tpu.memory_space<vmem_shared>> -> memref<10240x16xf32, #tpu.memory_space<vmem_shared>>
    tpu.wait_indirect_dma semaphore(%arg14 : memref<!tpu.dma_semaphore, #tpu.memory_space<semaphore_mem>>) src(%arg12 : memref<625x16xf32, #tpu.memory_space<vmem>>) dst(%dma_wait3A_384 : memref<10240x16xf32, #tpu.memory_space<vmem_shared>>)
    %dma_wait3A_385 = arith.constant 14 : i32
    %dma_wait3A_386 = arith.constant 0 : i32
    %dma_wait3A_387 = tpu.memref_slice %arg10[%dma_wait3A_385, %dma_wait3A_386] : memref<16x625xi32, #tpu.memory_space<vmem>> -> memref<1x625xi32, #tpu.memory_space<vmem>>
    %dma_wait3A_388 = tpu.memref_squeeze %dma_wait3A_387 : memref<1x625xi32, #tpu.memory_space<vmem>> -> memref<625xi32, #tpu.memory_space<vmem>>
    %dma_wait3A_389 = arith.constant 0 : i32
    %dma_wait3A_390 = arith.constant 0 : i32
    %dma_wait3A_391 = tpu.memref_slice %arg15[%dma_wait3A_389, %dma_wait3A_390] : memref<10240x16xf32, #tpu.memory_space<vmem_shared>> -> memref<10240x16xf32, #tpu.memory_space<vmem_shared>>
    tpu.wait_indirect_dma semaphore(%arg14 : memref<!tpu.dma_semaphore, #tpu.memory_space<semaphore_mem>>) src(%arg12 : memref<625x16xf32, #tpu.memory_space<vmem>>) dst(%dma_wait3A_391 : memref<10240x16xf32, #tpu.memory_space<vmem_shared>>)
    %dma_wait3A_392 = arith.constant 15 : i32
    %dma_wait3A_393 = arith.constant 0 : i32
    %dma_wait3A_394 = tpu.memref_slice %arg10[%dma_wait3A_392, %dma_wait3A_393] : memref<16x625xi32, #tpu.memory_space<vmem>> -> memref<1x625xi32, #tpu.memory_space<vmem>>
    %dma_wait3A_395 = tpu.memref_squeeze %dma_wait3A_394 : memref<1x625xi32, #tpu.memory_space<vmem>> -> memref<625xi32, #tpu.memory_space<vmem>>
    %dma_wait3A_396 = arith.constant 0 : i32
    %dma_wait3A_397 = arith.constant 0 : i32
    %dma_wait3A_398 = tpu.memref_slice %arg15[%dma_wait3A_396, %dma_wait3A_397] : memref<10240x16xf32, #tpu.memory_space<vmem_shared>> -> memref<10240x16xf32, #tpu.memory_space<vmem_shared>>
    tpu.wait_indirect_dma semaphore(%arg14 : memref<!tpu.dma_semaphore, #tpu.memory_space<semaphore_mem>>) src(%arg12 : memref<625x16xf32, #tpu.memory_space<vmem>>) dst(%dma_wait3A_398 : memref<10240x16xf32, #tpu.memory_space<vmem_shared>>)
    %barrier3A_399 = arith.constant 0 : index
    tpu.barrier barrier_id(%barrier3A_399)
    %eq3A = arith.constant 0 : i32
    %eq3A_400 = arith.cmpi eq, %arg0, %eq3A : i32
    %convert_element_type3A = arith.extui %eq3A_400 : i1 to i32
    %cond3A = arith.constant 0 : i32
    %cond3A_401 = arith.cmpi ne, %convert_element_type3A, %cond3A : i32
    scf.if %cond3A_401 {
      %mul3A_402 = arith.constant 640 : i32
      %mul3A_403 = arith.muli %arg1, %mul3A_402 : i32
      %mul3A_404 = arith.constant 640 : i32
      %mul3A_405 = arith.muli %arg1, %mul3A_404 : i32
      "tpu.region"() ({
        %run_scoped3A = tpu.sem_alloc : memref<!tpu.dma_semaphore, #tpu.memory_space<semaphore_mem>>
        %dma_start3A_406 = arith.constant 0 : i32
        %dma_start3A_407 = tpu.memref_slice %arg8[%mul3A_405, %dma_start3A_406] : memref<10240x16xf32, #tpu.memory_space<hbm>> -> memref<640x16xf32, #tpu.memory_space<hbm>>
        %dma_start3A_408 = arith.constant 0 : i32
        %dma_start3A_409 = tpu.memref_slice %arg15[%mul3A_403, %dma_start3A_408] : memref<10240x16xf32, #tpu.memory_space<vmem_shared>> -> memref<640x16xf32, #tpu.memory_space<vmem_shared>>
        tpu.enqueue_dma source(%dma_start3A_409 : memref<640x16xf32, #tpu.memory_space<vmem_shared>>) target(%dma_start3A_407 : memref<640x16xf32, #tpu.memory_space<hbm>>) target_semaphore(%run_scoped3A : memref<!tpu.dma_semaphore, #tpu.memory_space<semaphore_mem>>)
        %dma_wait3A_410 = arith.constant 0 : i32
        %dma_wait3A_411 = tpu.memref_slice %arg8[%mul3A_405, %dma_wait3A_410] : memref<10240x16xf32, #tpu.memory_space<hbm>> -> memref<640x16xf32, #tpu.memory_space<hbm>>
        %dma_wait3A_412 = arith.constant 0 : i32
        %dma_wait3A_413 = tpu.memref_slice %arg15[%mul3A_403, %dma_wait3A_412] : memref<10240x16xf32, #tpu.memory_space<vmem_shared>> -> memref<640x16xf32, #tpu.memory_space<vmem_shared>>
        tpu.wait_dma2 semaphore(%run_scoped3A : memref<!tpu.dma_semaphore, #tpu.memory_space<semaphore_mem>>) src(%dma_wait3A_413 : memref<640x16xf32, #tpu.memory_space<vmem_shared>>) dst(%dma_wait3A_411 : memref<640x16xf32, #tpu.memory_space<hbm>>)
        tpu.yield
      }) : () -> ()
    } else {
    }
    return
  }
}

#map = affine_map<(d0, d1) -> (0, 0)>
#map1 = affine_map<(d0, d1) -> (0)>
module attributes {stable_mosaic.version = 14 : i64} {
  func.func @k(%arg0: i32, %arg1: i32, %arg2: memref<160000x16xf32, #tpu.memory_space<hbm>>, %arg3: memref<256x625xi32, #tpu.memory_space<hbm>>, %arg4: memref<256x625xi32, #tpu.memory_space<hbm>>, %arg5: memref<10240x16xf32, #tpu.memory_space<hbm>>, %arg6: memref<10240x16xf32, #tpu.memory_space<hbm>>, %arg7: memref<16xf32, #tpu.memory_space<hbm>>, %arg8: memref<16xf32, #tpu.memory_space<hbm>>, %arg9: memref<640x16xf32, #tpu.memory_space<hbm>>, %arg10: memref<160000x16xf32, #tpu.memory_space<hbm>>, %arg11: memref<16x625xi32, #tpu.memory_space<vmem>>, %arg12: memref<8x625xi32, #tpu.memory_space<vmem>>, %arg13: memref<1250x16xf32, #tpu.memory_space<vmem>>, %arg14: memref<640x16xf32, #tpu.memory_space<vmem>>, %arg15: memref<640x16xf32, #tpu.memory_space<vmem>>, %arg16: memref<640x16xf32, #tpu.memory_space<vmem>>, %arg17: memref<16xf32, #tpu.memory_space<vmem>>, %arg18: memref<16xf32, #tpu.memory_space<vmem>>, %arg19: memref<!tpu.dma_semaphore, #tpu.memory_space<semaphore_mem>>, %arg20: memref<!tpu.dma_semaphore, #tpu.memory_space<semaphore_mem>>, %arg21: memref<10240x16xf32, #tpu.memory_space<vmem_shared>>) attributes {dimension_semantics = [#tpu.dimension_semantics<core_parallel>, #tpu.dimension_semantics<subcore_parallel>], iteration_bounds = array<i64: 2, 16>, scalar_prefetch = 0 : i64, scratch_operands = 11 : i64, tpu.core_type = #tpu.core_type<sc_vector_subcore>, window_params = [{transform_indices = #map}, {transform_indices = #map}, {transform_indices = #map}, {transform_indices = #map}, {transform_indices = #map}, {transform_indices = #map1}, {transform_indices = #map1}, {transform_indices = #map}, {transform_indices = #map}]} {
    %mul3A = arith.constant 16 : i32
    %mul3A_0 = arith.muli %arg0, %mul3A : i32
    %add3A = arith.addi %mul3A_0, %arg1 : i32
    %mul3A_1 = arith.constant 5000 : i32
    %mul3A_2 = arith.muli %add3A, %mul3A_1 : i32
    %mul3A_3 = arith.constant 16 : i32
    %mul3A_4 = arith.muli %arg1, %mul3A_3 : i32
    "tpu.region"() ({
      %run_scoped3A = tpu.sem_alloc : memref<!tpu.dma_semaphore, #tpu.memory_space<semaphore_mem>>
      %dma_start3A_548 = arith.constant 0 : i32
      %dma_start3A_549 = tpu.memref_slice %arg3[%mul3A_4, %dma_start3A_548] : memref<256x625xi32, #tpu.memory_space<hbm>> -> memref<16x625xi32, #tpu.memory_space<hbm>>
      %dma_start3A_550 = arith.constant 0 : i32
      %dma_start3A_551 = tpu.memref_slice %arg3[%mul3A_4, %dma_start3A_550] : memref<256x625xi32, #tpu.memory_space<hbm>> -> memref<16x625xi32, #tpu.memory_space<hbm>>
      tpu.enqueue_dma source(%dma_start3A_551 : memref<16x625xi32, #tpu.memory_space<hbm>>) target(%arg11 : memref<16x625xi32, #tpu.memory_space<vmem>>) target_semaphore(%run_scoped3A : memref<!tpu.dma_semaphore, #tpu.memory_space<semaphore_mem>>)
      %dma_wait3A_552 = arith.constant 0 : i32
      %dma_wait3A_553 = tpu.memref_slice %arg3[%mul3A_4, %dma_wait3A_552] : memref<256x625xi32, #tpu.memory_space<hbm>> -> memref<16x625xi32, #tpu.memory_space<hbm>>
      %dma_wait3A_554 = arith.constant 0 : i32
      %dma_wait3A_555 = tpu.memref_slice %arg3[%mul3A_4, %dma_wait3A_554] : memref<256x625xi32, #tpu.memory_space<hbm>> -> memref<16x625xi32, #tpu.memory_space<hbm>>
      tpu.wait_dma2 semaphore(%run_scoped3A : memref<!tpu.dma_semaphore, #tpu.memory_space<semaphore_mem>>) src(%dma_wait3A_555 : memref<16x625xi32, #tpu.memory_space<hbm>>) dst(%arg11 : memref<16x625xi32, #tpu.memory_space<vmem>>)
      tpu.yield
    }) : () -> ()
    %mul3A_5 = arith.constant 8 : i32
    %mul3A_6 = arith.muli %add3A, %mul3A_5 : i32
    "tpu.region"() ({
      %run_scoped3A = tpu.sem_alloc : memref<!tpu.dma_semaphore, #tpu.memory_space<semaphore_mem>>
      %dma_start3A_548 = arith.constant 0 : i32
      %dma_start3A_549 = tpu.memref_slice %arg4[%mul3A_6, %dma_start3A_548] : memref<256x625xi32, #tpu.memory_space<hbm>> -> memref<8x625xi32, #tpu.memory_space<hbm>>
      %dma_start3A_550 = arith.constant 0 : i32
      %dma_start3A_551 = tpu.memref_slice %arg4[%mul3A_6, %dma_start3A_550] : memref<256x625xi32, #tpu.memory_space<hbm>> -> memref<8x625xi32, #tpu.memory_space<hbm>>
      tpu.enqueue_dma source(%dma_start3A_551 : memref<8x625xi32, #tpu.memory_space<hbm>>) target(%arg12 : memref<8x625xi32, #tpu.memory_space<vmem>>) target_semaphore(%run_scoped3A : memref<!tpu.dma_semaphore, #tpu.memory_space<semaphore_mem>>)
      %dma_wait3A_552 = arith.constant 0 : i32
      %dma_wait3A_553 = tpu.memref_slice %arg4[%mul3A_6, %dma_wait3A_552] : memref<256x625xi32, #tpu.memory_space<hbm>> -> memref<8x625xi32, #tpu.memory_space<hbm>>
      %dma_wait3A_554 = arith.constant 0 : i32
      %dma_wait3A_555 = tpu.memref_slice %arg4[%mul3A_6, %dma_wait3A_554] : memref<256x625xi32, #tpu.memory_space<hbm>> -> memref<8x625xi32, #tpu.memory_space<hbm>>
      tpu.wait_dma2 semaphore(%run_scoped3A : memref<!tpu.dma_semaphore, #tpu.memory_space<semaphore_mem>>) src(%dma_wait3A_555 : memref<8x625xi32, #tpu.memory_space<hbm>>) dst(%arg12 : memref<8x625xi32, #tpu.memory_space<vmem>>)
      tpu.yield
    }) : () -> ()
    %mul3A_7 = arith.constant 640 : i32
    %mul3A_8 = arith.muli %arg1, %mul3A_7 : i32
    "tpu.region"() ({
      %run_scoped3A = tpu.sem_alloc : memref<!tpu.dma_semaphore, #tpu.memory_space<semaphore_mem>>
      %dma_start3A_548 = arith.constant 0 : i32
      %dma_start3A_549 = tpu.memref_slice %arg5[%mul3A_8, %dma_start3A_548] : memref<10240x16xf32, #tpu.memory_space<hbm>> -> memref<640x16xf32, #tpu.memory_space<hbm>>
      %dma_start3A_550 = arith.constant 0 : i32
      %dma_start3A_551 = tpu.memref_slice %arg5[%mul3A_8, %dma_start3A_550] : memref<10240x16xf32, #tpu.memory_space<hbm>> -> memref<640x16xf32, #tpu.memory_space<hbm>>
      tpu.enqueue_dma source(%dma_start3A_551 : memref<640x16xf32, #tpu.memory_space<hbm>>) target(%arg14 : memref<640x16xf32, #tpu.memory_space<vmem>>) target_semaphore(%run_scoped3A : memref<!tpu.dma_semaphore, #tpu.memory_space<semaphore_mem>>)
      %dma_wait3A_552 = arith.constant 0 : i32
      %dma_wait3A_553 = tpu.memref_slice %arg5[%mul3A_8, %dma_wait3A_552] : memref<10240x16xf32, #tpu.memory_space<hbm>> -> memref<640x16xf32, #tpu.memory_space<hbm>>
      %dma_wait3A_554 = arith.constant 0 : i32
      %dma_wait3A_555 = tpu.memref_slice %arg5[%mul3A_8, %dma_wait3A_554] : memref<10240x16xf32, #tpu.memory_space<hbm>> -> memref<640x16xf32, #tpu.memory_space<hbm>>
      tpu.wait_dma2 semaphore(%run_scoped3A : memref<!tpu.dma_semaphore, #tpu.memory_space<semaphore_mem>>) src(%dma_wait3A_555 : memref<640x16xf32, #tpu.memory_space<hbm>>) dst(%arg14 : memref<640x16xf32, #tpu.memory_space<vmem>>)
      tpu.yield
    }) : () -> ()
    %mul3A_9 = arith.constant 640 : i32
    %mul3A_10 = arith.muli %arg1, %mul3A_9 : i32
    "tpu.region"() ({
      %run_scoped3A = tpu.sem_alloc : memref<!tpu.dma_semaphore, #tpu.memory_space<semaphore_mem>>
      %dma_start3A_548 = arith.constant 0 : i32
      %dma_start3A_549 = tpu.memref_slice %arg6[%mul3A_10, %dma_start3A_548] : memref<10240x16xf32, #tpu.memory_space<hbm>> -> memref<640x16xf32, #tpu.memory_space<hbm>>
      %dma_start3A_550 = arith.constant 0 : i32
      %dma_start3A_551 = tpu.memref_slice %arg6[%mul3A_10, %dma_start3A_550] : memref<10240x16xf32, #tpu.memory_space<hbm>> -> memref<640x16xf32, #tpu.memory_space<hbm>>
      tpu.enqueue_dma source(%dma_start3A_551 : memref<640x16xf32, #tpu.memory_space<hbm>>) target(%arg15 : memref<640x16xf32, #tpu.memory_space<vmem>>) target_semaphore(%run_scoped3A : memref<!tpu.dma_semaphore, #tpu.memory_space<semaphore_mem>>)
      %dma_wait3A_552 = arith.constant 0 : i32
      %dma_wait3A_553 = tpu.memref_slice %arg6[%mul3A_10, %dma_wait3A_552] : memref<10240x16xf32, #tpu.memory_space<hbm>> -> memref<640x16xf32, #tpu.memory_space<hbm>>
      %dma_wait3A_554 = arith.constant 0 : i32
      %dma_wait3A_555 = tpu.memref_slice %arg6[%mul3A_10, %dma_wait3A_554] : memref<10240x16xf32, #tpu.memory_space<hbm>> -> memref<640x16xf32, #tpu.memory_space<hbm>>
      tpu.wait_dma2 semaphore(%run_scoped3A : memref<!tpu.dma_semaphore, #tpu.memory_space<semaphore_mem>>) src(%dma_wait3A_555 : memref<640x16xf32, #tpu.memory_space<hbm>>) dst(%arg15 : memref<640x16xf32, #tpu.memory_space<vmem>>)
      tpu.yield
    }) : () -> ()
    "tpu.region"() ({
      %run_scoped3A = tpu.sem_alloc : memref<!tpu.dma_semaphore, #tpu.memory_space<semaphore_mem>>
      tpu.enqueue_dma source(%arg7 : memref<16xf32, #tpu.memory_space<hbm>>) target(%arg17 : memref<16xf32, #tpu.memory_space<vmem>>) target_semaphore(%run_scoped3A : memref<!tpu.dma_semaphore, #tpu.memory_space<semaphore_mem>>)
      tpu.wait_dma2 semaphore(%run_scoped3A : memref<!tpu.dma_semaphore, #tpu.memory_space<semaphore_mem>>) src(%arg7 : memref<16xf32, #tpu.memory_space<hbm>>) dst(%arg17 : memref<16xf32, #tpu.memory_space<vmem>>)
      tpu.yield
    }) : () -> ()
    "tpu.region"() ({
      %run_scoped3A = tpu.sem_alloc : memref<!tpu.dma_semaphore, #tpu.memory_space<semaphore_mem>>
      tpu.enqueue_dma source(%arg8 : memref<16xf32, #tpu.memory_space<hbm>>) target(%arg18 : memref<16xf32, #tpu.memory_space<vmem>>) target_semaphore(%run_scoped3A : memref<!tpu.dma_semaphore, #tpu.memory_space<semaphore_mem>>)
      tpu.wait_dma2 semaphore(%run_scoped3A : memref<!tpu.dma_semaphore, #tpu.memory_space<semaphore_mem>>) src(%arg8 : memref<16xf32, #tpu.memory_space<hbm>>) dst(%arg18 : memref<16xf32, #tpu.memory_space<vmem>>)
      tpu.yield
    }) : () -> ()
    %mul3A_11 = arith.constant 640 : i32
    %mul3A_12 = arith.muli %arg1, %mul3A_11 : i32
    "tpu.region"() ({
      %run_scoped3A = tpu.sem_alloc : memref<!tpu.dma_semaphore, #tpu.memory_space<semaphore_mem>>
      %dma_start3A_548 = arith.constant 0 : i32
      %dma_start3A_549 = tpu.memref_slice %arg21[%mul3A_12, %dma_start3A_548] : memref<10240x16xf32, #tpu.memory_space<vmem_shared>> -> memref<640x16xf32, #tpu.memory_space<vmem_shared>>
      tpu.enqueue_dma source(%arg9 : memref<640x16xf32, #tpu.memory_space<hbm>>) target(%dma_start3A_549 : memref<640x16xf32, #tpu.memory_space<vmem_shared>>) target_semaphore(%run_scoped3A : memref<!tpu.dma_semaphore, #tpu.memory_space<semaphore_mem>>)
      %dma_wait3A_550 = arith.constant 0 : i32
      %dma_wait3A_551 = tpu.memref_slice %arg21[%mul3A_12, %dma_wait3A_550] : memref<10240x16xf32, #tpu.memory_space<vmem_shared>> -> memref<640x16xf32, #tpu.memory_space<vmem_shared>>
      tpu.wait_dma2 semaphore(%run_scoped3A : memref<!tpu.dma_semaphore, #tpu.memory_space<semaphore_mem>>) src(%arg9 : memref<640x16xf32, #tpu.memory_space<hbm>>) dst(%dma_wait3A_551 : memref<640x16xf32, #tpu.memory_space<vmem_shared>>)
      tpu.yield
    }) : () -> ()
    %barrier3A = arith.constant 0 : index
    tpu.barrier barrier_id(%barrier3A)
    %mul3A_13 = arith.constant 10000 : i32
    %mul3A_14 = arith.muli %arg1, %mul3A_13 : i32
    %add3A_15 = arith.constant 0 : i32
    %add3A_16 = arith.addi %mul3A_14, %add3A_15 : i32
    "tpu.region"() ({
      %run_scoped3A = tpu.sem_alloc : memref<!tpu.dma_semaphore, #tpu.memory_space<semaphore_mem>>
      %dma_start3A_548 = arith.constant 0 : i32
      %dma_start3A_549 = tpu.memref_slice %arg2[%add3A_16, %dma_start3A_548] : memref<160000x16xf32, #tpu.memory_space<hbm>> -> memref<1250x16xf32, #tpu.memory_space<hbm>>
      %dma_start3A_550 = arith.constant 0 : i32
      %dma_start3A_551 = tpu.memref_slice %arg2[%add3A_16, %dma_start3A_550] : memref<160000x16xf32, #tpu.memory_space<hbm>> -> memref<1250x16xf32, #tpu.memory_space<hbm>>
      tpu.enqueue_dma source(%dma_start3A_551 : memref<1250x16xf32, #tpu.memory_space<hbm>>) target(%arg13 : memref<1250x16xf32, #tpu.memory_space<vmem>>) target_semaphore(%run_scoped3A : memref<!tpu.dma_semaphore, #tpu.memory_space<semaphore_mem>>)
      %dma_wait3A_552 = arith.constant 0 : i32
      %dma_wait3A_553 = tpu.memref_slice %arg2[%add3A_16, %dma_wait3A_552] : memref<160000x16xf32, #tpu.memory_space<hbm>> -> memref<1250x16xf32, #tpu.memory_space<hbm>>
      %dma_wait3A_554 = arith.constant 0 : i32
      %dma_wait3A_555 = tpu.memref_slice %arg2[%add3A_16, %dma_wait3A_554] : memref<160000x16xf32, #tpu.memory_space<hbm>> -> memref<1250x16xf32, #tpu.memory_space<hbm>>
      tpu.wait_dma2 semaphore(%run_scoped3A : memref<!tpu.dma_semaphore, #tpu.memory_space<semaphore_mem>>) src(%dma_wait3A_555 : memref<1250x16xf32, #tpu.memory_space<hbm>>) dst(%arg13 : memref<1250x16xf32, #tpu.memory_space<vmem>>)
      tpu.yield
    }) : () -> ()
    %dma_start3A = arith.constant 0 : i32
    %dma_start3A_17 = arith.constant 0 : i32
    %dma_start3A_18 = arith.constant 0 : i32
    %dma_start3A_19 = tpu.memref_slice %arg13[%dma_start3A_17, %dma_start3A_18] : memref<1250x16xf32, #tpu.memory_space<vmem>> -> memref<625x16xf32, #tpu.memory_space<vmem>>
    %dma_start3A_20 = arith.constant 0 : i32
    %dma_start3A_21 = tpu.memref_slice %arg11[%dma_start3A, %dma_start3A_20] : memref<16x625xi32, #tpu.memory_space<vmem>> -> memref<1x625xi32, #tpu.memory_space<vmem>>
    %dma_start3A_22 = tpu.memref_squeeze %dma_start3A_21 : memref<1x625xi32, #tpu.memory_space<vmem>> -> memref<625xi32, #tpu.memory_space<vmem>>
    %dma_start3A_23 = arith.constant 0 : i32
    %dma_start3A_24 = arith.constant 0 : i32
    %dma_start3A_25 = tpu.memref_slice %arg21[%dma_start3A_23, %dma_start3A_24] : memref<10240x16xf32, #tpu.memory_space<vmem_shared>> -> memref<10240x16xf32, #tpu.memory_space<vmem_shared>>
    tpu.enqueue_indirect_dma source(%dma_start3A_19 : memref<625x16xf32, #tpu.memory_space<vmem>>) target(%dma_start3A_25 : memref<10240x16xf32, #tpu.memory_space<vmem_shared>>) offsets(%dma_start3A_22 : memref<625xi32, #tpu.memory_space<vmem>>) semaphore(%arg19 : memref<!tpu.dma_semaphore, #tpu.memory_space<semaphore_mem>>) {add = true}
    %dma_start3A_26 = arith.constant 1 : i32
    %dma_start3A_27 = arith.constant 625 : i32
    %dma_start3A_28 = arith.constant 0 : i32
    %dma_start3A_29 = tpu.memref_slice %arg13[%dma_start3A_27, %dma_start3A_28] : memref<1250x16xf32, #tpu.memory_space<vmem>> -> memref<625x16xf32, #tpu.memory_space<vmem>>
    %dma_start3A_30 = arith.constant 0 : i32
    %dma_start3A_31 = tpu.memref_slice %arg11[%dma_start3A_26, %dma_start3A_30] : memref<16x625xi32, #tpu.memory_space<vmem>> -> memref<1x625xi32, #tpu.memory_space<vmem>>
    %dma_start3A_32 = tpu.memref_squeeze %dma_start3A_31 : memref<1x625xi32, #tpu.memory_space<vmem>> -> memref<625xi32, #tpu.memory_space<vmem>>
    %dma_start3A_33 = arith.constant 0 : i32
    %dma_start3A_34 = arith.constant 0 : i32
    %dma_start3A_35 = tpu.memref_slice %arg21[%dma_start3A_33, %dma_start3A_34] : memref<10240x16xf32, #tpu.memory_space<vmem_shared>> -> memref<10240x16xf32, #tpu.memory_space<vmem_shared>>
    tpu.enqueue_indirect_dma source(%dma_start3A_29 : memref<625x16xf32, #tpu.memory_space<vmem>>) target(%dma_start3A_35 : memref<10240x16xf32, #tpu.memory_space<vmem_shared>>) offsets(%dma_start3A_32 : memref<625xi32, #tpu.memory_space<vmem>>) semaphore(%arg19 : memref<!tpu.dma_semaphore, #tpu.memory_space<semaphore_mem>>) {add = true}
    %dma_wait3A = arith.constant 0 : i32
    %dma_wait3A_36 = arith.constant 0 : i32
    %dma_wait3A_37 = arith.constant 0 : i32
    %dma_wait3A_38 = tpu.memref_slice %arg13[%dma_wait3A_36, %dma_wait3A_37] : memref<1250x16xf32, #tpu.memory_space<vmem>> -> memref<625x16xf32, #tpu.memory_space<vmem>>
    %dma_wait3A_39 = arith.constant 0 : i32
    %dma_wait3A_40 = tpu.memref_slice %arg11[%dma_wait3A, %dma_wait3A_39] : memref<16x625xi32, #tpu.memory_space<vmem>> -> memref<1x625xi32, #tpu.memory_space<vmem>>
    %dma_wait3A_41 = tpu.memref_squeeze %dma_wait3A_40 : memref<1x625xi32, #tpu.memory_space<vmem>> -> memref<625xi32, #tpu.memory_space<vmem>>
    %dma_wait3A_42 = arith.constant 0 : i32
    %dma_wait3A_43 = arith.constant 0 : i32
    %dma_wait3A_44 = tpu.memref_slice %arg21[%dma_wait3A_42, %dma_wait3A_43] : memref<10240x16xf32, #tpu.memory_space<vmem_shared>> -> memref<10240x16xf32, #tpu.memory_space<vmem_shared>>
    tpu.wait_indirect_dma semaphore(%arg19 : memref<!tpu.dma_semaphore, #tpu.memory_space<semaphore_mem>>) src(%dma_wait3A_38 : memref<625x16xf32, #tpu.memory_space<vmem>>) dst(%dma_wait3A_44 : memref<10240x16xf32, #tpu.memory_space<vmem_shared>>)
    %dma_wait3A_45 = arith.constant 1 : i32
    %dma_wait3A_46 = arith.constant 625 : i32
    %dma_wait3A_47 = arith.constant 0 : i32
    %dma_wait3A_48 = tpu.memref_slice %arg13[%dma_wait3A_46, %dma_wait3A_47] : memref<1250x16xf32, #tpu.memory_space<vmem>> -> memref<625x16xf32, #tpu.memory_space<vmem>>
    %dma_wait3A_49 = arith.constant 0 : i32
    %dma_wait3A_50 = tpu.memref_slice %arg11[%dma_wait3A_45, %dma_wait3A_49] : memref<16x625xi32, #tpu.memory_space<vmem>> -> memref<1x625xi32, #tpu.memory_space<vmem>>
    %dma_wait3A_51 = tpu.memref_squeeze %dma_wait3A_50 : memref<1x625xi32, #tpu.memory_space<vmem>> -> memref<625xi32, #tpu.memory_space<vmem>>
    %dma_wait3A_52 = arith.constant 0 : i32
    %dma_wait3A_53 = arith.constant 0 : i32
    %dma_wait3A_54 = tpu.memref_slice %arg21[%dma_wait3A_52, %dma_wait3A_53] : memref<10240x16xf32, #tpu.memory_space<vmem_shared>> -> memref<10240x16xf32, #tpu.memory_space<vmem_shared>>
    tpu.wait_indirect_dma semaphore(%arg19 : memref<!tpu.dma_semaphore, #tpu.memory_space<semaphore_mem>>) src(%dma_wait3A_48 : memref<625x16xf32, #tpu.memory_space<vmem>>) dst(%dma_wait3A_54 : memref<10240x16xf32, #tpu.memory_space<vmem_shared>>)
    %mul3A_55 = arith.constant 10000 : i32
    %mul3A_56 = arith.muli %arg1, %mul3A_55 : i32
    %add3A_57 = arith.constant 1250 : i32
    %add3A_58 = arith.addi %mul3A_56, %add3A_57 : i32
    "tpu.region"() ({
      %run_scoped3A = tpu.sem_alloc : memref<!tpu.dma_semaphore, #tpu.memory_space<semaphore_mem>>
      %dma_start3A_548 = arith.constant 0 : i32
      %dma_start3A_549 = tpu.memref_slice %arg2[%add3A_58, %dma_start3A_548] : memref<160000x16xf32, #tpu.memory_space<hbm>> -> memref<1250x16xf32, #tpu.memory_space<hbm>>
      %dma_start3A_550 = arith.constant 0 : i32
      %dma_start3A_551 = tpu.memref_slice %arg2[%add3A_58, %dma_start3A_550] : memref<160000x16xf32, #tpu.memory_space<hbm>> -> memref<1250x16xf32, #tpu.memory_space<hbm>>
      tpu.enqueue_dma source(%dma_start3A_551 : memref<1250x16xf32, #tpu.memory_space<hbm>>) target(%arg13 : memref<1250x16xf32, #tpu.memory_space<vmem>>) target_semaphore(%run_scoped3A : memref<!tpu.dma_semaphore, #tpu.memory_space<semaphore_mem>>)
      %dma_wait3A_552 = arith.constant 0 : i32
      %dma_wait3A_553 = tpu.memref_slice %arg2[%add3A_58, %dma_wait3A_552] : memref<160000x16xf32, #tpu.memory_space<hbm>> -> memref<1250x16xf32, #tpu.memory_space<hbm>>
      %dma_wait3A_554 = arith.constant 0 : i32
      %dma_wait3A_555 = tpu.memref_slice %arg2[%add3A_58, %dma_wait3A_554] : memref<160000x16xf32, #tpu.memory_space<hbm>> -> memref<1250x16xf32, #tpu.memory_space<hbm>>
      tpu.wait_dma2 semaphore(%run_scoped3A : memref<!tpu.dma_semaphore, #tpu.memory_space<semaphore_mem>>) src(%dma_wait3A_555 : memref<1250x16xf32, #tpu.memory_space<hbm>>) dst(%arg13 : memref<1250x16xf32, #tpu.memory_space<vmem>>)
      tpu.yield
    }) : () -> ()
    %dma_start3A_59 = arith.constant 2 : i32
    %dma_start3A_60 = arith.constant 0 : i32
    %dma_start3A_61 = arith.constant 0 : i32
    %dma_start3A_62 = tpu.memref_slice %arg13[%dma_start3A_60, %dma_start3A_61] : memref<1250x16xf32, #tpu.memory_space<vmem>> -> memref<625x16xf32, #tpu.memory_space<vmem>>
    %dma_start3A_63 = arith.constant 0 : i32
    %dma_start3A_64 = tpu.memref_slice %arg11[%dma_start3A_59, %dma_start3A_63] : memref<16x625xi32, #tpu.memory_space<vmem>> -> memref<1x625xi32, #tpu.memory_space<vmem>>
    %dma_start3A_65 = tpu.memref_squeeze %dma_start3A_64 : memref<1x625xi32, #tpu.memory_space<vmem>> -> memref<625xi32, #tpu.memory_space<vmem>>
    %dma_start3A_66 = arith.constant 0 : i32
    %dma_start3A_67 = arith.constant 0 : i32
    %dma_start3A_68 = tpu.memref_slice %arg21[%dma_start3A_66, %dma_start3A_67] : memref<10240x16xf32, #tpu.memory_space<vmem_shared>> -> memref<10240x16xf32, #tpu.memory_space<vmem_shared>>
    tpu.enqueue_indirect_dma source(%dma_start3A_62 : memref<625x16xf32, #tpu.memory_space<vmem>>) target(%dma_start3A_68 : memref<10240x16xf32, #tpu.memory_space<vmem_shared>>) offsets(%dma_start3A_65 : memref<625xi32, #tpu.memory_space<vmem>>) semaphore(%arg19 : memref<!tpu.dma_semaphore, #tpu.memory_space<semaphore_mem>>) {add = true}
    %dma_start3A_69 = arith.constant 3 : i32
    %dma_start3A_70 = arith.constant 625 : i32
    %dma_start3A_71 = arith.constant 0 : i32
    %dma_start3A_72 = tpu.memref_slice %arg13[%dma_start3A_70, %dma_start3A_71] : memref<1250x16xf32, #tpu.memory_space<vmem>> -> memref<625x16xf32, #tpu.memory_space<vmem>>
    %dma_start3A_73 = arith.constant 0 : i32
    %dma_start3A_74 = tpu.memref_slice %arg11[%dma_start3A_69, %dma_start3A_73] : memref<16x625xi32, #tpu.memory_space<vmem>> -> memref<1x625xi32, #tpu.memory_space<vmem>>
    %dma_start3A_75 = tpu.memref_squeeze %dma_start3A_74 : memref<1x625xi32, #tpu.memory_space<vmem>> -> memref<625xi32, #tpu.memory_space<vmem>>
    %dma_start3A_76 = arith.constant 0 : i32
    %dma_start3A_77 = arith.constant 0 : i32
    %dma_start3A_78 = tpu.memref_slice %arg21[%dma_start3A_76, %dma_start3A_77] : memref<10240x16xf32, #tpu.memory_space<vmem_shared>> -> memref<10240x16xf32, #tpu.memory_space<vmem_shared>>
    tpu.enqueue_indirect_dma source(%dma_start3A_72 : memref<625x16xf32, #tpu.memory_space<vmem>>) target(%dma_start3A_78 : memref<10240x16xf32, #tpu.memory_space<vmem_shared>>) offsets(%dma_start3A_75 : memref<625xi32, #tpu.memory_space<vmem>>) semaphore(%arg19 : memref<!tpu.dma_semaphore, #tpu.memory_space<semaphore_mem>>) {add = true}
    %dma_wait3A_79 = arith.constant 2 : i32
    %dma_wait3A_80 = arith.constant 0 : i32
    %dma_wait3A_81 = arith.constant 0 : i32
    %dma_wait3A_82 = tpu.memref_slice %arg13[%dma_wait3A_80, %dma_wait3A_81] : memref<1250x16xf32, #tpu.memory_space<vmem>> -> memref<625x16xf32, #tpu.memory_space<vmem>>
    %dma_wait3A_83 = arith.constant 0 : i32
    %dma_wait3A_84 = tpu.memref_slice %arg11[%dma_wait3A_79, %dma_wait3A_83] : memref<16x625xi32, #tpu.memory_space<vmem>> -> memref<1x625xi32, #tpu.memory_space<vmem>>
    %dma_wait3A_85 = tpu.memref_squeeze %dma_wait3A_84 : memref<1x625xi32, #tpu.memory_space<vmem>> -> memref<625xi32, #tpu.memory_space<vmem>>
    %dma_wait3A_86 = arith.constant 0 : i32
    %dma_wait3A_87 = arith.constant 0 : i32
    %dma_wait3A_88 = tpu.memref_slice %arg21[%dma_wait3A_86, %dma_wait3A_87] : memref<10240x16xf32, #tpu.memory_space<vmem_shared>> -> memref<10240x16xf32, #tpu.memory_space<vmem_shared>>
    tpu.wait_indirect_dma semaphore(%arg19 : memref<!tpu.dma_semaphore, #tpu.memory_space<semaphore_mem>>) src(%dma_wait3A_82 : memref<625x16xf32, #tpu.memory_space<vmem>>) dst(%dma_wait3A_88 : memref<10240x16xf32, #tpu.memory_space<vmem_shared>>)
    %dma_wait3A_89 = arith.constant 3 : i32
    %dma_wait3A_90 = arith.constant 625 : i32
    %dma_wait3A_91 = arith.constant 0 : i32
    %dma_wait3A_92 = tpu.memref_slice %arg13[%dma_wait3A_90, %dma_wait3A_91] : memref<1250x16xf32, #tpu.memory_space<vmem>> -> memref<625x16xf32, #tpu.memory_space<vmem>>
    %dma_wait3A_93 = arith.constant 0 : i32
    %dma_wait3A_94 = tpu.memref_slice %arg11[%dma_wait3A_89, %dma_wait3A_93] : memref<16x625xi32, #tpu.memory_space<vmem>> -> memref<1x625xi32, #tpu.memory_space<vmem>>
    %dma_wait3A_95 = tpu.memref_squeeze %dma_wait3A_94 : memref<1x625xi32, #tpu.memory_space<vmem>> -> memref<625xi32, #tpu.memory_space<vmem>>
    %dma_wait3A_96 = arith.constant 0 : i32
    %dma_wait3A_97 = arith.constant 0 : i32
    %dma_wait3A_98 = tpu.memref_slice %arg21[%dma_wait3A_96, %dma_wait3A_97] : memref<10240x16xf32, #tpu.memory_space<vmem_shared>> -> memref<10240x16xf32, #tpu.memory_space<vmem_shared>>
    tpu.wait_indirect_dma semaphore(%arg19 : memref<!tpu.dma_semaphore, #tpu.memory_space<semaphore_mem>>) src(%dma_wait3A_92 : memref<625x16xf32, #tpu.memory_space<vmem>>) dst(%dma_wait3A_98 : memref<10240x16xf32, #tpu.memory_space<vmem_shared>>)
    %mul3A_99 = arith.constant 10000 : i32
    %mul3A_100 = arith.muli %arg1, %mul3A_99 : i32
    %add3A_101 = arith.constant 2500 : i32
    %add3A_102 = arith.addi %mul3A_100, %add3A_101 : i32
    "tpu.region"() ({
      %run_scoped3A = tpu.sem_alloc : memref<!tpu.dma_semaphore, #tpu.memory_space<semaphore_mem>>
      %dma_start3A_548 = arith.constant 0 : i32
      %dma_start3A_549 = tpu.memref_slice %arg2[%add3A_102, %dma_start3A_548] : memref<160000x16xf32, #tpu.memory_space<hbm>> -> memref<1250x16xf32, #tpu.memory_space<hbm>>
      %dma_start3A_550 = arith.constant 0 : i32
      %dma_start3A_551 = tpu.memref_slice %arg2[%add3A_102, %dma_start3A_550] : memref<160000x16xf32, #tpu.memory_space<hbm>> -> memref<1250x16xf32, #tpu.memory_space<hbm>>
      tpu.enqueue_dma source(%dma_start3A_551 : memref<1250x16xf32, #tpu.memory_space<hbm>>) target(%arg13 : memref<1250x16xf32, #tpu.memory_space<vmem>>) target_semaphore(%run_scoped3A : memref<!tpu.dma_semaphore, #tpu.memory_space<semaphore_mem>>)
      %dma_wait3A_552 = arith.constant 0 : i32
      %dma_wait3A_553 = tpu.memref_slice %arg2[%add3A_102, %dma_wait3A_552] : memref<160000x16xf32, #tpu.memory_space<hbm>> -> memref<1250x16xf32, #tpu.memory_space<hbm>>
      %dma_wait3A_554 = arith.constant 0 : i32
      %dma_wait3A_555 = tpu.memref_slice %arg2[%add3A_102, %dma_wait3A_554] : memref<160000x16xf32, #tpu.memory_space<hbm>> -> memref<1250x16xf32, #tpu.memory_space<hbm>>
      tpu.wait_dma2 semaphore(%run_scoped3A : memref<!tpu.dma_semaphore, #tpu.memory_space<semaphore_mem>>) src(%dma_wait3A_555 : memref<1250x16xf32, #tpu.memory_space<hbm>>) dst(%arg13 : memref<1250x16xf32, #tpu.memory_space<vmem>>)
      tpu.yield
    }) : () -> ()
    %dma_start3A_103 = arith.constant 4 : i32
    %dma_start3A_104 = arith.constant 0 : i32
    %dma_start3A_105 = arith.constant 0 : i32
    %dma_start3A_106 = tpu.memref_slice %arg13[%dma_start3A_104, %dma_start3A_105] : memref<1250x16xf32, #tpu.memory_space<vmem>> -> memref<625x16xf32, #tpu.memory_space<vmem>>
    %dma_start3A_107 = arith.constant 0 : i32
    %dma_start3A_108 = tpu.memref_slice %arg11[%dma_start3A_103, %dma_start3A_107] : memref<16x625xi32, #tpu.memory_space<vmem>> -> memref<1x625xi32, #tpu.memory_space<vmem>>
    %dma_start3A_109 = tpu.memref_squeeze %dma_start3A_108 : memref<1x625xi32, #tpu.memory_space<vmem>> -> memref<625xi32, #tpu.memory_space<vmem>>
    %dma_start3A_110 = arith.constant 0 : i32
    %dma_start3A_111 = arith.constant 0 : i32
    %dma_start3A_112 = tpu.memref_slice %arg21[%dma_start3A_110, %dma_start3A_111] : memref<10240x16xf32, #tpu.memory_space<vmem_shared>> -> memref<10240x16xf32, #tpu.memory_space<vmem_shared>>
    tpu.enqueue_indirect_dma source(%dma_start3A_106 : memref<625x16xf32, #tpu.memory_space<vmem>>) target(%dma_start3A_112 : memref<10240x16xf32, #tpu.memory_space<vmem_shared>>) offsets(%dma_start3A_109 : memref<625xi32, #tpu.memory_space<vmem>>) semaphore(%arg19 : memref<!tpu.dma_semaphore, #tpu.memory_space<semaphore_mem>>) {add = true}
    %dma_start3A_113 = arith.constant 5 : i32
    %dma_start3A_114 = arith.constant 625 : i32
    %dma_start3A_115 = arith.constant 0 : i32
    %dma_start3A_116 = tpu.memref_slice %arg13[%dma_start3A_114, %dma_start3A_115] : memref<1250x16xf32, #tpu.memory_space<vmem>> -> memref<625x16xf32, #tpu.memory_space<vmem>>
    %dma_start3A_117 = arith.constant 0 : i32
    %dma_start3A_118 = tpu.memref_slice %arg11[%dma_start3A_113, %dma_start3A_117] : memref<16x625xi32, #tpu.memory_space<vmem>> -> memref<1x625xi32, #tpu.memory_space<vmem>>
    %dma_start3A_119 = tpu.memref_squeeze %dma_start3A_118 : memref<1x625xi32, #tpu.memory_space<vmem>> -> memref<625xi32, #tpu.memory_space<vmem>>
    %dma_start3A_120 = arith.constant 0 : i32
    %dma_start3A_121 = arith.constant 0 : i32
    %dma_start3A_122 = tpu.memref_slice %arg21[%dma_start3A_120, %dma_start3A_121] : memref<10240x16xf32, #tpu.memory_space<vmem_shared>> -> memref<10240x16xf32, #tpu.memory_space<vmem_shared>>
    tpu.enqueue_indirect_dma source(%dma_start3A_116 : memref<625x16xf32, #tpu.memory_space<vmem>>) target(%dma_start3A_122 : memref<10240x16xf32, #tpu.memory_space<vmem_shared>>) offsets(%dma_start3A_119 : memref<625xi32, #tpu.memory_space<vmem>>) semaphore(%arg19 : memref<!tpu.dma_semaphore, #tpu.memory_space<semaphore_mem>>) {add = true}
    %dma_wait3A_123 = arith.constant 4 : i32
    %dma_wait3A_124 = arith.constant 0 : i32
    %dma_wait3A_125 = arith.constant 0 : i32
    %dma_wait3A_126 = tpu.memref_slice %arg13[%dma_wait3A_124, %dma_wait3A_125] : memref<1250x16xf32, #tpu.memory_space<vmem>> -> memref<625x16xf32, #tpu.memory_space<vmem>>
    %dma_wait3A_127 = arith.constant 0 : i32
    %dma_wait3A_128 = tpu.memref_slice %arg11[%dma_wait3A_123, %dma_wait3A_127] : memref<16x625xi32, #tpu.memory_space<vmem>> -> memref<1x625xi32, #tpu.memory_space<vmem>>
    %dma_wait3A_129 = tpu.memref_squeeze %dma_wait3A_128 : memref<1x625xi32, #tpu.memory_space<vmem>> -> memref<625xi32, #tpu.memory_space<vmem>>
    %dma_wait3A_130 = arith.constant 0 : i32
    %dma_wait3A_131 = arith.constant 0 : i32
    %dma_wait3A_132 = tpu.memref_slice %arg21[%dma_wait3A_130, %dma_wait3A_131] : memref<10240x16xf32, #tpu.memory_space<vmem_shared>> -> memref<10240x16xf32, #tpu.memory_space<vmem_shared>>
    tpu.wait_indirect_dma semaphore(%arg19 : memref<!tpu.dma_semaphore, #tpu.memory_space<semaphore_mem>>) src(%dma_wait3A_126 : memref<625x16xf32, #tpu.memory_space<vmem>>) dst(%dma_wait3A_132 : memref<10240x16xf32, #tpu.memory_space<vmem_shared>>)
    %dma_wait3A_133 = arith.constant 5 : i32
    %dma_wait3A_134 = arith.constant 625 : i32
    %dma_wait3A_135 = arith.constant 0 : i32
    %dma_wait3A_136 = tpu.memref_slice %arg13[%dma_wait3A_134, %dma_wait3A_135] : memref<1250x16xf32, #tpu.memory_space<vmem>> -> memref<625x16xf32, #tpu.memory_space<vmem>>
    %dma_wait3A_137 = arith.constant 0 : i32
    %dma_wait3A_138 = tpu.memref_slice %arg11[%dma_wait3A_133, %dma_wait3A_137] : memref<16x625xi32, #tpu.memory_space<vmem>> -> memref<1x625xi32, #tpu.memory_space<vmem>>
    %dma_wait3A_139 = tpu.memref_squeeze %dma_wait3A_138 : memref<1x625xi32, #tpu.memory_space<vmem>> -> memref<625xi32, #tpu.memory_space<vmem>>
    %dma_wait3A_140 = arith.constant 0 : i32
    %dma_wait3A_141 = arith.constant 0 : i32
    %dma_wait3A_142 = tpu.memref_slice %arg21[%dma_wait3A_140, %dma_wait3A_141] : memref<10240x16xf32, #tpu.memory_space<vmem_shared>> -> memref<10240x16xf32, #tpu.memory_space<vmem_shared>>
    tpu.wait_indirect_dma semaphore(%arg19 : memref<!tpu.dma_semaphore, #tpu.memory_space<semaphore_mem>>) src(%dma_wait3A_136 : memref<625x16xf32, #tpu.memory_space<vmem>>) dst(%dma_wait3A_142 : memref<10240x16xf32, #tpu.memory_space<vmem_shared>>)
    %mul3A_143 = arith.constant 10000 : i32
    %mul3A_144 = arith.muli %arg1, %mul3A_143 : i32
    %add3A_145 = arith.constant 3750 : i32
    %add3A_146 = arith.addi %mul3A_144, %add3A_145 : i32
    "tpu.region"() ({
      %run_scoped3A = tpu.sem_alloc : memref<!tpu.dma_semaphore, #tpu.memory_space<semaphore_mem>>
      %dma_start3A_548 = arith.constant 0 : i32
      %dma_start3A_549 = tpu.memref_slice %arg2[%add3A_146, %dma_start3A_548] : memref<160000x16xf32, #tpu.memory_space<hbm>> -> memref<1250x16xf32, #tpu.memory_space<hbm>>
      %dma_start3A_550 = arith.constant 0 : i32
      %dma_start3A_551 = tpu.memref_slice %arg2[%add3A_146, %dma_start3A_550] : memref<160000x16xf32, #tpu.memory_space<hbm>> -> memref<1250x16xf32, #tpu.memory_space<hbm>>
      tpu.enqueue_dma source(%dma_start3A_551 : memref<1250x16xf32, #tpu.memory_space<hbm>>) target(%arg13 : memref<1250x16xf32, #tpu.memory_space<vmem>>) target_semaphore(%run_scoped3A : memref<!tpu.dma_semaphore, #tpu.memory_space<semaphore_mem>>)
      %dma_wait3A_552 = arith.constant 0 : i32
      %dma_wait3A_553 = tpu.memref_slice %arg2[%add3A_146, %dma_wait3A_552] : memref<160000x16xf32, #tpu.memory_space<hbm>> -> memref<1250x16xf32, #tpu.memory_space<hbm>>
      %dma_wait3A_554 = arith.constant 0 : i32
      %dma_wait3A_555 = tpu.memref_slice %arg2[%add3A_146, %dma_wait3A_554] : memref<160000x16xf32, #tpu.memory_space<hbm>> -> memref<1250x16xf32, #tpu.memory_space<hbm>>
      tpu.wait_dma2 semaphore(%run_scoped3A : memref<!tpu.dma_semaphore, #tpu.memory_space<semaphore_mem>>) src(%dma_wait3A_555 : memref<1250x16xf32, #tpu.memory_space<hbm>>) dst(%arg13 : memref<1250x16xf32, #tpu.memory_space<vmem>>)
      tpu.yield
    }) : () -> ()
    %dma_start3A_147 = arith.constant 6 : i32
    %dma_start3A_148 = arith.constant 0 : i32
    %dma_start3A_149 = arith.constant 0 : i32
    %dma_start3A_150 = tpu.memref_slice %arg13[%dma_start3A_148, %dma_start3A_149] : memref<1250x16xf32, #tpu.memory_space<vmem>> -> memref<625x16xf32, #tpu.memory_space<vmem>>
    %dma_start3A_151 = arith.constant 0 : i32
    %dma_start3A_152 = tpu.memref_slice %arg11[%dma_start3A_147, %dma_start3A_151] : memref<16x625xi32, #tpu.memory_space<vmem>> -> memref<1x625xi32, #tpu.memory_space<vmem>>
    %dma_start3A_153 = tpu.memref_squeeze %dma_start3A_152 : memref<1x625xi32, #tpu.memory_space<vmem>> -> memref<625xi32, #tpu.memory_space<vmem>>
    %dma_start3A_154 = arith.constant 0 : i32
    %dma_start3A_155 = arith.constant 0 : i32
    %dma_start3A_156 = tpu.memref_slice %arg21[%dma_start3A_154, %dma_start3A_155] : memref<10240x16xf32, #tpu.memory_space<vmem_shared>> -> memref<10240x16xf32, #tpu.memory_space<vmem_shared>>
    tpu.enqueue_indirect_dma source(%dma_start3A_150 : memref<625x16xf32, #tpu.memory_space<vmem>>) target(%dma_start3A_156 : memref<10240x16xf32, #tpu.memory_space<vmem_shared>>) offsets(%dma_start3A_153 : memref<625xi32, #tpu.memory_space<vmem>>) semaphore(%arg19 : memref<!tpu.dma_semaphore, #tpu.memory_space<semaphore_mem>>) {add = true}
    %dma_start3A_157 = arith.constant 7 : i32
    %dma_start3A_158 = arith.constant 625 : i32
    %dma_start3A_159 = arith.constant 0 : i32
    %dma_start3A_160 = tpu.memref_slice %arg13[%dma_start3A_158, %dma_start3A_159] : memref<1250x16xf32, #tpu.memory_space<vmem>> -> memref<625x16xf32, #tpu.memory_space<vmem>>
    %dma_start3A_161 = arith.constant 0 : i32
    %dma_start3A_162 = tpu.memref_slice %arg11[%dma_start3A_157, %dma_start3A_161] : memref<16x625xi32, #tpu.memory_space<vmem>> -> memref<1x625xi32, #tpu.memory_space<vmem>>
    %dma_start3A_163 = tpu.memref_squeeze %dma_start3A_162 : memref<1x625xi32, #tpu.memory_space<vmem>> -> memref<625xi32, #tpu.memory_space<vmem>>
    %dma_start3A_164 = arith.constant 0 : i32
    %dma_start3A_165 = arith.constant 0 : i32
    %dma_start3A_166 = tpu.memref_slice %arg21[%dma_start3A_164, %dma_start3A_165] : memref<10240x16xf32, #tpu.memory_space<vmem_shared>> -> memref<10240x16xf32, #tpu.memory_space<vmem_shared>>
    tpu.enqueue_indirect_dma source(%dma_start3A_160 : memref<625x16xf32, #tpu.memory_space<vmem>>) target(%dma_start3A_166 : memref<10240x16xf32, #tpu.memory_space<vmem_shared>>) offsets(%dma_start3A_163 : memref<625xi32, #tpu.memory_space<vmem>>) semaphore(%arg19 : memref<!tpu.dma_semaphore, #tpu.memory_space<semaphore_mem>>) {add = true}
    %dma_wait3A_167 = arith.constant 6 : i32
    %dma_wait3A_168 = arith.constant 0 : i32
    %dma_wait3A_169 = arith.constant 0 : i32
    %dma_wait3A_170 = tpu.memref_slice %arg13[%dma_wait3A_168, %dma_wait3A_169] : memref<1250x16xf32, #tpu.memory_space<vmem>> -> memref<625x16xf32, #tpu.memory_space<vmem>>
    %dma_wait3A_171 = arith.constant 0 : i32
    %dma_wait3A_172 = tpu.memref_slice %arg11[%dma_wait3A_167, %dma_wait3A_171] : memref<16x625xi32, #tpu.memory_space<vmem>> -> memref<1x625xi32, #tpu.memory_space<vmem>>
    %dma_wait3A_173 = tpu.memref_squeeze %dma_wait3A_172 : memref<1x625xi32, #tpu.memory_space<vmem>> -> memref<625xi32, #tpu.memory_space<vmem>>
    %dma_wait3A_174 = arith.constant 0 : i32
    %dma_wait3A_175 = arith.constant 0 : i32
    %dma_wait3A_176 = tpu.memref_slice %arg21[%dma_wait3A_174, %dma_wait3A_175] : memref<10240x16xf32, #tpu.memory_space<vmem_shared>> -> memref<10240x16xf32, #tpu.memory_space<vmem_shared>>
    tpu.wait_indirect_dma semaphore(%arg19 : memref<!tpu.dma_semaphore, #tpu.memory_space<semaphore_mem>>) src(%dma_wait3A_170 : memref<625x16xf32, #tpu.memory_space<vmem>>) dst(%dma_wait3A_176 : memref<10240x16xf32, #tpu.memory_space<vmem_shared>>)
    %dma_wait3A_177 = arith.constant 7 : i32
    %dma_wait3A_178 = arith.constant 625 : i32
    %dma_wait3A_179 = arith.constant 0 : i32
    %dma_wait3A_180 = tpu.memref_slice %arg13[%dma_wait3A_178, %dma_wait3A_179] : memref<1250x16xf32, #tpu.memory_space<vmem>> -> memref<625x16xf32, #tpu.memory_space<vmem>>
    %dma_wait3A_181 = arith.constant 0 : i32
    %dma_wait3A_182 = tpu.memref_slice %arg11[%dma_wait3A_177, %dma_wait3A_181] : memref<16x625xi32, #tpu.memory_space<vmem>> -> memref<1x625xi32, #tpu.memory_space<vmem>>
    %dma_wait3A_183 = tpu.memref_squeeze %dma_wait3A_182 : memref<1x625xi32, #tpu.memory_space<vmem>> -> memref<625xi32, #tpu.memory_space<vmem>>
    %dma_wait3A_184 = arith.constant 0 : i32
    %dma_wait3A_185 = arith.constant 0 : i32
    %dma_wait3A_186 = tpu.memref_slice %arg21[%dma_wait3A_184, %dma_wait3A_185] : memref<10240x16xf32, #tpu.memory_space<vmem_shared>> -> memref<10240x16xf32, #tpu.memory_space<vmem_shared>>
    tpu.wait_indirect_dma semaphore(%arg19 : memref<!tpu.dma_semaphore, #tpu.memory_space<semaphore_mem>>) src(%dma_wait3A_180 : memref<625x16xf32, #tpu.memory_space<vmem>>) dst(%dma_wait3A_186 : memref<10240x16xf32, #tpu.memory_space<vmem_shared>>)
    %mul3A_187 = arith.constant 10000 : i32
    %mul3A_188 = arith.muli %arg1, %mul3A_187 : i32
    %add3A_189 = arith.constant 5000 : i32
    %add3A_190 = arith.addi %mul3A_188, %add3A_189 : i32
    "tpu.region"() ({
      %run_scoped3A = tpu.sem_alloc : memref<!tpu.dma_semaphore, #tpu.memory_space<semaphore_mem>>
      %dma_start3A_548 = arith.constant 0 : i32
      %dma_start3A_549 = tpu.memref_slice %arg2[%add3A_190, %dma_start3A_548] : memref<160000x16xf32, #tpu.memory_space<hbm>> -> memref<1250x16xf32, #tpu.memory_space<hbm>>
      %dma_start3A_550 = arith.constant 0 : i32
      %dma_start3A_551 = tpu.memref_slice %arg2[%add3A_190, %dma_start3A_550] : memref<160000x16xf32, #tpu.memory_space<hbm>> -> memref<1250x16xf32, #tpu.memory_space<hbm>>
      tpu.enqueue_dma source(%dma_start3A_551 : memref<1250x16xf32, #tpu.memory_space<hbm>>) target(%arg13 : memref<1250x16xf32, #tpu.memory_space<vmem>>) target_semaphore(%run_scoped3A : memref<!tpu.dma_semaphore, #tpu.memory_space<semaphore_mem>>)
      %dma_wait3A_552 = arith.constant 0 : i32
      %dma_wait3A_553 = tpu.memref_slice %arg2[%add3A_190, %dma_wait3A_552] : memref<160000x16xf32, #tpu.memory_space<hbm>> -> memref<1250x16xf32, #tpu.memory_space<hbm>>
      %dma_wait3A_554 = arith.constant 0 : i32
      %dma_wait3A_555 = tpu.memref_slice %arg2[%add3A_190, %dma_wait3A_554] : memref<160000x16xf32, #tpu.memory_space<hbm>> -> memref<1250x16xf32, #tpu.memory_space<hbm>>
      tpu.wait_dma2 semaphore(%run_scoped3A : memref<!tpu.dma_semaphore, #tpu.memory_space<semaphore_mem>>) src(%dma_wait3A_555 : memref<1250x16xf32, #tpu.memory_space<hbm>>) dst(%arg13 : memref<1250x16xf32, #tpu.memory_space<vmem>>)
      tpu.yield
    }) : () -> ()
    %dma_start3A_191 = arith.constant 8 : i32
    %dma_start3A_192 = arith.constant 0 : i32
    %dma_start3A_193 = arith.constant 0 : i32
    %dma_start3A_194 = tpu.memref_slice %arg13[%dma_start3A_192, %dma_start3A_193] : memref<1250x16xf32, #tpu.memory_space<vmem>> -> memref<625x16xf32, #tpu.memory_space<vmem>>
    %dma_start3A_195 = arith.constant 0 : i32
    %dma_start3A_196 = tpu.memref_slice %arg11[%dma_start3A_191, %dma_start3A_195] : memref<16x625xi32, #tpu.memory_space<vmem>> -> memref<1x625xi32, #tpu.memory_space<vmem>>
    %dma_start3A_197 = tpu.memref_squeeze %dma_start3A_196 : memref<1x625xi32, #tpu.memory_space<vmem>> -> memref<625xi32, #tpu.memory_space<vmem>>
    %dma_start3A_198 = arith.constant 0 : i32
    %dma_start3A_199 = arith.constant 0 : i32
    %dma_start3A_200 = tpu.memref_slice %arg21[%dma_start3A_198, %dma_start3A_199] : memref<10240x16xf32, #tpu.memory_space<vmem_shared>> -> memref<10240x16xf32, #tpu.memory_space<vmem_shared>>
    tpu.enqueue_indirect_dma source(%dma_start3A_194 : memref<625x16xf32, #tpu.memory_space<vmem>>) target(%dma_start3A_200 : memref<10240x16xf32, #tpu.memory_space<vmem_shared>>) offsets(%dma_start3A_197 : memref<625xi32, #tpu.memory_space<vmem>>) semaphore(%arg19 : memref<!tpu.dma_semaphore, #tpu.memory_space<semaphore_mem>>) {add = true}
    %dma_start3A_201 = arith.constant 9 : i32
    %dma_start3A_202 = arith.constant 625 : i32
    %dma_start3A_203 = arith.constant 0 : i32
    %dma_start3A_204 = tpu.memref_slice %arg13[%dma_start3A_202, %dma_start3A_203] : memref<1250x16xf32, #tpu.memory_space<vmem>> -> memref<625x16xf32, #tpu.memory_space<vmem>>
    %dma_start3A_205 = arith.constant 0 : i32
    %dma_start3A_206 = tpu.memref_slice %arg11[%dma_start3A_201, %dma_start3A_205] : memref<16x625xi32, #tpu.memory_space<vmem>> -> memref<1x625xi32, #tpu.memory_space<vmem>>
    %dma_start3A_207 = tpu.memref_squeeze %dma_start3A_206 : memref<1x625xi32, #tpu.memory_space<vmem>> -> memref<625xi32, #tpu.memory_space<vmem>>
    %dma_start3A_208 = arith.constant 0 : i32
    %dma_start3A_209 = arith.constant 0 : i32
    %dma_start3A_210 = tpu.memref_slice %arg21[%dma_start3A_208, %dma_start3A_209] : memref<10240x16xf32, #tpu.memory_space<vmem_shared>> -> memref<10240x16xf32, #tpu.memory_space<vmem_shared>>
    tpu.enqueue_indirect_dma source(%dma_start3A_204 : memref<625x16xf32, #tpu.memory_space<vmem>>) target(%dma_start3A_210 : memref<10240x16xf32, #tpu.memory_space<vmem_shared>>) offsets(%dma_start3A_207 : memref<625xi32, #tpu.memory_space<vmem>>) semaphore(%arg19 : memref<!tpu.dma_semaphore, #tpu.memory_space<semaphore_mem>>) {add = true}
    %dma_wait3A_211 = arith.constant 8 : i32
    %dma_wait3A_212 = arith.constant 0 : i32
    %dma_wait3A_213 = arith.constant 0 : i32
    %dma_wait3A_214 = tpu.memref_slice %arg13[%dma_wait3A_212, %dma_wait3A_213] : memref<1250x16xf32, #tpu.memory_space<vmem>> -> memref<625x16xf32, #tpu.memory_space<vmem>>
    %dma_wait3A_215 = arith.constant 0 : i32
    %dma_wait3A_216 = tpu.memref_slice %arg11[%dma_wait3A_211, %dma_wait3A_215] : memref<16x625xi32, #tpu.memory_space<vmem>> -> memref<1x625xi32, #tpu.memory_space<vmem>>
    %dma_wait3A_217 = tpu.memref_squeeze %dma_wait3A_216 : memref<1x625xi32, #tpu.memory_space<vmem>> -> memref<625xi32, #tpu.memory_space<vmem>>
    %dma_wait3A_218 = arith.constant 0 : i32
    %dma_wait3A_219 = arith.constant 0 : i32
    %dma_wait3A_220 = tpu.memref_slice %arg21[%dma_wait3A_218, %dma_wait3A_219] : memref<10240x16xf32, #tpu.memory_space<vmem_shared>> -> memref<10240x16xf32, #tpu.memory_space<vmem_shared>>
    tpu.wait_indirect_dma semaphore(%arg19 : memref<!tpu.dma_semaphore, #tpu.memory_space<semaphore_mem>>) src(%dma_wait3A_214 : memref<625x16xf32, #tpu.memory_space<vmem>>) dst(%dma_wait3A_220 : memref<10240x16xf32, #tpu.memory_space<vmem_shared>>)
    %dma_wait3A_221 = arith.constant 9 : i32
    %dma_wait3A_222 = arith.constant 625 : i32
    %dma_wait3A_223 = arith.constant 0 : i32
    %dma_wait3A_224 = tpu.memref_slice %arg13[%dma_wait3A_222, %dma_wait3A_223] : memref<1250x16xf32, #tpu.memory_space<vmem>> -> memref<625x16xf32, #tpu.memory_space<vmem>>
    %dma_wait3A_225 = arith.constant 0 : i32
    %dma_wait3A_226 = tpu.memref_slice %arg11[%dma_wait3A_221, %dma_wait3A_225] : memref<16x625xi32, #tpu.memory_space<vmem>> -> memref<1x625xi32, #tpu.memory_space<vmem>>
    %dma_wait3A_227 = tpu.memref_squeeze %dma_wait3A_226 : memref<1x625xi32, #tpu.memory_space<vmem>> -> memref<625xi32, #tpu.memory_space<vmem>>
    %dma_wait3A_228 = arith.constant 0 : i32
    %dma_wait3A_229 = arith.constant 0 : i32
    %dma_wait3A_230 = tpu.memref_slice %arg21[%dma_wait3A_228, %dma_wait3A_229] : memref<10240x16xf32, #tpu.memory_space<vmem_shared>> -> memref<10240x16xf32, #tpu.memory_space<vmem_shared>>
    tpu.wait_indirect_dma semaphore(%arg19 : memref<!tpu.dma_semaphore, #tpu.memory_space<semaphore_mem>>) src(%dma_wait3A_224 : memref<625x16xf32, #tpu.memory_space<vmem>>) dst(%dma_wait3A_230 : memref<10240x16xf32, #tpu.memory_space<vmem_shared>>)
    %mul3A_231 = arith.constant 10000 : i32
    %mul3A_232 = arith.muli %arg1, %mul3A_231 : i32
    %add3A_233 = arith.constant 6250 : i32
    %add3A_234 = arith.addi %mul3A_232, %add3A_233 : i32
    "tpu.region"() ({
      %run_scoped3A = tpu.sem_alloc : memref<!tpu.dma_semaphore, #tpu.memory_space<semaphore_mem>>
      %dma_start3A_548 = arith.constant 0 : i32
      %dma_start3A_549 = tpu.memref_slice %arg2[%add3A_234, %dma_start3A_548] : memref<160000x16xf32, #tpu.memory_space<hbm>> -> memref<1250x16xf32, #tpu.memory_space<hbm>>
      %dma_start3A_550 = arith.constant 0 : i32
      %dma_start3A_551 = tpu.memref_slice %arg2[%add3A_234, %dma_start3A_550] : memref<160000x16xf32, #tpu.memory_space<hbm>> -> memref<1250x16xf32, #tpu.memory_space<hbm>>
      tpu.enqueue_dma source(%dma_start3A_551 : memref<1250x16xf32, #tpu.memory_space<hbm>>) target(%arg13 : memref<1250x16xf32, #tpu.memory_space<vmem>>) target_semaphore(%run_scoped3A : memref<!tpu.dma_semaphore, #tpu.memory_space<semaphore_mem>>)
      %dma_wait3A_552 = arith.constant 0 : i32
      %dma_wait3A_553 = tpu.memref_slice %arg2[%add3A_234, %dma_wait3A_552] : memref<160000x16xf32, #tpu.memory_space<hbm>> -> memref<1250x16xf32, #tpu.memory_space<hbm>>
      %dma_wait3A_554 = arith.constant 0 : i32
      %dma_wait3A_555 = tpu.memref_slice %arg2[%add3A_234, %dma_wait3A_554] : memref<160000x16xf32, #tpu.memory_space<hbm>> -> memref<1250x16xf32, #tpu.memory_space<hbm>>
      tpu.wait_dma2 semaphore(%run_scoped3A : memref<!tpu.dma_semaphore, #tpu.memory_space<semaphore_mem>>) src(%dma_wait3A_555 : memref<1250x16xf32, #tpu.memory_space<hbm>>) dst(%arg13 : memref<1250x16xf32, #tpu.memory_space<vmem>>)
      tpu.yield
    }) : () -> ()
    %dma_start3A_235 = arith.constant 10 : i32
    %dma_start3A_236 = arith.constant 0 : i32
    %dma_start3A_237 = arith.constant 0 : i32
    %dma_start3A_238 = tpu.memref_slice %arg13[%dma_start3A_236, %dma_start3A_237] : memref<1250x16xf32, #tpu.memory_space<vmem>> -> memref<625x16xf32, #tpu.memory_space<vmem>>
    %dma_start3A_239 = arith.constant 0 : i32
    %dma_start3A_240 = tpu.memref_slice %arg11[%dma_start3A_235, %dma_start3A_239] : memref<16x625xi32, #tpu.memory_space<vmem>> -> memref<1x625xi32, #tpu.memory_space<vmem>>
    %dma_start3A_241 = tpu.memref_squeeze %dma_start3A_240 : memref<1x625xi32, #tpu.memory_space<vmem>> -> memref<625xi32, #tpu.memory_space<vmem>>
    %dma_start3A_242 = arith.constant 0 : i32
    %dma_start3A_243 = arith.constant 0 : i32
    %dma_start3A_244 = tpu.memref_slice %arg21[%dma_start3A_242, %dma_start3A_243] : memref<10240x16xf32, #tpu.memory_space<vmem_shared>> -> memref<10240x16xf32, #tpu.memory_space<vmem_shared>>
    tpu.enqueue_indirect_dma source(%dma_start3A_238 : memref<625x16xf32, #tpu.memory_space<vmem>>) target(%dma_start3A_244 : memref<10240x16xf32, #tpu.memory_space<vmem_shared>>) offsets(%dma_start3A_241 : memref<625xi32, #tpu.memory_space<vmem>>) semaphore(%arg19 : memref<!tpu.dma_semaphore, #tpu.memory_space<semaphore_mem>>) {add = true}
    %dma_start3A_245 = arith.constant 11 : i32
    %dma_start3A_246 = arith.constant 625 : i32
    %dma_start3A_247 = arith.constant 0 : i32
    %dma_start3A_248 = tpu.memref_slice %arg13[%dma_start3A_246, %dma_start3A_247] : memref<1250x16xf32, #tpu.memory_space<vmem>> -> memref<625x16xf32, #tpu.memory_space<vmem>>
    %dma_start3A_249 = arith.constant 0 : i32
    %dma_start3A_250 = tpu.memref_slice %arg11[%dma_start3A_245, %dma_start3A_249] : memref<16x625xi32, #tpu.memory_space<vmem>> -> memref<1x625xi32, #tpu.memory_space<vmem>>
    %dma_start3A_251 = tpu.memref_squeeze %dma_start3A_250 : memref<1x625xi32, #tpu.memory_space<vmem>> -> memref<625xi32, #tpu.memory_space<vmem>>
    %dma_start3A_252 = arith.constant 0 : i32
    %dma_start3A_253 = arith.constant 0 : i32
    %dma_start3A_254 = tpu.memref_slice %arg21[%dma_start3A_252, %dma_start3A_253] : memref<10240x16xf32, #tpu.memory_space<vmem_shared>> -> memref<10240x16xf32, #tpu.memory_space<vmem_shared>>
    tpu.enqueue_indirect_dma source(%dma_start3A_248 : memref<625x16xf32, #tpu.memory_space<vmem>>) target(%dma_start3A_254 : memref<10240x16xf32, #tpu.memory_space<vmem_shared>>) offsets(%dma_start3A_251 : memref<625xi32, #tpu.memory_space<vmem>>) semaphore(%arg19 : memref<!tpu.dma_semaphore, #tpu.memory_space<semaphore_mem>>) {add = true}
    %dma_wait3A_255 = arith.constant 10 : i32
    %dma_wait3A_256 = arith.constant 0 : i32
    %dma_wait3A_257 = arith.constant 0 : i32
    %dma_wait3A_258 = tpu.memref_slice %arg13[%dma_wait3A_256, %dma_wait3A_257] : memref<1250x16xf32, #tpu.memory_space<vmem>> -> memref<625x16xf32, #tpu.memory_space<vmem>>
    %dma_wait3A_259 = arith.constant 0 : i32
    %dma_wait3A_260 = tpu.memref_slice %arg11[%dma_wait3A_255, %dma_wait3A_259] : memref<16x625xi32, #tpu.memory_space<vmem>> -> memref<1x625xi32, #tpu.memory_space<vmem>>
    %dma_wait3A_261 = tpu.memref_squeeze %dma_wait3A_260 : memref<1x625xi32, #tpu.memory_space<vmem>> -> memref<625xi32, #tpu.memory_space<vmem>>
    %dma_wait3A_262 = arith.constant 0 : i32
    %dma_wait3A_263 = arith.constant 0 : i32
    %dma_wait3A_264 = tpu.memref_slice %arg21[%dma_wait3A_262, %dma_wait3A_263] : memref<10240x16xf32, #tpu.memory_space<vmem_shared>> -> memref<10240x16xf32, #tpu.memory_space<vmem_shared>>
    tpu.wait_indirect_dma semaphore(%arg19 : memref<!tpu.dma_semaphore, #tpu.memory_space<semaphore_mem>>) src(%dma_wait3A_258 : memref<625x16xf32, #tpu.memory_space<vmem>>) dst(%dma_wait3A_264 : memref<10240x16xf32, #tpu.memory_space<vmem_shared>>)
    %dma_wait3A_265 = arith.constant 11 : i32
    %dma_wait3A_266 = arith.constant 625 : i32
    %dma_wait3A_267 = arith.constant 0 : i32
    %dma_wait3A_268 = tpu.memref_slice %arg13[%dma_wait3A_266, %dma_wait3A_267] : memref<1250x16xf32, #tpu.memory_space<vmem>> -> memref<625x16xf32, #tpu.memory_space<vmem>>
    %dma_wait3A_269 = arith.constant 0 : i32
    %dma_wait3A_270 = tpu.memref_slice %arg11[%dma_wait3A_265, %dma_wait3A_269] : memref<16x625xi32, #tpu.memory_space<vmem>> -> memref<1x625xi32, #tpu.memory_space<vmem>>
    %dma_wait3A_271 = tpu.memref_squeeze %dma_wait3A_270 : memref<1x625xi32, #tpu.memory_space<vmem>> -> memref<625xi32, #tpu.memory_space<vmem>>
    %dma_wait3A_272 = arith.constant 0 : i32
    %dma_wait3A_273 = arith.constant 0 : i32
    %dma_wait3A_274 = tpu.memref_slice %arg21[%dma_wait3A_272, %dma_wait3A_273] : memref<10240x16xf32, #tpu.memory_space<vmem_shared>> -> memref<10240x16xf32, #tpu.memory_space<vmem_shared>>
    tpu.wait_indirect_dma semaphore(%arg19 : memref<!tpu.dma_semaphore, #tpu.memory_space<semaphore_mem>>) src(%dma_wait3A_268 : memref<625x16xf32, #tpu.memory_space<vmem>>) dst(%dma_wait3A_274 : memref<10240x16xf32, #tpu.memory_space<vmem_shared>>)
    %mul3A_275 = arith.constant 10000 : i32
    %mul3A_276 = arith.muli %arg1, %mul3A_275 : i32
    %add3A_277 = arith.constant 7500 : i32
    %add3A_278 = arith.addi %mul3A_276, %add3A_277 : i32
    "tpu.region"() ({
      %run_scoped3A = tpu.sem_alloc : memref<!tpu.dma_semaphore, #tpu.memory_space<semaphore_mem>>
      %dma_start3A_548 = arith.constant 0 : i32
      %dma_start3A_549 = tpu.memref_slice %arg2[%add3A_278, %dma_start3A_548] : memref<160000x16xf32, #tpu.memory_space<hbm>> -> memref<1250x16xf32, #tpu.memory_space<hbm>>
      %dma_start3A_550 = arith.constant 0 : i32
      %dma_start3A_551 = tpu.memref_slice %arg2[%add3A_278, %dma_start3A_550] : memref<160000x16xf32, #tpu.memory_space<hbm>> -> memref<1250x16xf32, #tpu.memory_space<hbm>>
      tpu.enqueue_dma source(%dma_start3A_551 : memref<1250x16xf32, #tpu.memory_space<hbm>>) target(%arg13 : memref<1250x16xf32, #tpu.memory_space<vmem>>) target_semaphore(%run_scoped3A : memref<!tpu.dma_semaphore, #tpu.memory_space<semaphore_mem>>)
      %dma_wait3A_552 = arith.constant 0 : i32
      %dma_wait3A_553 = tpu.memref_slice %arg2[%add3A_278, %dma_wait3A_552] : memref<160000x16xf32, #tpu.memory_space<hbm>> -> memref<1250x16xf32, #tpu.memory_space<hbm>>
      %dma_wait3A_554 = arith.constant 0 : i32
      %dma_wait3A_555 = tpu.memref_slice %arg2[%add3A_278, %dma_wait3A_554] : memref<160000x16xf32, #tpu.memory_space<hbm>> -> memref<1250x16xf32, #tpu.memory_space<hbm>>
      tpu.wait_dma2 semaphore(%run_scoped3A : memref<!tpu.dma_semaphore, #tpu.memory_space<semaphore_mem>>) src(%dma_wait3A_555 : memref<1250x16xf32, #tpu.memory_space<hbm>>) dst(%arg13 : memref<1250x16xf32, #tpu.memory_space<vmem>>)
      tpu.yield
    }) : () -> ()
    %dma_start3A_279 = arith.constant 12 : i32
    %dma_start3A_280 = arith.constant 0 : i32
    %dma_start3A_281 = arith.constant 0 : i32
    %dma_start3A_282 = tpu.memref_slice %arg13[%dma_start3A_280, %dma_start3A_281] : memref<1250x16xf32, #tpu.memory_space<vmem>> -> memref<625x16xf32, #tpu.memory_space<vmem>>
    %dma_start3A_283 = arith.constant 0 : i32
    %dma_start3A_284 = tpu.memref_slice %arg11[%dma_start3A_279, %dma_start3A_283] : memref<16x625xi32, #tpu.memory_space<vmem>> -> memref<1x625xi32, #tpu.memory_space<vmem>>
    %dma_start3A_285 = tpu.memref_squeeze %dma_start3A_284 : memref<1x625xi32, #tpu.memory_space<vmem>> -> memref<625xi32, #tpu.memory_space<vmem>>
    %dma_start3A_286 = arith.constant 0 : i32
    %dma_start3A_287 = arith.constant 0 : i32
    %dma_start3A_288 = tpu.memref_slice %arg21[%dma_start3A_286, %dma_start3A_287] : memref<10240x16xf32, #tpu.memory_space<vmem_shared>> -> memref<10240x16xf32, #tpu.memory_space<vmem_shared>>
    tpu.enqueue_indirect_dma source(%dma_start3A_282 : memref<625x16xf32, #tpu.memory_space<vmem>>) target(%dma_start3A_288 : memref<10240x16xf32, #tpu.memory_space<vmem_shared>>) offsets(%dma_start3A_285 : memref<625xi32, #tpu.memory_space<vmem>>) semaphore(%arg19 : memref<!tpu.dma_semaphore, #tpu.memory_space<semaphore_mem>>) {add = true}
    %dma_start3A_289 = arith.constant 13 : i32
    %dma_start3A_290 = arith.constant 625 : i32
    %dma_start3A_291 = arith.constant 0 : i32
    %dma_start3A_292 = tpu.memref_slice %arg13[%dma_start3A_290, %dma_start3A_291] : memref<1250x16xf32, #tpu.memory_space<vmem>> -> memref<625x16xf32, #tpu.memory_space<vmem>>
    %dma_start3A_293 = arith.constant 0 : i32
    %dma_start3A_294 = tpu.memref_slice %arg11[%dma_start3A_289, %dma_start3A_293] : memref<16x625xi32, #tpu.memory_space<vmem>> -> memref<1x625xi32, #tpu.memory_space<vmem>>
    %dma_start3A_295 = tpu.memref_squeeze %dma_start3A_294 : memref<1x625xi32, #tpu.memory_space<vmem>> -> memref<625xi32, #tpu.memory_space<vmem>>
    %dma_start3A_296 = arith.constant 0 : i32
    %dma_start3A_297 = arith.constant 0 : i32
    %dma_start3A_298 = tpu.memref_slice %arg21[%dma_start3A_296, %dma_start3A_297] : memref<10240x16xf32, #tpu.memory_space<vmem_shared>> -> memref<10240x16xf32, #tpu.memory_space<vmem_shared>>
    tpu.enqueue_indirect_dma source(%dma_start3A_292 : memref<625x16xf32, #tpu.memory_space<vmem>>) target(%dma_start3A_298 : memref<10240x16xf32, #tpu.memory_space<vmem_shared>>) offsets(%dma_start3A_295 : memref<625xi32, #tpu.memory_space<vmem>>) semaphore(%arg19 : memref<!tpu.dma_semaphore, #tpu.memory_space<semaphore_mem>>) {add = true}
    %dma_wait3A_299 = arith.constant 12 : i32
    %dma_wait3A_300 = arith.constant 0 : i32
    %dma_wait3A_301 = arith.constant 0 : i32
    %dma_wait3A_302 = tpu.memref_slice %arg13[%dma_wait3A_300, %dma_wait3A_301] : memref<1250x16xf32, #tpu.memory_space<vmem>> -> memref<625x16xf32, #tpu.memory_space<vmem>>
    %dma_wait3A_303 = arith.constant 0 : i32
    %dma_wait3A_304 = tpu.memref_slice %arg11[%dma_wait3A_299, %dma_wait3A_303] : memref<16x625xi32, #tpu.memory_space<vmem>> -> memref<1x625xi32, #tpu.memory_space<vmem>>
    %dma_wait3A_305 = tpu.memref_squeeze %dma_wait3A_304 : memref<1x625xi32, #tpu.memory_space<vmem>> -> memref<625xi32, #tpu.memory_space<vmem>>
    %dma_wait3A_306 = arith.constant 0 : i32
    %dma_wait3A_307 = arith.constant 0 : i32
    %dma_wait3A_308 = tpu.memref_slice %arg21[%dma_wait3A_306, %dma_wait3A_307] : memref<10240x16xf32, #tpu.memory_space<vmem_shared>> -> memref<10240x16xf32, #tpu.memory_space<vmem_shared>>
    tpu.wait_indirect_dma semaphore(%arg19 : memref<!tpu.dma_semaphore, #tpu.memory_space<semaphore_mem>>) src(%dma_wait3A_302 : memref<625x16xf32, #tpu.memory_space<vmem>>) dst(%dma_wait3A_308 : memref<10240x16xf32, #tpu.memory_space<vmem_shared>>)
    %dma_wait3A_309 = arith.constant 13 : i32
    %dma_wait3A_310 = arith.constant 625 : i32
    %dma_wait3A_311 = arith.constant 0 : i32
    %dma_wait3A_312 = tpu.memref_slice %arg13[%dma_wait3A_310, %dma_wait3A_311] : memref<1250x16xf32, #tpu.memory_space<vmem>> -> memref<625x16xf32, #tpu.memory_space<vmem>>
    %dma_wait3A_313 = arith.constant 0 : i32
    %dma_wait3A_314 = tpu.memref_slice %arg11[%dma_wait3A_309, %dma_wait3A_313] : memref<16x625xi32, #tpu.memory_space<vmem>> -> memref<1x625xi32, #tpu.memory_space<vmem>>
    %dma_wait3A_315 = tpu.memref_squeeze %dma_wait3A_314 : memref<1x625xi32, #tpu.memory_space<vmem>> -> memref<625xi32, #tpu.memory_space<vmem>>
    %dma_wait3A_316 = arith.constant 0 : i32
    %dma_wait3A_317 = arith.constant 0 : i32
    %dma_wait3A_318 = tpu.memref_slice %arg21[%dma_wait3A_316, %dma_wait3A_317] : memref<10240x16xf32, #tpu.memory_space<vmem_shared>> -> memref<10240x16xf32, #tpu.memory_space<vmem_shared>>
    tpu.wait_indirect_dma semaphore(%arg19 : memref<!tpu.dma_semaphore, #tpu.memory_space<semaphore_mem>>) src(%dma_wait3A_312 : memref<625x16xf32, #tpu.memory_space<vmem>>) dst(%dma_wait3A_318 : memref<10240x16xf32, #tpu.memory_space<vmem_shared>>)
    %mul3A_319 = arith.constant 10000 : i32
    %mul3A_320 = arith.muli %arg1, %mul3A_319 : i32
    %add3A_321 = arith.constant 8750 : i32
    %add3A_322 = arith.addi %mul3A_320, %add3A_321 : i32
    "tpu.region"() ({
      %run_scoped3A = tpu.sem_alloc : memref<!tpu.dma_semaphore, #tpu.memory_space<semaphore_mem>>
      %dma_start3A_548 = arith.constant 0 : i32
      %dma_start3A_549 = tpu.memref_slice %arg2[%add3A_322, %dma_start3A_548] : memref<160000x16xf32, #tpu.memory_space<hbm>> -> memref<1250x16xf32, #tpu.memory_space<hbm>>
      %dma_start3A_550 = arith.constant 0 : i32
      %dma_start3A_551 = tpu.memref_slice %arg2[%add3A_322, %dma_start3A_550] : memref<160000x16xf32, #tpu.memory_space<hbm>> -> memref<1250x16xf32, #tpu.memory_space<hbm>>
      tpu.enqueue_dma source(%dma_start3A_551 : memref<1250x16xf32, #tpu.memory_space<hbm>>) target(%arg13 : memref<1250x16xf32, #tpu.memory_space<vmem>>) target_semaphore(%run_scoped3A : memref<!tpu.dma_semaphore, #tpu.memory_space<semaphore_mem>>)
      %dma_wait3A_552 = arith.constant 0 : i32
      %dma_wait3A_553 = tpu.memref_slice %arg2[%add3A_322, %dma_wait3A_552] : memref<160000x16xf32, #tpu.memory_space<hbm>> -> memref<1250x16xf32, #tpu.memory_space<hbm>>
      %dma_wait3A_554 = arith.constant 0 : i32
      %dma_wait3A_555 = tpu.memref_slice %arg2[%add3A_322, %dma_wait3A_554] : memref<160000x16xf32, #tpu.memory_space<hbm>> -> memref<1250x16xf32, #tpu.memory_space<hbm>>
      tpu.wait_dma2 semaphore(%run_scoped3A : memref<!tpu.dma_semaphore, #tpu.memory_space<semaphore_mem>>) src(%dma_wait3A_555 : memref<1250x16xf32, #tpu.memory_space<hbm>>) dst(%arg13 : memref<1250x16xf32, #tpu.memory_space<vmem>>)
      tpu.yield
    }) : () -> ()
    %dma_start3A_323 = arith.constant 14 : i32
    %dma_start3A_324 = arith.constant 0 : i32
    %dma_start3A_325 = arith.constant 0 : i32
    %dma_start3A_326 = tpu.memref_slice %arg13[%dma_start3A_324, %dma_start3A_325] : memref<1250x16xf32, #tpu.memory_space<vmem>> -> memref<625x16xf32, #tpu.memory_space<vmem>>
    %dma_start3A_327 = arith.constant 0 : i32
    %dma_start3A_328 = tpu.memref_slice %arg11[%dma_start3A_323, %dma_start3A_327] : memref<16x625xi32, #tpu.memory_space<vmem>> -> memref<1x625xi32, #tpu.memory_space<vmem>>
    %dma_start3A_329 = tpu.memref_squeeze %dma_start3A_328 : memref<1x625xi32, #tpu.memory_space<vmem>> -> memref<625xi32, #tpu.memory_space<vmem>>
    %dma_start3A_330 = arith.constant 0 : i32
    %dma_start3A_331 = arith.constant 0 : i32
    %dma_start3A_332 = tpu.memref_slice %arg21[%dma_start3A_330, %dma_start3A_331] : memref<10240x16xf32, #tpu.memory_space<vmem_shared>> -> memref<10240x16xf32, #tpu.memory_space<vmem_shared>>
    tpu.enqueue_indirect_dma source(%dma_start3A_326 : memref<625x16xf32, #tpu.memory_space<vmem>>) target(%dma_start3A_332 : memref<10240x16xf32, #tpu.memory_space<vmem_shared>>) offsets(%dma_start3A_329 : memref<625xi32, #tpu.memory_space<vmem>>) semaphore(%arg19 : memref<!tpu.dma_semaphore, #tpu.memory_space<semaphore_mem>>) {add = true}
    %dma_start3A_333 = arith.constant 15 : i32
    %dma_start3A_334 = arith.constant 625 : i32
    %dma_start3A_335 = arith.constant 0 : i32
    %dma_start3A_336 = tpu.memref_slice %arg13[%dma_start3A_334, %dma_start3A_335] : memref<1250x16xf32, #tpu.memory_space<vmem>> -> memref<625x16xf32, #tpu.memory_space<vmem>>
    %dma_start3A_337 = arith.constant 0 : i32
    %dma_start3A_338 = tpu.memref_slice %arg11[%dma_start3A_333, %dma_start3A_337] : memref<16x625xi32, #tpu.memory_space<vmem>> -> memref<1x625xi32, #tpu.memory_space<vmem>>
    %dma_start3A_339 = tpu.memref_squeeze %dma_start3A_338 : memref<1x625xi32, #tpu.memory_space<vmem>> -> memref<625xi32, #tpu.memory_space<vmem>>
    %dma_start3A_340 = arith.constant 0 : i32
    %dma_start3A_341 = arith.constant 0 : i32
    %dma_start3A_342 = tpu.memref_slice %arg21[%dma_start3A_340, %dma_start3A_341] : memref<10240x16xf32, #tpu.memory_space<vmem_shared>> -> memref<10240x16xf32, #tpu.memory_space<vmem_shared>>
    tpu.enqueue_indirect_dma source(%dma_start3A_336 : memref<625x16xf32, #tpu.memory_space<vmem>>) target(%dma_start3A_342 : memref<10240x16xf32, #tpu.memory_space<vmem_shared>>) offsets(%dma_start3A_339 : memref<625xi32, #tpu.memory_space<vmem>>) semaphore(%arg19 : memref<!tpu.dma_semaphore, #tpu.memory_space<semaphore_mem>>) {add = true}
    %dma_wait3A_343 = arith.constant 14 : i32
    %dma_wait3A_344 = arith.constant 0 : i32
    %dma_wait3A_345 = arith.constant 0 : i32
    %dma_wait3A_346 = tpu.memref_slice %arg13[%dma_wait3A_344, %dma_wait3A_345] : memref<1250x16xf32, #tpu.memory_space<vmem>> -> memref<625x16xf32, #tpu.memory_space<vmem>>
    %dma_wait3A_347 = arith.constant 0 : i32
    %dma_wait3A_348 = tpu.memref_slice %arg11[%dma_wait3A_343, %dma_wait3A_347] : memref<16x625xi32, #tpu.memory_space<vmem>> -> memref<1x625xi32, #tpu.memory_space<vmem>>
    %dma_wait3A_349 = tpu.memref_squeeze %dma_wait3A_348 : memref<1x625xi32, #tpu.memory_space<vmem>> -> memref<625xi32, #tpu.memory_space<vmem>>
    %dma_wait3A_350 = arith.constant 0 : i32
    %dma_wait3A_351 = arith.constant 0 : i32
    %dma_wait3A_352 = tpu.memref_slice %arg21[%dma_wait3A_350, %dma_wait3A_351] : memref<10240x16xf32, #tpu.memory_space<vmem_shared>> -> memref<10240x16xf32, #tpu.memory_space<vmem_shared>>
    tpu.wait_indirect_dma semaphore(%arg19 : memref<!tpu.dma_semaphore, #tpu.memory_space<semaphore_mem>>) src(%dma_wait3A_346 : memref<625x16xf32, #tpu.memory_space<vmem>>) dst(%dma_wait3A_352 : memref<10240x16xf32, #tpu.memory_space<vmem_shared>>)
    %dma_wait3A_353 = arith.constant 15 : i32
    %dma_wait3A_354 = arith.constant 625 : i32
    %dma_wait3A_355 = arith.constant 0 : i32
    %dma_wait3A_356 = tpu.memref_slice %arg13[%dma_wait3A_354, %dma_wait3A_355] : memref<1250x16xf32, #tpu.memory_space<vmem>> -> memref<625x16xf32, #tpu.memory_space<vmem>>
    %dma_wait3A_357 = arith.constant 0 : i32
    %dma_wait3A_358 = tpu.memref_slice %arg11[%dma_wait3A_353, %dma_wait3A_357] : memref<16x625xi32, #tpu.memory_space<vmem>> -> memref<1x625xi32, #tpu.memory_space<vmem>>
    %dma_wait3A_359 = tpu.memref_squeeze %dma_wait3A_358 : memref<1x625xi32, #tpu.memory_space<vmem>> -> memref<625xi32, #tpu.memory_space<vmem>>
    %dma_wait3A_360 = arith.constant 0 : i32
    %dma_wait3A_361 = arith.constant 0 : i32
    %dma_wait3A_362 = tpu.memref_slice %arg21[%dma_wait3A_360, %dma_wait3A_361] : memref<10240x16xf32, #tpu.memory_space<vmem_shared>> -> memref<10240x16xf32, #tpu.memory_space<vmem_shared>>
    tpu.wait_indirect_dma semaphore(%arg19 : memref<!tpu.dma_semaphore, #tpu.memory_space<semaphore_mem>>) src(%dma_wait3A_356 : memref<625x16xf32, #tpu.memory_space<vmem>>) dst(%dma_wait3A_362 : memref<10240x16xf32, #tpu.memory_space<vmem_shared>>)
    %barrier3A_363 = arith.constant 0 : index
    tpu.barrier barrier_id(%barrier3A_363)
    %mul3A_364 = arith.constant 640 : i32
    %mul3A_365 = arith.muli %arg1, %mul3A_364 : i32
    "tpu.region"() ({
      %run_scoped3A = tpu.sem_alloc : memref<!tpu.dma_semaphore, #tpu.memory_space<semaphore_mem>>
      %dma_start3A_548 = arith.constant 0 : i32
      %dma_start3A_549 = tpu.memref_slice %arg21[%mul3A_365, %dma_start3A_548] : memref<10240x16xf32, #tpu.memory_space<vmem_shared>> -> memref<640x16xf32, #tpu.memory_space<vmem_shared>>
      %dma_start3A_550 = arith.constant 0 : i32
      %dma_start3A_551 = tpu.memref_slice %arg21[%mul3A_365, %dma_start3A_550] : memref<10240x16xf32, #tpu.memory_space<vmem_shared>> -> memref<640x16xf32, #tpu.memory_space<vmem_shared>>
      tpu.enqueue_dma source(%dma_start3A_551 : memref<640x16xf32, #tpu.memory_space<vmem_shared>>) target(%arg16 : memref<640x16xf32, #tpu.memory_space<vmem>>) target_semaphore(%run_scoped3A : memref<!tpu.dma_semaphore, #tpu.memory_space<semaphore_mem>>)
      %dma_wait3A_552 = arith.constant 0 : i32
      %dma_wait3A_553 = tpu.memref_slice %arg21[%mul3A_365, %dma_wait3A_552] : memref<10240x16xf32, #tpu.memory_space<vmem_shared>> -> memref<640x16xf32, #tpu.memory_space<vmem_shared>>
      %dma_wait3A_554 = arith.constant 0 : i32
      %dma_wait3A_555 = tpu.memref_slice %arg21[%mul3A_365, %dma_wait3A_554] : memref<10240x16xf32, #tpu.memory_space<vmem_shared>> -> memref<640x16xf32, #tpu.memory_space<vmem_shared>>
      tpu.wait_dma2 semaphore(%run_scoped3A : memref<!tpu.dma_semaphore, #tpu.memory_space<semaphore_mem>>) src(%dma_wait3A_555 : memref<640x16xf32, #tpu.memory_space<vmem_shared>>) dst(%arg16 : memref<640x16xf32, #tpu.memory_space<vmem>>)
      tpu.yield
    }) : () -> ()
    %get3A = arith.constant 0 : index
    %get3A_366 = tpu.vector_load %arg17[%get3A] {strides = array<i32>} : memref<16xf32, #tpu.memory_space<vmem>>, vector<16xf32>,
    %get3A_367 = vector.shape_cast %get3A_366 : vector<16xf32> to vector<16xf32>
    %get3A_368 = arith.constant 0 : index
    %get3A_369 = tpu.vector_load %arg18[%get3A_368] {strides = array<i32>} : memref<16xf32, #tpu.memory_space<vmem>>, vector<16xf32>,
    %get3A_370 = vector.shape_cast %get3A_369 : vector<16xf32> to vector<16xf32>
    %scan3A = arith.constant 0 : i32
    %scan3A_371 = arith.constant 0 : i32
    %scan3A_372 = arith.constant 640 : i32
    %scan3A_373 = arith.addi %scan3A_371, %scan3A_372 : i32
    %scan3A_374 = arith.constant 1 : i32
    %scan3A_375 = scf.for %scan3A_548 = %scan3A_371 to %scan3A_373 step %scan3A_374 iter_args(%scan3A_549 = %scan3A) -> (i32)  : i32 {
      %get3A_550 = arith.index_cast %scan3A_548 : i32 to index
      %get3A_551 = arith.constant 0 : index
      %get3A_552 = tpu.vector_load %arg16[%get3A_550, %get3A_551] {strides = array<i32>} : memref<640x16xf32, #tpu.memory_space<vmem>>, vector<1x16xf32>,
      %get3A_553 = vector.shape_cast %get3A_552 : vector<1x16xf32> to vector<16xf32>
      %get3A_554 = arith.index_cast %scan3A_548 : i32 to index
      %get3A_555 = arith.constant 0 : index
      %get3A_556 = tpu.vector_load %arg14[%get3A_554, %get3A_555] {strides = array<i32>} : memref<640x16xf32, #tpu.memory_space<vmem>>, vector<1x16xf32>,
      %get3A_557 = vector.shape_cast %get3A_556 : vector<1x16xf32> to vector<16xf32>
      %max3A = arith.constant 1.000000e+00 : f32
      %max3A_558 = vector.broadcast %max3A : f32 to vector<16xf32>
      %max3A_559 = arith.maximumf %get3A_557, %max3A_558 : vector<16xf32>
      %div3A = arith.divf %get3A_553, %max3A_559 : vector<16xf32>
      %get3A_560 = arith.index_cast %scan3A_548 : i32 to index
      %get3A_561 = arith.constant 0 : index
      %get3A_562 = tpu.vector_load %arg15[%get3A_560, %get3A_561] {strides = array<i32>} : memref<640x16xf32, #tpu.memory_space<vmem>>, vector<1x16xf32>,
      %get3A_563 = vector.shape_cast %get3A_562 : vector<1x16xf32> to vector<16xf32>
      %add3A_564 = arith.addf %div3A, %get3A_563 : vector<16xf32>
      %mul3A_565 = arith.mulf %add3A_564, %get3A_367 : vector<16xf32>
      %add3A_566 = arith.addf %mul3A_565, %get3A_370 : vector<16xf32>
      %max3A_567 = arith.constant 0.000000e+00 : f32
      %max3A_568 = vector.broadcast %max3A_567 : f32 to vector<16xf32>
      %max3A_569 = arith.maximumf %add3A_566, %max3A_568 : vector<16xf32>
      %swap3A = arith.index_cast %scan3A_548 : i32 to index
      %swap3A_570 = arith.constant 0 : index
      %swap3A_571 = tpu.vector_load %arg16[%swap3A, %swap3A_570] {strides = array<i32>} : memref<640x16xf32, #tpu.memory_space<vmem>>, vector<1x16xf32>,
      %swap3A_572 = vector.shape_cast %swap3A_571 : vector<1x16xf32> to vector<16xf32>
      %swap3A_573 = vector.shape_cast %max3A_569 : vector<16xf32> to vector<1x16xf32>
      tpu.vector_store %arg16[%swap3A, %swap3A_570], %swap3A_573 {strides = array<i32>} : memref<640x16xf32, #tpu.memory_space<vmem>>, vector<1x16xf32>,
      %scan3A_574 = arith.constant 0 : i32
      scf.yield %scan3A_574 : i32
    }
    %scan3A_376 = arith.constant 640 : i32
    %mul3A_377 = arith.constant 640 : i32
    %mul3A_378 = arith.muli %arg1, %mul3A_377 : i32
    "tpu.region"() ({
      %run_scoped3A = tpu.sem_alloc : memref<!tpu.dma_semaphore, #tpu.memory_space<semaphore_mem>>
      %dma_start3A_548 = arith.constant 0 : i32
      %dma_start3A_549 = tpu.memref_slice %arg21[%mul3A_378, %dma_start3A_548] : memref<10240x16xf32, #tpu.memory_space<vmem_shared>> -> memref<640x16xf32, #tpu.memory_space<vmem_shared>>
      %dma_start3A_550 = arith.constant 0 : i32
      %dma_start3A_551 = tpu.memref_slice %arg21[%mul3A_378, %dma_start3A_550] : memref<10240x16xf32, #tpu.memory_space<vmem_shared>> -> memref<640x16xf32, #tpu.memory_space<vmem_shared>>
      tpu.enqueue_dma source(%arg16 : memref<640x16xf32, #tpu.memory_space<vmem>>) target(%dma_start3A_551 : memref<640x16xf32, #tpu.memory_space<vmem_shared>>) target_semaphore(%run_scoped3A : memref<!tpu.dma_semaphore, #tpu.memory_space<semaphore_mem>>)
      %dma_wait3A_552 = arith.constant 0 : i32
      %dma_wait3A_553 = tpu.memref_slice %arg21[%mul3A_378, %dma_wait3A_552] : memref<10240x16xf32, #tpu.memory_space<vmem_shared>> -> memref<640x16xf32, #tpu.memory_space<vmem_shared>>
      %dma_wait3A_554 = arith.constant 0 : i32
      %dma_wait3A_555 = tpu.memref_slice %arg21[%mul3A_378, %dma_wait3A_554] : memref<10240x16xf32, #tpu.memory_space<vmem_shared>> -> memref<640x16xf32, #tpu.memory_space<vmem_shared>>
      tpu.wait_dma2 semaphore(%run_scoped3A : memref<!tpu.dma_semaphore, #tpu.memory_space<semaphore_mem>>) src(%arg16 : memref<640x16xf32, #tpu.memory_space<vmem>>) dst(%dma_wait3A_555 : memref<640x16xf32, #tpu.memory_space<vmem_shared>>)
      tpu.yield
    }) : () -> ()
    %barrier3A_379 = arith.constant 0 : index
    tpu.barrier barrier_id(%barrier3A_379)
    %dma_start3A_380 = arith.constant 0 : i32
    %dma_start3A_381 = arith.constant 0 : i32
    %dma_start3A_382 = arith.constant 0 : i32
    %dma_start3A_383 = tpu.memref_slice %arg13[%dma_start3A_381, %dma_start3A_382] : memref<1250x16xf32, #tpu.memory_space<vmem>> -> memref<625x16xf32, #tpu.memory_space<vmem>>
    %dma_start3A_384 = arith.constant 0 : i32
    %dma_start3A_385 = tpu.memref_slice %arg12[%dma_start3A_380, %dma_start3A_384] : memref<8x625xi32, #tpu.memory_space<vmem>> -> memref<1x625xi32, #tpu.memory_space<vmem>>
    %dma_start3A_386 = tpu.memref_squeeze %dma_start3A_385 : memref<1x625xi32, #tpu.memory_space<vmem>> -> memref<625xi32, #tpu.memory_space<vmem>>
    %dma_start3A_387 = arith.constant 0 : i32
    %dma_start3A_388 = arith.constant 0 : i32
    %dma_start3A_389 = tpu.memref_slice %arg21[%dma_start3A_387, %dma_start3A_388] : memref<10240x16xf32, #tpu.memory_space<vmem_shared>> -> memref<10240x16xf32, #tpu.memory_space<vmem_shared>>
    tpu.enqueue_indirect_dma source(%dma_start3A_389 : memref<10240x16xf32, #tpu.memory_space<vmem_shared>>) target(%dma_start3A_383 : memref<625x16xf32, #tpu.memory_space<vmem>>) offsets(%dma_start3A_386 : memref<625xi32, #tpu.memory_space<vmem>>) semaphore(%arg20 : memref<!tpu.dma_semaphore, #tpu.memory_space<semaphore_mem>>)
    %dma_start3A_390 = arith.constant 1 : i32
    %dma_start3A_391 = arith.constant 625 : i32
    %dma_start3A_392 = arith.constant 0 : i32
    %dma_start3A_393 = tpu.memref_slice %arg13[%dma_start3A_391, %dma_start3A_392] : memref<1250x16xf32, #tpu.memory_space<vmem>> -> memref<625x16xf32, #tpu.memory_space<vmem>>
    %dma_start3A_394 = arith.constant 0 : i32
    %dma_start3A_395 = tpu.memref_slice %arg12[%dma_start3A_390, %dma_start3A_394] : memref<8x625xi32, #tpu.memory_space<vmem>> -> memref<1x625xi32, #tpu.memory_space<vmem>>
    %dma_start3A_396 = tpu.memref_squeeze %dma_start3A_395 : memref<1x625xi32, #tpu.memory_space<vmem>> -> memref<625xi32, #tpu.memory_space<vmem>>
    %dma_start3A_397 = arith.constant 0 : i32
    %dma_start3A_398 = arith.constant 0 : i32
    %dma_start3A_399 = tpu.memref_slice %arg21[%dma_start3A_397, %dma_start3A_398] : memref<10240x16xf32, #tpu.memory_space<vmem_shared>> -> memref<10240x16xf32, #tpu.memory_space<vmem_shared>>
    tpu.enqueue_indirect_dma source(%dma_start3A_399 : memref<10240x16xf32, #tpu.memory_space<vmem_shared>>) target(%dma_start3A_393 : memref<625x16xf32, #tpu.memory_space<vmem>>) offsets(%dma_start3A_396 : memref<625xi32, #tpu.memory_space<vmem>>) semaphore(%arg20 : memref<!tpu.dma_semaphore, #tpu.memory_space<semaphore_mem>>)
    %dma_wait3A_400 = arith.constant 0 : i32
    %dma_wait3A_401 = arith.constant 0 : i32
    %dma_wait3A_402 = arith.constant 0 : i32
    %dma_wait3A_403 = tpu.memref_slice %arg13[%dma_wait3A_401, %dma_wait3A_402] : memref<1250x16xf32, #tpu.memory_space<vmem>> -> memref<625x16xf32, #tpu.memory_space<vmem>>
    %dma_wait3A_404 = arith.constant 0 : i32
    %dma_wait3A_405 = tpu.memref_slice %arg12[%dma_wait3A_400, %dma_wait3A_404] : memref<8x625xi32, #tpu.memory_space<vmem>> -> memref<1x625xi32, #tpu.memory_space<vmem>>
    %dma_wait3A_406 = tpu.memref_squeeze %dma_wait3A_405 : memref<1x625xi32, #tpu.memory_space<vmem>> -> memref<625xi32, #tpu.memory_space<vmem>>
    %dma_wait3A_407 = arith.constant 0 : i32
    %dma_wait3A_408 = arith.constant 0 : i32
    %dma_wait3A_409 = tpu.memref_slice %arg21[%dma_wait3A_407, %dma_wait3A_408] : memref<10240x16xf32, #tpu.memory_space<vmem_shared>> -> memref<10240x16xf32, #tpu.memory_space<vmem_shared>>
    tpu.wait_indirect_dma semaphore(%arg20 : memref<!tpu.dma_semaphore, #tpu.memory_space<semaphore_mem>>) src(%dma_wait3A_409 : memref<10240x16xf32, #tpu.memory_space<vmem_shared>>) dst(%dma_wait3A_403 : memref<625x16xf32, #tpu.memory_space<vmem>>)
    %dma_wait3A_410 = arith.constant 1 : i32
    %dma_wait3A_411 = arith.constant 625 : i32
    %dma_wait3A_412 = arith.constant 0 : i32
    %dma_wait3A_413 = tpu.memref_slice %arg13[%dma_wait3A_411, %dma_wait3A_412] : memref<1250x16xf32, #tpu.memory_space<vmem>> -> memref<625x16xf32, #tpu.memory_space<vmem>>
    %dma_wait3A_414 = arith.constant 0 : i32
    %dma_wait3A_415 = tpu.memref_slice %arg12[%dma_wait3A_410, %dma_wait3A_414] : memref<8x625xi32, #tpu.memory_space<vmem>> -> memref<1x625xi32, #tpu.memory_space<vmem>>
    %dma_wait3A_416 = tpu.memref_squeeze %dma_wait3A_415 : memref<1x625xi32, #tpu.memory_space<vmem>> -> memref<625xi32, #tpu.memory_space<vmem>>
    %dma_wait3A_417 = arith.constant 0 : i32
    %dma_wait3A_418 = arith.constant 0 : i32
    %dma_wait3A_419 = tpu.memref_slice %arg21[%dma_wait3A_417, %dma_wait3A_418] : memref<10240x16xf32, #tpu.memory_space<vmem_shared>> -> memref<10240x16xf32, #tpu.memory_space<vmem_shared>>
    tpu.wait_indirect_dma semaphore(%arg20 : memref<!tpu.dma_semaphore, #tpu.memory_space<semaphore_mem>>) src(%dma_wait3A_419 : memref<10240x16xf32, #tpu.memory_space<vmem_shared>>) dst(%dma_wait3A_413 : memref<625x16xf32, #tpu.memory_space<vmem>>)
    %add3A_420 = arith.constant 0 : i32
    %add3A_421 = arith.addi %mul3A_2, %add3A_420 : i32
    "tpu.region"() ({
      %run_scoped3A = tpu.sem_alloc : memref<!tpu.dma_semaphore, #tpu.memory_space<semaphore_mem>>
      %dma_start3A_548 = arith.constant 0 : i32
      %dma_start3A_549 = tpu.memref_slice %arg10[%add3A_421, %dma_start3A_548] : memref<160000x16xf32, #tpu.memory_space<hbm>> -> memref<1250x16xf32, #tpu.memory_space<hbm>>
      %dma_start3A_550 = arith.constant 0 : i32
      %dma_start3A_551 = tpu.memref_slice %arg10[%add3A_421, %dma_start3A_550] : memref<160000x16xf32, #tpu.memory_space<hbm>> -> memref<1250x16xf32, #tpu.memory_space<hbm>>
      tpu.enqueue_dma source(%arg13 : memref<1250x16xf32, #tpu.memory_space<vmem>>) target(%dma_start3A_551 : memref<1250x16xf32, #tpu.memory_space<hbm>>) target_semaphore(%run_scoped3A : memref<!tpu.dma_semaphore, #tpu.memory_space<semaphore_mem>>)
      %dma_wait3A_552 = arith.constant 0 : i32
      %dma_wait3A_553 = tpu.memref_slice %arg10[%add3A_421, %dma_wait3A_552] : memref<160000x16xf32, #tpu.memory_space<hbm>> -> memref<1250x16xf32, #tpu.memory_space<hbm>>
      %dma_wait3A_554 = arith.constant 0 : i32
      %dma_wait3A_555 = tpu.memref_slice %arg10[%add3A_421, %dma_wait3A_554] : memref<160000x16xf32, #tpu.memory_space<hbm>> -> memref<1250x16xf32, #tpu.memory_space<hbm>>
      tpu.wait_dma2 semaphore(%run_scoped3A : memref<!tpu.dma_semaphore, #tpu.memory_space<semaphore_mem>>) src(%arg13 : memref<1250x16xf32, #tpu.memory_space<vmem>>) dst(%dma_wait3A_555 : memref<1250x16xf32, #tpu.memory_space<hbm>>)
      tpu.yield
    }) : () -> ()
    %dma_start3A_422 = arith.constant 2 : i32
    %dma_start3A_423 = arith.constant 0 : i32
    %dma_start3A_424 = arith.constant 0 : i32
    %dma_start3A_425 = tpu.memref_slice %arg13[%dma_start3A_423, %dma_start3A_424] : memref<1250x16xf32, #tpu.memory_space<vmem>> -> memref<625x16xf32, #tpu.memory_space<vmem>>
    %dma_start3A_426 = arith.constant 0 : i32
    %dma_start3A_427 = tpu.memref_slice %arg12[%dma_start3A_422, %dma_start3A_426] : memref<8x625xi32, #tpu.memory_space<vmem>> -> memref<1x625xi32, #tpu.memory_space<vmem>>
    %dma_start3A_428 = tpu.memref_squeeze %dma_start3A_427 : memref<1x625xi32, #tpu.memory_space<vmem>> -> memref<625xi32, #tpu.memory_space<vmem>>
    %dma_start3A_429 = arith.constant 0 : i32
    %dma_start3A_430 = arith.constant 0 : i32
    %dma_start3A_431 = tpu.memref_slice %arg21[%dma_start3A_429, %dma_start3A_430] : memref<10240x16xf32, #tpu.memory_space<vmem_shared>> -> memref<10240x16xf32, #tpu.memory_space<vmem_shared>>
    tpu.enqueue_indirect_dma source(%dma_start3A_431 : memref<10240x16xf32, #tpu.memory_space<vmem_shared>>) target(%dma_start3A_425 : memref<625x16xf32, #tpu.memory_space<vmem>>) offsets(%dma_start3A_428 : memref<625xi32, #tpu.memory_space<vmem>>) semaphore(%arg20 : memref<!tpu.dma_semaphore, #tpu.memory_space<semaphore_mem>>)
    %dma_start3A_432 = arith.constant 3 : i32
    %dma_start3A_433 = arith.constant 625 : i32
    %dma_start3A_434 = arith.constant 0 : i32
    %dma_start3A_435 = tpu.memref_slice %arg13[%dma_start3A_433, %dma_start3A_434] : memref<1250x16xf32, #tpu.memory_space<vmem>> -> memref<625x16xf32, #tpu.memory_space<vmem>>
    %dma_start3A_436 = arith.constant 0 : i32
    %dma_start3A_437 = tpu.memref_slice %arg12[%dma_start3A_432, %dma_start3A_436] : memref<8x625xi32, #tpu.memory_space<vmem>> -> memref<1x625xi32, #tpu.memory_space<vmem>>
    %dma_start3A_438 = tpu.memref_squeeze %dma_start3A_437 : memref<1x625xi32, #tpu.memory_space<vmem>> -> memref<625xi32, #tpu.memory_space<vmem>>
    %dma_start3A_439 = arith.constant 0 : i32
    %dma_start3A_440 = arith.constant 0 : i32
    %dma_start3A_441 = tpu.memref_slice %arg21[%dma_start3A_439, %dma_start3A_440] : memref<10240x16xf32, #tpu.memory_space<vmem_shared>> -> memref<10240x16xf32, #tpu.memory_space<vmem_shared>>
    tpu.enqueue_indirect_dma source(%dma_start3A_441 : memref<10240x16xf32, #tpu.memory_space<vmem_shared>>) target(%dma_start3A_435 : memref<625x16xf32, #tpu.memory_space<vmem>>) offsets(%dma_start3A_438 : memref<625xi32, #tpu.memory_space<vmem>>) semaphore(%arg20 : memref<!tpu.dma_semaphore, #tpu.memory_space<semaphore_mem>>)
    %dma_wait3A_442 = arith.constant 2 : i32
    %dma_wait3A_443 = arith.constant 0 : i32
    %dma_wait3A_444 = arith.constant 0 : i32
    %dma_wait3A_445 = tpu.memref_slice %arg13[%dma_wait3A_443, %dma_wait3A_444] : memref<1250x16xf32, #tpu.memory_space<vmem>> -> memref<625x16xf32, #tpu.memory_space<vmem>>
    %dma_wait3A_446 = arith.constant 0 : i32
    %dma_wait3A_447 = tpu.memref_slice %arg12[%dma_wait3A_442, %dma_wait3A_446] : memref<8x625xi32, #tpu.memory_space<vmem>> -> memref<1x625xi32, #tpu.memory_space<vmem>>
    %dma_wait3A_448 = tpu.memref_squeeze %dma_wait3A_447 : memref<1x625xi32, #tpu.memory_space<vmem>> -> memref<625xi32, #tpu.memory_space<vmem>>
    %dma_wait3A_449 = arith.constant 0 : i32
    %dma_wait3A_450 = arith.constant 0 : i32
    %dma_wait3A_451 = tpu.memref_slice %arg21[%dma_wait3A_449, %dma_wait3A_450] : memref<10240x16xf32, #tpu.memory_space<vmem_shared>> -> memref<10240x16xf32, #tpu.memory_space<vmem_shared>>
    tpu.wait_indirect_dma semaphore(%arg20 : memref<!tpu.dma_semaphore, #tpu.memory_space<semaphore_mem>>) src(%dma_wait3A_451 : memref<10240x16xf32, #tpu.memory_space<vmem_shared>>) dst(%dma_wait3A_445 : memref<625x16xf32, #tpu.memory_space<vmem>>)
    %dma_wait3A_452 = arith.constant 3 : i32
    %dma_wait3A_453 = arith.constant 625 : i32
    %dma_wait3A_454 = arith.constant 0 : i32
    %dma_wait3A_455 = tpu.memref_slice %arg13[%dma_wait3A_453, %dma_wait3A_454] : memref<1250x16xf32, #tpu.memory_space<vmem>> -> memref<625x16xf32, #tpu.memory_space<vmem>>
    %dma_wait3A_456 = arith.constant 0 : i32
    %dma_wait3A_457 = tpu.memref_slice %arg12[%dma_wait3A_452, %dma_wait3A_456] : memref<8x625xi32, #tpu.memory_space<vmem>> -> memref<1x625xi32, #tpu.memory_space<vmem>>
    %dma_wait3A_458 = tpu.memref_squeeze %dma_wait3A_457 : memref<1x625xi32, #tpu.memory_space<vmem>> -> memref<625xi32, #tpu.memory_space<vmem>>
    %dma_wait3A_459 = arith.constant 0 : i32
    %dma_wait3A_460 = arith.constant 0 : i32
    %dma_wait3A_461 = tpu.memref_slice %arg21[%dma_wait3A_459, %dma_wait3A_460] : memref<10240x16xf32, #tpu.memory_space<vmem_shared>> -> memref<10240x16xf32, #tpu.memory_space<vmem_shared>>
    tpu.wait_indirect_dma semaphore(%arg20 : memref<!tpu.dma_semaphore, #tpu.memory_space<semaphore_mem>>) src(%dma_wait3A_461 : memref<10240x16xf32, #tpu.memory_space<vmem_shared>>) dst(%dma_wait3A_455 : memref<625x16xf32, #tpu.memory_space<vmem>>)
    %add3A_462 = arith.constant 1250 : i32
    %add3A_463 = arith.addi %mul3A_2, %add3A_462 : i32
    "tpu.region"() ({
      %run_scoped3A = tpu.sem_alloc : memref<!tpu.dma_semaphore, #tpu.memory_space<semaphore_mem>>
      %dma_start3A_548 = arith.constant 0 : i32
      %dma_start3A_549 = tpu.memref_slice %arg10[%add3A_463, %dma_start3A_548] : memref<160000x16xf32, #tpu.memory_space<hbm>> -> memref<1250x16xf32, #tpu.memory_space<hbm>>
      %dma_start3A_550 = arith.constant 0 : i32
      %dma_start3A_551 = tpu.memref_slice %arg10[%add3A_463, %dma_start3A_550] : memref<160000x16xf32, #tpu.memory_space<hbm>> -> memref<1250x16xf32, #tpu.memory_space<hbm>>
      tpu.enqueue_dma source(%arg13 : memref<1250x16xf32, #tpu.memory_space<vmem>>) target(%dma_start3A_551 : memref<1250x16xf32, #tpu.memory_space<hbm>>) target_semaphore(%run_scoped3A : memref<!tpu.dma_semaphore, #tpu.memory_space<semaphore_mem>>)
      %dma_wait3A_552 = arith.constant 0 : i32
      %dma_wait3A_553 = tpu.memref_slice %arg10[%add3A_463, %dma_wait3A_552] : memref<160000x16xf32, #tpu.memory_space<hbm>> -> memref<1250x16xf32, #tpu.memory_space<hbm>>
      %dma_wait3A_554 = arith.constant 0 : i32
      %dma_wait3A_555 = tpu.memref_slice %arg10[%add3A_463, %dma_wait3A_554] : memref<160000x16xf32, #tpu.memory_space<hbm>> -> memref<1250x16xf32, #tpu.memory_space<hbm>>
      tpu.wait_dma2 semaphore(%run_scoped3A : memref<!tpu.dma_semaphore, #tpu.memory_space<semaphore_mem>>) src(%arg13 : memref<1250x16xf32, #tpu.memory_space<vmem>>) dst(%dma_wait3A_555 : memref<1250x16xf32, #tpu.memory_space<hbm>>)
      tpu.yield
    }) : () -> ()
    %dma_start3A_464 = arith.constant 4 : i32
    %dma_start3A_465 = arith.constant 0 : i32
    %dma_start3A_466 = arith.constant 0 : i32
    %dma_start3A_467 = tpu.memref_slice %arg13[%dma_start3A_465, %dma_start3A_466] : memref<1250x16xf32, #tpu.memory_space<vmem>> -> memref<625x16xf32, #tpu.memory_space<vmem>>
    %dma_start3A_468 = arith.constant 0 : i32
    %dma_start3A_469 = tpu.memref_slice %arg12[%dma_start3A_464, %dma_start3A_468] : memref<8x625xi32, #tpu.memory_space<vmem>> -> memref<1x625xi32, #tpu.memory_space<vmem>>
    %dma_start3A_470 = tpu.memref_squeeze %dma_start3A_469 : memref<1x625xi32, #tpu.memory_space<vmem>> -> memref<625xi32, #tpu.memory_space<vmem>>
    %dma_start3A_471 = arith.constant 0 : i32
    %dma_start3A_472 = arith.constant 0 : i32
    %dma_start3A_473 = tpu.memref_slice %arg21[%dma_start3A_471, %dma_start3A_472] : memref<10240x16xf32, #tpu.memory_space<vmem_shared>> -> memref<10240x16xf32, #tpu.memory_space<vmem_shared>>
    tpu.enqueue_indirect_dma source(%dma_start3A_473 : memref<10240x16xf32, #tpu.memory_space<vmem_shared>>) target(%dma_start3A_467 : memref<625x16xf32, #tpu.memory_space<vmem>>) offsets(%dma_start3A_470 : memref<625xi32, #tpu.memory_space<vmem>>) semaphore(%arg20 : memref<!tpu.dma_semaphore, #tpu.memory_space<semaphore_mem>>)
    %dma_start3A_474 = arith.constant 5 : i32
    %dma_start3A_475 = arith.constant 625 : i32
    %dma_start3A_476 = arith.constant 0 : i32
    %dma_start3A_477 = tpu.memref_slice %arg13[%dma_start3A_475, %dma_start3A_476] : memref<1250x16xf32, #tpu.memory_space<vmem>> -> memref<625x16xf32, #tpu.memory_space<vmem>>
    %dma_start3A_478 = arith.constant 0 : i32
    %dma_start3A_479 = tpu.memref_slice %arg12[%dma_start3A_474, %dma_start3A_478] : memref<8x625xi32, #tpu.memory_space<vmem>> -> memref<1x625xi32, #tpu.memory_space<vmem>>
    %dma_start3A_480 = tpu.memref_squeeze %dma_start3A_479 : memref<1x625xi32, #tpu.memory_space<vmem>> -> memref<625xi32, #tpu.memory_space<vmem>>
    %dma_start3A_481 = arith.constant 0 : i32
    %dma_start3A_482 = arith.constant 0 : i32
    %dma_start3A_483 = tpu.memref_slice %arg21[%dma_start3A_481, %dma_start3A_482] : memref<10240x16xf32, #tpu.memory_space<vmem_shared>> -> memref<10240x16xf32, #tpu.memory_space<vmem_shared>>
    tpu.enqueue_indirect_dma source(%dma_start3A_483 : memref<10240x16xf32, #tpu.memory_space<vmem_shared>>) target(%dma_start3A_477 : memref<625x16xf32, #tpu.memory_space<vmem>>) offsets(%dma_start3A_480 : memref<625xi32, #tpu.memory_space<vmem>>) semaphore(%arg20 : memref<!tpu.dma_semaphore, #tpu.memory_space<semaphore_mem>>)
    %dma_wait3A_484 = arith.constant 4 : i32
    %dma_wait3A_485 = arith.constant 0 : i32
    %dma_wait3A_486 = arith.constant 0 : i32
    %dma_wait3A_487 = tpu.memref_slice %arg13[%dma_wait3A_485, %dma_wait3A_486] : memref<1250x16xf32, #tpu.memory_space<vmem>> -> memref<625x16xf32, #tpu.memory_space<vmem>>
    %dma_wait3A_488 = arith.constant 0 : i32
    %dma_wait3A_489 = tpu.memref_slice %arg12[%dma_wait3A_484, %dma_wait3A_488] : memref<8x625xi32, #tpu.memory_space<vmem>> -> memref<1x625xi32, #tpu.memory_space<vmem>>
    %dma_wait3A_490 = tpu.memref_squeeze %dma_wait3A_489 : memref<1x625xi32, #tpu.memory_space<vmem>> -> memref<625xi32, #tpu.memory_space<vmem>>
    %dma_wait3A_491 = arith.constant 0 : i32
    %dma_wait3A_492 = arith.constant 0 : i32
    %dma_wait3A_493 = tpu.memref_slice %arg21[%dma_wait3A_491, %dma_wait3A_492] : memref<10240x16xf32, #tpu.memory_space<vmem_shared>> -> memref<10240x16xf32, #tpu.memory_space<vmem_shared>>
    tpu.wait_indirect_dma semaphore(%arg20 : memref<!tpu.dma_semaphore, #tpu.memory_space<semaphore_mem>>) src(%dma_wait3A_493 : memref<10240x16xf32, #tpu.memory_space<vmem_shared>>) dst(%dma_wait3A_487 : memref<625x16xf32, #tpu.memory_space<vmem>>)
    %dma_wait3A_494 = arith.constant 5 : i32
    %dma_wait3A_495 = arith.constant 625 : i32
    %dma_wait3A_496 = arith.constant 0 : i32
    %dma_wait3A_497 = tpu.memref_slice %arg13[%dma_wait3A_495, %dma_wait3A_496] : memref<1250x16xf32, #tpu.memory_space<vmem>> -> memref<625x16xf32, #tpu.memory_space<vmem>>
    %dma_wait3A_498 = arith.constant 0 : i32
    %dma_wait3A_499 = tpu.memref_slice %arg12[%dma_wait3A_494, %dma_wait3A_498] : memref<8x625xi32, #tpu.memory_space<vmem>> -> memref<1x625xi32, #tpu.memory_space<vmem>>
    %dma_wait3A_500 = tpu.memref_squeeze %dma_wait3A_499 : memref<1x625xi32, #tpu.memory_space<vmem>> -> memref<625xi32, #tpu.memory_space<vmem>>
    %dma_wait3A_501 = arith.constant 0 : i32
    %dma_wait3A_502 = arith.constant 0 : i32
    %dma_wait3A_503 = tpu.memref_slice %arg21[%dma_wait3A_501, %dma_wait3A_502] : memref<10240x16xf32, #tpu.memory_space<vmem_shared>> -> memref<10240x16xf32, #tpu.memory_space<vmem_shared>>
    tpu.wait_indirect_dma semaphore(%arg20 : memref<!tpu.dma_semaphore, #tpu.memory_space<semaphore_mem>>) src(%dma_wait3A_503 : memref<10240x16xf32, #tpu.memory_space<vmem_shared>>) dst(%dma_wait3A_497 : memref<625x16xf32, #tpu.memory_space<vmem>>)
    %add3A_504 = arith.constant 2500 : i32
    %add3A_505 = arith.addi %mul3A_2, %add3A_504 : i32
    "tpu.region"() ({
      %run_scoped3A = tpu.sem_alloc : memref<!tpu.dma_semaphore, #tpu.memory_space<semaphore_mem>>
      %dma_start3A_548 = arith.constant 0 : i32
      %dma_start3A_549 = tpu.memref_slice %arg10[%add3A_505, %dma_start3A_548] : memref<160000x16xf32, #tpu.memory_space<hbm>> -> memref<1250x16xf32, #tpu.memory_space<hbm>>
      %dma_start3A_550 = arith.constant 0 : i32
      %dma_start3A_551 = tpu.memref_slice %arg10[%add3A_505, %dma_start3A_550] : memref<160000x16xf32, #tpu.memory_space<hbm>> -> memref<1250x16xf32, #tpu.memory_space<hbm>>
      tpu.enqueue_dma source(%arg13 : memref<1250x16xf32, #tpu.memory_space<vmem>>) target(%dma_start3A_551 : memref<1250x16xf32, #tpu.memory_space<hbm>>) target_semaphore(%run_scoped3A : memref<!tpu.dma_semaphore, #tpu.memory_space<semaphore_mem>>)
      %dma_wait3A_552 = arith.constant 0 : i32
      %dma_wait3A_553 = tpu.memref_slice %arg10[%add3A_505, %dma_wait3A_552] : memref<160000x16xf32, #tpu.memory_space<hbm>> -> memref<1250x16xf32, #tpu.memory_space<hbm>>
      %dma_wait3A_554 = arith.constant 0 : i32
      %dma_wait3A_555 = tpu.memref_slice %arg10[%add3A_505, %dma_wait3A_554] : memref<160000x16xf32, #tpu.memory_space<hbm>> -> memref<1250x16xf32, #tpu.memory_space<hbm>>
      tpu.wait_dma2 semaphore(%run_scoped3A : memref<!tpu.dma_semaphore, #tpu.memory_space<semaphore_mem>>) src(%arg13 : memref<1250x16xf32, #tpu.memory_space<vmem>>) dst(%dma_wait3A_555 : memref<1250x16xf32, #tpu.memory_space<hbm>>)
      tpu.yield
    }) : () -> ()
    %dma_start3A_506 = arith.constant 6 : i32
    %dma_start3A_507 = arith.constant 0 : i32
    %dma_start3A_508 = arith.constant 0 : i32
    %dma_start3A_509 = tpu.memref_slice %arg13[%dma_start3A_507, %dma_start3A_508] : memref<1250x16xf32, #tpu.memory_space<vmem>> -> memref<625x16xf32, #tpu.memory_space<vmem>>
    %dma_start3A_510 = arith.constant 0 : i32
    %dma_start3A_511 = tpu.memref_slice %arg12[%dma_start3A_506, %dma_start3A_510] : memref<8x625xi32, #tpu.memory_space<vmem>> -> memref<1x625xi32, #tpu.memory_space<vmem>>
    %dma_start3A_512 = tpu.memref_squeeze %dma_start3A_511 : memref<1x625xi32, #tpu.memory_space<vmem>> -> memref<625xi32, #tpu.memory_space<vmem>>
    %dma_start3A_513 = arith.constant 0 : i32
    %dma_start3A_514 = arith.constant 0 : i32
    %dma_start3A_515 = tpu.memref_slice %arg21[%dma_start3A_513, %dma_start3A_514] : memref<10240x16xf32, #tpu.memory_space<vmem_shared>> -> memref<10240x16xf32, #tpu.memory_space<vmem_shared>>
    tpu.enqueue_indirect_dma source(%dma_start3A_515 : memref<10240x16xf32, #tpu.memory_space<vmem_shared>>) target(%dma_start3A_509 : memref<625x16xf32, #tpu.memory_space<vmem>>) offsets(%dma_start3A_512 : memref<625xi32, #tpu.memory_space<vmem>>) semaphore(%arg20 : memref<!tpu.dma_semaphore, #tpu.memory_space<semaphore_mem>>)
    %dma_start3A_516 = arith.constant 7 : i32
    %dma_start3A_517 = arith.constant 625 : i32
    %dma_start3A_518 = arith.constant 0 : i32
    %dma_start3A_519 = tpu.memref_slice %arg13[%dma_start3A_517, %dma_start3A_518] : memref<1250x16xf32, #tpu.memory_space<vmem>> -> memref<625x16xf32, #tpu.memory_space<vmem>>
    %dma_start3A_520 = arith.constant 0 : i32
    %dma_start3A_521 = tpu.memref_slice %arg12[%dma_start3A_516, %dma_start3A_520] : memref<8x625xi32, #tpu.memory_space<vmem>> -> memref<1x625xi32, #tpu.memory_space<vmem>>
    %dma_start3A_522 = tpu.memref_squeeze %dma_start3A_521 : memref<1x625xi32, #tpu.memory_space<vmem>> -> memref<625xi32, #tpu.memory_space<vmem>>
    %dma_start3A_523 = arith.constant 0 : i32
    %dma_start3A_524 = arith.constant 0 : i32
    %dma_start3A_525 = tpu.memref_slice %arg21[%dma_start3A_523, %dma_start3A_524] : memref<10240x16xf32, #tpu.memory_space<vmem_shared>> -> memref<10240x16xf32, #tpu.memory_space<vmem_shared>>
    tpu.enqueue_indirect_dma source(%dma_start3A_525 : memref<10240x16xf32, #tpu.memory_space<vmem_shared>>) target(%dma_start3A_519 : memref<625x16xf32, #tpu.memory_space<vmem>>) offsets(%dma_start3A_522 : memref<625xi32, #tpu.memory_space<vmem>>) semaphore(%arg20 : memref<!tpu.dma_semaphore, #tpu.memory_space<semaphore_mem>>)
    %dma_wait3A_526 = arith.constant 6 : i32
    %dma_wait3A_527 = arith.constant 0 : i32
    %dma_wait3A_528 = arith.constant 0 : i32
    %dma_wait3A_529 = tpu.memref_slice %arg13[%dma_wait3A_527, %dma_wait3A_528] : memref<1250x16xf32, #tpu.memory_space<vmem>> -> memref<625x16xf32, #tpu.memory_space<vmem>>
    %dma_wait3A_530 = arith.constant 0 : i32
    %dma_wait3A_531 = tpu.memref_slice %arg12[%dma_wait3A_526, %dma_wait3A_530] : memref<8x625xi32, #tpu.memory_space<vmem>> -> memref<1x625xi32, #tpu.memory_space<vmem>>
    %dma_wait3A_532 = tpu.memref_squeeze %dma_wait3A_531 : memref<1x625xi32, #tpu.memory_space<vmem>> -> memref<625xi32, #tpu.memory_space<vmem>>
    %dma_wait3A_533 = arith.constant 0 : i32
    %dma_wait3A_534 = arith.constant 0 : i32
    %dma_wait3A_535 = tpu.memref_slice %arg21[%dma_wait3A_533, %dma_wait3A_534] : memref<10240x16xf32, #tpu.memory_space<vmem_shared>> -> memref<10240x16xf32, #tpu.memory_space<vmem_shared>>
    tpu.wait_indirect_dma semaphore(%arg20 : memref<!tpu.dma_semaphore, #tpu.memory_space<semaphore_mem>>) src(%dma_wait3A_535 : memref<10240x16xf32, #tpu.memory_space<vmem_shared>>) dst(%dma_wait3A_529 : memref<625x16xf32, #tpu.memory_space<vmem>>)
    %dma_wait3A_536 = arith.constant 7 : i32
    %dma_wait3A_537 = arith.constant 625 : i32
    %dma_wait3A_538 = arith.constant 0 : i32
    %dma_wait3A_539 = tpu.memref_slice %arg13[%dma_wait3A_537, %dma_wait3A_538] : memref<1250x16xf32, #tpu.memory_space<vmem>> -> memref<625x16xf32, #tpu.memory_space<vmem>>
    %dma_wait3A_540 = arith.constant 0 : i32
    %dma_wait3A_541 = tpu.memref_slice %arg12[%dma_wait3A_536, %dma_wait3A_540] : memref<8x625xi32, #tpu.memory_space<vmem>> -> memref<1x625xi32, #tpu.memory_space<vmem>>
    %dma_wait3A_542 = tpu.memref_squeeze %dma_wait3A_541 : memref<1x625xi32, #tpu.memory_space<vmem>> -> memref<625xi32, #tpu.memory_space<vmem>>
    %dma_wait3A_543 = arith.constant 0 : i32
    %dma_wait3A_544 = arith.constant 0 : i32
    %dma_wait3A_545 = tpu.memref_slice %arg21[%dma_wait3A_543, %dma_wait3A_544] : memref<10240x16xf32, #tpu.memory_space<vmem_shared>> -> memref<10240x16xf32, #tpu.memory_space<vmem_shared>>
    tpu.wait_indirect_dma semaphore(%arg20 : memref<!tpu.dma_semaphore, #tpu.memory_space<semaphore_mem>>) src(%dma_wait3A_545 : memref<10240x16xf32, #tpu.memory_space<vmem_shared>>) dst(%dma_wait3A_539 : memref<625x16xf32, #tpu.memory_space<vmem>>)
    %add3A_546 = arith.constant 3750 : i32
    %add3A_547 = arith.addi %mul3A_2, %add3A_546 : i32
    "tpu.region"() ({
      %run_scoped3A = tpu.sem_alloc : memref<!tpu.dma_semaphore, #tpu.memory_space<semaphore_mem>>
      %dma_start3A_548 = arith.constant 0 : i32
      %dma_start3A_549 = tpu.memref_slice %arg10[%add3A_547, %dma_start3A_548] : memref<160000x16xf32, #tpu.memory_space<hbm>> -> memref<1250x16xf32, #tpu.memory_space<hbm>>
      %dma_start3A_550 = arith.constant 0 : i32
      %dma_start3A_551 = tpu.memref_slice %arg10[%add3A_547, %dma_start3A_550] : memref<160000x16xf32, #tpu.memory_space<hbm>> -> memref<1250x16xf32, #tpu.memory_space<hbm>>
      tpu.enqueue_dma source(%arg13 : memref<1250x16xf32, #tpu.memory_space<vmem>>) target(%dma_start3A_551 : memref<1250x16xf32, #tpu.memory_space<hbm>>) target_semaphore(%run_scoped3A : memref<!tpu.dma_semaphore, #tpu.memory_space<semaphore_mem>>)
      %dma_wait3A_552 = arith.constant 0 : i32
      %dma_wait3A_553 = tpu.memref_slice %arg10[%add3A_547, %dma_wait3A_552] : memref<160000x16xf32, #tpu.memory_space<hbm>> -> memref<1250x16xf32, #tpu.memory_space<hbm>>
      %dma_wait3A_554 = arith.constant 0 : i32
      %dma_wait3A_555 = tpu.memref_slice %arg10[%add3A_547, %dma_wait3A_554] : memref<160000x16xf32, #tpu.memory_space<hbm>> -> memref<1250x16xf32, #tpu.memory_space<hbm>>
      tpu.wait_dma2 semaphore(%run_scoped3A : memref<!tpu.dma_semaphore, #tpu.memory_space<semaphore_mem>>) src(%arg13 : memref<1250x16xf32, #tpu.memory_space<vmem>>) dst(%dma_wait3A_555 : memref<1250x16xf32, #tpu.memory_space<hbm>>)
      tpu.yield
    }) : () -> ()
    return
  }
}

#map = affine_map<(d0, d1) -> (0, 0)>
#map1 = affine_map<(d0, d1) -> (0)>
module attributes {stable_mosaic.version = 14 : i64} {
  func.func @k(%arg0: i32, %arg1: i32, %arg2: memref<160000x16xf32, #tpu.memory_space<hbm>>, %arg3: memref<256x625xi32, #tpu.memory_space<hbm>>, %arg4: memref<256x625xi32, #tpu.memory_space<hbm>>, %arg5: memref<10240x16xf32, #tpu.memory_space<hbm>>, %arg6: memref<10240x16xf32, #tpu.memory_space<hbm>>, %arg7: memref<16xf32, #tpu.memory_space<hbm>>, %arg8: memref<16xf32, #tpu.memory_space<hbm>>, %arg9: memref<640x16xf32, #tpu.memory_space<hbm>>, %arg10: memref<160000x16xf32, #tpu.memory_space<hbm>>, %arg11: memref<10240x16xf32, #tpu.memory_space<hbm>>, %arg12: memref<16x625xi32, #tpu.memory_space<vmem>>, %arg13: memref<8x625xi32, #tpu.memory_space<vmem>>, %arg14: memref<1250x16xf32, #tpu.memory_space<vmem>>, %arg15: memref<640x16xf32, #tpu.memory_space<vmem>>, %arg16: memref<640x16xf32, #tpu.memory_space<vmem>>, %arg17: memref<640x16xf32, #tpu.memory_space<vmem>>, %arg18: memref<16xf32, #tpu.memory_space<vmem>>, %arg19: memref<16xf32, #tpu.memory_space<vmem>>, %arg20: memref<!tpu.dma_semaphore, #tpu.memory_space<semaphore_mem>>, %arg21: memref<!tpu.dma_semaphore, #tpu.memory_space<semaphore_mem>>, %arg22: memref<10240x16xf32, #tpu.memory_space<vmem_shared>>) attributes {dimension_semantics = [#tpu.dimension_semantics<core_parallel>, #tpu.dimension_semantics<subcore_parallel>], iteration_bounds = array<i64: 2, 16>, scalar_prefetch = 0 : i64, scratch_operands = 11 : i64, tpu.core_type = #tpu.core_type<sc_vector_subcore>, window_params = [{transform_indices = #map}, {transform_indices = #map}, {transform_indices = #map}, {transform_indices = #map}, {transform_indices = #map}, {transform_indices = #map1}, {transform_indices = #map1}, {transform_indices = #map}, {transform_indices = #map}, {transform_indices = #map}]} {
    %mul3A = arith.constant 16 : i32
    %mul3A_0 = arith.muli %arg0, %mul3A : i32
    %add3A = arith.addi %mul3A_0, %arg1 : i32
    %mul3A_1 = arith.constant 5000 : i32
    %mul3A_2 = arith.muli %add3A, %mul3A_1 : i32
    %mul3A_3 = arith.constant 16 : i32
    %mul3A_4 = arith.muli %arg1, %mul3A_3 : i32
    "tpu.region"() ({
      %run_scoped3A = tpu.sem_alloc : memref<!tpu.dma_semaphore, #tpu.memory_space<semaphore_mem>>
      %dma_start3A_550 = arith.constant 0 : i32
      %dma_start3A_551 = tpu.memref_slice %arg3[%mul3A_4, %dma_start3A_550] : memref<256x625xi32, #tpu.memory_space<hbm>> -> memref<16x625xi32, #tpu.memory_space<hbm>>
      %dma_start3A_552 = arith.constant 0 : i32
      %dma_start3A_553 = tpu.memref_slice %arg3[%mul3A_4, %dma_start3A_552] : memref<256x625xi32, #tpu.memory_space<hbm>> -> memref<16x625xi32, #tpu.memory_space<hbm>>
      tpu.enqueue_dma source(%dma_start3A_553 : memref<16x625xi32, #tpu.memory_space<hbm>>) target(%arg12 : memref<16x625xi32, #tpu.memory_space<vmem>>) target_semaphore(%run_scoped3A : memref<!tpu.dma_semaphore, #tpu.memory_space<semaphore_mem>>)
      %dma_wait3A_554 = arith.constant 0 : i32
      %dma_wait3A_555 = tpu.memref_slice %arg3[%mul3A_4, %dma_wait3A_554] : memref<256x625xi32, #tpu.memory_space<hbm>> -> memref<16x625xi32, #tpu.memory_space<hbm>>
      %dma_wait3A_556 = arith.constant 0 : i32
      %dma_wait3A_557 = tpu.memref_slice %arg3[%mul3A_4, %dma_wait3A_556] : memref<256x625xi32, #tpu.memory_space<hbm>> -> memref<16x625xi32, #tpu.memory_space<hbm>>
      tpu.wait_dma2 semaphore(%run_scoped3A : memref<!tpu.dma_semaphore, #tpu.memory_space<semaphore_mem>>) src(%dma_wait3A_557 : memref<16x625xi32, #tpu.memory_space<hbm>>) dst(%arg12 : memref<16x625xi32, #tpu.memory_space<vmem>>)
      tpu.yield
    }) : () -> ()
    %mul3A_5 = arith.constant 8 : i32
    %mul3A_6 = arith.muli %add3A, %mul3A_5 : i32
    "tpu.region"() ({
      %run_scoped3A = tpu.sem_alloc : memref<!tpu.dma_semaphore, #tpu.memory_space<semaphore_mem>>
      %dma_start3A_550 = arith.constant 0 : i32
      %dma_start3A_551 = tpu.memref_slice %arg4[%mul3A_6, %dma_start3A_550] : memref<256x625xi32, #tpu.memory_space<hbm>> -> memref<8x625xi32, #tpu.memory_space<hbm>>
      %dma_start3A_552 = arith.constant 0 : i32
      %dma_start3A_553 = tpu.memref_slice %arg4[%mul3A_6, %dma_start3A_552] : memref<256x625xi32, #tpu.memory_space<hbm>> -> memref<8x625xi32, #tpu.memory_space<hbm>>
      tpu.enqueue_dma source(%dma_start3A_553 : memref<8x625xi32, #tpu.memory_space<hbm>>) target(%arg13 : memref<8x625xi32, #tpu.memory_space<vmem>>) target_semaphore(%run_scoped3A : memref<!tpu.dma_semaphore, #tpu.memory_space<semaphore_mem>>)
      %dma_wait3A_554 = arith.constant 0 : i32
      %dma_wait3A_555 = tpu.memref_slice %arg4[%mul3A_6, %dma_wait3A_554] : memref<256x625xi32, #tpu.memory_space<hbm>> -> memref<8x625xi32, #tpu.memory_space<hbm>>
      %dma_wait3A_556 = arith.constant 0 : i32
      %dma_wait3A_557 = tpu.memref_slice %arg4[%mul3A_6, %dma_wait3A_556] : memref<256x625xi32, #tpu.memory_space<hbm>> -> memref<8x625xi32, #tpu.memory_space<hbm>>
      tpu.wait_dma2 semaphore(%run_scoped3A : memref<!tpu.dma_semaphore, #tpu.memory_space<semaphore_mem>>) src(%dma_wait3A_557 : memref<8x625xi32, #tpu.memory_space<hbm>>) dst(%arg13 : memref<8x625xi32, #tpu.memory_space<vmem>>)
      tpu.yield
    }) : () -> ()
    %mul3A_7 = arith.constant 640 : i32
    %mul3A_8 = arith.muli %arg1, %mul3A_7 : i32
    "tpu.region"() ({
      %run_scoped3A = tpu.sem_alloc : memref<!tpu.dma_semaphore, #tpu.memory_space<semaphore_mem>>
      %dma_start3A_550 = arith.constant 0 : i32
      %dma_start3A_551 = tpu.memref_slice %arg5[%mul3A_8, %dma_start3A_550] : memref<10240x16xf32, #tpu.memory_space<hbm>> -> memref<640x16xf32, #tpu.memory_space<hbm>>
      %dma_start3A_552 = arith.constant 0 : i32
      %dma_start3A_553 = tpu.memref_slice %arg5[%mul3A_8, %dma_start3A_552] : memref<10240x16xf32, #tpu.memory_space<hbm>> -> memref<640x16xf32, #tpu.memory_space<hbm>>
      tpu.enqueue_dma source(%dma_start3A_553 : memref<640x16xf32, #tpu.memory_space<hbm>>) target(%arg15 : memref<640x16xf32, #tpu.memory_space<vmem>>) target_semaphore(%run_scoped3A : memref<!tpu.dma_semaphore, #tpu.memory_space<semaphore_mem>>)
      %dma_wait3A_554 = arith.constant 0 : i32
      %dma_wait3A_555 = tpu.memref_slice %arg5[%mul3A_8, %dma_wait3A_554] : memref<10240x16xf32, #tpu.memory_space<hbm>> -> memref<640x16xf32, #tpu.memory_space<hbm>>
      %dma_wait3A_556 = arith.constant 0 : i32
      %dma_wait3A_557 = tpu.memref_slice %arg5[%mul3A_8, %dma_wait3A_556] : memref<10240x16xf32, #tpu.memory_space<hbm>> -> memref<640x16xf32, #tpu.memory_space<hbm>>
      tpu.wait_dma2 semaphore(%run_scoped3A : memref<!tpu.dma_semaphore, #tpu.memory_space<semaphore_mem>>) src(%dma_wait3A_557 : memref<640x16xf32, #tpu.memory_space<hbm>>) dst(%arg15 : memref<640x16xf32, #tpu.memory_space<vmem>>)
      tpu.yield
    }) : () -> ()
    %mul3A_9 = arith.constant 640 : i32
    %mul3A_10 = arith.muli %arg1, %mul3A_9 : i32
    "tpu.region"() ({
      %run_scoped3A = tpu.sem_alloc : memref<!tpu.dma_semaphore, #tpu.memory_space<semaphore_mem>>
      %dma_start3A_550 = arith.constant 0 : i32
      %dma_start3A_551 = tpu.memref_slice %arg6[%mul3A_10, %dma_start3A_550] : memref<10240x16xf32, #tpu.memory_space<hbm>> -> memref<640x16xf32, #tpu.memory_space<hbm>>
      %dma_start3A_552 = arith.constant 0 : i32
      %dma_start3A_553 = tpu.memref_slice %arg6[%mul3A_10, %dma_start3A_552] : memref<10240x16xf32, #tpu.memory_space<hbm>> -> memref<640x16xf32, #tpu.memory_space<hbm>>
      tpu.enqueue_dma source(%dma_start3A_553 : memref<640x16xf32, #tpu.memory_space<hbm>>) target(%arg16 : memref<640x16xf32, #tpu.memory_space<vmem>>) target_semaphore(%run_scoped3A : memref<!tpu.dma_semaphore, #tpu.memory_space<semaphore_mem>>)
      %dma_wait3A_554 = arith.constant 0 : i32
      %dma_wait3A_555 = tpu.memref_slice %arg6[%mul3A_10, %dma_wait3A_554] : memref<10240x16xf32, #tpu.memory_space<hbm>> -> memref<640x16xf32, #tpu.memory_space<hbm>>
      %dma_wait3A_556 = arith.constant 0 : i32
      %dma_wait3A_557 = tpu.memref_slice %arg6[%mul3A_10, %dma_wait3A_556] : memref<10240x16xf32, #tpu.memory_space<hbm>> -> memref<640x16xf32, #tpu.memory_space<hbm>>
      tpu.wait_dma2 semaphore(%run_scoped3A : memref<!tpu.dma_semaphore, #tpu.memory_space<semaphore_mem>>) src(%dma_wait3A_557 : memref<640x16xf32, #tpu.memory_space<hbm>>) dst(%arg16 : memref<640x16xf32, #tpu.memory_space<vmem>>)
      tpu.yield
    }) : () -> ()
    "tpu.region"() ({
      %run_scoped3A = tpu.sem_alloc : memref<!tpu.dma_semaphore, #tpu.memory_space<semaphore_mem>>
      tpu.enqueue_dma source(%arg7 : memref<16xf32, #tpu.memory_space<hbm>>) target(%arg18 : memref<16xf32, #tpu.memory_space<vmem>>) target_semaphore(%run_scoped3A : memref<!tpu.dma_semaphore, #tpu.memory_space<semaphore_mem>>)
      tpu.wait_dma2 semaphore(%run_scoped3A : memref<!tpu.dma_semaphore, #tpu.memory_space<semaphore_mem>>) src(%arg7 : memref<16xf32, #tpu.memory_space<hbm>>) dst(%arg18 : memref<16xf32, #tpu.memory_space<vmem>>)
      tpu.yield
    }) : () -> ()
    "tpu.region"() ({
      %run_scoped3A = tpu.sem_alloc : memref<!tpu.dma_semaphore, #tpu.memory_space<semaphore_mem>>
      tpu.enqueue_dma source(%arg8 : memref<16xf32, #tpu.memory_space<hbm>>) target(%arg19 : memref<16xf32, #tpu.memory_space<vmem>>) target_semaphore(%run_scoped3A : memref<!tpu.dma_semaphore, #tpu.memory_space<semaphore_mem>>)
      tpu.wait_dma2 semaphore(%run_scoped3A : memref<!tpu.dma_semaphore, #tpu.memory_space<semaphore_mem>>) src(%arg8 : memref<16xf32, #tpu.memory_space<hbm>>) dst(%arg19 : memref<16xf32, #tpu.memory_space<vmem>>)
      tpu.yield
    }) : () -> ()
    %mul3A_11 = arith.constant 640 : i32
    %mul3A_12 = arith.muli %arg1, %mul3A_11 : i32
    "tpu.region"() ({
      %run_scoped3A = tpu.sem_alloc : memref<!tpu.dma_semaphore, #tpu.memory_space<semaphore_mem>>
      %dma_start3A_550 = arith.constant 0 : i32
      %dma_start3A_551 = tpu.memref_slice %arg22[%mul3A_12, %dma_start3A_550] : memref<10240x16xf32, #tpu.memory_space<vmem_shared>> -> memref<640x16xf32, #tpu.memory_space<vmem_shared>>
      tpu.enqueue_dma source(%arg9 : memref<640x16xf32, #tpu.memory_space<hbm>>) target(%dma_start3A_551 : memref<640x16xf32, #tpu.memory_space<vmem_shared>>) target_semaphore(%run_scoped3A : memref<!tpu.dma_semaphore, #tpu.memory_space<semaphore_mem>>)
      %dma_wait3A_552 = arith.constant 0 : i32
      %dma_wait3A_553 = tpu.memref_slice %arg22[%mul3A_12, %dma_wait3A_552] : memref<10240x16xf32, #tpu.memory_space<vmem_shared>> -> memref<640x16xf32, #tpu.memory_space<vmem_shared>>
      tpu.wait_dma2 semaphore(%run_scoped3A : memref<!tpu.dma_semaphore, #tpu.memory_space<semaphore_mem>>) src(%arg9 : memref<640x16xf32, #tpu.memory_space<hbm>>) dst(%dma_wait3A_553 : memref<640x16xf32, #tpu.memory_space<vmem_shared>>)
      tpu.yield
    }) : () -> ()
    %barrier3A = arith.constant 0 : index
    tpu.barrier barrier_id(%barrier3A)
    %mul3A_13 = arith.constant 10000 : i32
    %mul3A_14 = arith.muli %arg1, %mul3A_13 : i32
    %add3A_15 = arith.constant 0 : i32
    %add3A_16 = arith.addi %mul3A_14, %add3A_15 : i32
    "tpu.region"() ({
      %run_scoped3A = tpu.sem_alloc : memref<!tpu.dma_semaphore, #tpu.memory_space<semaphore_mem>>
      %dma_start3A_550 = arith.constant 0 : i32
      %dma_start3A_551 = tpu.memref_slice %arg2[%add3A_16, %dma_start3A_550] : memref<160000x16xf32, #tpu.memory_space<hbm>> -> memref<1250x16xf32, #tpu.memory_space<hbm>>
      %dma_start3A_552 = arith.constant 0 : i32
      %dma_start3A_553 = tpu.memref_slice %arg2[%add3A_16, %dma_start3A_552] : memref<160000x16xf32, #tpu.memory_space<hbm>> -> memref<1250x16xf32, #tpu.memory_space<hbm>>
      tpu.enqueue_dma source(%dma_start3A_553 : memref<1250x16xf32, #tpu.memory_space<hbm>>) target(%arg14 : memref<1250x16xf32, #tpu.memory_space<vmem>>) target_semaphore(%run_scoped3A : memref<!tpu.dma_semaphore, #tpu.memory_space<semaphore_mem>>)
      %dma_wait3A_554 = arith.constant 0 : i32
      %dma_wait3A_555 = tpu.memref_slice %arg2[%add3A_16, %dma_wait3A_554] : memref<160000x16xf32, #tpu.memory_space<hbm>> -> memref<1250x16xf32, #tpu.memory_space<hbm>>
      %dma_wait3A_556 = arith.constant 0 : i32
      %dma_wait3A_557 = tpu.memref_slice %arg2[%add3A_16, %dma_wait3A_556] : memref<160000x16xf32, #tpu.memory_space<hbm>> -> memref<1250x16xf32, #tpu.memory_space<hbm>>
      tpu.wait_dma2 semaphore(%run_scoped3A : memref<!tpu.dma_semaphore, #tpu.memory_space<semaphore_mem>>) src(%dma_wait3A_557 : memref<1250x16xf32, #tpu.memory_space<hbm>>) dst(%arg14 : memref<1250x16xf32, #tpu.memory_space<vmem>>)
      tpu.yield
    }) : () -> ()
    %dma_start3A = arith.constant 0 : i32
    %dma_start3A_17 = arith.constant 0 : i32
    %dma_start3A_18 = arith.constant 0 : i32
    %dma_start3A_19 = tpu.memref_slice %arg14[%dma_start3A_17, %dma_start3A_18] : memref<1250x16xf32, #tpu.memory_space<vmem>> -> memref<625x16xf32, #tpu.memory_space<vmem>>
    %dma_start3A_20 = arith.constant 0 : i32
    %dma_start3A_21 = tpu.memref_slice %arg12[%dma_start3A, %dma_start3A_20] : memref<16x625xi32, #tpu.memory_space<vmem>> -> memref<1x625xi32, #tpu.memory_space<vmem>>
    %dma_start3A_22 = tpu.memref_squeeze %dma_start3A_21 : memref<1x625xi32, #tpu.memory_space<vmem>> -> memref<625xi32, #tpu.memory_space<vmem>>
    %dma_start3A_23 = arith.constant 0 : i32
    %dma_start3A_24 = arith.constant 0 : i32
    %dma_start3A_25 = tpu.memref_slice %arg22[%dma_start3A_23, %dma_start3A_24] : memref<10240x16xf32, #tpu.memory_space<vmem_shared>> -> memref<10240x16xf32, #tpu.memory_space<vmem_shared>>
    tpu.enqueue_indirect_dma source(%dma_start3A_19 : memref<625x16xf32, #tpu.memory_space<vmem>>) target(%dma_start3A_25 : memref<10240x16xf32, #tpu.memory_space<vmem_shared>>) offsets(%dma_start3A_22 : memref<625xi32, #tpu.memory_space<vmem>>) semaphore(%arg20 : memref<!tpu.dma_semaphore, #tpu.memory_space<semaphore_mem>>) {add = true}
    %dma_start3A_26 = arith.constant 1 : i32
    %dma_start3A_27 = arith.constant 625 : i32
    %dma_start3A_28 = arith.constant 0 : i32
    %dma_start3A_29 = tpu.memref_slice %arg14[%dma_start3A_27, %dma_start3A_28] : memref<1250x16xf32, #tpu.memory_space<vmem>> -> memref<625x16xf32, #tpu.memory_space<vmem>>
    %dma_start3A_30 = arith.constant 0 : i32
    %dma_start3A_31 = tpu.memref_slice %arg12[%dma_start3A_26, %dma_start3A_30] : memref<16x625xi32, #tpu.memory_space<vmem>> -> memref<1x625xi32, #tpu.memory_space<vmem>>
    %dma_start3A_32 = tpu.memref_squeeze %dma_start3A_31 : memref<1x625xi32, #tpu.memory_space<vmem>> -> memref<625xi32, #tpu.memory_space<vmem>>
    %dma_start3A_33 = arith.constant 0 : i32
    %dma_start3A_34 = arith.constant 0 : i32
    %dma_start3A_35 = tpu.memref_slice %arg22[%dma_start3A_33, %dma_start3A_34] : memref<10240x16xf32, #tpu.memory_space<vmem_shared>> -> memref<10240x16xf32, #tpu.memory_space<vmem_shared>>
    tpu.enqueue_indirect_dma source(%dma_start3A_29 : memref<625x16xf32, #tpu.memory_space<vmem>>) target(%dma_start3A_35 : memref<10240x16xf32, #tpu.memory_space<vmem_shared>>) offsets(%dma_start3A_32 : memref<625xi32, #tpu.memory_space<vmem>>) semaphore(%arg20 : memref<!tpu.dma_semaphore, #tpu.memory_space<semaphore_mem>>) {add = true}
    %dma_wait3A = arith.constant 0 : i32
    %dma_wait3A_36 = arith.constant 0 : i32
    %dma_wait3A_37 = arith.constant 0 : i32
    %dma_wait3A_38 = tpu.memref_slice %arg14[%dma_wait3A_36, %dma_wait3A_37] : memref<1250x16xf32, #tpu.memory_space<vmem>> -> memref<625x16xf32, #tpu.memory_space<vmem>>
    %dma_wait3A_39 = arith.constant 0 : i32
    %dma_wait3A_40 = tpu.memref_slice %arg12[%dma_wait3A, %dma_wait3A_39] : memref<16x625xi32, #tpu.memory_space<vmem>> -> memref<1x625xi32, #tpu.memory_space<vmem>>
    %dma_wait3A_41 = tpu.memref_squeeze %dma_wait3A_40 : memref<1x625xi32, #tpu.memory_space<vmem>> -> memref<625xi32, #tpu.memory_space<vmem>>
    %dma_wait3A_42 = arith.constant 0 : i32
    %dma_wait3A_43 = arith.constant 0 : i32
    %dma_wait3A_44 = tpu.memref_slice %arg22[%dma_wait3A_42, %dma_wait3A_43] : memref<10240x16xf32, #tpu.memory_space<vmem_shared>> -> memref<10240x16xf32, #tpu.memory_space<vmem_shared>>
    tpu.wait_indirect_dma semaphore(%arg20 : memref<!tpu.dma_semaphore, #tpu.memory_space<semaphore_mem>>) src(%dma_wait3A_38 : memref<625x16xf32, #tpu.memory_space<vmem>>) dst(%dma_wait3A_44 : memref<10240x16xf32, #tpu.memory_space<vmem_shared>>)
    %dma_wait3A_45 = arith.constant 1 : i32
    %dma_wait3A_46 = arith.constant 625 : i32
    %dma_wait3A_47 = arith.constant 0 : i32
    %dma_wait3A_48 = tpu.memref_slice %arg14[%dma_wait3A_46, %dma_wait3A_47] : memref<1250x16xf32, #tpu.memory_space<vmem>> -> memref<625x16xf32, #tpu.memory_space<vmem>>
    %dma_wait3A_49 = arith.constant 0 : i32
    %dma_wait3A_50 = tpu.memref_slice %arg12[%dma_wait3A_45, %dma_wait3A_49] : memref<16x625xi32, #tpu.memory_space<vmem>> -> memref<1x625xi32, #tpu.memory_space<vmem>>
    %dma_wait3A_51 = tpu.memref_squeeze %dma_wait3A_50 : memref<1x625xi32, #tpu.memory_space<vmem>> -> memref<625xi32, #tpu.memory_space<vmem>>
    %dma_wait3A_52 = arith.constant 0 : i32
    %dma_wait3A_53 = arith.constant 0 : i32
    %dma_wait3A_54 = tpu.memref_slice %arg22[%dma_wait3A_52, %dma_wait3A_53] : memref<10240x16xf32, #tpu.memory_space<vmem_shared>> -> memref<10240x16xf32, #tpu.memory_space<vmem_shared>>
    tpu.wait_indirect_dma semaphore(%arg20 : memref<!tpu.dma_semaphore, #tpu.memory_space<semaphore_mem>>) src(%dma_wait3A_48 : memref<625x16xf32, #tpu.memory_space<vmem>>) dst(%dma_wait3A_54 : memref<10240x16xf32, #tpu.memory_space<vmem_shared>>)
    %mul3A_55 = arith.constant 10000 : i32
    %mul3A_56 = arith.muli %arg1, %mul3A_55 : i32
    %add3A_57 = arith.constant 1250 : i32
    %add3A_58 = arith.addi %mul3A_56, %add3A_57 : i32
    "tpu.region"() ({
      %run_scoped3A = tpu.sem_alloc : memref<!tpu.dma_semaphore, #tpu.memory_space<semaphore_mem>>
      %dma_start3A_550 = arith.constant 0 : i32
      %dma_start3A_551 = tpu.memref_slice %arg2[%add3A_58, %dma_start3A_550] : memref<160000x16xf32, #tpu.memory_space<hbm>> -> memref<1250x16xf32, #tpu.memory_space<hbm>>
      %dma_start3A_552 = arith.constant 0 : i32
      %dma_start3A_553 = tpu.memref_slice %arg2[%add3A_58, %dma_start3A_552] : memref<160000x16xf32, #tpu.memory_space<hbm>> -> memref<1250x16xf32, #tpu.memory_space<hbm>>
      tpu.enqueue_dma source(%dma_start3A_553 : memref<1250x16xf32, #tpu.memory_space<hbm>>) target(%arg14 : memref<1250x16xf32, #tpu.memory_space<vmem>>) target_semaphore(%run_scoped3A : memref<!tpu.dma_semaphore, #tpu.memory_space<semaphore_mem>>)
      %dma_wait3A_554 = arith.constant 0 : i32
      %dma_wait3A_555 = tpu.memref_slice %arg2[%add3A_58, %dma_wait3A_554] : memref<160000x16xf32, #tpu.memory_space<hbm>> -> memref<1250x16xf32, #tpu.memory_space<hbm>>
      %dma_wait3A_556 = arith.constant 0 : i32
      %dma_wait3A_557 = tpu.memref_slice %arg2[%add3A_58, %dma_wait3A_556] : memref<160000x16xf32, #tpu.memory_space<hbm>> -> memref<1250x16xf32, #tpu.memory_space<hbm>>
      tpu.wait_dma2 semaphore(%run_scoped3A : memref<!tpu.dma_semaphore, #tpu.memory_space<semaphore_mem>>) src(%dma_wait3A_557 : memref<1250x16xf32, #tpu.memory_space<hbm>>) dst(%arg14 : memref<1250x16xf32, #tpu.memory_space<vmem>>)
      tpu.yield
    }) : () -> ()
    %dma_start3A_59 = arith.constant 2 : i32
    %dma_start3A_60 = arith.constant 0 : i32
    %dma_start3A_61 = arith.constant 0 : i32
    %dma_start3A_62 = tpu.memref_slice %arg14[%dma_start3A_60, %dma_start3A_61] : memref<1250x16xf32, #tpu.memory_space<vmem>> -> memref<625x16xf32, #tpu.memory_space<vmem>>
    %dma_start3A_63 = arith.constant 0 : i32
    %dma_start3A_64 = tpu.memref_slice %arg12[%dma_start3A_59, %dma_start3A_63] : memref<16x625xi32, #tpu.memory_space<vmem>> -> memref<1x625xi32, #tpu.memory_space<vmem>>
    %dma_start3A_65 = tpu.memref_squeeze %dma_start3A_64 : memref<1x625xi32, #tpu.memory_space<vmem>> -> memref<625xi32, #tpu.memory_space<vmem>>
    %dma_start3A_66 = arith.constant 0 : i32
    %dma_start3A_67 = arith.constant 0 : i32
    %dma_start3A_68 = tpu.memref_slice %arg22[%dma_start3A_66, %dma_start3A_67] : memref<10240x16xf32, #tpu.memory_space<vmem_shared>> -> memref<10240x16xf32, #tpu.memory_space<vmem_shared>>
    tpu.enqueue_indirect_dma source(%dma_start3A_62 : memref<625x16xf32, #tpu.memory_space<vmem>>) target(%dma_start3A_68 : memref<10240x16xf32, #tpu.memory_space<vmem_shared>>) offsets(%dma_start3A_65 : memref<625xi32, #tpu.memory_space<vmem>>) semaphore(%arg20 : memref<!tpu.dma_semaphore, #tpu.memory_space<semaphore_mem>>) {add = true}
    %dma_start3A_69 = arith.constant 3 : i32
    %dma_start3A_70 = arith.constant 625 : i32
    %dma_start3A_71 = arith.constant 0 : i32
    %dma_start3A_72 = tpu.memref_slice %arg14[%dma_start3A_70, %dma_start3A_71] : memref<1250x16xf32, #tpu.memory_space<vmem>> -> memref<625x16xf32, #tpu.memory_space<vmem>>
    %dma_start3A_73 = arith.constant 0 : i32
    %dma_start3A_74 = tpu.memref_slice %arg12[%dma_start3A_69, %dma_start3A_73] : memref<16x625xi32, #tpu.memory_space<vmem>> -> memref<1x625xi32, #tpu.memory_space<vmem>>
    %dma_start3A_75 = tpu.memref_squeeze %dma_start3A_74 : memref<1x625xi32, #tpu.memory_space<vmem>> -> memref<625xi32, #tpu.memory_space<vmem>>
    %dma_start3A_76 = arith.constant 0 : i32
    %dma_start3A_77 = arith.constant 0 : i32
    %dma_start3A_78 = tpu.memref_slice %arg22[%dma_start3A_76, %dma_start3A_77] : memref<10240x16xf32, #tpu.memory_space<vmem_shared>> -> memref<10240x16xf32, #tpu.memory_space<vmem_shared>>
    tpu.enqueue_indirect_dma source(%dma_start3A_72 : memref<625x16xf32, #tpu.memory_space<vmem>>) target(%dma_start3A_78 : memref<10240x16xf32, #tpu.memory_space<vmem_shared>>) offsets(%dma_start3A_75 : memref<625xi32, #tpu.memory_space<vmem>>) semaphore(%arg20 : memref<!tpu.dma_semaphore, #tpu.memory_space<semaphore_mem>>) {add = true}
    %dma_wait3A_79 = arith.constant 2 : i32
    %dma_wait3A_80 = arith.constant 0 : i32
    %dma_wait3A_81 = arith.constant 0 : i32
    %dma_wait3A_82 = tpu.memref_slice %arg14[%dma_wait3A_80, %dma_wait3A_81] : memref<1250x16xf32, #tpu.memory_space<vmem>> -> memref<625x16xf32, #tpu.memory_space<vmem>>
    %dma_wait3A_83 = arith.constant 0 : i32
    %dma_wait3A_84 = tpu.memref_slice %arg12[%dma_wait3A_79, %dma_wait3A_83] : memref<16x625xi32, #tpu.memory_space<vmem>> -> memref<1x625xi32, #tpu.memory_space<vmem>>
    %dma_wait3A_85 = tpu.memref_squeeze %dma_wait3A_84 : memref<1x625xi32, #tpu.memory_space<vmem>> -> memref<625xi32, #tpu.memory_space<vmem>>
    %dma_wait3A_86 = arith.constant 0 : i32
    %dma_wait3A_87 = arith.constant 0 : i32
    %dma_wait3A_88 = tpu.memref_slice %arg22[%dma_wait3A_86, %dma_wait3A_87] : memref<10240x16xf32, #tpu.memory_space<vmem_shared>> -> memref<10240x16xf32, #tpu.memory_space<vmem_shared>>
    tpu.wait_indirect_dma semaphore(%arg20 : memref<!tpu.dma_semaphore, #tpu.memory_space<semaphore_mem>>) src(%dma_wait3A_82 : memref<625x16xf32, #tpu.memory_space<vmem>>) dst(%dma_wait3A_88 : memref<10240x16xf32, #tpu.memory_space<vmem_shared>>)
    %dma_wait3A_89 = arith.constant 3 : i32
    %dma_wait3A_90 = arith.constant 625 : i32
    %dma_wait3A_91 = arith.constant 0 : i32
    %dma_wait3A_92 = tpu.memref_slice %arg14[%dma_wait3A_90, %dma_wait3A_91] : memref<1250x16xf32, #tpu.memory_space<vmem>> -> memref<625x16xf32, #tpu.memory_space<vmem>>
    %dma_wait3A_93 = arith.constant 0 : i32
    %dma_wait3A_94 = tpu.memref_slice %arg12[%dma_wait3A_89, %dma_wait3A_93] : memref<16x625xi32, #tpu.memory_space<vmem>> -> memref<1x625xi32, #tpu.memory_space<vmem>>
    %dma_wait3A_95 = tpu.memref_squeeze %dma_wait3A_94 : memref<1x625xi32, #tpu.memory_space<vmem>> -> memref<625xi32, #tpu.memory_space<vmem>>
    %dma_wait3A_96 = arith.constant 0 : i32
    %dma_wait3A_97 = arith.constant 0 : i32
    %dma_wait3A_98 = tpu.memref_slice %arg22[%dma_wait3A_96, %dma_wait3A_97] : memref<10240x16xf32, #tpu.memory_space<vmem_shared>> -> memref<10240x16xf32, #tpu.memory_space<vmem_shared>>
    tpu.wait_indirect_dma semaphore(%arg20 : memref<!tpu.dma_semaphore, #tpu.memory_space<semaphore_mem>>) src(%dma_wait3A_92 : memref<625x16xf32, #tpu.memory_space<vmem>>) dst(%dma_wait3A_98 : memref<10240x16xf32, #tpu.memory_space<vmem_shared>>)
    %mul3A_99 = arith.constant 10000 : i32
    %mul3A_100 = arith.muli %arg1, %mul3A_99 : i32
    %add3A_101 = arith.constant 2500 : i32
    %add3A_102 = arith.addi %mul3A_100, %add3A_101 : i32
    "tpu.region"() ({
      %run_scoped3A = tpu.sem_alloc : memref<!tpu.dma_semaphore, #tpu.memory_space<semaphore_mem>>
      %dma_start3A_550 = arith.constant 0 : i32
      %dma_start3A_551 = tpu.memref_slice %arg2[%add3A_102, %dma_start3A_550] : memref<160000x16xf32, #tpu.memory_space<hbm>> -> memref<1250x16xf32, #tpu.memory_space<hbm>>
      %dma_start3A_552 = arith.constant 0 : i32
      %dma_start3A_553 = tpu.memref_slice %arg2[%add3A_102, %dma_start3A_552] : memref<160000x16xf32, #tpu.memory_space<hbm>> -> memref<1250x16xf32, #tpu.memory_space<hbm>>
      tpu.enqueue_dma source(%dma_start3A_553 : memref<1250x16xf32, #tpu.memory_space<hbm>>) target(%arg14 : memref<1250x16xf32, #tpu.memory_space<vmem>>) target_semaphore(%run_scoped3A : memref<!tpu.dma_semaphore, #tpu.memory_space<semaphore_mem>>)
      %dma_wait3A_554 = arith.constant 0 : i32
      %dma_wait3A_555 = tpu.memref_slice %arg2[%add3A_102, %dma_wait3A_554] : memref<160000x16xf32, #tpu.memory_space<hbm>> -> memref<1250x16xf32, #tpu.memory_space<hbm>>
      %dma_wait3A_556 = arith.constant 0 : i32
      %dma_wait3A_557 = tpu.memref_slice %arg2[%add3A_102, %dma_wait3A_556] : memref<160000x16xf32, #tpu.memory_space<hbm>> -> memref<1250x16xf32, #tpu.memory_space<hbm>>
      tpu.wait_dma2 semaphore(%run_scoped3A : memref<!tpu.dma_semaphore, #tpu.memory_space<semaphore_mem>>) src(%dma_wait3A_557 : memref<1250x16xf32, #tpu.memory_space<hbm>>) dst(%arg14 : memref<1250x16xf32, #tpu.memory_space<vmem>>)
      tpu.yield
    }) : () -> ()
    %dma_start3A_103 = arith.constant 4 : i32
    %dma_start3A_104 = arith.constant 0 : i32
    %dma_start3A_105 = arith.constant 0 : i32
    %dma_start3A_106 = tpu.memref_slice %arg14[%dma_start3A_104, %dma_start3A_105] : memref<1250x16xf32, #tpu.memory_space<vmem>> -> memref<625x16xf32, #tpu.memory_space<vmem>>
    %dma_start3A_107 = arith.constant 0 : i32
    %dma_start3A_108 = tpu.memref_slice %arg12[%dma_start3A_103, %dma_start3A_107] : memref<16x625xi32, #tpu.memory_space<vmem>> -> memref<1x625xi32, #tpu.memory_space<vmem>>
    %dma_start3A_109 = tpu.memref_squeeze %dma_start3A_108 : memref<1x625xi32, #tpu.memory_space<vmem>> -> memref<625xi32, #tpu.memory_space<vmem>>
    %dma_start3A_110 = arith.constant 0 : i32
    %dma_start3A_111 = arith.constant 0 : i32
    %dma_start3A_112 = tpu.memref_slice %arg22[%dma_start3A_110, %dma_start3A_111] : memref<10240x16xf32, #tpu.memory_space<vmem_shared>> -> memref<10240x16xf32, #tpu.memory_space<vmem_shared>>
    tpu.enqueue_indirect_dma source(%dma_start3A_106 : memref<625x16xf32, #tpu.memory_space<vmem>>) target(%dma_start3A_112 : memref<10240x16xf32, #tpu.memory_space<vmem_shared>>) offsets(%dma_start3A_109 : memref<625xi32, #tpu.memory_space<vmem>>) semaphore(%arg20 : memref<!tpu.dma_semaphore, #tpu.memory_space<semaphore_mem>>) {add = true}
    %dma_start3A_113 = arith.constant 5 : i32
    %dma_start3A_114 = arith.constant 625 : i32
    %dma_start3A_115 = arith.constant 0 : i32
    %dma_start3A_116 = tpu.memref_slice %arg14[%dma_start3A_114, %dma_start3A_115] : memref<1250x16xf32, #tpu.memory_space<vmem>> -> memref<625x16xf32, #tpu.memory_space<vmem>>
    %dma_start3A_117 = arith.constant 0 : i32
    %dma_start3A_118 = tpu.memref_slice %arg12[%dma_start3A_113, %dma_start3A_117] : memref<16x625xi32, #tpu.memory_space<vmem>> -> memref<1x625xi32, #tpu.memory_space<vmem>>
    %dma_start3A_119 = tpu.memref_squeeze %dma_start3A_118 : memref<1x625xi32, #tpu.memory_space<vmem>> -> memref<625xi32, #tpu.memory_space<vmem>>
    %dma_start3A_120 = arith.constant 0 : i32
    %dma_start3A_121 = arith.constant 0 : i32
    %dma_start3A_122 = tpu.memref_slice %arg22[%dma_start3A_120, %dma_start3A_121] : memref<10240x16xf32, #tpu.memory_space<vmem_shared>> -> memref<10240x16xf32, #tpu.memory_space<vmem_shared>>
    tpu.enqueue_indirect_dma source(%dma_start3A_116 : memref<625x16xf32, #tpu.memory_space<vmem>>) target(%dma_start3A_122 : memref<10240x16xf32, #tpu.memory_space<vmem_shared>>) offsets(%dma_start3A_119 : memref<625xi32, #tpu.memory_space<vmem>>) semaphore(%arg20 : memref<!tpu.dma_semaphore, #tpu.memory_space<semaphore_mem>>) {add = true}
    %dma_wait3A_123 = arith.constant 4 : i32
    %dma_wait3A_124 = arith.constant 0 : i32
    %dma_wait3A_125 = arith.constant 0 : i32
    %dma_wait3A_126 = tpu.memref_slice %arg14[%dma_wait3A_124, %dma_wait3A_125] : memref<1250x16xf32, #tpu.memory_space<vmem>> -> memref<625x16xf32, #tpu.memory_space<vmem>>
    %dma_wait3A_127 = arith.constant 0 : i32
    %dma_wait3A_128 = tpu.memref_slice %arg12[%dma_wait3A_123, %dma_wait3A_127] : memref<16x625xi32, #tpu.memory_space<vmem>> -> memref<1x625xi32, #tpu.memory_space<vmem>>
    %dma_wait3A_129 = tpu.memref_squeeze %dma_wait3A_128 : memref<1x625xi32, #tpu.memory_space<vmem>> -> memref<625xi32, #tpu.memory_space<vmem>>
    %dma_wait3A_130 = arith.constant 0 : i32
    %dma_wait3A_131 = arith.constant 0 : i32
    %dma_wait3A_132 = tpu.memref_slice %arg22[%dma_wait3A_130, %dma_wait3A_131] : memref<10240x16xf32, #tpu.memory_space<vmem_shared>> -> memref<10240x16xf32, #tpu.memory_space<vmem_shared>>
    tpu.wait_indirect_dma semaphore(%arg20 : memref<!tpu.dma_semaphore, #tpu.memory_space<semaphore_mem>>) src(%dma_wait3A_126 : memref<625x16xf32, #tpu.memory_space<vmem>>) dst(%dma_wait3A_132 : memref<10240x16xf32, #tpu.memory_space<vmem_shared>>)
    %dma_wait3A_133 = arith.constant 5 : i32
    %dma_wait3A_134 = arith.constant 625 : i32
    %dma_wait3A_135 = arith.constant 0 : i32
    %dma_wait3A_136 = tpu.memref_slice %arg14[%dma_wait3A_134, %dma_wait3A_135] : memref<1250x16xf32, #tpu.memory_space<vmem>> -> memref<625x16xf32, #tpu.memory_space<vmem>>
    %dma_wait3A_137 = arith.constant 0 : i32
    %dma_wait3A_138 = tpu.memref_slice %arg12[%dma_wait3A_133, %dma_wait3A_137] : memref<16x625xi32, #tpu.memory_space<vmem>> -> memref<1x625xi32, #tpu.memory_space<vmem>>
    %dma_wait3A_139 = tpu.memref_squeeze %dma_wait3A_138 : memref<1x625xi32, #tpu.memory_space<vmem>> -> memref<625xi32, #tpu.memory_space<vmem>>
    %dma_wait3A_140 = arith.constant 0 : i32
    %dma_wait3A_141 = arith.constant 0 : i32
    %dma_wait3A_142 = tpu.memref_slice %arg22[%dma_wait3A_140, %dma_wait3A_141] : memref<10240x16xf32, #tpu.memory_space<vmem_shared>> -> memref<10240x16xf32, #tpu.memory_space<vmem_shared>>
    tpu.wait_indirect_dma semaphore(%arg20 : memref<!tpu.dma_semaphore, #tpu.memory_space<semaphore_mem>>) src(%dma_wait3A_136 : memref<625x16xf32, #tpu.memory_space<vmem>>) dst(%dma_wait3A_142 : memref<10240x16xf32, #tpu.memory_space<vmem_shared>>)
    %mul3A_143 = arith.constant 10000 : i32
    %mul3A_144 = arith.muli %arg1, %mul3A_143 : i32
    %add3A_145 = arith.constant 3750 : i32
    %add3A_146 = arith.addi %mul3A_144, %add3A_145 : i32
    "tpu.region"() ({
      %run_scoped3A = tpu.sem_alloc : memref<!tpu.dma_semaphore, #tpu.memory_space<semaphore_mem>>
      %dma_start3A_550 = arith.constant 0 : i32
      %dma_start3A_551 = tpu.memref_slice %arg2[%add3A_146, %dma_start3A_550] : memref<160000x16xf32, #tpu.memory_space<hbm>> -> memref<1250x16xf32, #tpu.memory_space<hbm>>
      %dma_start3A_552 = arith.constant 0 : i32
      %dma_start3A_553 = tpu.memref_slice %arg2[%add3A_146, %dma_start3A_552] : memref<160000x16xf32, #tpu.memory_space<hbm>> -> memref<1250x16xf32, #tpu.memory_space<hbm>>
      tpu.enqueue_dma source(%dma_start3A_553 : memref<1250x16xf32, #tpu.memory_space<hbm>>) target(%arg14 : memref<1250x16xf32, #tpu.memory_space<vmem>>) target_semaphore(%run_scoped3A : memref<!tpu.dma_semaphore, #tpu.memory_space<semaphore_mem>>)
      %dma_wait3A_554 = arith.constant 0 : i32
      %dma_wait3A_555 = tpu.memref_slice %arg2[%add3A_146, %dma_wait3A_554] : memref<160000x16xf32, #tpu.memory_space<hbm>> -> memref<1250x16xf32, #tpu.memory_space<hbm>>
      %dma_wait3A_556 = arith.constant 0 : i32
      %dma_wait3A_557 = tpu.memref_slice %arg2[%add3A_146, %dma_wait3A_556] : memref<160000x16xf32, #tpu.memory_space<hbm>> -> memref<1250x16xf32, #tpu.memory_space<hbm>>
      tpu.wait_dma2 semaphore(%run_scoped3A : memref<!tpu.dma_semaphore, #tpu.memory_space<semaphore_mem>>) src(%dma_wait3A_557 : memref<1250x16xf32, #tpu.memory_space<hbm>>) dst(%arg14 : memref<1250x16xf32, #tpu.memory_space<vmem>>)
      tpu.yield
    }) : () -> ()
    %dma_start3A_147 = arith.constant 6 : i32
    %dma_start3A_148 = arith.constant 0 : i32
    %dma_start3A_149 = arith.constant 0 : i32
    %dma_start3A_150 = tpu.memref_slice %arg14[%dma_start3A_148, %dma_start3A_149] : memref<1250x16xf32, #tpu.memory_space<vmem>> -> memref<625x16xf32, #tpu.memory_space<vmem>>
    %dma_start3A_151 = arith.constant 0 : i32
    %dma_start3A_152 = tpu.memref_slice %arg12[%dma_start3A_147, %dma_start3A_151] : memref<16x625xi32, #tpu.memory_space<vmem>> -> memref<1x625xi32, #tpu.memory_space<vmem>>
    %dma_start3A_153 = tpu.memref_squeeze %dma_start3A_152 : memref<1x625xi32, #tpu.memory_space<vmem>> -> memref<625xi32, #tpu.memory_space<vmem>>
    %dma_start3A_154 = arith.constant 0 : i32
    %dma_start3A_155 = arith.constant 0 : i32
    %dma_start3A_156 = tpu.memref_slice %arg22[%dma_start3A_154, %dma_start3A_155] : memref<10240x16xf32, #tpu.memory_space<vmem_shared>> -> memref<10240x16xf32, #tpu.memory_space<vmem_shared>>
    tpu.enqueue_indirect_dma source(%dma_start3A_150 : memref<625x16xf32, #tpu.memory_space<vmem>>) target(%dma_start3A_156 : memref<10240x16xf32, #tpu.memory_space<vmem_shared>>) offsets(%dma_start3A_153 : memref<625xi32, #tpu.memory_space<vmem>>) semaphore(%arg20 : memref<!tpu.dma_semaphore, #tpu.memory_space<semaphore_mem>>) {add = true}
    %dma_start3A_157 = arith.constant 7 : i32
    %dma_start3A_158 = arith.constant 625 : i32
    %dma_start3A_159 = arith.constant 0 : i32
    %dma_start3A_160 = tpu.memref_slice %arg14[%dma_start3A_158, %dma_start3A_159] : memref<1250x16xf32, #tpu.memory_space<vmem>> -> memref<625x16xf32, #tpu.memory_space<vmem>>
    %dma_start3A_161 = arith.constant 0 : i32
    %dma_start3A_162 = tpu.memref_slice %arg12[%dma_start3A_157, %dma_start3A_161] : memref<16x625xi32, #tpu.memory_space<vmem>> -> memref<1x625xi32, #tpu.memory_space<vmem>>
    %dma_start3A_163 = tpu.memref_squeeze %dma_start3A_162 : memref<1x625xi32, #tpu.memory_space<vmem>> -> memref<625xi32, #tpu.memory_space<vmem>>
    %dma_start3A_164 = arith.constant 0 : i32
    %dma_start3A_165 = arith.constant 0 : i32
    %dma_start3A_166 = tpu.memref_slice %arg22[%dma_start3A_164, %dma_start3A_165] : memref<10240x16xf32, #tpu.memory_space<vmem_shared>> -> memref<10240x16xf32, #tpu.memory_space<vmem_shared>>
    tpu.enqueue_indirect_dma source(%dma_start3A_160 : memref<625x16xf32, #tpu.memory_space<vmem>>) target(%dma_start3A_166 : memref<10240x16xf32, #tpu.memory_space<vmem_shared>>) offsets(%dma_start3A_163 : memref<625xi32, #tpu.memory_space<vmem>>) semaphore(%arg20 : memref<!tpu.dma_semaphore, #tpu.memory_space<semaphore_mem>>) {add = true}
    %dma_wait3A_167 = arith.constant 6 : i32
    %dma_wait3A_168 = arith.constant 0 : i32
    %dma_wait3A_169 = arith.constant 0 : i32
    %dma_wait3A_170 = tpu.memref_slice %arg14[%dma_wait3A_168, %dma_wait3A_169] : memref<1250x16xf32, #tpu.memory_space<vmem>> -> memref<625x16xf32, #tpu.memory_space<vmem>>
    %dma_wait3A_171 = arith.constant 0 : i32
    %dma_wait3A_172 = tpu.memref_slice %arg12[%dma_wait3A_167, %dma_wait3A_171] : memref<16x625xi32, #tpu.memory_space<vmem>> -> memref<1x625xi32, #tpu.memory_space<vmem>>
    %dma_wait3A_173 = tpu.memref_squeeze %dma_wait3A_172 : memref<1x625xi32, #tpu.memory_space<vmem>> -> memref<625xi32, #tpu.memory_space<vmem>>
    %dma_wait3A_174 = arith.constant 0 : i32
    %dma_wait3A_175 = arith.constant 0 : i32
    %dma_wait3A_176 = tpu.memref_slice %arg22[%dma_wait3A_174, %dma_wait3A_175] : memref<10240x16xf32, #tpu.memory_space<vmem_shared>> -> memref<10240x16xf32, #tpu.memory_space<vmem_shared>>
    tpu.wait_indirect_dma semaphore(%arg20 : memref<!tpu.dma_semaphore, #tpu.memory_space<semaphore_mem>>) src(%dma_wait3A_170 : memref<625x16xf32, #tpu.memory_space<vmem>>) dst(%dma_wait3A_176 : memref<10240x16xf32, #tpu.memory_space<vmem_shared>>)
    %dma_wait3A_177 = arith.constant 7 : i32
    %dma_wait3A_178 = arith.constant 625 : i32
    %dma_wait3A_179 = arith.constant 0 : i32
    %dma_wait3A_180 = tpu.memref_slice %arg14[%dma_wait3A_178, %dma_wait3A_179] : memref<1250x16xf32, #tpu.memory_space<vmem>> -> memref<625x16xf32, #tpu.memory_space<vmem>>
    %dma_wait3A_181 = arith.constant 0 : i32
    %dma_wait3A_182 = tpu.memref_slice %arg12[%dma_wait3A_177, %dma_wait3A_181] : memref<16x625xi32, #tpu.memory_space<vmem>> -> memref<1x625xi32, #tpu.memory_space<vmem>>
    %dma_wait3A_183 = tpu.memref_squeeze %dma_wait3A_182 : memref<1x625xi32, #tpu.memory_space<vmem>> -> memref<625xi32, #tpu.memory_space<vmem>>
    %dma_wait3A_184 = arith.constant 0 : i32
    %dma_wait3A_185 = arith.constant 0 : i32
    %dma_wait3A_186 = tpu.memref_slice %arg22[%dma_wait3A_184, %dma_wait3A_185] : memref<10240x16xf32, #tpu.memory_space<vmem_shared>> -> memref<10240x16xf32, #tpu.memory_space<vmem_shared>>
    tpu.wait_indirect_dma semaphore(%arg20 : memref<!tpu.dma_semaphore, #tpu.memory_space<semaphore_mem>>) src(%dma_wait3A_180 : memref<625x16xf32, #tpu.memory_space<vmem>>) dst(%dma_wait3A_186 : memref<10240x16xf32, #tpu.memory_space<vmem_shared>>)
    %mul3A_187 = arith.constant 10000 : i32
    %mul3A_188 = arith.muli %arg1, %mul3A_187 : i32
    %add3A_189 = arith.constant 5000 : i32
    %add3A_190 = arith.addi %mul3A_188, %add3A_189 : i32
    "tpu.region"() ({
      %run_scoped3A = tpu.sem_alloc : memref<!tpu.dma_semaphore, #tpu.memory_space<semaphore_mem>>
      %dma_start3A_550 = arith.constant 0 : i32
      %dma_start3A_551 = tpu.memref_slice %arg2[%add3A_190, %dma_start3A_550] : memref<160000x16xf32, #tpu.memory_space<hbm>> -> memref<1250x16xf32, #tpu.memory_space<hbm>>
      %dma_start3A_552 = arith.constant 0 : i32
      %dma_start3A_553 = tpu.memref_slice %arg2[%add3A_190, %dma_start3A_552] : memref<160000x16xf32, #tpu.memory_space<hbm>> -> memref<1250x16xf32, #tpu.memory_space<hbm>>
      tpu.enqueue_dma source(%dma_start3A_553 : memref<1250x16xf32, #tpu.memory_space<hbm>>) target(%arg14 : memref<1250x16xf32, #tpu.memory_space<vmem>>) target_semaphore(%run_scoped3A : memref<!tpu.dma_semaphore, #tpu.memory_space<semaphore_mem>>)
      %dma_wait3A_554 = arith.constant 0 : i32
      %dma_wait3A_555 = tpu.memref_slice %arg2[%add3A_190, %dma_wait3A_554] : memref<160000x16xf32, #tpu.memory_space<hbm>> -> memref<1250x16xf32, #tpu.memory_space<hbm>>
      %dma_wait3A_556 = arith.constant 0 : i32
      %dma_wait3A_557 = tpu.memref_slice %arg2[%add3A_190, %dma_wait3A_556] : memref<160000x16xf32, #tpu.memory_space<hbm>> -> memref<1250x16xf32, #tpu.memory_space<hbm>>
      tpu.wait_dma2 semaphore(%run_scoped3A : memref<!tpu.dma_semaphore, #tpu.memory_space<semaphore_mem>>) src(%dma_wait3A_557 : memref<1250x16xf32, #tpu.memory_space<hbm>>) dst(%arg14 : memref<1250x16xf32, #tpu.memory_space<vmem>>)
      tpu.yield
    }) : () -> ()
    %dma_start3A_191 = arith.constant 8 : i32
    %dma_start3A_192 = arith.constant 0 : i32
    %dma_start3A_193 = arith.constant 0 : i32
    %dma_start3A_194 = tpu.memref_slice %arg14[%dma_start3A_192, %dma_start3A_193] : memref<1250x16xf32, #tpu.memory_space<vmem>> -> memref<625x16xf32, #tpu.memory_space<vmem>>
    %dma_start3A_195 = arith.constant 0 : i32
    %dma_start3A_196 = tpu.memref_slice %arg12[%dma_start3A_191, %dma_start3A_195] : memref<16x625xi32, #tpu.memory_space<vmem>> -> memref<1x625xi32, #tpu.memory_space<vmem>>
    %dma_start3A_197 = tpu.memref_squeeze %dma_start3A_196 : memref<1x625xi32, #tpu.memory_space<vmem>> -> memref<625xi32, #tpu.memory_space<vmem>>
    %dma_start3A_198 = arith.constant 0 : i32
    %dma_start3A_199 = arith.constant 0 : i32
    %dma_start3A_200 = tpu.memref_slice %arg22[%dma_start3A_198, %dma_start3A_199] : memref<10240x16xf32, #tpu.memory_space<vmem_shared>> -> memref<10240x16xf32, #tpu.memory_space<vmem_shared>>
    tpu.enqueue_indirect_dma source(%dma_start3A_194 : memref<625x16xf32, #tpu.memory_space<vmem>>) target(%dma_start3A_200 : memref<10240x16xf32, #tpu.memory_space<vmem_shared>>) offsets(%dma_start3A_197 : memref<625xi32, #tpu.memory_space<vmem>>) semaphore(%arg20 : memref<!tpu.dma_semaphore, #tpu.memory_space<semaphore_mem>>) {add = true}
    %dma_start3A_201 = arith.constant 9 : i32
    %dma_start3A_202 = arith.constant 625 : i32
    %dma_start3A_203 = arith.constant 0 : i32
    %dma_start3A_204 = tpu.memref_slice %arg14[%dma_start3A_202, %dma_start3A_203] : memref<1250x16xf32, #tpu.memory_space<vmem>> -> memref<625x16xf32, #tpu.memory_space<vmem>>
    %dma_start3A_205 = arith.constant 0 : i32
    %dma_start3A_206 = tpu.memref_slice %arg12[%dma_start3A_201, %dma_start3A_205] : memref<16x625xi32, #tpu.memory_space<vmem>> -> memref<1x625xi32, #tpu.memory_space<vmem>>
    %dma_start3A_207 = tpu.memref_squeeze %dma_start3A_206 : memref<1x625xi32, #tpu.memory_space<vmem>> -> memref<625xi32, #tpu.memory_space<vmem>>
    %dma_start3A_208 = arith.constant 0 : i32
    %dma_start3A_209 = arith.constant 0 : i32
    %dma_start3A_210 = tpu.memref_slice %arg22[%dma_start3A_208, %dma_start3A_209] : memref<10240x16xf32, #tpu.memory_space<vmem_shared>> -> memref<10240x16xf32, #tpu.memory_space<vmem_shared>>
    tpu.enqueue_indirect_dma source(%dma_start3A_204 : memref<625x16xf32, #tpu.memory_space<vmem>>) target(%dma_start3A_210 : memref<10240x16xf32, #tpu.memory_space<vmem_shared>>) offsets(%dma_start3A_207 : memref<625xi32, #tpu.memory_space<vmem>>) semaphore(%arg20 : memref<!tpu.dma_semaphore, #tpu.memory_space<semaphore_mem>>) {add = true}
    %dma_wait3A_211 = arith.constant 8 : i32
    %dma_wait3A_212 = arith.constant 0 : i32
    %dma_wait3A_213 = arith.constant 0 : i32
    %dma_wait3A_214 = tpu.memref_slice %arg14[%dma_wait3A_212, %dma_wait3A_213] : memref<1250x16xf32, #tpu.memory_space<vmem>> -> memref<625x16xf32, #tpu.memory_space<vmem>>
    %dma_wait3A_215 = arith.constant 0 : i32
    %dma_wait3A_216 = tpu.memref_slice %arg12[%dma_wait3A_211, %dma_wait3A_215] : memref<16x625xi32, #tpu.memory_space<vmem>> -> memref<1x625xi32, #tpu.memory_space<vmem>>
    %dma_wait3A_217 = tpu.memref_squeeze %dma_wait3A_216 : memref<1x625xi32, #tpu.memory_space<vmem>> -> memref<625xi32, #tpu.memory_space<vmem>>
    %dma_wait3A_218 = arith.constant 0 : i32
    %dma_wait3A_219 = arith.constant 0 : i32
    %dma_wait3A_220 = tpu.memref_slice %arg22[%dma_wait3A_218, %dma_wait3A_219] : memref<10240x16xf32, #tpu.memory_space<vmem_shared>> -> memref<10240x16xf32, #tpu.memory_space<vmem_shared>>
    tpu.wait_indirect_dma semaphore(%arg20 : memref<!tpu.dma_semaphore, #tpu.memory_space<semaphore_mem>>) src(%dma_wait3A_214 : memref<625x16xf32, #tpu.memory_space<vmem>>) dst(%dma_wait3A_220 : memref<10240x16xf32, #tpu.memory_space<vmem_shared>>)
    %dma_wait3A_221 = arith.constant 9 : i32
    %dma_wait3A_222 = arith.constant 625 : i32
    %dma_wait3A_223 = arith.constant 0 : i32
    %dma_wait3A_224 = tpu.memref_slice %arg14[%dma_wait3A_222, %dma_wait3A_223] : memref<1250x16xf32, #tpu.memory_space<vmem>> -> memref<625x16xf32, #tpu.memory_space<vmem>>
    %dma_wait3A_225 = arith.constant 0 : i32
    %dma_wait3A_226 = tpu.memref_slice %arg12[%dma_wait3A_221, %dma_wait3A_225] : memref<16x625xi32, #tpu.memory_space<vmem>> -> memref<1x625xi32, #tpu.memory_space<vmem>>
    %dma_wait3A_227 = tpu.memref_squeeze %dma_wait3A_226 : memref<1x625xi32, #tpu.memory_space<vmem>> -> memref<625xi32, #tpu.memory_space<vmem>>
    %dma_wait3A_228 = arith.constant 0 : i32
    %dma_wait3A_229 = arith.constant 0 : i32
    %dma_wait3A_230 = tpu.memref_slice %arg22[%dma_wait3A_228, %dma_wait3A_229] : memref<10240x16xf32, #tpu.memory_space<vmem_shared>> -> memref<10240x16xf32, #tpu.memory_space<vmem_shared>>
    tpu.wait_indirect_dma semaphore(%arg20 : memref<!tpu.dma_semaphore, #tpu.memory_space<semaphore_mem>>) src(%dma_wait3A_224 : memref<625x16xf32, #tpu.memory_space<vmem>>) dst(%dma_wait3A_230 : memref<10240x16xf32, #tpu.memory_space<vmem_shared>>)
    %mul3A_231 = arith.constant 10000 : i32
    %mul3A_232 = arith.muli %arg1, %mul3A_231 : i32
    %add3A_233 = arith.constant 6250 : i32
    %add3A_234 = arith.addi %mul3A_232, %add3A_233 : i32
    "tpu.region"() ({
      %run_scoped3A = tpu.sem_alloc : memref<!tpu.dma_semaphore, #tpu.memory_space<semaphore_mem>>
      %dma_start3A_550 = arith.constant 0 : i32
      %dma_start3A_551 = tpu.memref_slice %arg2[%add3A_234, %dma_start3A_550] : memref<160000x16xf32, #tpu.memory_space<hbm>> -> memref<1250x16xf32, #tpu.memory_space<hbm>>
      %dma_start3A_552 = arith.constant 0 : i32
      %dma_start3A_553 = tpu.memref_slice %arg2[%add3A_234, %dma_start3A_552] : memref<160000x16xf32, #tpu.memory_space<hbm>> -> memref<1250x16xf32, #tpu.memory_space<hbm>>
      tpu.enqueue_dma source(%dma_start3A_553 : memref<1250x16xf32, #tpu.memory_space<hbm>>) target(%arg14 : memref<1250x16xf32, #tpu.memory_space<vmem>>) target_semaphore(%run_scoped3A : memref<!tpu.dma_semaphore, #tpu.memory_space<semaphore_mem>>)
      %dma_wait3A_554 = arith.constant 0 : i32
      %dma_wait3A_555 = tpu.memref_slice %arg2[%add3A_234, %dma_wait3A_554] : memref<160000x16xf32, #tpu.memory_space<hbm>> -> memref<1250x16xf32, #tpu.memory_space<hbm>>
      %dma_wait3A_556 = arith.constant 0 : i32
      %dma_wait3A_557 = tpu.memref_slice %arg2[%add3A_234, %dma_wait3A_556] : memref<160000x16xf32, #tpu.memory_space<hbm>> -> memref<1250x16xf32, #tpu.memory_space<hbm>>
      tpu.wait_dma2 semaphore(%run_scoped3A : memref<!tpu.dma_semaphore, #tpu.memory_space<semaphore_mem>>) src(%dma_wait3A_557 : memref<1250x16xf32, #tpu.memory_space<hbm>>) dst(%arg14 : memref<1250x16xf32, #tpu.memory_space<vmem>>)
      tpu.yield
    }) : () -> ()
    %dma_start3A_235 = arith.constant 10 : i32
    %dma_start3A_236 = arith.constant 0 : i32
    %dma_start3A_237 = arith.constant 0 : i32
    %dma_start3A_238 = tpu.memref_slice %arg14[%dma_start3A_236, %dma_start3A_237] : memref<1250x16xf32, #tpu.memory_space<vmem>> -> memref<625x16xf32, #tpu.memory_space<vmem>>
    %dma_start3A_239 = arith.constant 0 : i32
    %dma_start3A_240 = tpu.memref_slice %arg12[%dma_start3A_235, %dma_start3A_239] : memref<16x625xi32, #tpu.memory_space<vmem>> -> memref<1x625xi32, #tpu.memory_space<vmem>>
    %dma_start3A_241 = tpu.memref_squeeze %dma_start3A_240 : memref<1x625xi32, #tpu.memory_space<vmem>> -> memref<625xi32, #tpu.memory_space<vmem>>
    %dma_start3A_242 = arith.constant 0 : i32
    %dma_start3A_243 = arith.constant 0 : i32
    %dma_start3A_244 = tpu.memref_slice %arg22[%dma_start3A_242, %dma_start3A_243] : memref<10240x16xf32, #tpu.memory_space<vmem_shared>> -> memref<10240x16xf32, #tpu.memory_space<vmem_shared>>
    tpu.enqueue_indirect_dma source(%dma_start3A_238 : memref<625x16xf32, #tpu.memory_space<vmem>>) target(%dma_start3A_244 : memref<10240x16xf32, #tpu.memory_space<vmem_shared>>) offsets(%dma_start3A_241 : memref<625xi32, #tpu.memory_space<vmem>>) semaphore(%arg20 : memref<!tpu.dma_semaphore, #tpu.memory_space<semaphore_mem>>) {add = true}
    %dma_start3A_245 = arith.constant 11 : i32
    %dma_start3A_246 = arith.constant 625 : i32
    %dma_start3A_247 = arith.constant 0 : i32
    %dma_start3A_248 = tpu.memref_slice %arg14[%dma_start3A_246, %dma_start3A_247] : memref<1250x16xf32, #tpu.memory_space<vmem>> -> memref<625x16xf32, #tpu.memory_space<vmem>>
    %dma_start3A_249 = arith.constant 0 : i32
    %dma_start3A_250 = tpu.memref_slice %arg12[%dma_start3A_245, %dma_start3A_249] : memref<16x625xi32, #tpu.memory_space<vmem>> -> memref<1x625xi32, #tpu.memory_space<vmem>>
    %dma_start3A_251 = tpu.memref_squeeze %dma_start3A_250 : memref<1x625xi32, #tpu.memory_space<vmem>> -> memref<625xi32, #tpu.memory_space<vmem>>
    %dma_start3A_252 = arith.constant 0 : i32
    %dma_start3A_253 = arith.constant 0 : i32
    %dma_start3A_254 = tpu.memref_slice %arg22[%dma_start3A_252, %dma_start3A_253] : memref<10240x16xf32, #tpu.memory_space<vmem_shared>> -> memref<10240x16xf32, #tpu.memory_space<vmem_shared>>
    tpu.enqueue_indirect_dma source(%dma_start3A_248 : memref<625x16xf32, #tpu.memory_space<vmem>>) target(%dma_start3A_254 : memref<10240x16xf32, #tpu.memory_space<vmem_shared>>) offsets(%dma_start3A_251 : memref<625xi32, #tpu.memory_space<vmem>>) semaphore(%arg20 : memref<!tpu.dma_semaphore, #tpu.memory_space<semaphore_mem>>) {add = true}
    %dma_wait3A_255 = arith.constant 10 : i32
    %dma_wait3A_256 = arith.constant 0 : i32
    %dma_wait3A_257 = arith.constant 0 : i32
    %dma_wait3A_258 = tpu.memref_slice %arg14[%dma_wait3A_256, %dma_wait3A_257] : memref<1250x16xf32, #tpu.memory_space<vmem>> -> memref<625x16xf32, #tpu.memory_space<vmem>>
    %dma_wait3A_259 = arith.constant 0 : i32
    %dma_wait3A_260 = tpu.memref_slice %arg12[%dma_wait3A_255, %dma_wait3A_259] : memref<16x625xi32, #tpu.memory_space<vmem>> -> memref<1x625xi32, #tpu.memory_space<vmem>>
    %dma_wait3A_261 = tpu.memref_squeeze %dma_wait3A_260 : memref<1x625xi32, #tpu.memory_space<vmem>> -> memref<625xi32, #tpu.memory_space<vmem>>
    %dma_wait3A_262 = arith.constant 0 : i32
    %dma_wait3A_263 = arith.constant 0 : i32
    %dma_wait3A_264 = tpu.memref_slice %arg22[%dma_wait3A_262, %dma_wait3A_263] : memref<10240x16xf32, #tpu.memory_space<vmem_shared>> -> memref<10240x16xf32, #tpu.memory_space<vmem_shared>>
    tpu.wait_indirect_dma semaphore(%arg20 : memref<!tpu.dma_semaphore, #tpu.memory_space<semaphore_mem>>) src(%dma_wait3A_258 : memref<625x16xf32, #tpu.memory_space<vmem>>) dst(%dma_wait3A_264 : memref<10240x16xf32, #tpu.memory_space<vmem_shared>>)
    %dma_wait3A_265 = arith.constant 11 : i32
    %dma_wait3A_266 = arith.constant 625 : i32
    %dma_wait3A_267 = arith.constant 0 : i32
    %dma_wait3A_268 = tpu.memref_slice %arg14[%dma_wait3A_266, %dma_wait3A_267] : memref<1250x16xf32, #tpu.memory_space<vmem>> -> memref<625x16xf32, #tpu.memory_space<vmem>>
    %dma_wait3A_269 = arith.constant 0 : i32
    %dma_wait3A_270 = tpu.memref_slice %arg12[%dma_wait3A_265, %dma_wait3A_269] : memref<16x625xi32, #tpu.memory_space<vmem>> -> memref<1x625xi32, #tpu.memory_space<vmem>>
    %dma_wait3A_271 = tpu.memref_squeeze %dma_wait3A_270 : memref<1x625xi32, #tpu.memory_space<vmem>> -> memref<625xi32, #tpu.memory_space<vmem>>
    %dma_wait3A_272 = arith.constant 0 : i32
    %dma_wait3A_273 = arith.constant 0 : i32
    %dma_wait3A_274 = tpu.memref_slice %arg22[%dma_wait3A_272, %dma_wait3A_273] : memref<10240x16xf32, #tpu.memory_space<vmem_shared>> -> memref<10240x16xf32, #tpu.memory_space<vmem_shared>>
    tpu.wait_indirect_dma semaphore(%arg20 : memref<!tpu.dma_semaphore, #tpu.memory_space<semaphore_mem>>) src(%dma_wait3A_268 : memref<625x16xf32, #tpu.memory_space<vmem>>) dst(%dma_wait3A_274 : memref<10240x16xf32, #tpu.memory_space<vmem_shared>>)
    %mul3A_275 = arith.constant 10000 : i32
    %mul3A_276 = arith.muli %arg1, %mul3A_275 : i32
    %add3A_277 = arith.constant 7500 : i32
    %add3A_278 = arith.addi %mul3A_276, %add3A_277 : i32
    "tpu.region"() ({
      %run_scoped3A = tpu.sem_alloc : memref<!tpu.dma_semaphore, #tpu.memory_space<semaphore_mem>>
      %dma_start3A_550 = arith.constant 0 : i32
      %dma_start3A_551 = tpu.memref_slice %arg2[%add3A_278, %dma_start3A_550] : memref<160000x16xf32, #tpu.memory_space<hbm>> -> memref<1250x16xf32, #tpu.memory_space<hbm>>
      %dma_start3A_552 = arith.constant 0 : i32
      %dma_start3A_553 = tpu.memref_slice %arg2[%add3A_278, %dma_start3A_552] : memref<160000x16xf32, #tpu.memory_space<hbm>> -> memref<1250x16xf32, #tpu.memory_space<hbm>>
      tpu.enqueue_dma source(%dma_start3A_553 : memref<1250x16xf32, #tpu.memory_space<hbm>>) target(%arg14 : memref<1250x16xf32, #tpu.memory_space<vmem>>) target_semaphore(%run_scoped3A : memref<!tpu.dma_semaphore, #tpu.memory_space<semaphore_mem>>)
      %dma_wait3A_554 = arith.constant 0 : i32
      %dma_wait3A_555 = tpu.memref_slice %arg2[%add3A_278, %dma_wait3A_554] : memref<160000x16xf32, #tpu.memory_space<hbm>> -> memref<1250x16xf32, #tpu.memory_space<hbm>>
      %dma_wait3A_556 = arith.constant 0 : i32
      %dma_wait3A_557 = tpu.memref_slice %arg2[%add3A_278, %dma_wait3A_556] : memref<160000x16xf32, #tpu.memory_space<hbm>> -> memref<1250x16xf32, #tpu.memory_space<hbm>>
      tpu.wait_dma2 semaphore(%run_scoped3A : memref<!tpu.dma_semaphore, #tpu.memory_space<semaphore_mem>>) src(%dma_wait3A_557 : memref<1250x16xf32, #tpu.memory_space<hbm>>) dst(%arg14 : memref<1250x16xf32, #tpu.memory_space<vmem>>)
      tpu.yield
    }) : () -> ()
    %dma_start3A_279 = arith.constant 12 : i32
    %dma_start3A_280 = arith.constant 0 : i32
    %dma_start3A_281 = arith.constant 0 : i32
    %dma_start3A_282 = tpu.memref_slice %arg14[%dma_start3A_280, %dma_start3A_281] : memref<1250x16xf32, #tpu.memory_space<vmem>> -> memref<625x16xf32, #tpu.memory_space<vmem>>
    %dma_start3A_283 = arith.constant 0 : i32
    %dma_start3A_284 = tpu.memref_slice %arg12[%dma_start3A_279, %dma_start3A_283] : memref<16x625xi32, #tpu.memory_space<vmem>> -> memref<1x625xi32, #tpu.memory_space<vmem>>
    %dma_start3A_285 = tpu.memref_squeeze %dma_start3A_284 : memref<1x625xi32, #tpu.memory_space<vmem>> -> memref<625xi32, #tpu.memory_space<vmem>>
    %dma_start3A_286 = arith.constant 0 : i32
    %dma_start3A_287 = arith.constant 0 : i32
    %dma_start3A_288 = tpu.memref_slice %arg22[%dma_start3A_286, %dma_start3A_287] : memref<10240x16xf32, #tpu.memory_space<vmem_shared>> -> memref<10240x16xf32, #tpu.memory_space<vmem_shared>>
    tpu.enqueue_indirect_dma source(%dma_start3A_282 : memref<625x16xf32, #tpu.memory_space<vmem>>) target(%dma_start3A_288 : memref<10240x16xf32, #tpu.memory_space<vmem_shared>>) offsets(%dma_start3A_285 : memref<625xi32, #tpu.memory_space<vmem>>) semaphore(%arg20 : memref<!tpu.dma_semaphore, #tpu.memory_space<semaphore_mem>>) {add = true}
    %dma_start3A_289 = arith.constant 13 : i32
    %dma_start3A_290 = arith.constant 625 : i32
    %dma_start3A_291 = arith.constant 0 : i32
    %dma_start3A_292 = tpu.memref_slice %arg14[%dma_start3A_290, %dma_start3A_291] : memref<1250x16xf32, #tpu.memory_space<vmem>> -> memref<625x16xf32, #tpu.memory_space<vmem>>
    %dma_start3A_293 = arith.constant 0 : i32
    %dma_start3A_294 = tpu.memref_slice %arg12[%dma_start3A_289, %dma_start3A_293] : memref<16x625xi32, #tpu.memory_space<vmem>> -> memref<1x625xi32, #tpu.memory_space<vmem>>
    %dma_start3A_295 = tpu.memref_squeeze %dma_start3A_294 : memref<1x625xi32, #tpu.memory_space<vmem>> -> memref<625xi32, #tpu.memory_space<vmem>>
    %dma_start3A_296 = arith.constant 0 : i32
    %dma_start3A_297 = arith.constant 0 : i32
    %dma_start3A_298 = tpu.memref_slice %arg22[%dma_start3A_296, %dma_start3A_297] : memref<10240x16xf32, #tpu.memory_space<vmem_shared>> -> memref<10240x16xf32, #tpu.memory_space<vmem_shared>>
    tpu.enqueue_indirect_dma source(%dma_start3A_292 : memref<625x16xf32, #tpu.memory_space<vmem>>) target(%dma_start3A_298 : memref<10240x16xf32, #tpu.memory_space<vmem_shared>>) offsets(%dma_start3A_295 : memref<625xi32, #tpu.memory_space<vmem>>) semaphore(%arg20 : memref<!tpu.dma_semaphore, #tpu.memory_space<semaphore_mem>>) {add = true}
    %dma_wait3A_299 = arith.constant 12 : i32
    %dma_wait3A_300 = arith.constant 0 : i32
    %dma_wait3A_301 = arith.constant 0 : i32
    %dma_wait3A_302 = tpu.memref_slice %arg14[%dma_wait3A_300, %dma_wait3A_301] : memref<1250x16xf32, #tpu.memory_space<vmem>> -> memref<625x16xf32, #tpu.memory_space<vmem>>
    %dma_wait3A_303 = arith.constant 0 : i32
    %dma_wait3A_304 = tpu.memref_slice %arg12[%dma_wait3A_299, %dma_wait3A_303] : memref<16x625xi32, #tpu.memory_space<vmem>> -> memref<1x625xi32, #tpu.memory_space<vmem>>
    %dma_wait3A_305 = tpu.memref_squeeze %dma_wait3A_304 : memref<1x625xi32, #tpu.memory_space<vmem>> -> memref<625xi32, #tpu.memory_space<vmem>>
    %dma_wait3A_306 = arith.constant 0 : i32
    %dma_wait3A_307 = arith.constant 0 : i32
    %dma_wait3A_308 = tpu.memref_slice %arg22[%dma_wait3A_306, %dma_wait3A_307] : memref<10240x16xf32, #tpu.memory_space<vmem_shared>> -> memref<10240x16xf32, #tpu.memory_space<vmem_shared>>
    tpu.wait_indirect_dma semaphore(%arg20 : memref<!tpu.dma_semaphore, #tpu.memory_space<semaphore_mem>>) src(%dma_wait3A_302 : memref<625x16xf32, #tpu.memory_space<vmem>>) dst(%dma_wait3A_308 : memref<10240x16xf32, #tpu.memory_space<vmem_shared>>)
    %dma_wait3A_309 = arith.constant 13 : i32
    %dma_wait3A_310 = arith.constant 625 : i32
    %dma_wait3A_311 = arith.constant 0 : i32
    %dma_wait3A_312 = tpu.memref_slice %arg14[%dma_wait3A_310, %dma_wait3A_311] : memref<1250x16xf32, #tpu.memory_space<vmem>> -> memref<625x16xf32, #tpu.memory_space<vmem>>
    %dma_wait3A_313 = arith.constant 0 : i32
    %dma_wait3A_314 = tpu.memref_slice %arg12[%dma_wait3A_309, %dma_wait3A_313] : memref<16x625xi32, #tpu.memory_space<vmem>> -> memref<1x625xi32, #tpu.memory_space<vmem>>
    %dma_wait3A_315 = tpu.memref_squeeze %dma_wait3A_314 : memref<1x625xi32, #tpu.memory_space<vmem>> -> memref<625xi32, #tpu.memory_space<vmem>>
    %dma_wait3A_316 = arith.constant 0 : i32
    %dma_wait3A_317 = arith.constant 0 : i32
    %dma_wait3A_318 = tpu.memref_slice %arg22[%dma_wait3A_316, %dma_wait3A_317] : memref<10240x16xf32, #tpu.memory_space<vmem_shared>> -> memref<10240x16xf32, #tpu.memory_space<vmem_shared>>
    tpu.wait_indirect_dma semaphore(%arg20 : memref<!tpu.dma_semaphore, #tpu.memory_space<semaphore_mem>>) src(%dma_wait3A_312 : memref<625x16xf32, #tpu.memory_space<vmem>>) dst(%dma_wait3A_318 : memref<10240x16xf32, #tpu.memory_space<vmem_shared>>)
    %mul3A_319 = arith.constant 10000 : i32
    %mul3A_320 = arith.muli %arg1, %mul3A_319 : i32
    %add3A_321 = arith.constant 8750 : i32
    %add3A_322 = arith.addi %mul3A_320, %add3A_321 : i32
    "tpu.region"() ({
      %run_scoped3A = tpu.sem_alloc : memref<!tpu.dma_semaphore, #tpu.memory_space<semaphore_mem>>
      %dma_start3A_550 = arith.constant 0 : i32
      %dma_start3A_551 = tpu.memref_slice %arg2[%add3A_322, %dma_start3A_550] : memref<160000x16xf32, #tpu.memory_space<hbm>> -> memref<1250x16xf32, #tpu.memory_space<hbm>>
      %dma_start3A_552 = arith.constant 0 : i32
      %dma_start3A_553 = tpu.memref_slice %arg2[%add3A_322, %dma_start3A_552] : memref<160000x16xf32, #tpu.memory_space<hbm>> -> memref<1250x16xf32, #tpu.memory_space<hbm>>
      tpu.enqueue_dma source(%dma_start3A_553 : memref<1250x16xf32, #tpu.memory_space<hbm>>) target(%arg14 : memref<1250x16xf32, #tpu.memory_space<vmem>>) target_semaphore(%run_scoped3A : memref<!tpu.dma_semaphore, #tpu.memory_space<semaphore_mem>>)
      %dma_wait3A_554 = arith.constant 0 : i32
      %dma_wait3A_555 = tpu.memref_slice %arg2[%add3A_322, %dma_wait3A_554] : memref<160000x16xf32, #tpu.memory_space<hbm>> -> memref<1250x16xf32, #tpu.memory_space<hbm>>
      %dma_wait3A_556 = arith.constant 0 : i32
      %dma_wait3A_557 = tpu.memref_slice %arg2[%add3A_322, %dma_wait3A_556] : memref<160000x16xf32, #tpu.memory_space<hbm>> -> memref<1250x16xf32, #tpu.memory_space<hbm>>
      tpu.wait_dma2 semaphore(%run_scoped3A : memref<!tpu.dma_semaphore, #tpu.memory_space<semaphore_mem>>) src(%dma_wait3A_557 : memref<1250x16xf32, #tpu.memory_space<hbm>>) dst(%arg14 : memref<1250x16xf32, #tpu.memory_space<vmem>>)
      tpu.yield
    }) : () -> ()
    %dma_start3A_323 = arith.constant 14 : i32
    %dma_start3A_324 = arith.constant 0 : i32
    %dma_start3A_325 = arith.constant 0 : i32
    %dma_start3A_326 = tpu.memref_slice %arg14[%dma_start3A_324, %dma_start3A_325] : memref<1250x16xf32, #tpu.memory_space<vmem>> -> memref<625x16xf32, #tpu.memory_space<vmem>>
    %dma_start3A_327 = arith.constant 0 : i32
    %dma_start3A_328 = tpu.memref_slice %arg12[%dma_start3A_323, %dma_start3A_327] : memref<16x625xi32, #tpu.memory_space<vmem>> -> memref<1x625xi32, #tpu.memory_space<vmem>>
    %dma_start3A_329 = tpu.memref_squeeze %dma_start3A_328 : memref<1x625xi32, #tpu.memory_space<vmem>> -> memref<625xi32, #tpu.memory_space<vmem>>
    %dma_start3A_330 = arith.constant 0 : i32
    %dma_start3A_331 = arith.constant 0 : i32
    %dma_start3A_332 = tpu.memref_slice %arg22[%dma_start3A_330, %dma_start3A_331] : memref<10240x16xf32, #tpu.memory_space<vmem_shared>> -> memref<10240x16xf32, #tpu.memory_space<vmem_shared>>
    tpu.enqueue_indirect_dma source(%dma_start3A_326 : memref<625x16xf32, #tpu.memory_space<vmem>>) target(%dma_start3A_332 : memref<10240x16xf32, #tpu.memory_space<vmem_shared>>) offsets(%dma_start3A_329 : memref<625xi32, #tpu.memory_space<vmem>>) semaphore(%arg20 : memref<!tpu.dma_semaphore, #tpu.memory_space<semaphore_mem>>) {add = true}
    %dma_start3A_333 = arith.constant 15 : i32
    %dma_start3A_334 = arith.constant 625 : i32
    %dma_start3A_335 = arith.constant 0 : i32
    %dma_start3A_336 = tpu.memref_slice %arg14[%dma_start3A_334, %dma_start3A_335] : memref<1250x16xf32, #tpu.memory_space<vmem>> -> memref<625x16xf32, #tpu.memory_space<vmem>>
    %dma_start3A_337 = arith.constant 0 : i32
    %dma_start3A_338 = tpu.memref_slice %arg12[%dma_start3A_333, %dma_start3A_337] : memref<16x625xi32, #tpu.memory_space<vmem>> -> memref<1x625xi32, #tpu.memory_space<vmem>>
    %dma_start3A_339 = tpu.memref_squeeze %dma_start3A_338 : memref<1x625xi32, #tpu.memory_space<vmem>> -> memref<625xi32, #tpu.memory_space<vmem>>
    %dma_start3A_340 = arith.constant 0 : i32
    %dma_start3A_341 = arith.constant 0 : i32
    %dma_start3A_342 = tpu.memref_slice %arg22[%dma_start3A_340, %dma_start3A_341] : memref<10240x16xf32, #tpu.memory_space<vmem_shared>> -> memref<10240x16xf32, #tpu.memory_space<vmem_shared>>
    tpu.enqueue_indirect_dma source(%dma_start3A_336 : memref<625x16xf32, #tpu.memory_space<vmem>>) target(%dma_start3A_342 : memref<10240x16xf32, #tpu.memory_space<vmem_shared>>) offsets(%dma_start3A_339 : memref<625xi32, #tpu.memory_space<vmem>>) semaphore(%arg20 : memref<!tpu.dma_semaphore, #tpu.memory_space<semaphore_mem>>) {add = true}
    %dma_wait3A_343 = arith.constant 14 : i32
    %dma_wait3A_344 = arith.constant 0 : i32
    %dma_wait3A_345 = arith.constant 0 : i32
    %dma_wait3A_346 = tpu.memref_slice %arg14[%dma_wait3A_344, %dma_wait3A_345] : memref<1250x16xf32, #tpu.memory_space<vmem>> -> memref<625x16xf32, #tpu.memory_space<vmem>>
    %dma_wait3A_347 = arith.constant 0 : i32
    %dma_wait3A_348 = tpu.memref_slice %arg12[%dma_wait3A_343, %dma_wait3A_347] : memref<16x625xi32, #tpu.memory_space<vmem>> -> memref<1x625xi32, #tpu.memory_space<vmem>>
    %dma_wait3A_349 = tpu.memref_squeeze %dma_wait3A_348 : memref<1x625xi32, #tpu.memory_space<vmem>> -> memref<625xi32, #tpu.memory_space<vmem>>
    %dma_wait3A_350 = arith.constant 0 : i32
    %dma_wait3A_351 = arith.constant 0 : i32
    %dma_wait3A_352 = tpu.memref_slice %arg22[%dma_wait3A_350, %dma_wait3A_351] : memref<10240x16xf32, #tpu.memory_space<vmem_shared>> -> memref<10240x16xf32, #tpu.memory_space<vmem_shared>>
    tpu.wait_indirect_dma semaphore(%arg20 : memref<!tpu.dma_semaphore, #tpu.memory_space<semaphore_mem>>) src(%dma_wait3A_346 : memref<625x16xf32, #tpu.memory_space<vmem>>) dst(%dma_wait3A_352 : memref<10240x16xf32, #tpu.memory_space<vmem_shared>>)
    %dma_wait3A_353 = arith.constant 15 : i32
    %dma_wait3A_354 = arith.constant 625 : i32
    %dma_wait3A_355 = arith.constant 0 : i32
    %dma_wait3A_356 = tpu.memref_slice %arg14[%dma_wait3A_354, %dma_wait3A_355] : memref<1250x16xf32, #tpu.memory_space<vmem>> -> memref<625x16xf32, #tpu.memory_space<vmem>>
    %dma_wait3A_357 = arith.constant 0 : i32
    %dma_wait3A_358 = tpu.memref_slice %arg12[%dma_wait3A_353, %dma_wait3A_357] : memref<16x625xi32, #tpu.memory_space<vmem>> -> memref<1x625xi32, #tpu.memory_space<vmem>>
    %dma_wait3A_359 = tpu.memref_squeeze %dma_wait3A_358 : memref<1x625xi32, #tpu.memory_space<vmem>> -> memref<625xi32, #tpu.memory_space<vmem>>
    %dma_wait3A_360 = arith.constant 0 : i32
    %dma_wait3A_361 = arith.constant 0 : i32
    %dma_wait3A_362 = tpu.memref_slice %arg22[%dma_wait3A_360, %dma_wait3A_361] : memref<10240x16xf32, #tpu.memory_space<vmem_shared>> -> memref<10240x16xf32, #tpu.memory_space<vmem_shared>>
    tpu.wait_indirect_dma semaphore(%arg20 : memref<!tpu.dma_semaphore, #tpu.memory_space<semaphore_mem>>) src(%dma_wait3A_356 : memref<625x16xf32, #tpu.memory_space<vmem>>) dst(%dma_wait3A_362 : memref<10240x16xf32, #tpu.memory_space<vmem_shared>>)
    %barrier3A_363 = arith.constant 0 : index
    tpu.barrier barrier_id(%barrier3A_363)
    %mul3A_364 = arith.constant 640 : i32
    %mul3A_365 = arith.muli %arg1, %mul3A_364 : i32
    "tpu.region"() ({
      %run_scoped3A = tpu.sem_alloc : memref<!tpu.dma_semaphore, #tpu.memory_space<semaphore_mem>>
      %dma_start3A_550 = arith.constant 0 : i32
      %dma_start3A_551 = tpu.memref_slice %arg22[%mul3A_365, %dma_start3A_550] : memref<10240x16xf32, #tpu.memory_space<vmem_shared>> -> memref<640x16xf32, #tpu.memory_space<vmem_shared>>
      %dma_start3A_552 = arith.constant 0 : i32
      %dma_start3A_553 = tpu.memref_slice %arg22[%mul3A_365, %dma_start3A_552] : memref<10240x16xf32, #tpu.memory_space<vmem_shared>> -> memref<640x16xf32, #tpu.memory_space<vmem_shared>>
      tpu.enqueue_dma source(%dma_start3A_553 : memref<640x16xf32, #tpu.memory_space<vmem_shared>>) target(%arg17 : memref<640x16xf32, #tpu.memory_space<vmem>>) target_semaphore(%run_scoped3A : memref<!tpu.dma_semaphore, #tpu.memory_space<semaphore_mem>>)
      %dma_wait3A_554 = arith.constant 0 : i32
      %dma_wait3A_555 = tpu.memref_slice %arg22[%mul3A_365, %dma_wait3A_554] : memref<10240x16xf32, #tpu.memory_space<vmem_shared>> -> memref<640x16xf32, #tpu.memory_space<vmem_shared>>
      %dma_wait3A_556 = arith.constant 0 : i32
      %dma_wait3A_557 = tpu.memref_slice %arg22[%mul3A_365, %dma_wait3A_556] : memref<10240x16xf32, #tpu.memory_space<vmem_shared>> -> memref<640x16xf32, #tpu.memory_space<vmem_shared>>
      tpu.wait_dma2 semaphore(%run_scoped3A : memref<!tpu.dma_semaphore, #tpu.memory_space<semaphore_mem>>) src(%dma_wait3A_557 : memref<640x16xf32, #tpu.memory_space<vmem_shared>>) dst(%arg17 : memref<640x16xf32, #tpu.memory_space<vmem>>)
      tpu.yield
    }) : () -> ()
    %get3A = arith.constant 0 : index
    %get3A_366 = tpu.vector_load %arg18[%get3A] {strides = array<i32>} : memref<16xf32, #tpu.memory_space<vmem>>, vector<16xf32>,
    %get3A_367 = vector.shape_cast %get3A_366 : vector<16xf32> to vector<16xf32>
    %get3A_368 = arith.constant 0 : index
    %get3A_369 = tpu.vector_load %arg19[%get3A_368] {strides = array<i32>} : memref<16xf32, #tpu.memory_space<vmem>>, vector<16xf32>,
    %get3A_370 = vector.shape_cast %get3A_369 : vector<16xf32> to vector<16xf32>
    %scan3A = arith.constant 0 : i32
    %scan3A_371 = arith.constant 0 : i32
    %scan3A_372 = arith.constant 640 : i32
    %scan3A_373 = arith.addi %scan3A_371, %scan3A_372 : i32
    %scan3A_374 = arith.constant 1 : i32
    %scan3A_375 = scf.for %scan3A_550 = %scan3A_371 to %scan3A_373 step %scan3A_374 iter_args(%scan3A_551 = %scan3A) -> (i32)  : i32 {
      %get3A_552 = arith.index_cast %scan3A_550 : i32 to index
      %get3A_553 = arith.constant 0 : index
      %get3A_554 = tpu.vector_load %arg17[%get3A_552, %get3A_553] {strides = array<i32>} : memref<640x16xf32, #tpu.memory_space<vmem>>, vector<1x16xf32>,
      %get3A_555 = vector.shape_cast %get3A_554 : vector<1x16xf32> to vector<16xf32>
      %get3A_556 = arith.index_cast %scan3A_550 : i32 to index
      %get3A_557 = arith.constant 0 : index
      %get3A_558 = tpu.vector_load %arg15[%get3A_556, %get3A_557] {strides = array<i32>} : memref<640x16xf32, #tpu.memory_space<vmem>>, vector<1x16xf32>,
      %get3A_559 = vector.shape_cast %get3A_558 : vector<1x16xf32> to vector<16xf32>
      %max3A = arith.constant 1.000000e+00 : f32
      %max3A_560 = vector.broadcast %max3A : f32 to vector<16xf32>
      %max3A_561 = arith.maximumf %get3A_559, %max3A_560 : vector<16xf32>
      %div3A = arith.divf %get3A_555, %max3A_561 : vector<16xf32>
      %get3A_562 = arith.index_cast %scan3A_550 : i32 to index
      %get3A_563 = arith.constant 0 : index
      %get3A_564 = tpu.vector_load %arg16[%get3A_562, %get3A_563] {strides = array<i32>} : memref<640x16xf32, #tpu.memory_space<vmem>>, vector<1x16xf32>,
      %get3A_565 = vector.shape_cast %get3A_564 : vector<1x16xf32> to vector<16xf32>
      %add3A_566 = arith.addf %div3A, %get3A_565 : vector<16xf32>
      %mul3A_567 = arith.mulf %add3A_566, %get3A_367 : vector<16xf32>
      %add3A_568 = arith.addf %mul3A_567, %get3A_370 : vector<16xf32>
      %max3A_569 = arith.constant 0.000000e+00 : f32
      %max3A_570 = vector.broadcast %max3A_569 : f32 to vector<16xf32>
      %max3A_571 = arith.maximumf %add3A_568, %max3A_570 : vector<16xf32>
      %swap3A = arith.index_cast %scan3A_550 : i32 to index
      %swap3A_572 = arith.constant 0 : index
      %swap3A_573 = tpu.vector_load %arg17[%swap3A, %swap3A_572] {strides = array<i32>} : memref<640x16xf32, #tpu.memory_space<vmem>>, vector<1x16xf32>,
      %swap3A_574 = vector.shape_cast %swap3A_573 : vector<1x16xf32> to vector<16xf32>
      %swap3A_575 = vector.shape_cast %max3A_571 : vector<16xf32> to vector<1x16xf32>
      tpu.vector_store %arg17[%swap3A, %swap3A_572], %swap3A_575 {strides = array<i32>} : memref<640x16xf32, #tpu.memory_space<vmem>>, vector<1x16xf32>,
      %scan3A_576 = arith.constant 0 : i32
      scf.yield %scan3A_576 : i32
    }
    %scan3A_376 = arith.constant 640 : i32
    %mul3A_377 = arith.constant 640 : i32
    %mul3A_378 = arith.muli %arg1, %mul3A_377 : i32
    "tpu.region"() ({
      %run_scoped3A = tpu.sem_alloc : memref<!tpu.dma_semaphore, #tpu.memory_space<semaphore_mem>>
      %dma_start3A_550 = arith.constant 0 : i32
      %dma_start3A_551 = tpu.memref_slice %arg22[%mul3A_378, %dma_start3A_550] : memref<10240x16xf32, #tpu.memory_space<vmem_shared>> -> memref<640x16xf32, #tpu.memory_space<vmem_shared>>
      %dma_start3A_552 = arith.constant 0 : i32
      %dma_start3A_553 = tpu.memref_slice %arg22[%mul3A_378, %dma_start3A_552] : memref<10240x16xf32, #tpu.memory_space<vmem_shared>> -> memref<640x16xf32, #tpu.memory_space<vmem_shared>>
      tpu.enqueue_dma source(%arg17 : memref<640x16xf32, #tpu.memory_space<vmem>>) target(%dma_start3A_553 : memref<640x16xf32, #tpu.memory_space<vmem_shared>>) target_semaphore(%run_scoped3A : memref<!tpu.dma_semaphore, #tpu.memory_space<semaphore_mem>>)
      %dma_wait3A_554 = arith.constant 0 : i32
      %dma_wait3A_555 = tpu.memref_slice %arg22[%mul3A_378, %dma_wait3A_554] : memref<10240x16xf32, #tpu.memory_space<vmem_shared>> -> memref<640x16xf32, #tpu.memory_space<vmem_shared>>
      %dma_wait3A_556 = arith.constant 0 : i32
      %dma_wait3A_557 = tpu.memref_slice %arg22[%mul3A_378, %dma_wait3A_556] : memref<10240x16xf32, #tpu.memory_space<vmem_shared>> -> memref<640x16xf32, #tpu.memory_space<vmem_shared>>
      tpu.wait_dma2 semaphore(%run_scoped3A : memref<!tpu.dma_semaphore, #tpu.memory_space<semaphore_mem>>) src(%arg17 : memref<640x16xf32, #tpu.memory_space<vmem>>) dst(%dma_wait3A_557 : memref<640x16xf32, #tpu.memory_space<vmem_shared>>)
      tpu.yield
    }) : () -> ()
    %eq3A = arith.constant 0 : i32
    %eq3A_379 = arith.cmpi eq, %arg0, %eq3A : i32
    %convert_element_type3A = arith.extui %eq3A_379 : i1 to i32
    %cond3A = arith.constant 0 : i32
    %cond3A_380 = arith.cmpi ne, %convert_element_type3A, %cond3A : i32
    scf.if %cond3A_380 {
      %mul3A_550 = arith.constant 640 : i32
      %mul3A_551 = arith.muli %arg1, %mul3A_550 : i32
      "tpu.region"() ({
        %run_scoped3A = tpu.sem_alloc : memref<!tpu.dma_semaphore, #tpu.memory_space<semaphore_mem>>
        %dma_start3A_552 = arith.constant 0 : i32
        %dma_start3A_553 = tpu.memref_slice %arg11[%mul3A_551, %dma_start3A_552] : memref<10240x16xf32, #tpu.memory_space<hbm>> -> memref<640x16xf32, #tpu.memory_space<hbm>>
        %dma_start3A_554 = arith.constant 0 : i32
        %dma_start3A_555 = tpu.memref_slice %arg11[%mul3A_551, %dma_start3A_554] : memref<10240x16xf32, #tpu.memory_space<hbm>> -> memref<640x16xf32, #tpu.memory_space<hbm>>
        tpu.enqueue_dma source(%arg17 : memref<640x16xf32, #tpu.memory_space<vmem>>) target(%dma_start3A_555 : memref<640x16xf32, #tpu.memory_space<hbm>>) target_semaphore(%run_scoped3A : memref<!tpu.dma_semaphore, #tpu.memory_space<semaphore_mem>>)
        %dma_wait3A_556 = arith.constant 0 : i32
        %dma_wait3A_557 = tpu.memref_slice %arg11[%mul3A_551, %dma_wait3A_556] : memref<10240x16xf32, #tpu.memory_space<hbm>> -> memref<640x16xf32, #tpu.memory_space<hbm>>
        %dma_wait3A_558 = arith.constant 0 : i32
        %dma_wait3A_559 = tpu.memref_slice %arg11[%mul3A_551, %dma_wait3A_558] : memref<10240x16xf32, #tpu.memory_space<hbm>> -> memref<640x16xf32, #tpu.memory_space<hbm>>
        tpu.wait_dma2 semaphore(%run_scoped3A : memref<!tpu.dma_semaphore, #tpu.memory_space<semaphore_mem>>) src(%arg17 : memref<640x16xf32, #tpu.memory_space<vmem>>) dst(%dma_wait3A_559 : memref<640x16xf32, #tpu.memory_space<hbm>>)
        tpu.yield
      }) : () -> ()
    } else {
    }
    %barrier3A_381 = arith.constant 0 : index
    tpu.barrier barrier_id(%barrier3A_381)
    %dma_start3A_382 = arith.constant 0 : i32
    %dma_start3A_383 = arith.constant 0 : i32
    %dma_start3A_384 = arith.constant 0 : i32
    %dma_start3A_385 = tpu.memref_slice %arg14[%dma_start3A_383, %dma_start3A_384] : memref<1250x16xf32, #tpu.memory_space<vmem>> -> memref<625x16xf32, #tpu.memory_space<vmem>>
    %dma_start3A_386 = arith.constant 0 : i32
    %dma_start3A_387 = tpu.memref_slice %arg13[%dma_start3A_382, %dma_start3A_386] : memref<8x625xi32, #tpu.memory_space<vmem>> -> memref<1x625xi32, #tpu.memory_space<vmem>>
    %dma_start3A_388 = tpu.memref_squeeze %dma_start3A_387 : memref<1x625xi32, #tpu.memory_space<vmem>> -> memref<625xi32, #tpu.memory_space<vmem>>
    %dma_start3A_389 = arith.constant 0 : i32
    %dma_start3A_390 = arith.constant 0 : i32
    %dma_start3A_391 = tpu.memref_slice %arg22[%dma_start3A_389, %dma_start3A_390] : memref<10240x16xf32, #tpu.memory_space<vmem_shared>> -> memref<10240x16xf32, #tpu.memory_space<vmem_shared>>
    tpu.enqueue_indirect_dma source(%dma_start3A_391 : memref<10240x16xf32, #tpu.memory_space<vmem_shared>>) target(%dma_start3A_385 : memref<625x16xf32, #tpu.memory_space<vmem>>) offsets(%dma_start3A_388 : memref<625xi32, #tpu.memory_space<vmem>>) semaphore(%arg21 : memref<!tpu.dma_semaphore, #tpu.memory_space<semaphore_mem>>)
    %dma_start3A_392 = arith.constant 1 : i32
    %dma_start3A_393 = arith.constant 625 : i32
    %dma_start3A_394 = arith.constant 0 : i32
    %dma_start3A_395 = tpu.memref_slice %arg14[%dma_start3A_393, %dma_start3A_394] : memref<1250x16xf32, #tpu.memory_space<vmem>> -> memref<625x16xf32, #tpu.memory_space<vmem>>
    %dma_start3A_396 = arith.constant 0 : i32
    %dma_start3A_397 = tpu.memref_slice %arg13[%dma_start3A_392, %dma_start3A_396] : memref<8x625xi32, #tpu.memory_space<vmem>> -> memref<1x625xi32, #tpu.memory_space<vmem>>
    %dma_start3A_398 = tpu.memref_squeeze %dma_start3A_397 : memref<1x625xi32, #tpu.memory_space<vmem>> -> memref<625xi32, #tpu.memory_space<vmem>>
    %dma_start3A_399 = arith.constant 0 : i32
    %dma_start3A_400 = arith.constant 0 : i32
    %dma_start3A_401 = tpu.memref_slice %arg22[%dma_start3A_399, %dma_start3A_400] : memref<10240x16xf32, #tpu.memory_space<vmem_shared>> -> memref<10240x16xf32, #tpu.memory_space<vmem_shared>>
    tpu.enqueue_indirect_dma source(%dma_start3A_401 : memref<10240x16xf32, #tpu.memory_space<vmem_shared>>) target(%dma_start3A_395 : memref<625x16xf32, #tpu.memory_space<vmem>>) offsets(%dma_start3A_398 : memref<625xi32, #tpu.memory_space<vmem>>) semaphore(%arg21 : memref<!tpu.dma_semaphore, #tpu.memory_space<semaphore_mem>>)
    %dma_wait3A_402 = arith.constant 0 : i32
    %dma_wait3A_403 = arith.constant 0 : i32
    %dma_wait3A_404 = arith.constant 0 : i32
    %dma_wait3A_405 = tpu.memref_slice %arg14[%dma_wait3A_403, %dma_wait3A_404] : memref<1250x16xf32, #tpu.memory_space<vmem>> -> memref<625x16xf32, #tpu.memory_space<vmem>>
    %dma_wait3A_406 = arith.constant 0 : i32
    %dma_wait3A_407 = tpu.memref_slice %arg13[%dma_wait3A_402, %dma_wait3A_406] : memref<8x625xi32, #tpu.memory_space<vmem>> -> memref<1x625xi32, #tpu.memory_space<vmem>>
    %dma_wait3A_408 = tpu.memref_squeeze %dma_wait3A_407 : memref<1x625xi32, #tpu.memory_space<vmem>> -> memref<625xi32, #tpu.memory_space<vmem>>
    %dma_wait3A_409 = arith.constant 0 : i32
    %dma_wait3A_410 = arith.constant 0 : i32
    %dma_wait3A_411 = tpu.memref_slice %arg22[%dma_wait3A_409, %dma_wait3A_410] : memref<10240x16xf32, #tpu.memory_space<vmem_shared>> -> memref<10240x16xf32, #tpu.memory_space<vmem_shared>>
    tpu.wait_indirect_dma semaphore(%arg21 : memref<!tpu.dma_semaphore, #tpu.memory_space<semaphore_mem>>) src(%dma_wait3A_411 : memref<10240x16xf32, #tpu.memory_space<vmem_shared>>) dst(%dma_wait3A_405 : memref<625x16xf32, #tpu.memory_space<vmem>>)
    %dma_wait3A_412 = arith.constant 1 : i32
    %dma_wait3A_413 = arith.constant 625 : i32
    %dma_wait3A_414 = arith.constant 0 : i32
    %dma_wait3A_415 = tpu.memref_slice %arg14[%dma_wait3A_413, %dma_wait3A_414] : memref<1250x16xf32, #tpu.memory_space<vmem>> -> memref<625x16xf32, #tpu.memory_space<vmem>>
    %dma_wait3A_416 = arith.constant 0 : i32
    %dma_wait3A_417 = tpu.memref_slice %arg13[%dma_wait3A_412, %dma_wait3A_416] : memref<8x625xi32, #tpu.memory_space<vmem>> -> memref<1x625xi32, #tpu.memory_space<vmem>>
    %dma_wait3A_418 = tpu.memref_squeeze %dma_wait3A_417 : memref<1x625xi32, #tpu.memory_space<vmem>> -> memref<625xi32, #tpu.memory_space<vmem>>
    %dma_wait3A_419 = arith.constant 0 : i32
    %dma_wait3A_420 = arith.constant 0 : i32
    %dma_wait3A_421 = tpu.memref_slice %arg22[%dma_wait3A_419, %dma_wait3A_420] : memref<10240x16xf32, #tpu.memory_space<vmem_shared>> -> memref<10240x16xf32, #tpu.memory_space<vmem_shared>>
    tpu.wait_indirect_dma semaphore(%arg21 : memref<!tpu.dma_semaphore, #tpu.memory_space<semaphore_mem>>) src(%dma_wait3A_421 : memref<10240x16xf32, #tpu.memory_space<vmem_shared>>) dst(%dma_wait3A_415 : memref<625x16xf32, #tpu.memory_space<vmem>>)
    %add3A_422 = arith.constant 0 : i32
    %add3A_423 = arith.addi %mul3A_2, %add3A_422 : i32
    "tpu.region"() ({
      %run_scoped3A = tpu.sem_alloc : memref<!tpu.dma_semaphore, #tpu.memory_space<semaphore_mem>>
      %dma_start3A_550 = arith.constant 0 : i32
      %dma_start3A_551 = tpu.memref_slice %arg10[%add3A_423, %dma_start3A_550] : memref<160000x16xf32, #tpu.memory_space<hbm>> -> memref<1250x16xf32, #tpu.memory_space<hbm>>
      %dma_start3A_552 = arith.constant 0 : i32
      %dma_start3A_553 = tpu.memref_slice %arg10[%add3A_423, %dma_start3A_552] : memref<160000x16xf32, #tpu.memory_space<hbm>> -> memref<1250x16xf32, #tpu.memory_space<hbm>>
      tpu.enqueue_dma source(%arg14 : memref<1250x16xf32, #tpu.memory_space<vmem>>) target(%dma_start3A_553 : memref<1250x16xf32, #tpu.memory_space<hbm>>) target_semaphore(%run_scoped3A : memref<!tpu.dma_semaphore, #tpu.memory_space<semaphore_mem>>)
      %dma_wait3A_554 = arith.constant 0 : i32
      %dma_wait3A_555 = tpu.memref_slice %arg10[%add3A_423, %dma_wait3A_554] : memref<160000x16xf32, #tpu.memory_space<hbm>> -> memref<1250x16xf32, #tpu.memory_space<hbm>>
      %dma_wait3A_556 = arith.constant 0 : i32
      %dma_wait3A_557 = tpu.memref_slice %arg10[%add3A_423, %dma_wait3A_556] : memref<160000x16xf32, #tpu.memory_space<hbm>> -> memref<1250x16xf32, #tpu.memory_space<hbm>>
      tpu.wait_dma2 semaphore(%run_scoped3A : memref<!tpu.dma_semaphore, #tpu.memory_space<semaphore_mem>>) src(%arg14 : memref<1250x16xf32, #tpu.memory_space<vmem>>) dst(%dma_wait3A_557 : memref<1250x16xf32, #tpu.memory_space<hbm>>)
      tpu.yield
    }) : () -> ()
    %dma_start3A_424 = arith.constant 2 : i32
    %dma_start3A_425 = arith.constant 0 : i32
    %dma_start3A_426 = arith.constant 0 : i32
    %dma_start3A_427 = tpu.memref_slice %arg14[%dma_start3A_425, %dma_start3A_426] : memref<1250x16xf32, #tpu.memory_space<vmem>> -> memref<625x16xf32, #tpu.memory_space<vmem>>
    %dma_start3A_428 = arith.constant 0 : i32
    %dma_start3A_429 = tpu.memref_slice %arg13[%dma_start3A_424, %dma_start3A_428] : memref<8x625xi32, #tpu.memory_space<vmem>> -> memref<1x625xi32, #tpu.memory_space<vmem>>
    %dma_start3A_430 = tpu.memref_squeeze %dma_start3A_429 : memref<1x625xi32, #tpu.memory_space<vmem>> -> memref<625xi32, #tpu.memory_space<vmem>>
    %dma_start3A_431 = arith.constant 0 : i32
    %dma_start3A_432 = arith.constant 0 : i32
    %dma_start3A_433 = tpu.memref_slice %arg22[%dma_start3A_431, %dma_start3A_432] : memref<10240x16xf32, #tpu.memory_space<vmem_shared>> -> memref<10240x16xf32, #tpu.memory_space<vmem_shared>>
    tpu.enqueue_indirect_dma source(%dma_start3A_433 : memref<10240x16xf32, #tpu.memory_space<vmem_shared>>) target(%dma_start3A_427 : memref<625x16xf32, #tpu.memory_space<vmem>>) offsets(%dma_start3A_430 : memref<625xi32, #tpu.memory_space<vmem>>) semaphore(%arg21 : memref<!tpu.dma_semaphore, #tpu.memory_space<semaphore_mem>>)
    %dma_start3A_434 = arith.constant 3 : i32
    %dma_start3A_435 = arith.constant 625 : i32
    %dma_start3A_436 = arith.constant 0 : i32
    %dma_start3A_437 = tpu.memref_slice %arg14[%dma_start3A_435, %dma_start3A_436] : memref<1250x16xf32, #tpu.memory_space<vmem>> -> memref<625x16xf32, #tpu.memory_space<vmem>>
    %dma_start3A_438 = arith.constant 0 : i32
    %dma_start3A_439 = tpu.memref_slice %arg13[%dma_start3A_434, %dma_start3A_438] : memref<8x625xi32, #tpu.memory_space<vmem>> -> memref<1x625xi32, #tpu.memory_space<vmem>>
    %dma_start3A_440 = tpu.memref_squeeze %dma_start3A_439 : memref<1x625xi32, #tpu.memory_space<vmem>> -> memref<625xi32, #tpu.memory_space<vmem>>
    %dma_start3A_441 = arith.constant 0 : i32
    %dma_start3A_442 = arith.constant 0 : i32
    %dma_start3A_443 = tpu.memref_slice %arg22[%dma_start3A_441, %dma_start3A_442] : memref<10240x16xf32, #tpu.memory_space<vmem_shared>> -> memref<10240x16xf32, #tpu.memory_space<vmem_shared>>
    tpu.enqueue_indirect_dma source(%dma_start3A_443 : memref<10240x16xf32, #tpu.memory_space<vmem_shared>>) target(%dma_start3A_437 : memref<625x16xf32, #tpu.memory_space<vmem>>) offsets(%dma_start3A_440 : memref<625xi32, #tpu.memory_space<vmem>>) semaphore(%arg21 : memref<!tpu.dma_semaphore, #tpu.memory_space<semaphore_mem>>)
    %dma_wait3A_444 = arith.constant 2 : i32
    %dma_wait3A_445 = arith.constant 0 : i32
    %dma_wait3A_446 = arith.constant 0 : i32
    %dma_wait3A_447 = tpu.memref_slice %arg14[%dma_wait3A_445, %dma_wait3A_446] : memref<1250x16xf32, #tpu.memory_space<vmem>> -> memref<625x16xf32, #tpu.memory_space<vmem>>
    %dma_wait3A_448 = arith.constant 0 : i32
    %dma_wait3A_449 = tpu.memref_slice %arg13[%dma_wait3A_444, %dma_wait3A_448] : memref<8x625xi32, #tpu.memory_space<vmem>> -> memref<1x625xi32, #tpu.memory_space<vmem>>
    %dma_wait3A_450 = tpu.memref_squeeze %dma_wait3A_449 : memref<1x625xi32, #tpu.memory_space<vmem>> -> memref<625xi32, #tpu.memory_space<vmem>>
    %dma_wait3A_451 = arith.constant 0 : i32
    %dma_wait3A_452 = arith.constant 0 : i32
    %dma_wait3A_453 = tpu.memref_slice %arg22[%dma_wait3A_451, %dma_wait3A_452] : memref<10240x16xf32, #tpu.memory_space<vmem_shared>> -> memref<10240x16xf32, #tpu.memory_space<vmem_shared>>
    tpu.wait_indirect_dma semaphore(%arg21 : memref<!tpu.dma_semaphore, #tpu.memory_space<semaphore_mem>>) src(%dma_wait3A_453 : memref<10240x16xf32, #tpu.memory_space<vmem_shared>>) dst(%dma_wait3A_447 : memref<625x16xf32, #tpu.memory_space<vmem>>)
    %dma_wait3A_454 = arith.constant 3 : i32
    %dma_wait3A_455 = arith.constant 625 : i32
    %dma_wait3A_456 = arith.constant 0 : i32
    %dma_wait3A_457 = tpu.memref_slice %arg14[%dma_wait3A_455, %dma_wait3A_456] : memref<1250x16xf32, #tpu.memory_space<vmem>> -> memref<625x16xf32, #tpu.memory_space<vmem>>
    %dma_wait3A_458 = arith.constant 0 : i32
    %dma_wait3A_459 = tpu.memref_slice %arg13[%dma_wait3A_454, %dma_wait3A_458] : memref<8x625xi32, #tpu.memory_space<vmem>> -> memref<1x625xi32, #tpu.memory_space<vmem>>
    %dma_wait3A_460 = tpu.memref_squeeze %dma_wait3A_459 : memref<1x625xi32, #tpu.memory_space<vmem>> -> memref<625xi32, #tpu.memory_space<vmem>>
    %dma_wait3A_461 = arith.constant 0 : i32
    %dma_wait3A_462 = arith.constant 0 : i32
    %dma_wait3A_463 = tpu.memref_slice %arg22[%dma_wait3A_461, %dma_wait3A_462] : memref<10240x16xf32, #tpu.memory_space<vmem_shared>> -> memref<10240x16xf32, #tpu.memory_space<vmem_shared>>
    tpu.wait_indirect_dma semaphore(%arg21 : memref<!tpu.dma_semaphore, #tpu.memory_space<semaphore_mem>>) src(%dma_wait3A_463 : memref<10240x16xf32, #tpu.memory_space<vmem_shared>>) dst(%dma_wait3A_457 : memref<625x16xf32, #tpu.memory_space<vmem>>)
    %add3A_464 = arith.constant 1250 : i32
    %add3A_465 = arith.addi %mul3A_2, %add3A_464 : i32
    "tpu.region"() ({
      %run_scoped3A = tpu.sem_alloc : memref<!tpu.dma_semaphore, #tpu.memory_space<semaphore_mem>>
      %dma_start3A_550 = arith.constant 0 : i32
      %dma_start3A_551 = tpu.memref_slice %arg10[%add3A_465, %dma_start3A_550] : memref<160000x16xf32, #tpu.memory_space<hbm>> -> memref<1250x16xf32, #tpu.memory_space<hbm>>
      %dma_start3A_552 = arith.constant 0 : i32
      %dma_start3A_553 = tpu.memref_slice %arg10[%add3A_465, %dma_start3A_552] : memref<160000x16xf32, #tpu.memory_space<hbm>> -> memref<1250x16xf32, #tpu.memory_space<hbm>>
      tpu.enqueue_dma source(%arg14 : memref<1250x16xf32, #tpu.memory_space<vmem>>) target(%dma_start3A_553 : memref<1250x16xf32, #tpu.memory_space<hbm>>) target_semaphore(%run_scoped3A : memref<!tpu.dma_semaphore, #tpu.memory_space<semaphore_mem>>)
      %dma_wait3A_554 = arith.constant 0 : i32
      %dma_wait3A_555 = tpu.memref_slice %arg10[%add3A_465, %dma_wait3A_554] : memref<160000x16xf32, #tpu.memory_space<hbm>> -> memref<1250x16xf32, #tpu.memory_space<hbm>>
      %dma_wait3A_556 = arith.constant 0 : i32
      %dma_wait3A_557 = tpu.memref_slice %arg10[%add3A_465, %dma_wait3A_556] : memref<160000x16xf32, #tpu.memory_space<hbm>> -> memref<1250x16xf32, #tpu.memory_space<hbm>>
      tpu.wait_dma2 semaphore(%run_scoped3A : memref<!tpu.dma_semaphore, #tpu.memory_space<semaphore_mem>>) src(%arg14 : memref<1250x16xf32, #tpu.memory_space<vmem>>) dst(%dma_wait3A_557 : memref<1250x16xf32, #tpu.memory_space<hbm>>)
      tpu.yield
    }) : () -> ()
    %dma_start3A_466 = arith.constant 4 : i32
    %dma_start3A_467 = arith.constant 0 : i32
    %dma_start3A_468 = arith.constant 0 : i32
    %dma_start3A_469 = tpu.memref_slice %arg14[%dma_start3A_467, %dma_start3A_468] : memref<1250x16xf32, #tpu.memory_space<vmem>> -> memref<625x16xf32, #tpu.memory_space<vmem>>
    %dma_start3A_470 = arith.constant 0 : i32
    %dma_start3A_471 = tpu.memref_slice %arg13[%dma_start3A_466, %dma_start3A_470] : memref<8x625xi32, #tpu.memory_space<vmem>> -> memref<1x625xi32, #tpu.memory_space<vmem>>
    %dma_start3A_472 = tpu.memref_squeeze %dma_start3A_471 : memref<1x625xi32, #tpu.memory_space<vmem>> -> memref<625xi32, #tpu.memory_space<vmem>>
    %dma_start3A_473 = arith.constant 0 : i32
    %dma_start3A_474 = arith.constant 0 : i32
    %dma_start3A_475 = tpu.memref_slice %arg22[%dma_start3A_473, %dma_start3A_474] : memref<10240x16xf32, #tpu.memory_space<vmem_shared>> -> memref<10240x16xf32, #tpu.memory_space<vmem_shared>>
    tpu.enqueue_indirect_dma source(%dma_start3A_475 : memref<10240x16xf32, #tpu.memory_space<vmem_shared>>) target(%dma_start3A_469 : memref<625x16xf32, #tpu.memory_space<vmem>>) offsets(%dma_start3A_472 : memref<625xi32, #tpu.memory_space<vmem>>) semaphore(%arg21 : memref<!tpu.dma_semaphore, #tpu.memory_space<semaphore_mem>>)
    %dma_start3A_476 = arith.constant 5 : i32
    %dma_start3A_477 = arith.constant 625 : i32
    %dma_start3A_478 = arith.constant 0 : i32
    %dma_start3A_479 = tpu.memref_slice %arg14[%dma_start3A_477, %dma_start3A_478] : memref<1250x16xf32, #tpu.memory_space<vmem>> -> memref<625x16xf32, #tpu.memory_space<vmem>>
    %dma_start3A_480 = arith.constant 0 : i32
    %dma_start3A_481 = tpu.memref_slice %arg13[%dma_start3A_476, %dma_start3A_480] : memref<8x625xi32, #tpu.memory_space<vmem>> -> memref<1x625xi32, #tpu.memory_space<vmem>>
    %dma_start3A_482 = tpu.memref_squeeze %dma_start3A_481 : memref<1x625xi32, #tpu.memory_space<vmem>> -> memref<625xi32, #tpu.memory_space<vmem>>
    %dma_start3A_483 = arith.constant 0 : i32
    %dma_start3A_484 = arith.constant 0 : i32
    %dma_start3A_485 = tpu.memref_slice %arg22[%dma_start3A_483, %dma_start3A_484] : memref<10240x16xf32, #tpu.memory_space<vmem_shared>> -> memref<10240x16xf32, #tpu.memory_space<vmem_shared>>
    tpu.enqueue_indirect_dma source(%dma_start3A_485 : memref<10240x16xf32, #tpu.memory_space<vmem_shared>>) target(%dma_start3A_479 : memref<625x16xf32, #tpu.memory_space<vmem>>) offsets(%dma_start3A_482 : memref<625xi32, #tpu.memory_space<vmem>>) semaphore(%arg21 : memref<!tpu.dma_semaphore, #tpu.memory_space<semaphore_mem>>)
    %dma_wait3A_486 = arith.constant 4 : i32
    %dma_wait3A_487 = arith.constant 0 : i32
    %dma_wait3A_488 = arith.constant 0 : i32
    %dma_wait3A_489 = tpu.memref_slice %arg14[%dma_wait3A_487, %dma_wait3A_488] : memref<1250x16xf32, #tpu.memory_space<vmem>> -> memref<625x16xf32, #tpu.memory_space<vmem>>
    %dma_wait3A_490 = arith.constant 0 : i32
    %dma_wait3A_491 = tpu.memref_slice %arg13[%dma_wait3A_486, %dma_wait3A_490] : memref<8x625xi32, #tpu.memory_space<vmem>> -> memref<1x625xi32, #tpu.memory_space<vmem>>
    %dma_wait3A_492 = tpu.memref_squeeze %dma_wait3A_491 : memref<1x625xi32, #tpu.memory_space<vmem>> -> memref<625xi32, #tpu.memory_space<vmem>>
    %dma_wait3A_493 = arith.constant 0 : i32
    %dma_wait3A_494 = arith.constant 0 : i32
    %dma_wait3A_495 = tpu.memref_slice %arg22[%dma_wait3A_493, %dma_wait3A_494] : memref<10240x16xf32, #tpu.memory_space<vmem_shared>> -> memref<10240x16xf32, #tpu.memory_space<vmem_shared>>
    tpu.wait_indirect_dma semaphore(%arg21 : memref<!tpu.dma_semaphore, #tpu.memory_space<semaphore_mem>>) src(%dma_wait3A_495 : memref<10240x16xf32, #tpu.memory_space<vmem_shared>>) dst(%dma_wait3A_489 : memref<625x16xf32, #tpu.memory_space<vmem>>)
    %dma_wait3A_496 = arith.constant 5 : i32
    %dma_wait3A_497 = arith.constant 625 : i32
    %dma_wait3A_498 = arith.constant 0 : i32
    %dma_wait3A_499 = tpu.memref_slice %arg14[%dma_wait3A_497, %dma_wait3A_498] : memref<1250x16xf32, #tpu.memory_space<vmem>> -> memref<625x16xf32, #tpu.memory_space<vmem>>
    %dma_wait3A_500 = arith.constant 0 : i32
    %dma_wait3A_501 = tpu.memref_slice %arg13[%dma_wait3A_496, %dma_wait3A_500] : memref<8x625xi32, #tpu.memory_space<vmem>> -> memref<1x625xi32, #tpu.memory_space<vmem>>
    %dma_wait3A_502 = tpu.memref_squeeze %dma_wait3A_501 : memref<1x625xi32, #tpu.memory_space<vmem>> -> memref<625xi32, #tpu.memory_space<vmem>>
    %dma_wait3A_503 = arith.constant 0 : i32
    %dma_wait3A_504 = arith.constant 0 : i32
    %dma_wait3A_505 = tpu.memref_slice %arg22[%dma_wait3A_503, %dma_wait3A_504] : memref<10240x16xf32, #tpu.memory_space<vmem_shared>> -> memref<10240x16xf32, #tpu.memory_space<vmem_shared>>
    tpu.wait_indirect_dma semaphore(%arg21 : memref<!tpu.dma_semaphore, #tpu.memory_space<semaphore_mem>>) src(%dma_wait3A_505 : memref<10240x16xf32, #tpu.memory_space<vmem_shared>>) dst(%dma_wait3A_499 : memref<625x16xf32, #tpu.memory_space<vmem>>)
    %add3A_506 = arith.constant 2500 : i32
    %add3A_507 = arith.addi %mul3A_2, %add3A_506 : i32
    "tpu.region"() ({
      %run_scoped3A = tpu.sem_alloc : memref<!tpu.dma_semaphore, #tpu.memory_space<semaphore_mem>>
      %dma_start3A_550 = arith.constant 0 : i32
      %dma_start3A_551 = tpu.memref_slice %arg10[%add3A_507, %dma_start3A_550] : memref<160000x16xf32, #tpu.memory_space<hbm>> -> memref<1250x16xf32, #tpu.memory_space<hbm>>
      %dma_start3A_552 = arith.constant 0 : i32
      %dma_start3A_553 = tpu.memref_slice %arg10[%add3A_507, %dma_start3A_552] : memref<160000x16xf32, #tpu.memory_space<hbm>> -> memref<1250x16xf32, #tpu.memory_space<hbm>>
      tpu.enqueue_dma source(%arg14 : memref<1250x16xf32, #tpu.memory_space<vmem>>) target(%dma_start3A_553 : memref<1250x16xf32, #tpu.memory_space<hbm>>) target_semaphore(%run_scoped3A : memref<!tpu.dma_semaphore, #tpu.memory_space<semaphore_mem>>)
      %dma_wait3A_554 = arith.constant 0 : i32
      %dma_wait3A_555 = tpu.memref_slice %arg10[%add3A_507, %dma_wait3A_554] : memref<160000x16xf32, #tpu.memory_space<hbm>> -> memref<1250x16xf32, #tpu.memory_space<hbm>>
      %dma_wait3A_556 = arith.constant 0 : i32
      %dma_wait3A_557 = tpu.memref_slice %arg10[%add3A_507, %dma_wait3A_556] : memref<160000x16xf32, #tpu.memory_space<hbm>> -> memref<1250x16xf32, #tpu.memory_space<hbm>>
      tpu.wait_dma2 semaphore(%run_scoped3A : memref<!tpu.dma_semaphore, #tpu.memory_space<semaphore_mem>>) src(%arg14 : memref<1250x16xf32, #tpu.memory_space<vmem>>) dst(%dma_wait3A_557 : memref<1250x16xf32, #tpu.memory_space<hbm>>)
      tpu.yield
    }) : () -> ()
    %dma_start3A_508 = arith.constant 6 : i32
    %dma_start3A_509 = arith.constant 0 : i32
    %dma_start3A_510 = arith.constant 0 : i32
    %dma_start3A_511 = tpu.memref_slice %arg14[%dma_start3A_509, %dma_start3A_510] : memref<1250x16xf32, #tpu.memory_space<vmem>> -> memref<625x16xf32, #tpu.memory_space<vmem>>
    %dma_start3A_512 = arith.constant 0 : i32
    %dma_start3A_513 = tpu.memref_slice %arg13[%dma_start3A_508, %dma_start3A_512] : memref<8x625xi32, #tpu.memory_space<vmem>> -> memref<1x625xi32, #tpu.memory_space<vmem>>
    %dma_start3A_514 = tpu.memref_squeeze %dma_start3A_513 : memref<1x625xi32, #tpu.memory_space<vmem>> -> memref<625xi32, #tpu.memory_space<vmem>>
    %dma_start3A_515 = arith.constant 0 : i32
    %dma_start3A_516 = arith.constant 0 : i32
    %dma_start3A_517 = tpu.memref_slice %arg22[%dma_start3A_515, %dma_start3A_516] : memref<10240x16xf32, #tpu.memory_space<vmem_shared>> -> memref<10240x16xf32, #tpu.memory_space<vmem_shared>>
    tpu.enqueue_indirect_dma source(%dma_start3A_517 : memref<10240x16xf32, #tpu.memory_space<vmem_shared>>) target(%dma_start3A_511 : memref<625x16xf32, #tpu.memory_space<vmem>>) offsets(%dma_start3A_514 : memref<625xi32, #tpu.memory_space<vmem>>) semaphore(%arg21 : memref<!tpu.dma_semaphore, #tpu.memory_space<semaphore_mem>>)
    %dma_start3A_518 = arith.constant 7 : i32
    %dma_start3A_519 = arith.constant 625 : i32
    %dma_start3A_520 = arith.constant 0 : i32
    %dma_start3A_521 = tpu.memref_slice %arg14[%dma_start3A_519, %dma_start3A_520] : memref<1250x16xf32, #tpu.memory_space<vmem>> -> memref<625x16xf32, #tpu.memory_space<vmem>>
    %dma_start3A_522 = arith.constant 0 : i32
    %dma_start3A_523 = tpu.memref_slice %arg13[%dma_start3A_518, %dma_start3A_522] : memref<8x625xi32, #tpu.memory_space<vmem>> -> memref<1x625xi32, #tpu.memory_space<vmem>>
    %dma_start3A_524 = tpu.memref_squeeze %dma_start3A_523 : memref<1x625xi32, #tpu.memory_space<vmem>> -> memref<625xi32, #tpu.memory_space<vmem>>
    %dma_start3A_525 = arith.constant 0 : i32
    %dma_start3A_526 = arith.constant 0 : i32
    %dma_start3A_527 = tpu.memref_slice %arg22[%dma_start3A_525, %dma_start3A_526] : memref<10240x16xf32, #tpu.memory_space<vmem_shared>> -> memref<10240x16xf32, #tpu.memory_space<vmem_shared>>
    tpu.enqueue_indirect_dma source(%dma_start3A_527 : memref<10240x16xf32, #tpu.memory_space<vmem_shared>>) target(%dma_start3A_521 : memref<625x16xf32, #tpu.memory_space<vmem>>) offsets(%dma_start3A_524 : memref<625xi32, #tpu.memory_space<vmem>>) semaphore(%arg21 : memref<!tpu.dma_semaphore, #tpu.memory_space<semaphore_mem>>)
    %dma_wait3A_528 = arith.constant 6 : i32
    %dma_wait3A_529 = arith.constant 0 : i32
    %dma_wait3A_530 = arith.constant 0 : i32
    %dma_wait3A_531 = tpu.memref_slice %arg14[%dma_wait3A_529, %dma_wait3A_530] : memref<1250x16xf32, #tpu.memory_space<vmem>> -> memref<625x16xf32, #tpu.memory_space<vmem>>
    %dma_wait3A_532 = arith.constant 0 : i32
    %dma_wait3A_533 = tpu.memref_slice %arg13[%dma_wait3A_528, %dma_wait3A_532] : memref<8x625xi32, #tpu.memory_space<vmem>> -> memref<1x625xi32, #tpu.memory_space<vmem>>
    %dma_wait3A_534 = tpu.memref_squeeze %dma_wait3A_533 : memref<1x625xi32, #tpu.memory_space<vmem>> -> memref<625xi32, #tpu.memory_space<vmem>>
    %dma_wait3A_535 = arith.constant 0 : i32
    %dma_wait3A_536 = arith.constant 0 : i32
    %dma_wait3A_537 = tpu.memref_slice %arg22[%dma_wait3A_535, %dma_wait3A_536] : memref<10240x16xf32, #tpu.memory_space<vmem_shared>> -> memref<10240x16xf32, #tpu.memory_space<vmem_shared>>
    tpu.wait_indirect_dma semaphore(%arg21 : memref<!tpu.dma_semaphore, #tpu.memory_space<semaphore_mem>>) src(%dma_wait3A_537 : memref<10240x16xf32, #tpu.memory_space<vmem_shared>>) dst(%dma_wait3A_531 : memref<625x16xf32, #tpu.memory_space<vmem>>)
    %dma_wait3A_538 = arith.constant 7 : i32
    %dma_wait3A_539 = arith.constant 625 : i32
    %dma_wait3A_540 = arith.constant 0 : i32
    %dma_wait3A_541 = tpu.memref_slice %arg14[%dma_wait3A_539, %dma_wait3A_540] : memref<1250x16xf32, #tpu.memory_space<vmem>> -> memref<625x16xf32, #tpu.memory_space<vmem>>
    %dma_wait3A_542 = arith.constant 0 : i32
    %dma_wait3A_543 = tpu.memref_slice %arg13[%dma_wait3A_538, %dma_wait3A_542] : memref<8x625xi32, #tpu.memory_space<vmem>> -> memref<1x625xi32, #tpu.memory_space<vmem>>
    %dma_wait3A_544 = tpu.memref_squeeze %dma_wait3A_543 : memref<1x625xi32, #tpu.memory_space<vmem>> -> memref<625xi32, #tpu.memory_space<vmem>>
    %dma_wait3A_545 = arith.constant 0 : i32
    %dma_wait3A_546 = arith.constant 0 : i32
    %dma_wait3A_547 = tpu.memref_slice %arg22[%dma_wait3A_545, %dma_wait3A_546] : memref<10240x16xf32, #tpu.memory_space<vmem_shared>> -> memref<10240x16xf32, #tpu.memory_space<vmem_shared>>
    tpu.wait_indirect_dma semaphore(%arg21 : memref<!tpu.dma_semaphore, #tpu.memory_space<semaphore_mem>>) src(%dma_wait3A_547 : memref<10240x16xf32, #tpu.memory_space<vmem_shared>>) dst(%dma_wait3A_541 : memref<625x16xf32, #tpu.memory_space<vmem>>)
    %add3A_548 = arith.constant 3750 : i32
    %add3A_549 = arith.addi %mul3A_2, %add3A_548 : i32
    "tpu.region"() ({
      %run_scoped3A = tpu.sem_alloc : memref<!tpu.dma_semaphore, #tpu.memory_space<semaphore_mem>>
      %dma_start3A_550 = arith.constant 0 : i32
      %dma_start3A_551 = tpu.memref_slice %arg10[%add3A_549, %dma_start3A_550] : memref<160000x16xf32, #tpu.memory_space<hbm>> -> memref<1250x16xf32, #tpu.memory_space<hbm>>
      %dma_start3A_552 = arith.constant 0 : i32
      %dma_start3A_553 = tpu.memref_slice %arg10[%add3A_549, %dma_start3A_552] : memref<160000x16xf32, #tpu.memory_space<hbm>> -> memref<1250x16xf32, #tpu.memory_space<hbm>>
      tpu.enqueue_dma source(%arg14 : memref<1250x16xf32, #tpu.memory_space<vmem>>) target(%dma_start3A_553 : memref<1250x16xf32, #tpu.memory_space<hbm>>) target_semaphore(%run_scoped3A : memref<!tpu.dma_semaphore, #tpu.memory_space<semaphore_mem>>)
      %dma_wait3A_554 = arith.constant 0 : i32
      %dma_wait3A_555 = tpu.memref_slice %arg10[%add3A_549, %dma_wait3A_554] : memref<160000x16xf32, #tpu.memory_space<hbm>> -> memref<1250x16xf32, #tpu.memory_space<hbm>>
      %dma_wait3A_556 = arith.constant 0 : i32
      %dma_wait3A_557 = tpu.memref_slice %arg10[%add3A_549, %dma_wait3A_556] : memref<160000x16xf32, #tpu.memory_space<hbm>> -> memref<1250x16xf32, #tpu.memory_space<hbm>>
      tpu.wait_dma2 semaphore(%run_scoped3A : memref<!tpu.dma_semaphore, #tpu.memory_space<semaphore_mem>>) src(%arg14 : memref<1250x16xf32, #tpu.memory_space<vmem>>) dst(%dma_wait3A_557 : memref<1250x16xf32, #tpu.memory_space<hbm>>)
      tpu.yield
    }) : () -> ()
    return
  }
}

module attributes {stable_mosaic.version = 14 : i64} {
  func.func @body(%arg0: i32, %arg1: memref<1000x128xf32, #tpu.memory_space<vmem>>, %arg2: memref<1000x128xf32, #tpu.memory_space<vmem>>, %arg3: memref<64x128xf32, #tpu.memory_space<vmem>>, %arg4: memref<128x128xf32, #tpu.memory_space<vmem>>, %arg5: memref<1x128xf32, #tpu.memory_space<vmem>>, %arg6: memref<128x2048xf32, #tpu.memory_space<vmem>>, %arg7: memref<128x2048xf32, #tpu.memory_space<vmem>>, %arg8: memref<2048x128xf32, #tpu.memory_space<vmem>>, %arg9: memref<128x128xf32, #tpu.memory_space<vmem>>, %arg10: memref<128x128xf32, #tpu.memory_space<vmem>>, %arg11: memref<1x128xf32, #tpu.memory_space<vmem>>, %arg12: memref<1000x128xf32, #tpu.memory_space<vmem>>, %arg13: memref<64x128xf32, #tpu.memory_space<vmem>>) attributes {dimension_semantics = [#tpu.dimension_semantics<arbitrary>], iteration_bounds = array<i64: 20>, scalar_prefetch = 0 : i64, scratch_operands = 0 : i64, tpu.core_type = #tpu.core_type<tc>, window_params = [{transform_indices = @transform_0, window_bounds = array<i64: 1000, 128>}, {transform_indices = @transform_1, window_bounds = array<i64: 1000, 128>}, {transform_indices = @transform_2, window_bounds = array<i64: 64, 128>}, {pipeline_mode = #tpu.pipeline_mode<synchronous>, transform_indices = @transform_3, window_bounds = array<i64: 128, 128>}, {pipeline_mode = #tpu.pipeline_mode<synchronous>, transform_indices = @transform_4, window_bounds = array<i64: 1, 128>}, {pipeline_mode = #tpu.pipeline_mode<synchronous>, transform_indices = @transform_5, window_bounds = array<i64: 128, 2048>}, {pipeline_mode = #tpu.pipeline_mode<synchronous>, transform_indices = @transform_6, window_bounds = array<i64: 128, 2048>}, {pipeline_mode = #tpu.pipeline_mode<synchronous>, transform_indices = @transform_7, window_bounds = array<i64: 2048, 128>}, {pipeline_mode = #tpu.pipeline_mode<synchronous>, transform_indices = @transform_8, window_bounds = array<i64: 128, 128>}, {pipeline_mode = #tpu.pipeline_mode<synchronous>, transform_indices = @transform_9, window_bounds = array<i64: 128, 128>}, {pipeline_mode = #tpu.pipeline_mode<synchronous>, transform_indices = @transform_10, window_bounds = array<i64: 1, 128>}, {transform_indices = @transform_11, window_bounds = array<i64: 1000, 128>}, {transform_indices = @transform_12, window_bounds = array<i64: 64, 128>}]} {
    %get3A = arith.constant 0 : index
    %get3A_0 = arith.constant 0 : index
    %get3A_1 = vector.load %arg1[%get3A, %get3A_0] : memref<1000x128xf32, #tpu.memory_space<vmem>>, vector<1000x128xf32>
    %get3A_2 = arith.constant 0 : index
    %get3A_3 = arith.constant 0 : index
    %get3A_4 = vector.load %arg4[%get3A_2, %get3A_3] : memref<128x128xf32, #tpu.memory_space<vmem>>, vector<128x128xf32>
    %dot_general3A = arith.constant dense<0.000000e+00> : vector<1000x128xf32>
    %dot_general3A_5 = tpu.matmul %get3A_1, %get3A_4, %dot_general3A {dimension_numbers = #tpu.dot_dimension_numbers<[1], [0], [0], [1], [0, 0, 1, 1], [], []>, transpose_lhs_hint = false} : vector<1000x128xf32>, vector<128x128xf32>, vector<1000x128xf32> -> vector<1000x128xf32>
    %get3A_6 = arith.constant 0 : index
    %get3A_7 = arith.constant 0 : index
    %get3A_8 = vector.load %arg5[%get3A_6, %get3A_7] : memref<1x128xf32, #tpu.memory_space<vmem>>, vector<1x128xf32>
    %add3A = vector.broadcast %get3A_8 : vector<1x128xf32> to vector<1000x128xf32>
    %add3A_9 = arith.addf %dot_general3A_5, %add3A : vector<1000x128xf32>
    %max3A = arith.constant 0.000000e+00 : f32
    %max3A_10 = vector.broadcast %max3A : f32 to vector<1000x128xf32>
    %max3A_11 = arith.maximumf %add3A_9, %max3A_10 : vector<1000x128xf32>
    %get3A_12 = arith.constant 0 : index
    %get3A_13 = arith.constant 0 : index
    %get3A_14 = vector.load %arg2[%get3A_12, %get3A_13] : memref<1000x128xf32, #tpu.memory_space<vmem>>, vector<1000x128xf32>
    %get3A_15 = arith.constant 0 : index
    %get3A_16 = arith.constant 0 : index
    %get3A_17 = vector.load %arg9[%get3A_15, %get3A_16] : memref<128x128xf32, #tpu.memory_space<vmem>>, vector<128x128xf32>
    %dot_general3A_18 = arith.constant dense<0.000000e+00> : vector<1000x128xf32>
    %dot_general3A_19 = tpu.matmul %get3A_14, %get3A_17, %dot_general3A_18 {dimension_numbers = #tpu.dot_dimension_numbers<[1], [0], [0], [1], [0, 0, 1, 1], [], []>, transpose_lhs_hint = false} : vector<1000x128xf32>, vector<128x128xf32>, vector<1000x128xf32> -> vector<1000x128xf32>
    %get3A_20 = arith.constant 0 : index
    %get3A_21 = arith.constant 0 : index
    %get3A_22 = vector.load %arg6[%get3A_20, %get3A_21] : memref<128x2048xf32, #tpu.memory_space<vmem>>, vector<128x256xf32>
    %dot_general3A_23 = arith.constant dense<0.000000e+00> : vector<1000x256xf32>
    %dot_general3A_24 = tpu.matmul %max3A_11, %get3A_22, %dot_general3A_23 {dimension_numbers = #tpu.dot_dimension_numbers<[1], [0], [0], [1], [0, 0, 1, 1], [], []>, transpose_lhs_hint = false} : vector<1000x128xf32>, vector<128x256xf32>, vector<1000x256xf32> -> vector<1000x256xf32>
    %get3A_25 = arith.constant 0 : index
    %get3A_26 = arith.constant 0 : index
    %get3A_27 = vector.load %arg7[%get3A_25, %get3A_26] : memref<128x2048xf32, #tpu.memory_space<vmem>>, vector<128x256xf32>
    %dot_general3A_28 = arith.constant dense<0.000000e+00> : vector<1000x256xf32>
    %dot_general3A_29 = tpu.matmul %get3A_14, %get3A_27, %dot_general3A_28 {dimension_numbers = #tpu.dot_dimension_numbers<[1], [0], [0], [1], [0, 0, 1, 1], [], []>, transpose_lhs_hint = false} : vector<1000x128xf32>, vector<128x256xf32>, vector<1000x256xf32> -> vector<1000x256xf32>
    %mul3A = arith.mulf %dot_general3A_24, %dot_general3A_29 : vector<1000x256xf32>
    %get3A_30 = arith.constant 0 : index
    %get3A_31 = arith.constant 0 : index
    %get3A_32 = vector.load %arg8[%get3A_30, %get3A_31] : memref<2048x128xf32, #tpu.memory_space<vmem>>, vector<256x128xf32>
    %dot_general3A_33 = arith.constant dense<0.000000e+00> : vector<1000x128xf32>
    %dot_general3A_34 = tpu.matmul %mul3A, %get3A_32, %dot_general3A_33 {dimension_numbers = #tpu.dot_dimension_numbers<[1], [0], [0], [1], [0, 0, 1, 1], [], []>, transpose_lhs_hint = false} : vector<1000x256xf32>, vector<256x128xf32>, vector<1000x128xf32> -> vector<1000x128xf32>
    %add3A_35 = arith.addf %dot_general3A_19, %dot_general3A_34 : vector<1000x128xf32>
    %get3A_36 = arith.constant 0 : index
    %get3A_37 = arith.constant 256 : index
    %get3A_38 = vector.load %arg6[%get3A_36, %get3A_37] : memref<128x2048xf32, #tpu.memory_space<vmem>>, vector<128x256xf32>
    %dot_general3A_39 = arith.constant dense<0.000000e+00> : vector<1000x256xf32>
    %dot_general3A_40 = tpu.matmul %max3A_11, %get3A_38, %dot_general3A_39 {dimension_numbers = #tpu.dot_dimension_numbers<[1], [0], [0], [1], [0, 0, 1, 1], [], []>, transpose_lhs_hint = false} : vector<1000x128xf32>, vector<128x256xf32>, vector<1000x256xf32> -> vector<1000x256xf32>
    %get3A_41 = arith.constant 0 : index
    %get3A_42 = arith.constant 256 : index
    %get3A_43 = vector.load %arg7[%get3A_41, %get3A_42] : memref<128x2048xf32, #tpu.memory_space<vmem>>, vector<128x256xf32>
    %dot_general3A_44 = arith.constant dense<0.000000e+00> : vector<1000x256xf32>
    %dot_general3A_45 = tpu.matmul %get3A_14, %get3A_43, %dot_general3A_44 {dimension_numbers = #tpu.dot_dimension_numbers<[1], [0], [0], [1], [0, 0, 1, 1], [], []>, transpose_lhs_hint = false} : vector<1000x128xf32>, vector<128x256xf32>, vector<1000x256xf32> -> vector<1000x256xf32>
    %mul3A_46 = arith.mulf %dot_general3A_40, %dot_general3A_45 : vector<1000x256xf32>
    %get3A_47 = arith.constant 256 : index
    %get3A_48 = arith.constant 0 : index
    %get3A_49 = vector.load %arg8[%get3A_47, %get3A_48] : memref<2048x128xf32, #tpu.memory_space<vmem>>, vector<256x128xf32>
    %dot_general3A_50 = arith.constant dense<0.000000e+00> : vector<1000x128xf32>
    %dot_general3A_51 = tpu.matmul %mul3A_46, %get3A_49, %dot_general3A_50 {dimension_numbers = #tpu.dot_dimension_numbers<[1], [0], [0], [1], [0, 0, 1, 1], [], []>, transpose_lhs_hint = false} : vector<1000x256xf32>, vector<256x128xf32>, vector<1000x128xf32> -> vector<1000x128xf32>
    %add3A_52 = arith.addf %add3A_35, %dot_general3A_51 : vector<1000x128xf32>
    %get3A_53 = arith.constant 0 : index
    %get3A_54 = arith.constant 512 : index
    %get3A_55 = vector.load %arg6[%get3A_53, %get3A_54] : memref<128x2048xf32, #tpu.memory_space<vmem>>, vector<128x256xf32>
    %dot_general3A_56 = arith.constant dense<0.000000e+00> : vector<1000x256xf32>
    %dot_general3A_57 = tpu.matmul %max3A_11, %get3A_55, %dot_general3A_56 {dimension_numbers = #tpu.dot_dimension_numbers<[1], [0], [0], [1], [0, 0, 1, 1], [], []>, transpose_lhs_hint = false} : vector<1000x128xf32>, vector<128x256xf32>, vector<1000x256xf32> -> vector<1000x256xf32>
    %get3A_58 = arith.constant 0 : index
    %get3A_59 = arith.constant 512 : index
    %get3A_60 = vector.load %arg7[%get3A_58, %get3A_59] : memref<128x2048xf32, #tpu.memory_space<vmem>>, vector<128x256xf32>
    %dot_general3A_61 = arith.constant dense<0.000000e+00> : vector<1000x256xf32>
    %dot_general3A_62 = tpu.matmul %get3A_14, %get3A_60, %dot_general3A_61 {dimension_numbers = #tpu.dot_dimension_numbers<[1], [0], [0], [1], [0, 0, 1, 1], [], []>, transpose_lhs_hint = false} : vector<1000x128xf32>, vector<128x256xf32>, vector<1000x256xf32> -> vector<1000x256xf32>
    %mul3A_63 = arith.mulf %dot_general3A_57, %dot_general3A_62 : vector<1000x256xf32>
    %get3A_64 = arith.constant 512 : index
    %get3A_65 = arith.constant 0 : index
    %get3A_66 = vector.load %arg8[%get3A_64, %get3A_65] : memref<2048x128xf32, #tpu.memory_space<vmem>>, vector<256x128xf32>
    %dot_general3A_67 = arith.constant dense<0.000000e+00> : vector<1000x128xf32>
    %dot_general3A_68 = tpu.matmul %mul3A_63, %get3A_66, %dot_general3A_67 {dimension_numbers = #tpu.dot_dimension_numbers<[1], [0], [0], [1], [0, 0, 1, 1], [], []>, transpose_lhs_hint = false} : vector<1000x256xf32>, vector<256x128xf32>, vector<1000x128xf32> -> vector<1000x128xf32>
    %add3A_69 = arith.addf %add3A_52, %dot_general3A_68 : vector<1000x128xf32>
    %get3A_70 = arith.constant 0 : index
    %get3A_71 = arith.constant 768 : index
    %get3A_72 = vector.load %arg6[%get3A_70, %get3A_71] : memref<128x2048xf32, #tpu.memory_space<vmem>>, vector<128x256xf32>
    %dot_general3A_73 = arith.constant dense<0.000000e+00> : vector<1000x256xf32>
    %dot_general3A_74 = tpu.matmul %max3A_11, %get3A_72, %dot_general3A_73 {dimension_numbers = #tpu.dot_dimension_numbers<[1], [0], [0], [1], [0, 0, 1, 1], [], []>, transpose_lhs_hint = false} : vector<1000x128xf32>, vector<128x256xf32>, vector<1000x256xf32> -> vector<1000x256xf32>
    %get3A_75 = arith.constant 0 : index
    %get3A_76 = arith.constant 768 : index
    %get3A_77 = vector.load %arg7[%get3A_75, %get3A_76] : memref<128x2048xf32, #tpu.memory_space<vmem>>, vector<128x256xf32>
    %dot_general3A_78 = arith.constant dense<0.000000e+00> : vector<1000x256xf32>
    %dot_general3A_79 = tpu.matmul %get3A_14, %get3A_77, %dot_general3A_78 {dimension_numbers = #tpu.dot_dimension_numbers<[1], [0], [0], [1], [0, 0, 1, 1], [], []>, transpose_lhs_hint = false} : vector<1000x128xf32>, vector<128x256xf32>, vector<1000x256xf32> -> vector<1000x256xf32>
    %mul3A_80 = arith.mulf %dot_general3A_74, %dot_general3A_79 : vector<1000x256xf32>
    %get3A_81 = arith.constant 768 : index
    %get3A_82 = arith.constant 0 : index
    %get3A_83 = vector.load %arg8[%get3A_81, %get3A_82] : memref<2048x128xf32, #tpu.memory_space<vmem>>, vector<256x128xf32>
    %dot_general3A_84 = arith.constant dense<0.000000e+00> : vector<1000x128xf32>
    %dot_general3A_85 = tpu.matmul %mul3A_80, %get3A_83, %dot_general3A_84 {dimension_numbers = #tpu.dot_dimension_numbers<[1], [0], [0], [1], [0, 0, 1, 1], [], []>, transpose_lhs_hint = false} : vector<1000x256xf32>, vector<256x128xf32>, vector<1000x128xf32> -> vector<1000x128xf32>
    %add3A_86 = arith.addf %add3A_69, %dot_general3A_85 : vector<1000x128xf32>
    %get3A_87 = arith.constant 0 : index
    %get3A_88 = arith.constant 1024 : index
    %get3A_89 = vector.load %arg6[%get3A_87, %get3A_88] : memref<128x2048xf32, #tpu.memory_space<vmem>>, vector<128x256xf32>
    %dot_general3A_90 = arith.constant dense<0.000000e+00> : vector<1000x256xf32>
    %dot_general3A_91 = tpu.matmul %max3A_11, %get3A_89, %dot_general3A_90 {dimension_numbers = #tpu.dot_dimension_numbers<[1], [0], [0], [1], [0, 0, 1, 1], [], []>, transpose_lhs_hint = false} : vector<1000x128xf32>, vector<128x256xf32>, vector<1000x256xf32> -> vector<1000x256xf32>
    %get3A_92 = arith.constant 0 : index
    %get3A_93 = arith.constant 1024 : index
    %get3A_94 = vector.load %arg7[%get3A_92, %get3A_93] : memref<128x2048xf32, #tpu.memory_space<vmem>>, vector<128x256xf32>
    %dot_general3A_95 = arith.constant dense<0.000000e+00> : vector<1000x256xf32>
    %dot_general3A_96 = tpu.matmul %get3A_14, %get3A_94, %dot_general3A_95 {dimension_numbers = #tpu.dot_dimension_numbers<[1], [0], [0], [1], [0, 0, 1, 1], [], []>, transpose_lhs_hint = false} : vector<1000x128xf32>, vector<128x256xf32>, vector<1000x256xf32> -> vector<1000x256xf32>
    %mul3A_97 = arith.mulf %dot_general3A_91, %dot_general3A_96 : vector<1000x256xf32>
    %get3A_98 = arith.constant 1024 : index
    %get3A_99 = arith.constant 0 : index
    %get3A_100 = vector.load %arg8[%get3A_98, %get3A_99] : memref<2048x128xf32, #tpu.memory_space<vmem>>, vector<256x128xf32>
    %dot_general3A_101 = arith.constant dense<0.000000e+00> : vector<1000x128xf32>
    %dot_general3A_102 = tpu.matmul %mul3A_97, %get3A_100, %dot_general3A_101 {dimension_numbers = #tpu.dot_dimension_numbers<[1], [0], [0], [1], [0, 0, 1, 1], [], []>, transpose_lhs_hint = false} : vector<1000x256xf32>, vector<256x128xf32>, vector<1000x128xf32> -> vector<1000x128xf32>
    %add3A_103 = arith.addf %add3A_86, %dot_general3A_102 : vector<1000x128xf32>
    %get3A_104 = arith.constant 0 : index
    %get3A_105 = arith.constant 1280 : index
    %get3A_106 = vector.load %arg6[%get3A_104, %get3A_105] : memref<128x2048xf32, #tpu.memory_space<vmem>>, vector<128x256xf32>
    %dot_general3A_107 = arith.constant dense<0.000000e+00> : vector<1000x256xf32>
    %dot_general3A_108 = tpu.matmul %max3A_11, %get3A_106, %dot_general3A_107 {dimension_numbers = #tpu.dot_dimension_numbers<[1], [0], [0], [1], [0, 0, 1, 1], [], []>, transpose_lhs_hint = false} : vector<1000x128xf32>, vector<128x256xf32>, vector<1000x256xf32> -> vector<1000x256xf32>
    %get3A_109 = arith.constant 0 : index
    %get3A_110 = arith.constant 1280 : index
    %get3A_111 = vector.load %arg7[%get3A_109, %get3A_110] : memref<128x2048xf32, #tpu.memory_space<vmem>>, vector<128x256xf32>
    %dot_general3A_112 = arith.constant dense<0.000000e+00> : vector<1000x256xf32>
    %dot_general3A_113 = tpu.matmul %get3A_14, %get3A_111, %dot_general3A_112 {dimension_numbers = #tpu.dot_dimension_numbers<[1], [0], [0], [1], [0, 0, 1, 1], [], []>, transpose_lhs_hint = false} : vector<1000x128xf32>, vector<128x256xf32>, vector<1000x256xf32> -> vector<1000x256xf32>
    %mul3A_114 = arith.mulf %dot_general3A_108, %dot_general3A_113 : vector<1000x256xf32>
    %get3A_115 = arith.constant 1280 : index
    %get3A_116 = arith.constant 0 : index
    %get3A_117 = vector.load %arg8[%get3A_115, %get3A_116] : memref<2048x128xf32, #tpu.memory_space<vmem>>, vector<256x128xf32>
    %dot_general3A_118 = arith.constant dense<0.000000e+00> : vector<1000x128xf32>
    %dot_general3A_119 = tpu.matmul %mul3A_114, %get3A_117, %dot_general3A_118 {dimension_numbers = #tpu.dot_dimension_numbers<[1], [0], [0], [1], [0, 0, 1, 1], [], []>, transpose_lhs_hint = false} : vector<1000x256xf32>, vector<256x128xf32>, vector<1000x128xf32> -> vector<1000x128xf32>
    %add3A_120 = arith.addf %add3A_103, %dot_general3A_119 : vector<1000x128xf32>
    %get3A_121 = arith.constant 0 : index
    %get3A_122 = arith.constant 1536 : index
    %get3A_123 = vector.load %arg6[%get3A_121, %get3A_122] : memref<128x2048xf32, #tpu.memory_space<vmem>>, vector<128x256xf32>
    %dot_general3A_124 = arith.constant dense<0.000000e+00> : vector<1000x256xf32>
    %dot_general3A_125 = tpu.matmul %max3A_11, %get3A_123, %dot_general3A_124 {dimension_numbers = #tpu.dot_dimension_numbers<[1], [0], [0], [1], [0, 0, 1, 1], [], []>, transpose_lhs_hint = false} : vector<1000x128xf32>, vector<128x256xf32>, vector<1000x256xf32> -> vector<1000x256xf32>
    %get3A_126 = arith.constant 0 : index
    %get3A_127 = arith.constant 1536 : index
    %get3A_128 = vector.load %arg7[%get3A_126, %get3A_127] : memref<128x2048xf32, #tpu.memory_space<vmem>>, vector<128x256xf32>
    %dot_general3A_129 = arith.constant dense<0.000000e+00> : vector<1000x256xf32>
    %dot_general3A_130 = tpu.matmul %get3A_14, %get3A_128, %dot_general3A_129 {dimension_numbers = #tpu.dot_dimension_numbers<[1], [0], [0], [1], [0, 0, 1, 1], [], []>, transpose_lhs_hint = false} : vector<1000x128xf32>, vector<128x256xf32>, vector<1000x256xf32> -> vector<1000x256xf32>
    %mul3A_131 = arith.mulf %dot_general3A_125, %dot_general3A_130 : vector<1000x256xf32>
    %get3A_132 = arith.constant 1536 : index
    %get3A_133 = arith.constant 0 : index
    %get3A_134 = vector.load %arg8[%get3A_132, %get3A_133] : memref<2048x128xf32, #tpu.memory_space<vmem>>, vector<256x128xf32>
    %dot_general3A_135 = arith.constant dense<0.000000e+00> : vector<1000x128xf32>
    %dot_general3A_136 = tpu.matmul %mul3A_131, %get3A_134, %dot_general3A_135 {dimension_numbers = #tpu.dot_dimension_numbers<[1], [0], [0], [1], [0, 0, 1, 1], [], []>, transpose_lhs_hint = false} : vector<1000x256xf32>, vector<256x128xf32>, vector<1000x128xf32> -> vector<1000x128xf32>
    %add3A_137 = arith.addf %add3A_120, %dot_general3A_136 : vector<1000x128xf32>
    %get3A_138 = arith.constant 0 : index
    %get3A_139 = arith.constant 1792 : index
    %get3A_140 = vector.load %arg6[%get3A_138, %get3A_139] : memref<128x2048xf32, #tpu.memory_space<vmem>>, vector<128x256xf32>
    %dot_general3A_141 = arith.constant dense<0.000000e+00> : vector<1000x256xf32>
    %dot_general3A_142 = tpu.matmul %max3A_11, %get3A_140, %dot_general3A_141 {dimension_numbers = #tpu.dot_dimension_numbers<[1], [0], [0], [1], [0, 0, 1, 1], [], []>, transpose_lhs_hint = false} : vector<1000x128xf32>, vector<128x256xf32>, vector<1000x256xf32> -> vector<1000x256xf32>
    %get3A_143 = arith.constant 0 : index
    %get3A_144 = arith.constant 1792 : index
    %get3A_145 = vector.load %arg7[%get3A_143, %get3A_144] : memref<128x2048xf32, #tpu.memory_space<vmem>>, vector<128x256xf32>
    %dot_general3A_146 = arith.constant dense<0.000000e+00> : vector<1000x256xf32>
    %dot_general3A_147 = tpu.matmul %get3A_14, %get3A_145, %dot_general3A_146 {dimension_numbers = #tpu.dot_dimension_numbers<[1], [0], [0], [1], [0, 0, 1, 1], [], []>, transpose_lhs_hint = false} : vector<1000x128xf32>, vector<128x256xf32>, vector<1000x256xf32> -> vector<1000x256xf32>
    %mul3A_148 = arith.mulf %dot_general3A_142, %dot_general3A_147 : vector<1000x256xf32>
    %get3A_149 = arith.constant 1792 : index
    %get3A_150 = arith.constant 0 : index
    %get3A_151 = vector.load %arg8[%get3A_149, %get3A_150] : memref<2048x128xf32, #tpu.memory_space<vmem>>, vector<256x128xf32>
    %dot_general3A_152 = arith.constant dense<0.000000e+00> : vector<1000x128xf32>
    %dot_general3A_153 = tpu.matmul %mul3A_148, %get3A_151, %dot_general3A_152 {dimension_numbers = #tpu.dot_dimension_numbers<[1], [0], [0], [1], [0, 0, 1, 1], [], []>, transpose_lhs_hint = false} : vector<1000x256xf32>, vector<256x128xf32>, vector<1000x128xf32> -> vector<1000x128xf32>
    %add3A_154 = arith.addf %add3A_137, %dot_general3A_153 : vector<1000x128xf32>
    %swap3A = arith.constant 0 : index
    %swap3A_155 = arith.constant 0 : index
    %swap3A_156 = vector.load %arg12[%swap3A, %swap3A_155] : memref<1000x128xf32, #tpu.memory_space<vmem>>, vector<1000x128xf32>
    tpu.vector_store %arg12[%swap3A, %swap3A_155], %add3A_154 {strides = array<i32>} : memref<1000x128xf32, #tpu.memory_space<vmem>>, vector<1000x128xf32>,
    %get3A_157 = arith.constant 0 : index
    %get3A_158 = arith.constant 0 : index
    %get3A_159 = vector.load %arg3[%get3A_157, %get3A_158] : memref<64x128xf32, #tpu.memory_space<vmem>>, vector<64x128xf32>
    %get3A_160 = arith.constant 0 : index
    %get3A_161 = arith.constant 0 : index
    %get3A_162 = vector.load %arg10[%get3A_160, %get3A_161] : memref<128x128xf32, #tpu.memory_space<vmem>>, vector<128x128xf32>
    %dot_general3A_163 = arith.constant dense<0.000000e+00> : vector<64x128xf32>
    %dot_general3A_164 = tpu.matmul %get3A_159, %get3A_162, %dot_general3A_163 {dimension_numbers = #tpu.dot_dimension_numbers<[1], [0], [0], [1], [0, 0, 1, 1], [], []>, transpose_lhs_hint = false} : vector<64x128xf32>, vector<128x128xf32>, vector<64x128xf32> -> vector<64x128xf32>
    %get3A_165 = arith.constant 0 : index
    %get3A_166 = arith.constant 0 : index
    %get3A_167 = vector.load %arg11[%get3A_165, %get3A_166] : memref<1x128xf32, #tpu.memory_space<vmem>>, vector<1x128xf32>
    %add3A_168 = vector.broadcast %get3A_167 : vector<1x128xf32> to vector<64x128xf32>
    %add3A_169 = arith.addf %dot_general3A_164, %add3A_168 : vector<64x128xf32>
    %swap3A_170 = arith.constant 0 : index
    %swap3A_171 = arith.constant 0 : index
    %swap3A_172 = vector.load %arg13[%swap3A_170, %swap3A_171] : memref<64x128xf32, #tpu.memory_space<vmem>>, vector<64x128xf32>
    tpu.vector_store %arg13[%swap3A_170, %swap3A_171], %add3A_169 {strides = array<i32>} : memref<64x128xf32, #tpu.memory_space<vmem>>, vector<64x128xf32>,
    return
  }
  func.func @transform_0(%arg0: i32) -> (i32, i32) {
    %c0_i32 = arith.constant 0 : i32
    %c0_i32_0 = arith.constant 0 : i32
    return %arg0, %c0_i32 : i32, i32
  }
  func.func @transform_1(%arg0: i32) -> (i32, i32) {
    %c0_i32 = arith.constant 0 : i32
    %c0_i32_0 = arith.constant 0 : i32
    return %arg0, %c0_i32 : i32, i32
  }
  func.func @transform_2(%arg0: i32) -> (i32, i32) {
    %c0_i32 = arith.constant 0 : i32
    %c0_i32_0 = arith.constant 0 : i32
    return %arg0, %c0_i32 : i32, i32
  }
  func.func @transform_3(%arg0: i32) -> (i32, i32) {
    %c0_i32 = arith.constant 0 : i32
    %c0_i32_0 = arith.constant 0 : i32
    %c0_i32_1 = arith.constant 0 : i32
    return %c0_i32, %c0_i32_0 : i32, i32
  }
  func.func @transform_4(%arg0: i32) -> (i32, i32) {
    %c0_i32 = arith.constant 0 : i32
    %c0_i32_0 = arith.constant 0 : i32
    %c0_i32_1 = arith.constant 0 : i32
    return %c0_i32, %c0_i32_0 : i32, i32
  }
  func.func @transform_5(%arg0: i32) -> (i32, i32) {
    %c0_i32 = arith.constant 0 : i32
    %c0_i32_0 = arith.constant 0 : i32
    %c0_i32_1 = arith.constant 0 : i32
    return %c0_i32, %c0_i32_0 : i32, i32
  }
  func.func @transform_6(%arg0: i32) -> (i32, i32) {
    %c0_i32 = arith.constant 0 : i32
    %c0_i32_0 = arith.constant 0 : i32
    %c0_i32_1 = arith.constant 0 : i32
    return %c0_i32, %c0_i32_0 : i32, i32
  }
  func.func @transform_7(%arg0: i32) -> (i32, i32) {
    %c0_i32 = arith.constant 0 : i32
    %c0_i32_0 = arith.constant 0 : i32
    %c0_i32_1 = arith.constant 0 : i32
    return %c0_i32, %c0_i32_0 : i32, i32
  }
  func.func @transform_8(%arg0: i32) -> (i32, i32) {
    %c0_i32 = arith.constant 0 : i32
    %c0_i32_0 = arith.constant 0 : i32
    %c0_i32_1 = arith.constant 0 : i32
    return %c0_i32, %c0_i32_0 : i32, i32
  }
  func.func @transform_9(%arg0: i32) -> (i32, i32) {
    %c0_i32 = arith.constant 0 : i32
    %c0_i32_0 = arith.constant 0 : i32
    %c0_i32_1 = arith.constant 0 : i32
    return %c0_i32, %c0_i32_0 : i32, i32
  }
  func.func @transform_10(%arg0: i32) -> (i32, i32) {
    %c0_i32 = arith.constant 0 : i32
    %c0_i32_0 = arith.constant 0 : i32
    %c0_i32_1 = arith.constant 0 : i32
    return %c0_i32, %c0_i32_0 : i32, i32
  }
  func.func @transform_11(%arg0: i32) -> (i32, i32) {
    %c0_i32 = arith.constant 0 : i32
    %c0_i32_0 = arith.constant 0 : i32
    return %arg0, %c0_i32 : i32, i32
  }
  func.func @transform_12(%arg0: i32) -> (i32, i32) {
    %c0_i32 = arith.constant 0 : i32
    %c0_i32_0 = arith.constant 0 : i32
    return %arg0, %c0_i32 : i32, i32
  }
}

module attributes {stable_mosaic.version = 14 : i64} {
  func.func @body(%arg0: i32, %arg1: memref<1000x128xf32, #tpu.memory_space<vmem>>, %arg2: memref<128x64xf32, #tpu.memory_space<vmem>>, %arg3: memref<1x64xf32, #tpu.memory_space<vmem>>, %arg4: memref<64x64xf32, #tpu.memory_space<vmem>>, %arg5: memref<1x64xf32, #tpu.memory_space<vmem>>, %arg6: memref<1000x64xf32, #tpu.memory_space<vmem>>) attributes {dimension_semantics = [#tpu.dimension_semantics<arbitrary>], iteration_bounds = array<i64: 20>, scalar_prefetch = 0 : i64, scratch_operands = 0 : i64, tpu.core_type = #tpu.core_type<tc>, window_params = [{transform_indices = @transform_0, window_bounds = array<i64: 1000, 128>}, {pipeline_mode = #tpu.pipeline_mode<synchronous>, transform_indices = @transform_1, window_bounds = array<i64: 128, 64>}, {pipeline_mode = #tpu.pipeline_mode<synchronous>, transform_indices = @transform_2, window_bounds = array<i64: 1, 64>}, {pipeline_mode = #tpu.pipeline_mode<synchronous>, transform_indices = @transform_3, window_bounds = array<i64: 64, 64>}, {pipeline_mode = #tpu.pipeline_mode<synchronous>, transform_indices = @transform_4, window_bounds = array<i64: 1, 64>}, {transform_indices = @transform_5, window_bounds = array<i64: 1000, 64>}]} {
    %get3A = arith.constant 0 : index
    %get3A_0 = arith.constant 0 : index
    %get3A_1 = vector.load %arg1[%get3A, %get3A_0] : memref<1000x128xf32, #tpu.memory_space<vmem>>, vector<1000x128xf32>
    %get3A_2 = arith.constant 0 : index
    %get3A_3 = arith.constant 0 : index
    %get3A_4 = vector.load %arg2[%get3A_2, %get3A_3] : memref<128x64xf32, #tpu.memory_space<vmem>>, vector<128x64xf32>
    %dot_general3A = arith.constant dense<0.000000e+00> : vector<1000x64xf32>
    %dot_general3A_5 = tpu.matmul %get3A_1, %get3A_4, %dot_general3A {dimension_numbers = #tpu.dot_dimension_numbers<[1], [0], [0], [1], [0, 0, 1, 1], [], []>, transpose_lhs_hint = false} : vector<1000x128xf32>, vector<128x64xf32>, vector<1000x64xf32> -> vector<1000x64xf32>
    %get3A_6 = arith.constant 0 : index
    %get3A_7 = arith.constant 0 : index
    %get3A_8 = vector.load %arg3[%get3A_6, %get3A_7] : memref<1x64xf32, #tpu.memory_space<vmem>>, vector<1x64xf32>
    %add3A = vector.broadcast %get3A_8 : vector<1x64xf32> to vector<1000x64xf32>
    %add3A_9 = arith.addf %dot_general3A_5, %add3A : vector<1000x64xf32>
    %max3A = arith.constant 0.000000e+00 : f32
    %max3A_10 = vector.broadcast %max3A : f32 to vector<1000x64xf32>
    %max3A_11 = arith.maximumf %add3A_9, %max3A_10 : vector<1000x64xf32>
    %get3A_12 = arith.constant 0 : index
    %get3A_13 = arith.constant 0 : index
    %get3A_14 = vector.load %arg4[%get3A_12, %get3A_13] : memref<64x64xf32, #tpu.memory_space<vmem>>, vector<64x64xf32>
    %dot_general3A_15 = arith.constant dense<0.000000e+00> : vector<1000x64xf32>
    %dot_general3A_16 = tpu.matmul %max3A_11, %get3A_14, %dot_general3A_15 {dimension_numbers = #tpu.dot_dimension_numbers<[1], [0], [0], [1], [0, 0, 1, 1], [], []>, transpose_lhs_hint = false} : vector<1000x64xf32>, vector<64x64xf32>, vector<1000x64xf32> -> vector<1000x64xf32>
    %get3A_17 = arith.constant 0 : index
    %get3A_18 = arith.constant 0 : index
    %get3A_19 = vector.load %arg5[%get3A_17, %get3A_18] : memref<1x64xf32, #tpu.memory_space<vmem>>, vector<1x64xf32>
    %add3A_20 = vector.broadcast %get3A_19 : vector<1x64xf32> to vector<1000x64xf32>
    %add3A_21 = arith.addf %dot_general3A_16, %add3A_20 : vector<1000x64xf32>
    %swap3A = arith.constant 0 : index
    %swap3A_22 = arith.constant 0 : index
    %swap3A_23 = vector.load %arg6[%swap3A, %swap3A_22] : memref<1000x64xf32, #tpu.memory_space<vmem>>, vector<1000x64xf32>
    tpu.vector_store %arg6[%swap3A, %swap3A_22], %add3A_21 {strides = array<i32>} : memref<1000x64xf32, #tpu.memory_space<vmem>>, vector<1000x64xf32>,
    return
  }
  func.func @transform_0(%arg0: i32) -> (i32, i32) {
    %c0_i32 = arith.constant 0 : i32
    %c0_i32_0 = arith.constant 0 : i32
    return %arg0, %c0_i32 : i32, i32
  }
  func.func @transform_1(%arg0: i32) -> (i32, i32) {
    %c0_i32 = arith.constant 0 : i32
    %c0_i32_0 = arith.constant 0 : i32
    %c0_i32_1 = arith.constant 0 : i32
    return %c0_i32, %c0_i32_0 : i32, i32
  }
  func.func @transform_2(%arg0: i32) -> (i32, i32) {
    %c0_i32 = arith.constant 0 : i32
    %c0_i32_0 = arith.constant 0 : i32
    %c0_i32_1 = arith.constant 0 : i32
    return %c0_i32, %c0_i32_0 : i32, i32
  }
  func.func @transform_3(%arg0: i32) -> (i32, i32) {
    %c0_i32 = arith.constant 0 : i32
    %c0_i32_0 = arith.constant 0 : i32
    %c0_i32_1 = arith.constant 0 : i32
    return %c0_i32, %c0_i32_0 : i32, i32
  }
  func.func @transform_4(%arg0: i32) -> (i32, i32) {
    %c0_i32 = arith.constant 0 : i32
    %c0_i32_0 = arith.constant 0 : i32
    %c0_i32_1 = arith.constant 0 : i32
    return %c0_i32, %c0_i32_0 : i32, i32
  }
  func.func @transform_5(%arg0: i32) -> (i32, i32) {
    %c0_i32 = arith.constant 0 : i32
    %c0_i32_0 = arith.constant 0 : i32
    return %arg0, %c0_i32 : i32, i32
  }
}

</mosaic_0001>

<sc_bundles>
// kernel: kernel.11.cloned.1.call-start
scs
__scs_entry_jumppad:
0x0: {  	(pc) =	sbr.rel $0x88, $3  }
0x1: {  	(tag) =	ssettag $0x0;
	lr =	simm.s32 $0x1  }
0x2: {  	[smem:$0x3F8A] =	sst lr;
	_ =	strace $0xD0000000  }
0x3: {  	_ = 	snop  }
0x4: {  	_ = 	snop  }
0x5: {  	_ = 	snop  }
0x6: {  	_ = 	snop  }
0x7: {  	_ = 	snop  }
__scs_overlays_trampoline_lowered:
0x8: {  	[smem:$0x3F99] =	sst s0  }
0x9: {  	[smem:$0x3F9A] =	sst s1  }
0xa: {  	[smem:$0x3F9B] =	sst s2  }
0xb: {  	[smem:$0x3F9C] =	sst s3  }
0xc: {  	[smem:$0x3F9D] =	sst s4  }
0xd: {  	[smem:$0x3F9E] =	sst s5  }
0xe: {  	[smem:$0x3F9F] =	sst s6  }
0xf: {  	[smem:$0x3FA0] =	sst s7  }
0x10: {  	[smem:$0x3FA1] =	sst s8  }
0x11: {  	[smem:$0x3FA2] =	sst s9;
	s0 =	simm.s32 @!p0 $0x0  }
0x12: {  	s1 =	sld [smem:$0x3F88];
	s0 =	simm.s32 @p0 $0x1  }
0x13: {  	[smem:$0x3FA3] =	sst s0;
	s0 =	simm.s32 @!p1 $0x0  }
0x14: {  	s2 =	sld [smem:$0x3F87];
	s0 =	simm.s32 @p1 $0x1  }
0x15: {  	[smem:$0x3FA4] =	sst s0;
	s0 =	simm.s32 @!p2 $0x0  }
0x16: {  	s3 =	sld [smem:$0x3FDB];
	s0 =	simm.s32 @p2 $0x1  }
0x17: {  	s4 =	simm.s32 $0x1BF5;
	[smem:$0x3FA6] =	sst s0  }
0x18: {  	s0 =	sld [smem:$0x3F89];
	_ =	swait.ge [sflag:s4], $0x0  }
0x19: {  	s7 =	sld [smem:$0x3F8A]  }
0x1a: {  	s8 =	sadd.s32 $0xFFFFE003, lr  }
0x1b: {  	s9 =	sadd.s32 $0xFFFFFEF7, lr;
	s5 =	simm.s32 $0xFFFFFFFF;
	p2 =	slt.u32 s8, $0xFFFFF086  }
0x1c: {  	p1 =	slt.u32 s9, $0xF7A;
	s5 =	simm.s32 @!p2 $0x0  }
0x1d: {  	s5 =	simm.s32 @p1 $0x1;
	p0 =	seq.s32 s7, s2  }
0x1e: {  	s7 =	smul.u32 @!p0 $0xF7A, s2;
	p2 =	seq.s32 @!p0 s5, $0x0  }
0x1f: {  	s9 =	smul.u32 $0xF7A, s1;
	s8 =	simm.s32 @!p0 $0x1BF5;
	p2 =	por !p2, p0  }
0x20: {  	[sflag:s8] =	ssyncset.s32 @!p0 $0xFFFFF086;
	s6 =	sadd.s32 @!p0 s3, s7;
	s7 =	simm.s32 @!p0 $0x108  }
0x21: {  	s3 =	sadd.s32 s3, s9;
	s6 =	sadd.s32 @!p0 $0x88, s6;
	s7 =	simm.s32 @p2 $0x1082  }
0x22: {  	[simem:s7], [sflag:s8] =	dma.local @!p0 [hbm:s6], $0xF7A  }
0x23: {  	s9 =	sor.u32 $0xD0000000, s2;
	s6 =	simm.s32 $0x108;
	_ =	swait.ge @!p0 [sflag:s8], $0x0  }
0x24: {  	s3 =	sadd.s32 $0x88, s3;
	s6 =	simm.s32 @!p1 $0x1082;
	[sflag:s4] =	ssyncset.s32 $0xFFFFF086  }
0x25: {  	[simem:s6], [sflag:s4] =	dma.local [hbm:s3], $0xF7A  }
0x26: {  	[smem:$0x3F8A] =	sst s1;
	(tag) =	ssettag s2;
	_ =	strace s9  }
0x27: {  	s1 =	sld [smem:$0x3F9A]  }
0x28: {  	s2 =	sld [smem:$0x3F9B]  }
0x29: {  	s4 =	sld [smem:$0x3F9D]  }
0x2a: {  	p0 =	seq.s32 s5, $0x0;
	s5 =	sld [smem:$0x3F9E]  }
0x2b: {  	s6 =	sld [smem:$0x3F9F]  }
0x2c: {  	s7 =	sld [smem:$0x3FA0]  }
0x2d: {  	s3 =	simm.s32 $0x108;
	s8 =	sld [smem:$0x3FA1]  }
0x2e: {  	s3 =	simm.s32 @!p0 $0x1082;
	s9 =	sld [smem:$0x3FA2]  }
0x2f: {  	lr =	sadd.s32 s0, s3;
	s0 =	sld [smem:$0x3F99]  }
0x30: {  	s3 =	sld [smem:$0x3F9C]  }
0x31: {  	[smem:$0x3FA5] =	sst s10  }
0x32: {  	s10 =	sld [smem:$0x3FA3];
	_ =	sdelay $0x3  }
0x33: {  	p0 =	seq.s32 s10, $0x1;
	s10 =	sld [smem:$0x3FA5];
	_ =	sdelay $0x3  }
0x34: {  	[smem:$0x3FA5] =	sst s10  }
0x35: {  	s10 =	sld [smem:$0x3FA4];
	_ =	sdelay $0x3  }
0x36: {  	p1 =	seq.s32 s10, $0x1;
	s10 =	sld [smem:$0x3FA5];
	_ =	sdelay $0x3  }
0x37: {  	[smem:$0x3FA5] =	sst s10  }
0x38: {  	s10 =	sld [smem:$0x3FA6]  }
0x39: {  	_ = 	snop;
	(pc) =	sbr.ind lr, $3  }
0x3a: {  	_ = 	snop  }
0x3b: {  	_ = 	snop  }
0x3c: {  	p2 =	seq.s32 s10, $0x1;
	s10 =	sld [smem:$0x3FA5]  }
0x3d: {  	_ =	shalt  }
0x3e: {  	_ =	shalt  }
0x3f: {  	_ =	shalt  }
0x40: {  	_ =	shalt  }
0x41: {  	_ =	shalt  }
0x42: {  	_ =	shalt  }
0x43: {  	_ =	shalt  }
0x44: {  	_ =	shalt  }
0x45: {  	_ =	shalt  }
0x46: {  	_ =	shalt  }
0x47: {  	_ =	shalt  }
0x48: {  	_ =	shalt  }
0x49: {  	_ =	shalt  }
0x4a: {  	_ =	shalt  }
0x4b: {  	_ =	shalt  }
0x4c: {  	_ =	shalt  }
0x4d: {  	_ =	shalt  }
0x4e: {  	_ =	shalt  }
0x4f: {  	_ =	shalt  }
0x50: {  	_ =	shalt  }
0x51: {  	_ =	shalt  }
0x52: {  	_ =	shalt  }
0x53: {  	_ =	shalt  }
0x54: {  	_ =	shalt  }
0x55: {  	_ =	shalt  }
0x56: {  	_ =	shalt  }
0x57: {  	_ =	shalt  }
0x58: {  	_ =	shalt  }
0x59: {  	_ =	shalt  }
0x5a: {  	_ =	shalt  }
0x5b: {  	_ =	shalt  }
0x5c: {  	_ =	shalt  }
0x5d: {  	_ =	shalt  }
0x5e: {  	_ =	shalt  }
0x5f: {  	_ =	shalt  }
0x60: {  	_ =	shalt  }
0x61: {  	_ =	shalt  }
0x62: {  	_ =	shalt  }
0x63: {  	_ =	shalt  }
0x64: {  	_ =	shalt  }
0x65: {  	_ =	shalt  }
0x66: {  	_ =	shalt  }
0x67: {  	_ =	shalt  }
0x68: {  	_ =	shalt  }
0x69: {  	_ =	shalt  }
0x6a: {  	_ =	shalt  }
0x6b: {  	_ =	shalt  }
0x6c: {  	_ =	shalt  }
0x6d: {  	_ =	shalt  }
0x6e: {  	_ =	shalt  }
0x6f: {  	_ =	shalt  }
0x70: {  	_ =	shalt  }
0x71: {  	_ =	shalt  }
0x72: {  	_ =	shalt  }
0x73: {  	_ =	shalt  }
0x74: {  	_ =	shalt  }
0x75: {  	_ =	shalt  }
0x76: {  	_ =	shalt  }
0x77: {  	_ =	shalt  }
0x78: {  	_ =	shalt  }
0x79: {  	_ =	shalt  }
0x7a: {  	_ =	shalt  }
0x7b: {  	_ =	shalt  }
0x7c: {  	_ =	shalt  }
0x7d: {  	_ =	shalt  }
0x7e: {  	_ =	shalt  }
0x7f: {  	_ =	shalt  }
0x80: {  	_ =	shalt  }
0x81: {  	_ =	shalt  }
0x82: {  	_ =	shalt  }
0x83: {  	_ =	shalt  }
0x84: {  	_ =	shalt  }
0x85: {  	_ =	shalt  }
0x86: {  	_ =	shalt  }
0x87: {  	_ =	shalt  }
.Lfunc_end0:
.L_simem_size_0:
called_computation.1_lowered:
.L_overlay_start_0:
0x88: {  	s2 =	sld [smem:$0x3FD9]  }
0x89: {  	s3 =	sld [smem:$0x3FFE];
	_ =	sdelay $0x1  }
0x8a: {  	s1 =	srdreg.scid  }
0x8b: {  	s0 =	sand.u32 $0x1, s1  }
0x8c: {  	s17 =	sshll.u32 s0, $0xA;
	s2 =	sadd.s32 s3, s2  }
0x8d: {  	s2 =	sadd.s32 s2, s17  }
0x8e: {  	[smem:$0x3FB1] =	sst s2  }
0x8f: {  	_ = 	snop  }
0x90: {  	s2 =	sld [smem:$0x3FBF]  }
0x91: {  	s18 =	sld [smem:$0x3FD0];
	(tm) =	ssettm $0x1  }
0x92: {  	s4 =	sld [smem:$0x3FFB];
	_ =	sdelay $0x3  }
0x93: {  	_ =	strace s4  }
0x94: {  	s4 =	sld [smem:$0x3FFC];
	_ =	sdelay $0x3  }
0x95: {  	_ =	strace s4  }
0x96: {  	s4 =	sld [smem:$0x3FFD];
	_ =	sdelay $0x3  }
0x97: {  	_ =	strace s4  }
0x98: {  	_ =	strace $0x8FFFFFFF  }
0x99: {  	s19 =	sld [smem:$0x3FDB];
	_ =	sdelay $0x1  }
0x9a: {  	s5 =	simm.s32 $_scs_section_size  }
0x9b: {  	s6 =	simm.s32 $_size__tile_overlayer_lowered;
	s7 =	simm.s32 $_tile_overlayer_lowered  }
0x9c: {  	s22 =	simm.s32 $0x1BFF;
	s21 =	sshll.u32 s7, $0x1;
	s4 =	sadd.s32 s5, s19  }
0x9d: {  	s8 =	simm.s32 $0x0;
	s20 =	sshll.u32 s6, $0x1;
	s6 =	sadd.s32 s21, s4  }
0x9e: {  	[timem:s8], [sflag:s22] =	dma.local [hbm:s6], s20  }
0x9f: {  	_ =	swait.ge [sflag:s22], s20  }
0xa0: {  	s5 =	ssub.s32 $0x0, s20;
	[sflag:s22] =	ssyncset.done $0x0  }
0xa1: {  	[sflag:s22] =	ssyncadd.s32 s5;
	_ =	sdelay $0x1  }
0xa2: {  	s23 =	simm.s32 $0x1B8B  }
0xa3: {  	_ =	swait.ge [sflag:s23], $0x1  }
0xa4: {  	[sflag:s23] =	ssyncset.done $0x0  }
0xa5: {  	s25 =	simm.s32 $0x1B8E;
	s24 =	sld [smem:$0x3FFE];
	[sflag:s23] =	ssyncadd.s32 $0xFFFFFFFF  }
0xa6: {  	s26 =	simm.s32 $execute0_lowered;
	[smem:$0x3FD2] =	sst s25  }
0xa7: {  	s6 =	sshll.u32 s26, $0x1;
	_ =	strace $0x80000049;
	[dreg:$0x1] =	wrdreg $0xFFFFFFFF  }
0xa8: {  	s28 =	simm.s32 $_size_execute0_lowered;
	s4 =	sadd.s32 s4, s6;
	[dreg:$0x0] =	wrdreg $0x0  }
0xa9: {  	s6 =	sshll.u32 s28, $0x1;
	[dreg:$0x2] =	wrdreg s4  }
0xaa: {  	[dreg:$0x3] =	wrdreg s6  }
0xab: {  	[dreg:$0x4] =	wrdreg $0xC0  }
0xac: {  	_ =	task [dreg:s8], $0x5FFFF  }
0xad: {  	[dreg:$0x1] =	wrdreg $0xFFFFFFFF  }
0xae: {  	[dreg:$0x0] =	wrdreg $0x60  }
0xaf: {  	[dreg:$0x2] =	wrdreg s24  }
0xb0: {  	[dreg:$0x3] =	wrdreg s18  }
0xb1: {  	[dreg:$0x4] =	wrdreg s2  }
0xb2: {  	[dreg:$0x5] =	wrdreg $0x101800  }
0xb3: {  	[dreg:$0x6] =	wrdreg $0x9  }
0xb4: {  	_ =	task.clear_ibuf [dreg:s8], $0x7FFFF;
	_ =	strace $0x90000049  }
0xb5: {  	s29 =	simm.s32 $0x9;
	_ =	strace $0x8000004B  }
0xb6: {  	_ =	swait.ge [sflag:s29], $0x1  }
0xb7: {  	[sflag:s29] =	ssyncadd.s32 $0xFFFFFFFF  }
0xb8: {  	_ =	strace $0x9000004B  }
0xb9: {  	_ =	sfence  }
0xba: {  	s30 =	sld [smem:$0x0];
	_ =	sdelay $0x2  }
0xbb: {  	s31 =	sshll.u32 s1, $0xD;
	s1 =	sshrl.u32 s1, $0x2  }
0xbc: {  	s3 =	sand.u32 $0x4000, s31;
	s1 =	sadd.s32 s1, s30  }
0xbd: {  	s0 =	sor.u32 s3, s0;
	s1 =	sshll.u32 s1, $0x11  }
0xbe: {  	s0 =	sor.u32 s1, s0  }
0xbf: {  	s0 =	sadd.s32 $0x8F2B, s0  }
0xc0: {  	[sflag:s0] =	ssyncadd.remote.s32 $0x1  }
0xc1: {  	_ =	sfence.sel $0xFFFF  }
0xc2: {  	[dreg:$0x0] =	wrdreg $0xFFFFFFFF;
	(pc) =	sbr.abs _section_cstart, $3  }
0xc3: {  	[dreg:$0x1] =	wrdreg $0xFFFFFFFF  }
0xc4: {  	_ =	task.clear_ibuf [dreg:s8], $0x2FFFF;
	_ =	strace $0x9FFFFFFF  }
0xc5: {  	(tm) =	ssettm $0x7FFFFFFF  }
tec
execute0_lowered:
.L_overlay_start_1:
0x0: {  	(tag) =	ssettag $0x1  }
0x1: {  	s0 =	rddreg [dreg:$0x0]  }
0x2: {  	s1 =	rddreg [dreg:$0x1]  }
0x3: {  	s2 =	rddreg [dreg:$0x3]  }
0x4: {  	s3 =	srdreg.scid;
	s4 =	simm.s32 $0x0;
	s14 =	stileid.u32  }
0x5: {  	s28 =	simm.s32 $0x2780;
	s29 =	simm.s32 $0x271;
	s31 =	simm.s32 $0x6250  }
0x6: {  	s30 =	simm.s32 $0x2;
	s3 =	sand.u32 $0x1, s3;
	s6 =	smul.u32 $0x4F0, s14  }
0x7: {  	[smem:$0x7FF] =	sst s4;
	s8 =	sadd.s32 $0xFE00, s0;
	s11 =	smul.u32 $0x2800, s14  }
0x8: {  	s9 =	sadd.s32 $0x63000, s0;
	s17 =	sadd.s32 $0xF800, s0;
	s21 =	sadd.s32 $0x68200, s0  }
0x9: {  	s13 =	smul.u32 $0x27100, s14;
	_ =	strace $0x8000004A;
	[dreg:$0x5] =	wrdreg s9  }
0xa: {  	s20 =	smul.u32 $0x4E20, s14;
	s5 =	sshll.u32 s3, $0x4;
	[dreg:$0x6] =	wrdreg s17  }
0xb: {  	s18 =	ssub.s32 $0x2, s3;
	p0 =	sne.s32 s3, $0x0;
	s3 =	simm.s32 $0xD960  }
0xc: {  	s5 =	sor.u32 s14, s5;
	s6 =	sadd.s32 s6, s0;
	s10 =	sshrl.u32 s11, $0x3  }
0xd: {  	s12 =	sshrl.u32 s18, $0x1;
	s22 =	sshrl.u32 s13, $0x3;
	s11 =	sadd.s32 s11, s2  }
0xe: {  	s7 =	smul.u32 $0x278, s5;
	s25 =	ssub.s32 s18, s12;
	s6 =	sadd.s32 $0xA200, s6  }
0xf: {  	s23 =	sadd.s32 s8, s22;
	s12 =	sadd.s32 s8, s20;
	s24 =	smul.u32 $0x13880, s5  }
0x10: {  	s5 =	smul.u32 $0x2710, s5;
	[dreg:$0x7] =	wrdreg s6;
	s13 =	sadd.s32 $0x9C4, s23  }
0x11: {  	s14 =	sadd.s32 $0x1388, s23;
	s15 =	sadd.s32 $0x1D4C, s23;
	s16 =	sadd.s32 $0x2710, s23  }
0x12: {  	s17 =	sadd.s32 $0x30D4, s23;
	s18 =	sadd.s32 $0x3A98, s23;
	s25 =	smax.u32 s25, $0x1  }
0x13: {  	s7 =	sadd.s32 s7, s0;
	s0 =	sadd.s32 s10, s0;
	s10 =	sadd.s32 s1, s10  }
0x14: {  	s6 =	sshrl.u32 s24, $0x3;
	s1 =	simm.s32 $0x3B40;
	s19 =	sadd.s32 $0x5200, s7  }
0x15: {  	s9 =	sadd.s32 $0x5E000, s0;
	s26 =	sadd.s32 s21, s6;
	s20 =	sadd.s32 $0x63200, s0  }
0x16: {  	s21 =	sadd.s32 s21, s5;
	s0 =	simm.s32 $0x1;
	s5 =	simm.s32 $0x0  }
0x17: {  	[dreg:$0x8] =	wrdreg s19;
	s19 =	sadd.s32 $0x445C, s23;
	s22 =	sadd.s32 $0x9C4, s26  }
0x18: {  	s23 =	sadd.s32 $0x1388, s26;
	s24 =	sadd.s32 $0x1D4C, s26;
	s26 =	simm.s32 $0x3  }
.LBB2_1:
0x19: {  	s6 =	rddreg [dreg:$0x7]  }
0x1a: {  	[tilespmem:s4], [sflag:$0x3] =	stream.linear.gather [hbm4b:s6+s4], $0x2780, $0x38;
	[tilespmem:$0x12980] =	vst v63  }
0x1b: {  	_ =	swait.ge [sflag:s26], $0x2780  }
0x1c: {  	[sflag:s26] =	ssyncset.done $0x0  }
0x1d: {  	s7 =	rddreg [dreg:$0x8];
	[sflag:s26] =	ssyncadd.s32 $0xFFFFD880  }
0x1e: {  	[tilespmem:s28], [sflag:$0x3] =	stream.linear.gather [hbm4b:s7+s4], $0x13C0, $0x38;
	[tilespmem:$0x12980] =	vst v63  }
0x1f: {  	_ =	swait.ge [sflag:s26], $0x13C0  }
0x20: {  	[sflag:s26] =	ssyncset.done $0x0  }
0x21: {  	s8 =	simm.s32 $0x8960;
	[sflag:s26] =	ssyncadd.s32 $0xFFFFEC40  }
0x22: {  	[tilespmem:s8], [sflag:$0x3] =	stream.linear.gather [hbm4b:s9+s4], $0x2800, $0x38;
	[tilespmem:$0x12980] =	vst v63  }
0x23: {  	_ =	swait.ge [sflag:s26], $0x2800  }
0x24: {  	[sflag:s26] =	ssyncset.done $0x0  }
0x25: {  	s7 =	simm.s32 $0xB160;
	[sflag:s26] =	ssyncadd.s32 $0xFFFFD800  }
0x26: {  	[tilespmem:s7], [sflag:$0x3] =	stream.linear.gather [hbm4b:s10+s4], $0x2800, $0x38;
	[tilespmem:$0x12980] =	vst v63  }
0x27: {  	_ =	swait.ge [sflag:s26], $0x2800  }
0x28: {  	[sflag:s26] =	ssyncset.done $0x0  }
0x29: {  	s7 =	simm.s32 $0x10160;
	s8 =	rddreg [dreg:$0x5];
	[sflag:s26] =	ssyncadd.s32 $0xFFFFD800  }
0x2a: {  	[tilespmem:s7], [sflag:$0x3] =	stream.linear.gather [hbm4b:s8+s4], $0x10, $0x38;
	[tilespmem:$0x12980] =	vst v63  }
0x2b: {  	_ =	swait.ge [sflag:s26], $0x10  }
0x2c: {  	[sflag:s26] =	ssyncset.done $0x0  }
0x2d: {  	[sflag:s26] =	ssyncadd.s32 $0xFFFFFFF0  }
0x2e: {  	s8 =	simm.s32 $0x10170;
	s7 =	rddreg [dreg:$0x2]  }
0x2f: {  	[tilespmem:s8], [sflag:$0x3] =	stream.linear.gather [hbm4b:s7+s4], $0x10, $0x38;
	[tilespmem:$0x12980] =	vst v63  }
0x30: {  	s7 =	stileid.u32;
	_ =	swait.ge [sflag:s26], $0x10  }
0x31: {  	s6 =	sshll.u32 s7, $0x6;
	s7 =	sshrl.u32 s11, $0x3;
	[sflag:s26] =	ssyncset.done $0x0  }
0x32: {  	s6 =	sor.u32 $0x1C03, s6;
	s8 =	rddreg [dreg:$0x6];
	[sflag:s26] =	ssyncadd.s32 $0xFFFFFFF0  }
0x33: {  	[spmem:s7], [sflag:s6] =	dma.local [hbm:s8], $0x500  }
0x34: {  	_ =	swait.ge [sflag:s26], $0x500  }
0x35: {  	[sflag:s26] =	ssyncset.done $0x0  }
0x36: {  	[sflag:s26] =	ssyncadd.s32 $0xFFFFFB00  }
0x37: {  	[bflag:$0x0] =	sbarrier.arrive $0xFFFF  }
0x38: {  	[tilespmem:s1], [sflag:$0x3] =	stream.linear.gather [hbm4b:s12+s4], $0x4E20, $0x38;
	[tilespmem:$0x12980] =	vst v63  }
0x39: {  	_ =	swait.ge [sflag:s26], $0x4E20  }
0x3a: {  	[sflag:s26] =	ssyncset.done $0x0  }
0x3b: {  	[sflag:s26] =	ssyncadd.s32 $0xFFFFB1E0  }
0x3c: {  	[spmem:s2] =	stream.indirect.scatter.add.f32 [tilespmem:s1], [sflag:$0x1], $0x10, s4, s29, $0xb8;
	[tilespmem:$0x12980] =	vst v63  }
0x3d: {  	s8 =	simm.s32 $0x278  }
0x3e: {  	[spmem:s2] =	stream.indirect.scatter.add.f32 [tilespmem:s31], [sflag:$0x1], $0x10, s8, s29, $0xb8;
	[tilespmem:$0x12980] =	vst v63  }
0x3f: {  	_ =	swait.ge [sflag:s0], $0x2710  }
0x40: {  	[sflag:s0] =	ssyncset.done $0x0  }
0x41: {  	[sflag:s0] =	ssyncadd.s32 $0xFFFFD8F0  }
0x42: {  	_ =	swait.ge [sflag:s0], $0x2710  }
0x43: {  	[sflag:s0] =	ssyncset.done $0x0  }
0x44: {  	[sflag:s0] =	ssyncadd.s32 $0xFFFFD8F0  }
0x45: {  	[tilespmem:s1], [sflag:$0x3] =	stream.linear.gather [hbm4b:s13+s4], $0x4E20, $0x38;
	[tilespmem:$0x12980] =	vst v63  }
0x46: {  	_ =	swait.ge [sflag:s26], $0x4E20  }
0x47: {  	[sflag:s26] =	ssyncset.done $0x0  }
0x48: {  	s7 =	simm.s32 $0x4F0;
	[sflag:s26] =	ssyncadd.s32 $0xFFFFB1E0  }
0x49: {  	[spmem:s2] =	stream.indirect.scatter.add.f32 [tilespmem:s1], [sflag:$0x1], $0x10, s7, s29, $0xb8;
	[tilespmem:$0x12980] =	vst v63  }
0x4a: {  	s8 =	simm.s32 $0x768  }
0x4b: {  	[spmem:s2] =	stream.indirect.scatter.add.f32 [tilespmem:s31], [sflag:$0x1], $0x10, s8, s29, $0xb8;
	[tilespmem:$0x12980] =	vst v63  }
0x4c: {  	_ =	swait.ge [sflag:s0], $0x2710  }
0x4d: {  	[sflag:s0] =	ssyncset.done $0x0  }
0x4e: {  	[sflag:s0] =	ssyncadd.s32 $0xFFFFD8F0  }
0x4f: {  	_ =	swait.ge [sflag:s0], $0x2710  }
0x50: {  	[sflag:s0] =	ssyncset.done $0x0  }
0x51: {  	[sflag:s0] =	ssyncadd.s32 $0xFFFFD8F0  }
0x52: {  	[tilespmem:s1], [sflag:$0x3] =	stream.linear.gather [hbm4b:s14+s4], $0x4E20, $0x38;
	[tilespmem:$0x12980] =	vst v63  }
0x53: {  	_ =	swait.ge [sflag:s26], $0x4E20  }
0x54: {  	[sflag:s26] =	ssyncset.done $0x0  }
0x55: {  	s7 =	simm.s32 $0x9E0;
	[sflag:s26] =	ssyncadd.s32 $0xFFFFB1E0  }
0x56: {  	[spmem:s2] =	stream.indirect.scatter.add.f32 [tilespmem:s1], [sflag:$0x1], $0x10, s7, s29, $0xb8;
	[tilespmem:$0x12980] =	vst v63  }
0x57: {  	s8 =	simm.s32 $0xC58  }
0x58: {  	[spmem:s2] =	stream.indirect.scatter.add.f32 [tilespmem:s31], [sflag:$0x1], $0x10, s8, s29, $0xb8;
	[tilespmem:$0x12980] =	vst v63  }
0x59: {  	_ =	swait.ge [sflag:s0], $0x2710  }
0x5a: {  	[sflag:s0] =	ssyncset.done $0x0  }
0x5b: {  	[sflag:s0] =	ssyncadd.s32 $0xFFFFD8F0  }
0x5c: {  	_ =	swait.ge [sflag:s0], $0x2710  }
0x5d: {  	[sflag:s0] =	ssyncset.done $0x0  }
0x5e: {  	[sflag:s0] =	ssyncadd.s32 $0xFFFFD8F0  }
0x5f: {  	[tilespmem:s1], [sflag:$0x3] =	stream.linear.gather [hbm4b:s15+s4], $0x4E20, $0x38;
	[tilespmem:$0x12980] =	vst v63  }
0x60: {  	_ =	swait.ge [sflag:s26], $0x4E20  }
0x61: {  	[sflag:s26] =	ssyncset.done $0x0  }
0x62: {  	s7 =	simm.s32 $0xED0;
	[sflag:s26] =	ssyncadd.s32 $0xFFFFB1E0  }
0x63: {  	[spmem:s2] =	stream.indirect.scatter.add.f32 [tilespmem:s1], [sflag:$0x1], $0x10, s7, s29, $0xb8;
	[tilespmem:$0x12980] =	vst v63  }
0x64: {  	s8 =	simm.s32 $0x1148  }
0x65: {  	[spmem:s2] =	stream.indirect.scatter.add.f32 [tilespmem:s31], [sflag:$0x1], $0x10, s8, s29, $0xb8;
	[tilespmem:$0x12980] =	vst v63  }
0x66: {  	_ =	swait.ge [sflag:s0], $0x2710  }
0x67: {  	[sflag:s0] =	ssyncset.done $0x0  }
0x68: {  	[sflag:s0] =	ssyncadd.s32 $0xFFFFD8F0  }
0x69: {  	_ =	swait.ge [sflag:s0], $0x2710  }
0x6a: {  	[sflag:s0] =	ssyncset.done $0x0  }
0x6b: {  	[sflag:s0] =	ssyncadd.s32 $0xFFFFD8F0  }
0x6c: {  	[tilespmem:s1], [sflag:$0x3] =	stream.linear.gather [hbm4b:s16+s4], $0x4E20, $0x38;
	[tilespmem:$0x12980] =	vst v63  }
0x6d: {  	_ =	swait.ge [sflag:s26], $0x4E20  }
0x6e: {  	[sflag:s26] =	ssyncset.done $0x0  }
0x6f: {  	s7 =	simm.s32 $0x13C0;
	[sflag:s26] =	ssyncadd.s32 $0xFFFFB1E0  }
0x70: {  	[spmem:s2] =	stream.indirect.scatter.add.f32 [tilespmem:s1], [sflag:$0x1], $0x10, s7, s29, $0xb8;
	[tilespmem:$0x12980] =	vst v63  }
0x71: {  	s8 =	simm.s32 $0x1638  }
0x72: {  	[spmem:s2] =	stream.indirect.scatter.add.f32 [tilespmem:s31], [sflag:$0x1], $0x10, s8, s29, $0xb8;
	[tilespmem:$0x12980] =	vst v63  }
0x73: {  	_ =	swait.ge [sflag:s0], $0x2710  }
0x74: {  	[sflag:s0] =	ssyncset.done $0x0  }
0x75: {  	[sflag:s0] =	ssyncadd.s32 $0xFFFFD8F0  }
0x76: {  	_ =	swait.ge [sflag:s0], $0x2710  }
0x77: {  	[sflag:s0] =	ssyncset.done $0x0  }
0x78: {  	[sflag:s0] =	ssyncadd.s32 $0xFFFFD8F0  }
0x79: {  	[tilespmem:s1], [sflag:$0x3] =	stream.linear.gather [hbm4b:s17+s4], $0x4E20, $0x38;
	[tilespmem:$0x12980] =	vst v63  }
0x7a: {  	_ =	swait.ge [sflag:s26], $0x4E20  }
0x7b: {  	[sflag:s26] =	ssyncset.done $0x0  }
0x7c: {  	s7 =	simm.s32 $0x18B0;
	[sflag:s26] =	ssyncadd.s32 $0xFFFFB1E0  }
0x7d: {  	[spmem:s2] =	stream.indirect.scatter.add.f32 [tilespmem:s1], [sflag:$0x1], $0x10, s7, s29, $0xb8;
	[tilespmem:$0x12980] =	vst v63  }
0x7e: {  	s8 =	simm.s32 $0x1B28  }
0x7f: {  	[spmem:s2] =	stream.indirect.scatter.add.f32 [tilespmem:s31], [sflag:$0x1], $0x10, s8, s29, $0xb8;
	[tilespmem:$0x12980] =	vst v63  }
0x80: {  	_ =	swait.ge [sflag:s0], $0x2710  }
0x81: {  	[sflag:s0] =	ssyncset.done $0x0  }
0x82: {  	[sflag:s0] =	ssyncadd.s32 $0xFFFFD8F0  }
0x83: {  	_ =	swait.ge [sflag:s0], $0x2710  }
0x84: {  	[sflag:s0] =	ssyncset.done $0x0  }
0x85: {  	[sflag:s0] =	ssyncadd.s32 $0xFFFFD8F0  }
0x86: {  	[tilespmem:s1], [sflag:$0x3] =	stream.linear.gather [hbm4b:s18+s4], $0x4E20, $0x38;
	[tilespmem:$0x12980] =	vst v63  }
0x87: {  	_ =	swait.ge [sflag:s26], $0x4E20  }
0x88: {  	[sflag:s26] =	ssyncset.done $0x0  }
0x89: {  	s7 =	simm.s32 $0x1DA0;
	[sflag:s26] =	ssyncadd.s32 $0xFFFFB1E0  }
0x8a: {  	[spmem:s2] =	stream.indirect.scatter.add.f32 [tilespmem:s1], [sflag:$0x1], $0x10, s7, s29, $0xb8;
	[tilespmem:$0x12980] =	vst v63  }
0x8b: {  	s8 =	simm.s32 $0x2018  }
0x8c: {  	[spmem:s2] =	stream.indirect.scatter.add.f32 [tilespmem:s31], [sflag:$0x1], $0x10, s8, s29, $0xb8;
	[tilespmem:$0x12980] =	vst v63  }
0x8d: {  	_ =	swait.ge [sflag:s0], $0x2710  }
0x8e: {  	[sflag:s0] =	ssyncset.done $0x0  }
0x8f: {  	[sflag:s0] =	ssyncadd.s32 $0xFFFFD8F0  }
0x90: {  	_ =	swait.ge [sflag:s0], $0x2710  }
0x91: {  	[sflag:s0] =	ssyncset.done $0x0  }
0x92: {  	[sflag:s0] =	ssyncadd.s32 $0xFFFFD8F0  }
0x93: {  	[tilespmem:s1], [sflag:$0x3] =	stream.linear.gather [hbm4b:s19+s4], $0x4E20, $0x38;
	[tilespmem:$0x12980] =	vst v63  }
0x94: {  	_ =	swait.ge [sflag:s26], $0x4E20  }
0x95: {  	[sflag:s26] =	ssyncset.done $0x0  }
0x96: {  	s7 =	simm.s32 $0x2290;
	[sflag:s26] =	ssyncadd.s32 $0xFFFFB1E0  }
0x97: {  	[spmem:s2] =	stream.indirect.scatter.add.f32 [tilespmem:s1], [sflag:$0x1], $0x10, s7, s29, $0xb8;
	[tilespmem:$0x12980] =	vst v63  }
0x98: {  	s8 =	simm.s32 $0x2508  }
0x99: {  	[spmem:s2] =	stream.indirect.scatter.add.f32 [tilespmem:s31], [sflag:$0x1], $0x10, s8, s29, $0xb8;
	[tilespmem:$0x12980] =	vst v63  }
0x9a: {  	_ =	swait.ge [sflag:s0], $0x2710  }
0x9b: {  	[sflag:s0] =	ssyncset.done $0x0  }
0x9c: {  	[sflag:s0] =	ssyncadd.s32 $0xFFFFD8F0  }
0x9d: {  	_ =	swait.ge [sflag:s0], $0x2710  }
0x9e: {  	[sflag:s0] =	ssyncset.done $0x0  }
0x9f: {  	[sflag:s0] =	ssyncadd.s32 $0xFFFFD8F0  }
0xa0: {  	[bflag:$0x0] =	sbarrier.arrive $0xFFFF  }
0xa1: {  	[tilespmem:s3], [sflag:$0x3] =	stream.linear.gather [spmem:s11], $0x2800, $0x38;
	[tilespmem:$0x12980] =	vst v63  }
0xa2: {  	_ =	swait.ge [sflag:s26], $0x2800  }
0xa3: {  	[sflag:s26] =	ssyncset.done $0x0  }
0xa4: {  	s6 =	simm.s32 $0x0;
	[sflag:s26] =	ssyncadd.s32 $0xFFFFD800  }
0xa5: {  	v2 =	vld [tilespmem:s6+$0x8960];
	_ =	sdelay $0x4  }
0xa6: {  	v3 =	vmax.f32 v2, $1.000000000e+00  }
0xa7: {  	(erf) = vrcp.f32 v3;
	_ =	sdelay $0x4  }
0xa8: {  	v2 =	vld [tilespmem:s6+$0xD960]  }
0xa9: {  	v0 =	vld [tilespmem:$0x10160]  }
0xaa: {  	v3 =	vld [tilespmem:s6+$0xB160]  }
0xab: {  	s7 =	simm.s32 $0x10;
	s8 =	simm.s32 $0x80;
	v1 =	vld [tilespmem:$0x10170]  }
.LBB2_2:
0xac: {  	p1 =	sne.s32 s8, $0x9FC0;
	v4 =	vld [tilespmem:s7+$0x8960];
	v5 =	vpop (erf)  }
0xad: {  	v2 =	vmul.f32 v5, v2;
	_ =	sdelay $0x1  }
0xae: {  	v2 =	vadd.f32 v2, v3;
	_ =	sdelay $0x1  }
0xaf: {  	v3 =	vmax.f32 v4, $1.000000000e+00;
	v2 =	vmul.f32 v2, v0  }
0xb0: {  	(erf) = vrcp.f32 v3  }
0xb1: {  	v2 =	vadd.f32 v2, v1;
	_ =	sdelay $0x1  }
0xb2: {  	v2 =	vmax.f32 v2, $0.0e+00  }
.Ltmp0:
0xb3: {  	[tilespmem:s6+$0xD960] =	vst v2;
	s6 =	smov.u32 s7;
	(pc) =	sbr.rel @p1 .LBB2_2-.Ltmp0, $3  }
0xb4: {  	v2 =	vld [tilespmem:s6+$0xD960];
	_ =	sdelay $0x1  }
0xb5: {  	v3 =	vld [tilespmem:s6+$0xB160]  }
0xb6: {  	s7 =	sshra.s32 s8, $0x2;
	s8 =	sadd.s32 $0x40, s8  }
0xb7: {  	v4 =	vld [tilespmem:s7+$0x8960];
	v5 =	vpop (erf)  }
0xb8: {  	v2 =	vmul.f32 v5, v2;
	_ =	sdelay $0x1  }
0xb9: {  	v2 =	vadd.f32 v2, v3;
	_ =	sdelay $0x1  }
0xba: {  	v60 =	vmax.f32 v4, $1.000000000e+00;
	v2 =	vmul.f32 v2, v0  }
0xbb: {  	(erf) = vrcp.f32 v60  }
0xbc: {  	v2 =	vadd.f32 v2, v1;
	_ =	sdelay $0x1  }
0xbd: {  	v2 =	vmax.f32 v2, $0.0e+00  }
0xbe: {  	[tilespmem:s6+$0xD960] =	vst v2  }
0xbf: {  	v2 =	vld [tilespmem:s7+$0xD960];
	_ =	sdelay $0x1  }
0xc0: {  	v61 =	vld [tilespmem:s7+$0xB160];
	_ =	sdelay $0x1  }
0xc1: {  	v62 =	vpop (erf)  }
0xc2: {  	v2 =	vmul.f32 v62, v2;
	_ =	sdelay $0x1  }
0xc3: {  	v2 =	vadd.f32 v2, v61;
	_ =	sdelay $0x1  }
0xc4: {  	v63 =	vmul.f32 v2, v0;
	_ =	sdelay $0x1  }
0xc5: {  	v0 =	vadd.f32 v63, v1;
	_ =	sdelay $0x1  }
0xc6: {  	v0 =	vmax.f32 v0, $0.0e+00  }
0xc7: {  	[tilespmem:s7+$0xD960] =	vst v0  }
0xc8: {  	[spmem:s11] =	stream.linear.scatter [tilespmem:s3], [sflag:$0x3], $0x2800, $0x38;
	[tilespmem:$0x12980] =	vst v63  }
0xc9: {  	_ =	swait.ge [sflag:s26], $0x2800  }
0xca: {  	[sflag:s26] =	ssyncset.done $0x0  }
0xcb: {  	s6 =	simm.s32 @!p0 $0x0;
	s7 =	simm.s32 @!p0 $0xD960;
	[sflag:s26] =	ssyncadd.s32 $0xFFFFD800  }
0xcc: {  	[hbm4b:s20+s6] =	stream.linear.scatter @!p0 [tilespmem:s7], [sflag:$0x3], $0x2800, $0x38;
	[tilespmem:$0x12980] =	vst v63  }
0xcd: {  	s6 =	simm.s32 @!p0 $0x3  }
0xce: {  	_ =	swait.ge @!p0 [sflag:s6], $0x2800  }
0xcf: {  	[sflag:s6] =	ssyncset.done @!p0 $0x0  }
0xd0: {  	[sflag:s6] =	ssyncadd.s32 @!p0 $0xFFFFD800  }
0xd1: {  	[bflag:$0x0] =	sbarrier.arrive $0xFFFF  }
0xd2: {  	[tilespmem:s1], [sflag:$0x2] =	stream.indirect.gather [spmem:s2], $0x10, s28, s29, $0xb8;
	[tilespmem:$0x12980] =	vst v63  }
0xd3: {  	s8 =	simm.s32 $0x29F8  }
0xd4: {  	[tilespmem:s31], [sflag:$0x2] =	stream.indirect.gather [spmem:s2], $0x10, s8, s29, $0xb8;
	[tilespmem:$0x12980] =	vst v63  }
0xd5: {  	_ =	swait.ge [sflag:s30], $0x2710  }
0xd6: {  	[sflag:s30] =	ssyncset.done $0x0  }
0xd7: {  	[sflag:s30] =	ssyncadd.s32 $0xFFFFD8F0  }
0xd8: {  	_ =	swait.ge [sflag:s30], $0x2710  }
0xd9: {  	[sflag:s30] =	ssyncset.done $0x0  }
0xda: {  	[sflag:s30] =	ssyncadd.s32 $0xFFFFD8F0  }
0xdb: {  	[hbm4b:s21+s4] =	stream.linear.scatter [tilespmem:s1], [sflag:$0x3], $0x4E20, $0x38;
	[tilespmem:$0x12980] =	vst v63  }
0xdc: {  	_ =	swait.ge [sflag:s26], $0x4E20  }
0xdd: {  	[sflag:s26] =	ssyncset.done $0x0  }
0xde: {  	s7 =	simm.s32 $0x2C70;
	[sflag:s26] =	ssyncadd.s32 $0xFFFFB1E0  }
0xdf: {  	[tilespmem:s1], [sflag:$0x2] =	stream.indirect.gather [spmem:s2], $0x10, s7, s29, $0xb8;
	[tilespmem:$0x12980] =	vst v63  }
0xe0: {  	s8 =	simm.s32 $0x2EE8  }
0xe1: {  	[tilespmem:s31], [sflag:$0x2] =	stream.indirect.gather [spmem:s2], $0x10, s8, s29, $0xb8;
	[tilespmem:$0x12980] =	vst v63  }
0xe2: {  	_ =	swait.ge [sflag:s30], $0x2710  }
0xe3: {  	[sflag:s30] =	ssyncset.done $0x0  }
0xe4: {  	[sflag:s30] =	ssyncadd.s32 $0xFFFFD8F0  }
0xe5: {  	_ =	swait.ge [sflag:s30], $0x2710  }
0xe6: {  	[sflag:s30] =	ssyncset.done $0x0  }
0xe7: {  	[sflag:s30] =	ssyncadd.s32 $0xFFFFD8F0  }
0xe8: {  	[hbm4b:s22+s4] =	stream.linear.scatter [tilespmem:s1], [sflag:$0x3], $0x4E20, $0x38;
	[tilespmem:$0x12980] =	vst v63  }
0xe9: {  	_ =	swait.ge [sflag:s26], $0x4E20  }
0xea: {  	[sflag:s26] =	ssyncset.done $0x0  }
0xeb: {  	s7 =	simm.s32 $0x3160;
	[sflag:s26] =	ssyncadd.s32 $0xFFFFB1E0  }
0xec: {  	[tilespmem:s1], [sflag:$0x2] =	stream.indirect.gather [spmem:s2], $0x10, s7, s29, $0xb8;
	[tilespmem:$0x12980] =	vst v63  }
0xed: {  	s8 =	simm.s32 $0x33D8  }
0xee: {  	[tilespmem:s31], [sflag:$0x2] =	stream.indirect.gather [spmem:s2], $0x10, s8, s29, $0xb8;
	[tilespmem:$0x12980] =	vst v63  }
0xef: {  	_ =	swait.ge [sflag:s30], $0x2710  }
0xf0: {  	[sflag:s30] =	ssyncset.done $0x0  }
0xf1: {  	[sflag:s30] =	ssyncadd.s32 $0xFFFFD8F0  }
0xf2: {  	_ =	swait.ge [sflag:s30], $0x2710  }
0xf3: {  	[sflag:s30] =	ssyncset.done $0x0  }
0xf4: {  	[sflag:s30] =	ssyncadd.s32 $0xFFFFD8F0  }
0xf5: {  	[hbm4b:s23+s4] =	stream.linear.scatter [tilespmem:s1], [sflag:$0x3], $0x4E20, $0x38;
	[tilespmem:$0x12980] =	vst v63  }
0xf6: {  	_ =	swait.ge [sflag:s26], $0x4E20  }
0xf7: {  	[sflag:s26] =	ssyncset.done $0x0  }
0xf8: {  	s7 =	simm.s32 $0x3650;
	[sflag:s26] =	ssyncadd.s32 $0xFFFFB1E0  }
0xf9: {  	[tilespmem:s1], [sflag:$0x2] =	stream.indirect.gather [spmem:s2], $0x10, s7, s29, $0xb8;
	[tilespmem:$0x12980] =	vst v63  }
0xfa: {  	s8 =	simm.s32 $0x38C8  }
0xfb: {  	[tilespmem:s31], [sflag:$0x2] =	stream.indirect.gather [spmem:s2], $0x10, s8, s29, $0xb8;
	[tilespmem:$0x12980] =	vst v63  }
0xfc: {  	_ =	swait.ge [sflag:s30], $0x2710  }
0xfd: {  	[sflag:s30] =	ssyncset.done $0x0  }
0xfe: {  	[sflag:s30] =	ssyncadd.s32 $0xFFFFD8F0  }
0xff: {  	s5 =	sadd.s32 $0x1, s5;
	_ =	swait.ge [sflag:s30], $0x2710  }
0x100: {  	p1 =	sne.s32 s5, s25;
	[sflag:s30] =	ssyncset.done $0x0  }
.Ltmp1:
0x101: {  	[sflag:s30] =	ssyncadd.s32 $0xFFFFD8F0;
	(pc) =	sbr.rel @p1 .LBB2_1-.Ltmp1, $4  }
0x102: {  	[hbm4b:s24+s4] =	stream.linear.scatter [tilespmem:s1], [sflag:$0x3], $0x4E20, $0x38;
	[tilespmem:$0x12980] =	vst v63  }
0x103: {  	_ =	swait.ge [sflag:s26], $0x4E20  }
0x104: {  	[sflag:s26] =	ssyncset.done $0x0  }
0x105: {  	[sflag:s26] =	ssyncadd.s32 $0xFFFFB1E0  }
0x106: {  	_ =	sfence.sel $0x180000  }
0x107: {  	[bflag:$0x0] =	sbarrier.arrive $0xFFFF  }
0x108: {  	_ =	strace $0x9000004A  }
0x109: {  	s0 =	stileid.u32;
	[bflag:$0x2] =	sbarrier.arrive $0xFFFF  }
0x10a: {  	p0 =	sne.s32 s0, $0x0;
	s0 =	rddreg [dreg:$0x4]  }
0x10b: {  	s0 =	sadd.s32 @!p0 $0x100000, s0  }
0x10c: {  	[sflag:s0] =	ssyncadd.tile.s32 @!p0 $0x1;
	_ =	shalt  }
.Lfunc_end2:
_tile_overlayer_lowered:
.L_overlay_start_2:
0x10d: {  	(tag) =	ssettag $0x2  }
0x10e: {  	s0 =	rddreg [dreg:$0x0];
	s2 =	stileid.u32  }
0x10f: {  	s1 =	rddreg [dreg:$0x1];
	p0 =	sne.s32 s2, $0x0  }
0x110: {  	s3 =	rddreg [dreg:$0x2];
	[bflag:$0x3] =	sbarrier.arrive $0xFFFF;
	s2 =	simm.s32 @!p0 $0x1C03  }
0x111: {  	[timem:s3], [sflag:s2] =	dma.local @!p0 [hbm:s0], s1  }
0x112: {  	s0 =	simm.s32 @!p0 $0x3  }
0x113: {  	_ =	swait.ge @!p0 [sflag:s0], s1  }
0x114: {  	s1 =	ssub.s32 @!p0 $0x0, s1;
	[sflag:s0] =	ssyncset.done @!p0 $0x0  }
0x115: {  	[sflag:s0] =	ssyncadd.s32 @!p0 s1  }
0x116: {  	[bflag:$0x3] =	sbarrier.arrive $0xFFFF  }
0x117: {  	_ =	shalt  }

// kernel: kernel.14.cloned.1.call-start
scs
__scs_entry_jumppad:
0x0: {  	(pc) =	sbr.rel $0x88, $3  }
0x1: {  	(tag) =	ssettag $0x0;
	lr =	simm.s32 $0x1  }
0x2: {  	[smem:$0x3F8A] =	sst lr;
	_ =	strace $0xD0000000  }
0x3: {  	_ = 	snop  }
0x4: {  	_ = 	snop  }
0x5: {  	_ = 	snop  }
0x6: {  	_ = 	snop  }
0x7: {  	_ = 	snop  }
__scs_overlays_trampoline_lowered:
0x8: {  	[smem:$0x3F99] =	sst s0  }
0x9: {  	[smem:$0x3F9A] =	sst s1  }
0xa: {  	[smem:$0x3F9B] =	sst s2  }
0xb: {  	[smem:$0x3F9C] =	sst s3  }
0xc: {  	[smem:$0x3F9D] =	sst s4  }
0xd: {  	[smem:$0x3F9E] =	sst s5  }
0xe: {  	[smem:$0x3F9F] =	sst s6  }
0xf: {  	[smem:$0x3FA0] =	sst s7  }
0x10: {  	[smem:$0x3FA1] =	sst s8  }
0x11: {  	[smem:$0x3FA2] =	sst s9;
	s0 =	simm.s32 @!p0 $0x0  }
0x12: {  	s1 =	sld [smem:$0x3F88];
	s0 =	simm.s32 @p0 $0x1  }
0x13: {  	[smem:$0x3FA3] =	sst s0;
	s0 =	simm.s32 @!p1 $0x0  }
0x14: {  	s2 =	sld [smem:$0x3F87];
	s0 =	simm.s32 @p1 $0x1  }
0x15: {  	[smem:$0x3FA4] =	sst s0;
	s0 =	simm.s32 @!p2 $0x0  }
0x16: {  	s3 =	sld [smem:$0x3FDB];
	s0 =	simm.s32 @p2 $0x1  }
0x17: {  	s4 =	simm.s32 $0x1BF5;
	[smem:$0x3FA6] =	sst s0  }
0x18: {  	s0 =	sld [smem:$0x3F89];
	_ =	swait.ge [sflag:s4], $0x0  }
0x19: {  	s7 =	sld [smem:$0x3F8A]  }
0x1a: {  	s8 =	sadd.s32 $0xFFFFE003, lr  }
0x1b: {  	s9 =	sadd.s32 $0xFFFFFEF7, lr;
	s5 =	simm.s32 $0xFFFFFFFF;
	p2 =	slt.u32 s8, $0xFFFFF086  }
0x1c: {  	p1 =	slt.u32 s9, $0xF7A;
	s5 =	simm.s32 @!p2 $0x0  }
0x1d: {  	s5 =	simm.s32 @p1 $0x1;
	p0 =	seq.s32 s7, s2  }
0x1e: {  	s7 =	smul.u32 @!p0 $0xF7A, s2;
	p2 =	seq.s32 @!p0 s5, $0x0  }
0x1f: {  	s9 =	smul.u32 $0xF7A, s1;
	s8 =	simm.s32 @!p0 $0x1BF5;
	p2 =	por !p2, p0  }
0x20: {  	[sflag:s8] =	ssyncset.s32 @!p0 $0xFFFFF086;
	s6 =	sadd.s32 @!p0 s3, s7;
	s7 =	simm.s32 @!p0 $0x108  }
0x21: {  	s3 =	sadd.s32 s3, s9;
	s6 =	sadd.s32 @!p0 $0x88, s6;
	s7 =	simm.s32 @p2 $0x1082  }
0x22: {  	[simem:s7], [sflag:s8] =	dma.local @!p0 [hbm:s6], $0xF7A  }
0x23: {  	s9 =	sor.u32 $0xD0000000, s2;
	s6 =	simm.s32 $0x108;
	_ =	swait.ge @!p0 [sflag:s8], $0x0  }
0x24: {  	s3 =	sadd.s32 $0x88, s3;
	s6 =	simm.s32 @!p1 $0x1082;
	[sflag:s4] =	ssyncset.s32 $0xFFFFF086  }
0x25: {  	[simem:s6], [sflag:s4] =	dma.local [hbm:s3], $0xF7A  }
0x26: {  	[smem:$0x3F8A] =	sst s1;
	(tag) =	ssettag s2;
	_ =	strace s9  }
0x27: {  	s1 =	sld [smem:$0x3F9A]  }
0x28: {  	s2 =	sld [smem:$0x3F9B]  }
0x29: {  	s4 =	sld [smem:$0x3F9D]  }
0x2a: {  	p0 =	seq.s32 s5, $0x0;
	s5 =	sld [smem:$0x3F9E]  }
0x2b: {  	s6 =	sld [smem:$0x3F9F]  }
0x2c: {  	s7 =	sld [smem:$0x3FA0]  }
0x2d: {  	s3 =	simm.s32 $0x108;
	s8 =	sld [smem:$0x3FA1]  }
0x2e: {  	s3 =	simm.s32 @!p0 $0x1082;
	s9 =	sld [smem:$0x3FA2]  }
0x2f: {  	lr =	sadd.s32 s0, s3;
	s0 =	sld [smem:$0x3F99]  }
0x30: {  	s3 =	sld [smem:$0x3F9C]  }
0x31: {  	[smem:$0x3FA5] =	sst s10  }
0x32: {  	s10 =	sld [smem:$0x3FA3];
	_ =	sdelay $0x3  }
0x33: {  	p0 =	seq.s32 s10, $0x1;
	s10 =	sld [smem:$0x3FA5];
	_ =	sdelay $0x3  }
0x34: {  	[smem:$0x3FA5] =	sst s10  }
0x35: {  	s10 =	sld [smem:$0x3FA4];
	_ =	sdelay $0x3  }
0x36: {  	p1 =	seq.s32 s10, $0x1;
	s10 =	sld [smem:$0x3FA5];
	_ =	sdelay $0x3  }
0x37: {  	[smem:$0x3FA5] =	sst s10  }
0x38: {  	s10 =	sld [smem:$0x3FA6]  }
0x39: {  	_ = 	snop;
	(pc) =	sbr.ind lr, $3  }
0x3a: {  	_ = 	snop  }
0x3b: {  	_ = 	snop  }
0x3c: {  	p2 =	seq.s32 s10, $0x1;
	s10 =	sld [smem:$0x3FA5]  }
0x3d: {  	_ =	shalt  }
0x3e: {  	_ =	shalt  }
0x3f: {  	_ =	shalt  }
0x40: {  	_ =	shalt  }
0x41: {  	_ =	shalt  }
0x42: {  	_ =	shalt  }
0x43: {  	_ =	shalt  }
0x44: {  	_ =	shalt  }
0x45: {  	_ =	shalt  }
0x46: {  	_ =	shalt  }
0x47: {  	_ =	shalt  }
0x48: {  	_ =	shalt  }
0x49: {  	_ =	shalt  }
0x4a: {  	_ =	shalt  }
0x4b: {  	_ =	shalt  }
0x4c: {  	_ =	shalt  }
0x4d: {  	_ =	shalt  }
0x4e: {  	_ =	shalt  }
0x4f: {  	_ =	shalt  }
0x50: {  	_ =	shalt  }
0x51: {  	_ =	shalt  }
0x52: {  	_ =	shalt  }
0x53: {  	_ =	shalt  }
0x54: {  	_ =	shalt  }
0x55: {  	_ =	shalt  }
0x56: {  	_ =	shalt  }
0x57: {  	_ =	shalt  }
0x58: {  	_ =	shalt  }
0x59: {  	_ =	shalt  }
0x5a: {  	_ =	shalt  }
0x5b: {  	_ =	shalt  }
0x5c: {  	_ =	shalt  }
0x5d: {  	_ =	shalt  }
0x5e: {  	_ =	shalt  }
0x5f: {  	_ =	shalt  }
0x60: {  	_ =	shalt  }
0x61: {  	_ =	shalt  }
0x62: {  	_ =	shalt  }
0x63: {  	_ =	shalt  }
0x64: {  	_ =	shalt  }
0x65: {  	_ =	shalt  }
0x66: {  	_ =	shalt  }
0x67: {  	_ =	shalt  }
0x68: {  	_ =	shalt  }
0x69: {  	_ =	shalt  }
0x6a: {  	_ =	shalt  }
0x6b: {  	_ =	shalt  }
0x6c: {  	_ =	shalt  }
0x6d: {  	_ =	shalt  }
0x6e: {  	_ =	shalt  }
0x6f: {  	_ =	shalt  }
0x70: {  	_ =	shalt  }
0x71: {  	_ =	shalt  }
0x72: {  	_ =	shalt  }
0x73: {  	_ =	shalt  }
0x74: {  	_ =	shalt  }
0x75: {  	_ =	shalt  }
0x76: {  	_ =	shalt  }
0x77: {  	_ =	shalt  }
0x78: {  	_ =	shalt  }
0x79: {  	_ =	shalt  }
0x7a: {  	_ =	shalt  }
0x7b: {  	_ =	shalt  }
0x7c: {  	_ =	shalt  }
0x7d: {  	_ =	shalt  }
0x7e: {  	_ =	shalt  }
0x7f: {  	_ =	shalt  }
0x80: {  	_ =	shalt  }
0x81: {  	_ =	shalt  }
0x82: {  	_ =	shalt  }
0x83: {  	_ =	shalt  }
0x84: {  	_ =	shalt  }
0x85: {  	_ =	shalt  }
0x86: {  	_ =	shalt  }
0x87: {  	_ =	shalt  }
.Lfunc_end0:
.L_simem_size_0:
called_computation.2_lowered:
.L_overlay_start_0:
0x88: {  	s2 =	sld [smem:$0x3FD9]  }
0x89: {  	s3 =	sld [smem:$0x3FFE];
	_ =	sdelay $0x1  }
0x8a: {  	s1 =	srdreg.scid  }
0x8b: {  	s0 =	sand.u32 $0x1, s1  }
0x8c: {  	s17 =	sshll.u32 s0, $0xA;
	s2 =	sadd.s32 s3, s2  }
0x8d: {  	s2 =	sadd.s32 s2, s17  }
0x8e: {  	[smem:$0x3FB1] =	sst s2  }
0x8f: {  	_ = 	snop  }
0x90: {  	s2 =	sld [smem:$0x3FB7]  }
0x91: {  	s18 =	sld [smem:$0x3FD0];
	(tm) =	ssettm $0x1  }
0x92: {  	s4 =	sld [smem:$0x3FFB];
	_ =	sdelay $0x3  }
0x93: {  	_ =	strace s4  }
0x94: {  	s4 =	sld [smem:$0x3FFC];
	_ =	sdelay $0x3  }
0x95: {  	_ =	strace s4  }
0x96: {  	s4 =	sld [smem:$0x3FFD];
	_ =	sdelay $0x3  }
0x97: {  	_ =	strace s4  }
0x98: {  	_ =	strace $0x8FFFFFFF  }
0x99: {  	s19 =	sld [smem:$0x3FDB];
	_ =	sdelay $0x1  }
0x9a: {  	s5 =	simm.s32 $_scs_section_size  }
0x9b: {  	s6 =	simm.s32 $_size__tile_overlayer_lowered;
	s7 =	simm.s32 $_tile_overlayer_lowered  }
0x9c: {  	s22 =	simm.s32 $0x1BFF;
	s21 =	sshll.u32 s7, $0x1;
	s4 =	sadd.s32 s5, s19  }
0x9d: {  	s8 =	simm.s32 $0x0;
	s20 =	sshll.u32 s6, $0x1;
	s6 =	sadd.s32 s21, s4  }
0x9e: {  	[timem:s8], [sflag:s22] =	dma.local [hbm:s6], s20  }
0x9f: {  	_ =	swait.ge [sflag:s22], s20  }
0xa0: {  	s5 =	ssub.s32 $0x0, s20;
	[sflag:s22] =	ssyncset.done $0x0  }
0xa1: {  	[sflag:s22] =	ssyncadd.s32 s5;
	_ =	sdelay $0x1  }
0xa2: {  	s23 =	simm.s32 $0x1B8B  }
0xa3: {  	_ =	swait.ge [sflag:s23], $0x1  }
0xa4: {  	[sflag:s23] =	ssyncset.done $0x0  }
0xa5: {  	s25 =	simm.s32 $0x1B8E;
	s24 =	sld [smem:$0x3FFE];
	[sflag:s23] =	ssyncadd.s32 $0xFFFFFFFF  }
0xa6: {  	s26 =	simm.s32 $execute0_lowered;
	[smem:$0x3FD2] =	sst s25  }
0xa7: {  	s6 =	sshll.u32 s26, $0x1;
	_ =	strace $0x8000004C;
	[dreg:$0x1] =	wrdreg $0xFFFFFFFF  }
0xa8: {  	s28 =	simm.s32 $_size_execute0_lowered;
	s4 =	sadd.s32 s4, s6;
	[dreg:$0x0] =	wrdreg $0x0  }
0xa9: {  	s6 =	sshll.u32 s28, $0x1;
	[dreg:$0x2] =	wrdreg s4  }
0xaa: {  	[dreg:$0x3] =	wrdreg s6  }
0xab: {  	[dreg:$0x4] =	wrdreg $0xC0  }
0xac: {  	_ =	task [dreg:s8], $0x5FFFF  }
0xad: {  	[dreg:$0x1] =	wrdreg $0xFFFFFFFF  }
0xae: {  	[dreg:$0x0] =	wrdreg $0x60  }
0xaf: {  	[dreg:$0x2] =	wrdreg s24  }
0xb0: {  	[dreg:$0x3] =	wrdreg s18  }
0xb1: {  	[dreg:$0x4] =	wrdreg s2  }
0xb2: {  	[dreg:$0x5] =	wrdreg $0x101800  }
0xb3: {  	[dreg:$0x6] =	wrdreg $0x9  }
0xb4: {  	_ =	task.clear_ibuf [dreg:s8], $0x7FFFF;
	_ =	strace $0x9000004C  }
0xb5: {  	s29 =	simm.s32 $0x9;
	_ =	strace $0x8000004E  }
0xb6: {  	_ =	swait.ge [sflag:s29], $0x1  }
0xb7: {  	[sflag:s29] =	ssyncadd.s32 $0xFFFFFFFF  }
0xb8: {  	_ =	strace $0x9000004E  }
0xb9: {  	_ =	sfence  }
0xba: {  	s30 =	sld [smem:$0x0];
	_ =	sdelay $0x2  }
0xbb: {  	s31 =	sshll.u32 s1, $0xD;
	s1 =	sshrl.u32 s1, $0x2  }
0xbc: {  	s3 =	sand.u32 $0x4000, s31;
	s1 =	sadd.s32 s1, s30  }
0xbd: {  	s0 =	sor.u32 s3, s0;
	s1 =	sshll.u32 s1, $0x11  }
0xbe: {  	s0 =	sor.u32 s1, s0  }
0xbf: {  	s0 =	sadd.s32 $0x8F2B, s0  }
0xc0: {  	[sflag:s0] =	ssyncadd.remote.s32 $0x1  }
0xc1: {  	_ =	sfence.sel $0xFFFF  }
0xc2: {  	[dreg:$0x0] =	wrdreg $0xFFFFFFFF;
	(pc) =	sbr.abs _section_cstart, $3  }
0xc3: {  	[dreg:$0x1] =	wrdreg $0xFFFFFFFF  }
0xc4: {  	_ =	task.clear_ibuf [dreg:s8], $0x2FFFF;
	_ =	strace $0x9FFFFFFF  }
0xc5: {  	(tm) =	ssettm $0x7FFFFFFF  }
tec
execute0_lowered:
.L_overlay_start_1:
0x0: {  	(tag) =	ssettag $0x1  }
0x1: {  	s0 =	rddreg [dreg:$0x0]  }
0x2: {  	s1 =	rddreg [dreg:$0x1]  }
0x3: {  	s3 =	rddreg [dreg:$0x3]  }
0x4: {  	s2 =	srdreg.scid;
	s12 =	stileid.u32;
	s4 =	simm.s32 $0x0  }
0x5: {  	s29 =	simm.s32 $0x6250;
	s30 =	simm.s32 $0x1;
	s28 =	simm.s32 $0xD960  }
0x6: {  	s31 =	simm.s32 $0x0;
	s2 =	sand.u32 $0x1, s2;
	s5 =	smul.u32 $0x4F0, s12  }
0x7: {  	[smem:$0x7FF] =	sst s4;
	s7 =	smul.u32 $0x2800, s12;
	s13 =	sadd.s32 $0xFE00, s0  }
0x8: {  	s11 =	sadd.s32 $0xF200, s0;
	s21 =	sadd.s32 $0xF800, s0;
	s23 =	smul.u32 $0x27100, s12  }
0x9: {  	s24 =	smul.u32 $0x4E20, s12;
	_ =	strace $0x8000004D;
	[dreg:$0x5] =	wrdreg s11  }
0xa: {  	s6 =	sshll.u32 s2, $0x4;
	s2 =	ssub.s32 $0x2, s2;
	[dreg:$0x6] =	wrdreg s21  }
0xb: {  	s6 =	sor.u32 s12, s6;
	s5 =	sadd.s32 s5, s0;
	s10 =	sshrl.u32 s7, $0x3  }
0xc: {  	s22 =	sshrl.u32 s2, $0x1;
	s25 =	sshrl.u32 s23, $0x3;
	s11 =	sadd.s32 s7, s3  }
0xd: {  	s12 =	sadd.s32 s13, s24;
	s8 =	smul.u32 $0x278, s6;
	s9 =	sadd.s32 s10, s0  }
0xe: {  	s2 =	ssub.s32 s2, s22;
	s5 =	sadd.s32 $0xA200, s5;
	s26 =	smul.u32 $0x13880, s6  }
0xf: {  	s10 =	sadd.s32 s1, s10;
	s1 =	sadd.s32 s13, s25;
	s6 =	smul.u32 $0x2710, s6  }
0x10: {  	s25 =	simm.s32 $0x3;
	[dreg:$0x7] =	wrdreg s5;
	s9 =	sadd.s32 $0x5E000, s9  }
0x11: {  	s13 =	sadd.s32 $0x9C4, s1;
	s14 =	sadd.s32 $0x1388, s1;
	s15 =	sadd.s32 $0x1D4C, s1  }
0x12: {  	s16 =	sadd.s32 $0x2710, s1;
	s17 =	sadd.s32 $0x30D4, s1;
	s18 =	sadd.s32 $0x3A98, s1  }
0x13: {  	s19 =	sadd.s32 $0x445C, s1;
	s24 =	smax.u32 s2, $0x1;
	s2 =	simm.s32 $0x271  }
0x14: {  	s8 =	sadd.s32 s8, s0;
	s0 =	sadd.s32 $0x63000, s0;
	s5 =	sshrl.u32 s26, $0x3  }
0x15: {  	s1 =	simm.s32 $0x2;
	s20 =	sadd.s32 s0, s6;
	s0 =	sadd.s32 s0, s5  }
0x16: {  	s26 =	simm.s32 $0x2780;
	s8 =	sadd.s32 $0x5200, s8;
	s21 =	sadd.s32 $0x9C4, s0  }
0x17: {  	s22 =	sadd.s32 $0x1388, s0;
	s23 =	sadd.s32 $0x1D4C, s0;
	s0 =	simm.s32 $0x3B40  }
.LBB2_1:
0x18: {  	s5 =	rddreg [dreg:$0x7]  }
0x19: {  	[tilespmem:s4], [sflag:$0x3] =	stream.linear.gather [hbm4b:s5+s4], $0x2780, $0x38;
	[tilespmem:$0x12980] =	vst v63  }
0x1a: {  	_ =	swait.ge [sflag:s25], $0x2780  }
0x1b: {  	[sflag:s25] =	ssyncset.done $0x0  }
0x1c: {  	[sflag:s25] =	ssyncadd.s32 $0xFFFFD880  }
0x1d: {  	[tilespmem:s26], [sflag:$0x3] =	stream.linear.gather [hbm4b:s8+s4], $0x13C0, $0x38;
	[tilespmem:$0x12980] =	vst v63  }
0x1e: {  	_ =	swait.ge [sflag:s25], $0x13C0  }
0x1f: {  	[sflag:s25] =	ssyncset.done $0x0  }
0x20: {  	s7 =	simm.s32 $0x8960;
	[sflag:s25] =	ssyncadd.s32 $0xFFFFEC40  }
0x21: {  	[tilespmem:s7], [sflag:$0x3] =	stream.linear.gather [hbm4b:s9+s4], $0x2800, $0x38;
	[tilespmem:$0x12980] =	vst v63  }
0x22: {  	_ =	swait.ge [sflag:s25], $0x2800  }
0x23: {  	[sflag:s25] =	ssyncset.done $0x0  }
0x24: {  	s6 =	simm.s32 $0xB160;
	[sflag:s25] =	ssyncadd.s32 $0xFFFFD800  }
0x25: {  	[tilespmem:s6], [sflag:$0x3] =	stream.linear.gather [hbm4b:s10+s4], $0x2800, $0x38;
	[tilespmem:$0x12980] =	vst v63  }
0x26: {  	_ =	swait.ge [sflag:s25], $0x2800  }
0x27: {  	[sflag:s25] =	ssyncset.done $0x0  }
0x28: {  	s6 =	simm.s32 $0x10160;
	s7 =	rddreg [dreg:$0x5];
	[sflag:s25] =	ssyncadd.s32 $0xFFFFD800  }
0x29: {  	[tilespmem:s6], [sflag:$0x3] =	stream.linear.gather [hbm4b:s7+s4], $0x10, $0x38;
	[tilespmem:$0x12980] =	vst v63  }
0x2a: {  	_ =	swait.ge [sflag:s25], $0x10  }
0x2b: {  	[sflag:s25] =	ssyncset.done $0x0  }
0x2c: {  	[sflag:s25] =	ssyncadd.s32 $0xFFFFFFF0  }
0x2d: {  	s7 =	simm.s32 $0x10170;
	s6 =	rddreg [dreg:$0x2]  }
0x2e: {  	[tilespmem:s7], [sflag:$0x3] =	stream.linear.gather [hbm4b:s6+s4], $0x10, $0x38;
	[tilespmem:$0x12980] =	vst v63  }
0x2f: {  	s6 =	stileid.u32;
	_ =	swait.ge [sflag:s25], $0x10  }
0x30: {  	s5 =	sshll.u32 s6, $0x6;
	s6 =	sshrl.u32 s11, $0x3;
	[sflag:s25] =	ssyncset.done $0x0  }
0x31: {  	s5 =	sor.u32 $0x1C03, s5;
	s7 =	rddreg [dreg:$0x6];
	[sflag:s25] =	ssyncadd.s32 $0xFFFFFFF0  }
0x32: {  	[spmem:s6], [sflag:s5] =	dma.local [hbm:s7], $0x500  }
0x33: {  	_ =	swait.ge [sflag:s25], $0x500  }
0x34: {  	[sflag:s25] =	ssyncset.done $0x0  }
0x35: {  	[sflag:s25] =	ssyncadd.s32 $0xFFFFFB00  }
0x36: {  	[bflag:$0x0] =	sbarrier.arrive $0xFFFF  }
0x37: {  	[tilespmem:s0], [sflag:$0x3] =	stream.linear.gather [hbm4b:s12+s4], $0x4E20, $0x38;
	[tilespmem:$0x12980] =	vst v63  }
0x38: {  	_ =	swait.ge [sflag:s25], $0x4E20  }
0x39: {  	[sflag:s25] =	ssyncset.done $0x0  }
0x3a: {  	[sflag:s25] =	ssyncadd.s32 $0xFFFFB1E0  }
0x3b: {  	[spmem:s3] =	stream.indirect.scatter.add.f32 [tilespmem:s0], [sflag:$0x1], $0x10, s4, s2, $0xb8;
	[tilespmem:$0x12980] =	vst v63  }
0x3c: {  	s7 =	simm.s32 $0x278  }
0x3d: {  	[spmem:s3] =	stream.indirect.scatter.add.f32 [tilespmem:s29], [sflag:$0x1], $0x10, s7, s2, $0xb8;
	[tilespmem:$0x12980] =	vst v63  }
0x3e: {  	_ =	swait.ge [sflag:s30], $0x2710  }
0x3f: {  	[sflag:s30] =	ssyncset.done $0x0  }
0x40: {  	[sflag:s30] =	ssyncadd.s32 $0xFFFFD8F0  }
0x41: {  	_ =	swait.ge [sflag:s30], $0x2710  }
0x42: {  	[sflag:s30] =	ssyncset.done $0x0  }
0x43: {  	[sflag:s30] =	ssyncadd.s32 $0xFFFFD8F0  }
0x44: {  	[tilespmem:s0], [sflag:$0x3] =	stream.linear.gather [hbm4b:s13+s4], $0x4E20, $0x38;
	[tilespmem:$0x12980] =	vst v63  }
0x45: {  	_ =	swait.ge [sflag:s25], $0x4E20  }
0x46: {  	[sflag:s25] =	ssyncset.done $0x0  }
0x47: {  	s6 =	simm.s32 $0x4F0;
	[sflag:s25] =	ssyncadd.s32 $0xFFFFB1E0  }
0x48: {  	[spmem:s3] =	stream.indirect.scatter.add.f32 [tilespmem:s0], [sflag:$0x1], $0x10, s6, s2, $0xb8;
	[tilespmem:$0x12980] =	vst v63  }
0x49: {  	s7 =	simm.s32 $0x768  }
0x4a: {  	[spmem:s3] =	stream.indirect.scatter.add.f32 [tilespmem:s29], [sflag:$0x1], $0x10, s7, s2, $0xb8;
	[tilespmem:$0x12980] =	vst v63  }
0x4b: {  	_ =	swait.ge [sflag:s30], $0x2710  }
0x4c: {  	[sflag:s30] =	ssyncset.done $0x0  }
0x4d: {  	[sflag:s30] =	ssyncadd.s32 $0xFFFFD8F0  }
0x4e: {  	_ =	swait.ge [sflag:s30], $0x2710  }
0x4f: {  	[sflag:s30] =	ssyncset.done $0x0  }
0x50: {  	[sflag:s30] =	ssyncadd.s32 $0xFFFFD8F0  }
0x51: {  	[tilespmem:s0], [sflag:$0x3] =	stream.linear.gather [hbm4b:s14+s4], $0x4E20, $0x38;
	[tilespmem:$0x12980] =	vst v63  }
0x52: {  	_ =	swait.ge [sflag:s25], $0x4E20  }
0x53: {  	[sflag:s25] =	ssyncset.done $0x0  }
0x54: {  	s6 =	simm.s32 $0x9E0;
	[sflag:s25] =	ssyncadd.s32 $0xFFFFB1E0  }
0x55: {  	[spmem:s3] =	stream.indirect.scatter.add.f32 [tilespmem:s0], [sflag:$0x1], $0x10, s6, s2, $0xb8;
	[tilespmem:$0x12980] =	vst v63  }
0x56: {  	s7 =	simm.s32 $0xC58  }
0x57: {  	[spmem:s3] =	stream.indirect.scatter.add.f32 [tilespmem:s29], [sflag:$0x1], $0x10, s7, s2, $0xb8;
	[tilespmem:$0x12980] =	vst v63  }
0x58: {  	_ =	swait.ge [sflag:s30], $0x2710  }
0x59: {  	[sflag:s30] =	ssyncset.done $0x0  }
0x5a: {  	[sflag:s30] =	ssyncadd.s32 $0xFFFFD8F0  }
0x5b: {  	_ =	swait.ge [sflag:s30], $0x2710  }
0x5c: {  	[sflag:s30] =	ssyncset.done $0x0  }
0x5d: {  	[sflag:s30] =	ssyncadd.s32 $0xFFFFD8F0  }
0x5e: {  	[tilespmem:s0], [sflag:$0x3] =	stream.linear.gather [hbm4b:s15+s4], $0x4E20, $0x38;
	[tilespmem:$0x12980] =	vst v63  }
0x5f: {  	_ =	swait.ge [sflag:s25], $0x4E20  }
0x60: {  	[sflag:s25] =	ssyncset.done $0x0  }
0x61: {  	s6 =	simm.s32 $0xED0;
	[sflag:s25] =	ssyncadd.s32 $0xFFFFB1E0  }
0x62: {  	[spmem:s3] =	stream.indirect.scatter.add.f32 [tilespmem:s0], [sflag:$0x1], $0x10, s6, s2, $0xb8;
	[tilespmem:$0x12980] =	vst v63  }
0x63: {  	s7 =	simm.s32 $0x1148  }
0x64: {  	[spmem:s3] =	stream.indirect.scatter.add.f32 [tilespmem:s29], [sflag:$0x1], $0x10, s7, s2, $0xb8;
	[tilespmem:$0x12980] =	vst v63  }
0x65: {  	_ =	swait.ge [sflag:s30], $0x2710  }
0x66: {  	[sflag:s30] =	ssyncset.done $0x0  }
0x67: {  	[sflag:s30] =	ssyncadd.s32 $0xFFFFD8F0  }
0x68: {  	_ =	swait.ge [sflag:s30], $0x2710  }
0x69: {  	[sflag:s30] =	ssyncset.done $0x0  }
0x6a: {  	[sflag:s30] =	ssyncadd.s32 $0xFFFFD8F0  }
0x6b: {  	[tilespmem:s0], [sflag:$0x3] =	stream.linear.gather [hbm4b:s16+s4], $0x4E20, $0x38;
	[tilespmem:$0x12980] =	vst v63  }
0x6c: {  	_ =	swait.ge [sflag:s25], $0x4E20  }
0x6d: {  	[sflag:s25] =	ssyncset.done $0x0  }
0x6e: {  	s6 =	simm.s32 $0x13C0;
	[sflag:s25] =	ssyncadd.s32 $0xFFFFB1E0  }
0x6f: {  	[spmem:s3] =	stream.indirect.scatter.add.f32 [tilespmem:s0], [sflag:$0x1], $0x10, s6, s2, $0xb8;
	[tilespmem:$0x12980] =	vst v63  }
0x70: {  	s7 =	simm.s32 $0x1638  }
0x71: {  	[spmem:s3] =	stream.indirect.scatter.add.f32 [tilespmem:s29], [sflag:$0x1], $0x10, s7, s2, $0xb8;
	[tilespmem:$0x12980] =	vst v63  }
0x72: {  	_ =	swait.ge [sflag:s30], $0x2710  }
0x73: {  	[sflag:s30] =	ssyncset.done $0x0  }
0x74: {  	[sflag:s30] =	ssyncadd.s32 $0xFFFFD8F0  }
0x75: {  	_ =	swait.ge [sflag:s30], $0x2710  }
0x76: {  	[sflag:s30] =	ssyncset.done $0x0  }
0x77: {  	[sflag:s30] =	ssyncadd.s32 $0xFFFFD8F0  }
0x78: {  	[tilespmem:s0], [sflag:$0x3] =	stream.linear.gather [hbm4b:s17+s4], $0x4E20, $0x38;
	[tilespmem:$0x12980] =	vst v63  }
0x79: {  	_ =	swait.ge [sflag:s25], $0x4E20  }
0x7a: {  	[sflag:s25] =	ssyncset.done $0x0  }
0x7b: {  	s6 =	simm.s32 $0x18B0;
	[sflag:s25] =	ssyncadd.s32 $0xFFFFB1E0  }
0x7c: {  	[spmem:s3] =	stream.indirect.scatter.add.f32 [tilespmem:s0], [sflag:$0x1], $0x10, s6, s2, $0xb8;
	[tilespmem:$0x12980] =	vst v63  }
0x7d: {  	s7 =	simm.s32 $0x1B28  }
0x7e: {  	[spmem:s3] =	stream.indirect.scatter.add.f32 [tilespmem:s29], [sflag:$0x1], $0x10, s7, s2, $0xb8;
	[tilespmem:$0x12980] =	vst v63  }
0x7f: {  	_ =	swait.ge [sflag:s30], $0x2710  }
0x80: {  	[sflag:s30] =	ssyncset.done $0x0  }
0x81: {  	[sflag:s30] =	ssyncadd.s32 $0xFFFFD8F0  }
0x82: {  	_ =	swait.ge [sflag:s30], $0x2710  }
0x83: {  	[sflag:s30] =	ssyncset.done $0x0  }
0x84: {  	[sflag:s30] =	ssyncadd.s32 $0xFFFFD8F0  }
0x85: {  	[tilespmem:s0], [sflag:$0x3] =	stream.linear.gather [hbm4b:s18+s4], $0x4E20, $0x38;
	[tilespmem:$0x12980] =	vst v63  }
0x86: {  	_ =	swait.ge [sflag:s25], $0x4E20  }
0x87: {  	[sflag:s25] =	ssyncset.done $0x0  }
0x88: {  	s6 =	simm.s32 $0x1DA0;
	[sflag:s25] =	ssyncadd.s32 $0xFFFFB1E0  }
0x89: {  	[spmem:s3] =	stream.indirect.scatter.add.f32 [tilespmem:s0], [sflag:$0x1], $0x10, s6, s2, $0xb8;
	[tilespmem:$0x12980] =	vst v63  }
0x8a: {  	s7 =	simm.s32 $0x2018  }
0x8b: {  	[spmem:s3] =	stream.indirect.scatter.add.f32 [tilespmem:s29], [sflag:$0x1], $0x10, s7, s2, $0xb8;
	[tilespmem:$0x12980] =	vst v63  }
0x8c: {  	_ =	swait.ge [sflag:s30], $0x2710  }
0x8d: {  	[sflag:s30] =	ssyncset.done $0x0  }
0x8e: {  	[sflag:s30] =	ssyncadd.s32 $0xFFFFD8F0  }
0x8f: {  	_ =	swait.ge [sflag:s30], $0x2710  }
0x90: {  	[sflag:s30] =	ssyncset.done $0x0  }
0x91: {  	[sflag:s30] =	ssyncadd.s32 $0xFFFFD8F0  }
0x92: {  	[tilespmem:s0], [sflag:$0x3] =	stream.linear.gather [hbm4b:s19+s4], $0x4E20, $0x38;
	[tilespmem:$0x12980] =	vst v63  }
0x93: {  	_ =	swait.ge [sflag:s25], $0x4E20  }
0x94: {  	[sflag:s25] =	ssyncset.done $0x0  }
0x95: {  	s6 =	simm.s32 $0x2290;
	[sflag:s25] =	ssyncadd.s32 $0xFFFFB1E0  }
0x96: {  	[spmem:s3] =	stream.indirect.scatter.add.f32 [tilespmem:s0], [sflag:$0x1], $0x10, s6, s2, $0xb8;
	[tilespmem:$0x12980] =	vst v63  }
0x97: {  	s7 =	simm.s32 $0x2508  }
0x98: {  	[spmem:s3] =	stream.indirect.scatter.add.f32 [tilespmem:s29], [sflag:$0x1], $0x10, s7, s2, $0xb8;
	[tilespmem:$0x12980] =	vst v63  }
0x99: {  	_ =	swait.ge [sflag:s30], $0x2710  }
0x9a: {  	[sflag:s30] =	ssyncset.done $0x0  }
0x9b: {  	[sflag:s30] =	ssyncadd.s32 $0xFFFFD8F0  }
0x9c: {  	_ =	swait.ge [sflag:s30], $0x2710  }
0x9d: {  	[sflag:s30] =	ssyncset.done $0x0  }
0x9e: {  	[sflag:s30] =	ssyncadd.s32 $0xFFFFD8F0  }
0x9f: {  	[bflag:$0x0] =	sbarrier.arrive $0xFFFF  }
0xa0: {  	[tilespmem:s28], [sflag:$0x3] =	stream.linear.gather [spmem:s11], $0x2800, $0x38;
	[tilespmem:$0x12980] =	vst v63  }
0xa1: {  	_ =	swait.ge [sflag:s25], $0x2800  }
0xa2: {  	[sflag:s25] =	ssyncset.done $0x0  }
0xa3: {  	s5 =	simm.s32 $0x0;
	[sflag:s25] =	ssyncadd.s32 $0xFFFFD800  }
0xa4: {  	v2 =	vld [tilespmem:s5+$0x8960];
	_ =	sdelay $0x4  }
0xa5: {  	v3 =	vmax.f32 v2, $1.000000000e+00  }
0xa6: {  	(erf) = vrcp.f32 v3;
	_ =	sdelay $0x4  }
0xa7: {  	v2 =	vld [tilespmem:s5+$0xD960]  }
0xa8: {  	v0 =	vld [tilespmem:$0x10160]  }
0xa9: {  	v3 =	vld [tilespmem:s5+$0xB160]  }
0xaa: {  	s6 =	simm.s32 $0x10;
	s7 =	simm.s32 $0x80;
	v1 =	vld [tilespmem:$0x10170]  }
.LBB2_2:
0xab: {  	p0 =	sne.s32 s7, $0x9FC0;
	v4 =	vld [tilespmem:s6+$0x8960];
	v5 =	vpop (erf)  }
0xac: {  	v2 =	vmul.f32 v5, v2;
	_ =	sdelay $0x1  }
0xad: {  	v2 =	vadd.f32 v2, v3;
	_ =	sdelay $0x1  }
0xae: {  	v3 =	vmax.f32 v4, $1.000000000e+00;
	v2 =	vmul.f32 v2, v0  }
0xaf: {  	(erf) = vrcp.f32 v3  }
0xb0: {  	v2 =	vadd.f32 v2, v1;
	_ =	sdelay $0x1  }
0xb1: {  	v2 =	vmax.f32 v2, $0.0e+00  }
.Ltmp0:
0xb2: {  	[tilespmem:s5+$0xD960] =	vst v2;
	s5 =	smov.u32 s6;
	(pc) =	sbr.rel @p0 .LBB2_2-.Ltmp0, $3  }
0xb3: {  	v2 =	vld [tilespmem:s5+$0xD960];
	_ =	sdelay $0x1  }
0xb4: {  	v3 =	vld [tilespmem:s5+$0xB160]  }
0xb5: {  	s6 =	sshra.s32 s7, $0x2;
	s7 =	sadd.s32 $0x40, s7  }
0xb6: {  	v4 =	vld [tilespmem:s6+$0x8960];
	v5 =	vpop (erf)  }
0xb7: {  	v2 =	vmul.f32 v5, v2;
	_ =	sdelay $0x1  }
0xb8: {  	v2 =	vadd.f32 v2, v3;
	_ =	sdelay $0x1  }
0xb9: {  	v60 =	vmax.f32 v4, $1.000000000e+00;
	v2 =	vmul.f32 v2, v0  }
0xba: {  	(erf) = vrcp.f32 v60  }
0xbb: {  	v2 =	vadd.f32 v2, v1;
	_ =	sdelay $0x1  }
0xbc: {  	v2 =	vmax.f32 v2, $0.0e+00  }
0xbd: {  	[tilespmem:s5+$0xD960] =	vst v2  }
0xbe: {  	v2 =	vld [tilespmem:s6+$0xD960];
	_ =	sdelay $0x1  }
0xbf: {  	v61 =	vld [tilespmem:s6+$0xB160];
	_ =	sdelay $0x1  }
0xc0: {  	v62 =	vpop (erf)  }
0xc1: {  	v2 =	vmul.f32 v62, v2;
	_ =	sdelay $0x1  }
0xc2: {  	v2 =	vadd.f32 v2, v61;
	_ =	sdelay $0x1  }
0xc3: {  	v63 =	vmul.f32 v2, v0;
	_ =	sdelay $0x1  }
0xc4: {  	v0 =	vadd.f32 v63, v1;
	_ =	sdelay $0x1  }
0xc5: {  	v0 =	vmax.f32 v0, $0.0e+00  }
0xc6: {  	[tilespmem:s6+$0xD960] =	vst v0  }
0xc7: {  	[spmem:s11] =	stream.linear.scatter [tilespmem:s28], [sflag:$0x3], $0x2800, $0x38;
	[tilespmem:$0x12980] =	vst v63  }
0xc8: {  	_ =	swait.ge [sflag:s25], $0x2800  }
0xc9: {  	[sflag:s25] =	ssyncset.done $0x0  }
0xca: {  	[sflag:s25] =	ssyncadd.s32 $0xFFFFD800  }
0xcb: {  	[bflag:$0x0] =	sbarrier.arrive $0xFFFF  }
0xcc: {  	[tilespmem:s0], [sflag:$0x2] =	stream.indirect.gather [spmem:s3], $0x10, s26, s2, $0xb8;
	[tilespmem:$0x12980] =	vst v63  }
0xcd: {  	s7 =	simm.s32 $0x29F8  }
0xce: {  	[tilespmem:s29], [sflag:$0x2] =	stream.indirect.gather [spmem:s3], $0x10, s7, s2, $0xb8;
	[tilespmem:$0x12980] =	vst v63  }
0xcf: {  	_ =	swait.ge [sflag:s1], $0x2710  }
0xd0: {  	[sflag:s1] =	ssyncset.done $0x0  }
0xd1: {  	[sflag:s1] =	ssyncadd.s32 $0xFFFFD8F0  }
0xd2: {  	_ =	swait.ge [sflag:s1], $0x2710  }
0xd3: {  	[sflag:s1] =	ssyncset.done $0x0  }
0xd4: {  	[sflag:s1] =	ssyncadd.s32 $0xFFFFD8F0  }
0xd5: {  	[hbm4b:s20+s4] =	stream.linear.scatter [tilespmem:s0], [sflag:$0x3], $0x4E20, $0x38;
	[tilespmem:$0x12980] =	vst v63  }
0xd6: {  	_ =	swait.ge [sflag:s25], $0x4E20  }
0xd7: {  	[sflag:s25] =	ssyncset.done $0x0  }
0xd8: {  	s6 =	simm.s32 $0x2C70;
	[sflag:s25] =	ssyncadd.s32 $0xFFFFB1E0  }
0xd9: {  	[tilespmem:s0], [sflag:$0x2] =	stream.indirect.gather [spmem:s3], $0x10, s6, s2, $0xb8;
	[tilespmem:$0x12980] =	vst v63  }
0xda: {  	s7 =	simm.s32 $0x2EE8  }
0xdb: {  	[tilespmem:s29], [sflag:$0x2] =	stream.indirect.gather [spmem:s3], $0x10, s7, s2, $0xb8;
	[tilespmem:$0x12980] =	vst v63  }
0xdc: {  	_ =	swait.ge [sflag:s1], $0x2710  }
0xdd: {  	[sflag:s1] =	ssyncset.done $0x0  }
0xde: {  	[sflag:s1] =	ssyncadd.s32 $0xFFFFD8F0  }
0xdf: {  	_ =	swait.ge [sflag:s1], $0x2710  }
0xe0: {  	[sflag:s1] =	ssyncset.done $0x0  }
0xe1: {  	[sflag:s1] =	ssyncadd.s32 $0xFFFFD8F0  }
0xe2: {  	[hbm4b:s21+s4] =	stream.linear.scatter [tilespmem:s0], [sflag:$0x3], $0x4E20, $0x38;
	[tilespmem:$0x12980] =	vst v63  }
0xe3: {  	_ =	swait.ge [sflag:s25], $0x4E20  }
0xe4: {  	[sflag:s25] =	ssyncset.done $0x0  }
0xe5: {  	s6 =	simm.s32 $0x3160;
	[sflag:s25] =	ssyncadd.s32 $0xFFFFB1E0  }
0xe6: {  	[tilespmem:s0], [sflag:$0x2] =	stream.indirect.gather [spmem:s3], $0x10, s6, s2, $0xb8;
	[tilespmem:$0x12980] =	vst v63  }
0xe7: {  	s7 =	simm.s32 $0x33D8  }
0xe8: {  	[tilespmem:s29], [sflag:$0x2] =	stream.indirect.gather [spmem:s3], $0x10, s7, s2, $0xb8;
	[tilespmem:$0x12980] =	vst v63  }
0xe9: {  	_ =	swait.ge [sflag:s1], $0x2710  }
0xea: {  	[sflag:s1] =	ssyncset.done $0x0  }
0xeb: {  	[sflag:s1] =	ssyncadd.s32 $0xFFFFD8F0  }
0xec: {  	_ =	swait.ge [sflag:s1], $0x2710  }
0xed: {  	[sflag:s1] =	ssyncset.done $0x0  }
0xee: {  	[sflag:s1] =	ssyncadd.s32 $0xFFFFD8F0  }
0xef: {  	[hbm4b:s22+s4] =	stream.linear.scatter [tilespmem:s0], [sflag:$0x3], $0x4E20, $0x38;
	[tilespmem:$0x12980] =	vst v63  }
0xf0: {  	_ =	swait.ge [sflag:s25], $0x4E20  }
0xf1: {  	[sflag:s25] =	ssyncset.done $0x0  }
0xf2: {  	s6 =	simm.s32 $0x3650;
	[sflag:s25] =	ssyncadd.s32 $0xFFFFB1E0  }
0xf3: {  	[tilespmem:s0], [sflag:$0x2] =	stream.indirect.gather [spmem:s3], $0x10, s6, s2, $0xb8;
	[tilespmem:$0x12980] =	vst v63  }
0xf4: {  	s7 =	simm.s32 $0x38C8  }
0xf5: {  	[tilespmem:s29], [sflag:$0x2] =	stream.indirect.gather [spmem:s3], $0x10, s7, s2, $0xb8;
	[tilespmem:$0x12980] =	vst v63  }
0xf6: {  	_ =	swait.ge [sflag:s1], $0x2710  }
0xf7: {  	[sflag:s1] =	ssyncset.done $0x0  }
0xf8: {  	[sflag:s1] =	ssyncadd.s32 $0xFFFFD8F0  }
0xf9: {  	s31 =	sadd.s32 $0x1, s31;
	_ =	swait.ge [sflag:s1], $0x2710  }
0xfa: {  	p0 =	sne.s32 s31, s24;
	[sflag:s1] =	ssyncset.done $0x0  }
.Ltmp1:
0xfb: {  	[sflag:s1] =	ssyncadd.s32 $0xFFFFD8F0;
	(pc) =	sbr.rel @p0 .LBB2_1-.Ltmp1, $4  }
0xfc: {  	[hbm4b:s23+s4] =	stream.linear.scatter [tilespmem:s0], [sflag:$0x3], $0x4E20, $0x38;
	[tilespmem:$0x12980] =	vst v63  }
0xfd: {  	_ =	swait.ge [sflag:s25], $0x4E20  }
0xfe: {  	[sflag:s25] =	ssyncset.done $0x0  }
0xff: {  	[sflag:s25] =	ssyncadd.s32 $0xFFFFB1E0  }
0x100: {  	_ =	sfence.sel $0x180000  }
0x101: {  	[bflag:$0x0] =	sbarrier.arrive $0xFFFF  }
0x102: {  	_ =	strace $0x9000004D  }
0x103: {  	s0 =	stileid.u32;
	[bflag:$0x2] =	sbarrier.arrive $0xFFFF  }
0x104: {  	p0 =	sne.s32 s0, $0x0;
	s0 =	rddreg [dreg:$0x4]  }
0x105: {  	s0 =	sadd.s32 @!p0 $0x100000, s0  }
0x106: {  	[sflag:s0] =	ssyncadd.tile.s32 @!p0 $0x1;
	_ =	shalt  }
.Lfunc_end2:
_tile_overlayer_lowered:
.L_overlay_start_2:
0x107: {  	(tag) =	ssettag $0x2  }
0x108: {  	s0 =	rddreg [dreg:$0x0];
	s2 =	stileid.u32  }
0x109: {  	s1 =	rddreg [dreg:$0x1];
	p0 =	sne.s32 s2, $0x0  }
0x10a: {  	s3 =	rddreg [dreg:$0x2];
	[bflag:$0x3] =	sbarrier.arrive $0xFFFF;
	s2 =	simm.s32 @!p0 $0x1C03  }
0x10b: {  	[timem:s3], [sflag:s2] =	dma.local @!p0 [hbm:s0], s1  }
0x10c: {  	s0 =	simm.s32 @!p0 $0x3  }
0x10d: {  	_ =	swait.ge @!p0 [sflag:s0], s1  }
0x10e: {  	s1 =	ssub.s32 @!p0 $0x0, s1;
	[sflag:s0] =	ssyncset.done @!p0 $0x0  }
0x10f: {  	[sflag:s0] =	ssyncadd.s32 @!p0 s1  }
0x110: {  	[bflag:$0x3] =	sbarrier.arrive $0xFFFF  }
0x111: {  	_ =	shalt  }

// kernel: kernel.8.cloned.1.call-start
scs
__scs_entry_jumppad:
0x0: {  	(pc) =	sbr.rel $0x88, $3  }
0x1: {  	(tag) =	ssettag $0x0;
	lr =	simm.s32 $0x1  }
0x2: {  	[smem:$0x3F8A] =	sst lr;
	_ =	strace $0xD0000000  }
0x3: {  	_ = 	snop  }
0x4: {  	_ = 	snop  }
0x5: {  	_ = 	snop  }
0x6: {  	_ = 	snop  }
0x7: {  	_ = 	snop  }
__scs_overlays_trampoline_lowered:
0x8: {  	[smem:$0x3F99] =	sst s0  }
0x9: {  	[smem:$0x3F9A] =	sst s1  }
0xa: {  	[smem:$0x3F9B] =	sst s2  }
0xb: {  	[smem:$0x3F9C] =	sst s3  }
0xc: {  	[smem:$0x3F9D] =	sst s4  }
0xd: {  	[smem:$0x3F9E] =	sst s5  }
0xe: {  	[smem:$0x3F9F] =	sst s6  }
0xf: {  	[smem:$0x3FA0] =	sst s7  }
0x10: {  	[smem:$0x3FA1] =	sst s8  }
0x11: {  	[smem:$0x3FA2] =	sst s9;
	s0 =	simm.s32 @!p0 $0x0  }
0x12: {  	s1 =	sld [smem:$0x3F88];
	s0 =	simm.s32 @p0 $0x1  }
0x13: {  	[smem:$0x3FA3] =	sst s0;
	s0 =	simm.s32 @!p1 $0x0  }
0x14: {  	s2 =	sld [smem:$0x3F87];
	s0 =	simm.s32 @p1 $0x1  }
0x15: {  	[smem:$0x3FA4] =	sst s0;
	s0 =	simm.s32 @!p2 $0x0  }
0x16: {  	s3 =	sld [smem:$0x3FDB];
	s0 =	simm.s32 @p2 $0x1  }
0x17: {  	s4 =	simm.s32 $0x1BF5;
	[smem:$0x3FA6] =	sst s0  }
0x18: {  	s0 =	sld [smem:$0x3F89];
	_ =	swait.ge [sflag:s4], $0x0  }
0x19: {  	s7 =	sld [smem:$0x3F8A]  }
0x1a: {  	s8 =	sadd.s32 $0xFFFFE003, lr  }
0x1b: {  	s9 =	sadd.s32 $0xFFFFFEF7, lr;
	s5 =	simm.s32 $0xFFFFFFFF;
	p2 =	slt.u32 s8, $0xFFFFF086  }
0x1c: {  	p1 =	slt.u32 s9, $0xF7A;
	s5 =	simm.s32 @!p2 $0x0  }
0x1d: {  	s5 =	simm.s32 @p1 $0x1;
	p0 =	seq.s32 s7, s2  }
0x1e: {  	s7 =	smul.u32 @!p0 $0xF7A, s2;
	p2 =	seq.s32 @!p0 s5, $0x0  }
0x1f: {  	s9 =	smul.u32 $0xF7A, s1;
	s8 =	simm.s32 @!p0 $0x1BF5;
	p2 =	por !p2, p0  }
0x20: {  	[sflag:s8] =	ssyncset.s32 @!p0 $0xFFFFF086;
	s6 =	sadd.s32 @!p0 s3, s7;
	s7 =	simm.s32 @!p0 $0x108  }
0x21: {  	s3 =	sadd.s32 s3, s9;
	s6 =	sadd.s32 @!p0 $0x88, s6;
	s7 =	simm.s32 @p2 $0x1082  }
0x22: {  	[simem:s7], [sflag:s8] =	dma.local @!p0 [hbm:s6], $0xF7A  }
0x23: {  	s9 =	sor.u32 $0xD0000000, s2;
	s6 =	simm.s32 $0x108;
	_ =	swait.ge @!p0 [sflag:s8], $0x0  }
0x24: {  	s3 =	sadd.s32 $0x88, s3;
	s6 =	simm.s32 @!p1 $0x1082;
	[sflag:s4] =	ssyncset.s32 $0xFFFFF086  }
0x25: {  	[simem:s6], [sflag:s4] =	dma.local [hbm:s3], $0xF7A  }
0x26: {  	[smem:$0x3F8A] =	sst s1;
	(tag) =	ssettag s2;
	_ =	strace s9  }
0x27: {  	s1 =	sld [smem:$0x3F9A]  }
0x28: {  	s2 =	sld [smem:$0x3F9B]  }
0x29: {  	s4 =	sld [smem:$0x3F9D]  }
0x2a: {  	p0 =	seq.s32 s5, $0x0;
	s5 =	sld [smem:$0x3F9E]  }
0x2b: {  	s6 =	sld [smem:$0x3F9F]  }
0x2c: {  	s7 =	sld [smem:$0x3FA0]  }
0x2d: {  	s3 =	simm.s32 $0x108;
	s8 =	sld [smem:$0x3FA1]  }
0x2e: {  	s3 =	simm.s32 @!p0 $0x1082;
	s9 =	sld [smem:$0x3FA2]  }
0x2f: {  	lr =	sadd.s32 s0, s3;
	s0 =	sld [smem:$0x3F99]  }
0x30: {  	s3 =	sld [smem:$0x3F9C]  }
0x31: {  	[smem:$0x3FA5] =	sst s10  }
0x32: {  	s10 =	sld [smem:$0x3FA3];
	_ =	sdelay $0x3  }
0x33: {  	p0 =	seq.s32 s10, $0x1;
	s10 =	sld [smem:$0x3FA5];
	_ =	sdelay $0x3  }
0x34: {  	[smem:$0x3FA5] =	sst s10  }
0x35: {  	s10 =	sld [smem:$0x3FA4];
	_ =	sdelay $0x3  }
0x36: {  	p1 =	seq.s32 s10, $0x1;
	s10 =	sld [smem:$0x3FA5];
	_ =	sdelay $0x3  }
0x37: {  	[smem:$0x3FA5] =	sst s10  }
0x38: {  	s10 =	sld [smem:$0x3FA6]  }
0x39: {  	_ = 	snop;
	(pc) =	sbr.ind lr, $3  }
0x3a: {  	_ = 	snop  }
0x3b: {  	_ = 	snop  }
0x3c: {  	p2 =	seq.s32 s10, $0x1;
	s10 =	sld [smem:$0x3FA5]  }
0x3d: {  	_ =	shalt  }
0x3e: {  	_ =	shalt  }
0x3f: {  	_ =	shalt  }
0x40: {  	_ =	shalt  }
0x41: {  	_ =	shalt  }
0x42: {  	_ =	shalt  }
0x43: {  	_ =	shalt  }
0x44: {  	_ =	shalt  }
0x45: {  	_ =	shalt  }
0x46: {  	_ =	shalt  }
0x47: {  	_ =	shalt  }
0x48: {  	_ =	shalt  }
0x49: {  	_ =	shalt  }
0x4a: {  	_ =	shalt  }
0x4b: {  	_ =	shalt  }
0x4c: {  	_ =	shalt  }
0x4d: {  	_ =	shalt  }
0x4e: {  	_ =	shalt  }
0x4f: {  	_ =	shalt  }
0x50: {  	_ =	shalt  }
0x51: {  	_ =	shalt  }
0x52: {  	_ =	shalt  }
0x53: {  	_ =	shalt  }
0x54: {  	_ =	shalt  }
0x55: {  	_ =	shalt  }
0x56: {  	_ =	shalt  }
0x57: {  	_ =	shalt  }
0x58: {  	_ =	shalt  }
0x59: {  	_ =	shalt  }
0x5a: {  	_ =	shalt  }
0x5b: {  	_ =	shalt  }
0x5c: {  	_ =	shalt  }
0x5d: {  	_ =	shalt  }
0x5e: {  	_ =	shalt  }
0x5f: {  	_ =	shalt  }
0x60: {  	_ =	shalt  }
0x61: {  	_ =	shalt  }
0x62: {  	_ =	shalt  }
0x63: {  	_ =	shalt  }
0x64: {  	_ =	shalt  }
0x65: {  	_ =	shalt  }
0x66: {  	_ =	shalt  }
0x67: {  	_ =	shalt  }
0x68: {  	_ =	shalt  }
0x69: {  	_ =	shalt  }
0x6a: {  	_ =	shalt  }
0x6b: {  	_ =	shalt  }
0x6c: {  	_ =	shalt  }
0x6d: {  	_ =	shalt  }
0x6e: {  	_ =	shalt  }
0x6f: {  	_ =	shalt  }
0x70: {  	_ =	shalt  }
0x71: {  	_ =	shalt  }
0x72: {  	_ =	shalt  }
0x73: {  	_ =	shalt  }
0x74: {  	_ =	shalt  }
0x75: {  	_ =	shalt  }
0x76: {  	_ =	shalt  }
0x77: {  	_ =	shalt  }
0x78: {  	_ =	shalt  }
0x79: {  	_ =	shalt  }
0x7a: {  	_ =	shalt  }
0x7b: {  	_ =	shalt  }
0x7c: {  	_ =	shalt  }
0x7d: {  	_ =	shalt  }
0x7e: {  	_ =	shalt  }
0x7f: {  	_ =	shalt  }
0x80: {  	_ =	shalt  }
0x81: {  	_ =	shalt  }
0x82: {  	_ =	shalt  }
0x83: {  	_ =	shalt  }
0x84: {  	_ =	shalt  }
0x85: {  	_ =	shalt  }
0x86: {  	_ =	shalt  }
0x87: {  	_ =	shalt  }
.Lfunc_end0:
.L_simem_size_0:
called_computation_lowered:
.L_overlay_start_0:
0x88: {  	s2 =	sld [smem:$0x3FD9]  }
0x89: {  	s3 =	sld [smem:$0x3FFE];
	_ =	sdelay $0x1  }
0x8a: {  	s1 =	srdreg.scid  }
0x8b: {  	s0 =	sand.u32 $0x1, s1  }
0x8c: {  	s17 =	sshll.u32 s0, $0xA;
	s2 =	sadd.s32 s3, s2  }
0x8d: {  	s2 =	sadd.s32 s2, s17  }
0x8e: {  	[smem:$0x3FB1] =	sst s2  }
0x8f: {  	_ = 	snop  }
0x90: {  	s2 =	sld [smem:$0x3FD0];
	(tm) =	ssettm $0x1  }
0x91: {  	s18 =	sld [smem:$0x3FFB];
	_ =	sdelay $0x3  }
0x92: {  	_ =	strace s18  }
0x93: {  	s3 =	sld [smem:$0x3FFC];
	_ =	sdelay $0x3  }
0x94: {  	_ =	strace s3  }
0x95: {  	s3 =	sld [smem:$0x3FFD];
	_ =	sdelay $0x3  }
0x96: {  	_ =	strace s3  }
0x97: {  	_ =	strace $0x8FFFFFFF  }
0x98: {  	s19 =	sld [smem:$0x3FDB];
	_ =	sdelay $0x1  }
0x99: {  	s4 =	simm.s32 $_scs_section_size  }
0x9a: {  	s5 =	simm.s32 $_size__tile_overlayer_lowered;
	s6 =	simm.s32 $_tile_overlayer_lowered  }
0x9b: {  	s22 =	simm.s32 $0x1BFF;
	s21 =	sshll.u32 s6, $0x1;
	s3 =	sadd.s32 s4, s19  }
0x9c: {  	s7 =	simm.s32 $0x0;
	s20 =	sshll.u32 s5, $0x1;
	s5 =	sadd.s32 s21, s3  }
0x9d: {  	[timem:s7], [sflag:s22] =	dma.local [hbm:s5], s20  }
0x9e: {  	_ =	swait.ge [sflag:s22], s20  }
0x9f: {  	s4 =	ssub.s32 $0x0, s20;
	[sflag:s22] =	ssyncset.done $0x0  }
0xa0: {  	[sflag:s22] =	ssyncadd.s32 s4;
	_ =	sdelay $0x1  }
0xa1: {  	s23 =	simm.s32 $0x1B8B  }
0xa2: {  	_ =	swait.ge [sflag:s23], $0x1  }
0xa3: {  	[sflag:s23] =	ssyncset.done $0x0  }
0xa4: {  	s25 =	simm.s32 $0x1B8E;
	s24 =	sld [smem:$0x3FFE];
	[sflag:s23] =	ssyncadd.s32 $0xFFFFFFFF  }
0xa5: {  	s26 =	simm.s32 $execute0_lowered;
	[smem:$0x3FD2] =	sst s25  }
0xa6: {  	s5 =	sshll.u32 s26, $0x1;
	_ =	strace $0x80000046;
	[dreg:$0x1] =	wrdreg $0xFFFFFFFF  }
0xa7: {  	s28 =	simm.s32 $_size_execute0_lowered;
	s3 =	sadd.s32 s3, s5;
	[dreg:$0x0] =	wrdreg $0x0  }
0xa8: {  	s5 =	sshll.u32 s28, $0x1;
	[dreg:$0x2] =	wrdreg s3  }
0xa9: {  	[dreg:$0x3] =	wrdreg s5  }
0xaa: {  	[dreg:$0x4] =	wrdreg $0xC0  }
0xab: {  	_ =	task [dreg:s7], $0x5FFFF  }
0xac: {  	[dreg:$0x1] =	wrdreg $0xFFFFFFFF  }
0xad: {  	[dreg:$0x0] =	wrdreg $0x60  }
0xae: {  	[dreg:$0x2] =	wrdreg s2  }
0xaf: {  	[dreg:$0x3] =	wrdreg s24  }
0xb0: {  	[dreg:$0x4] =	wrdreg $0xB0700  }
0xb1: {  	[dreg:$0x5] =	wrdreg $0x9  }
0xb2: {  	_ =	task.clear_ibuf [dreg:s7], $0x6FFFF;
	_ =	strace $0x90000046  }
0xb3: {  	s29 =	simm.s32 $0x9;
	_ =	strace $0x80000048  }
0xb4: {  	_ =	swait.ge [sflag:s29], $0x1  }
0xb5: {  	[sflag:s29] =	ssyncadd.s32 $0xFFFFFFFF  }
0xb6: {  	_ =	strace $0x90000048  }
0xb7: {  	_ =	sfence  }
0xb8: {  	s30 =	sld [smem:$0x0];
	_ =	sdelay $0x2  }
0xb9: {  	s31 =	sshll.u32 s1, $0xD;
	s1 =	sshrl.u32 s1, $0x2  }
0xba: {  	s3 =	sand.u32 $0x4000, s31;
	s1 =	sadd.s32 s1, s30  }
0xbb: {  	s0 =	sor.u32 s3, s0;
	s1 =	sshll.u32 s1, $0x11  }
0xbc: {  	s0 =	sor.u32 s1, s0  }
0xbd: {  	s0 =	sadd.s32 $0x8F2B, s0  }
0xbe: {  	[sflag:s0] =	ssyncadd.remote.s32 $0x1  }
0xbf: {  	_ =	sfence.sel $0xFFFF  }
0xc0: {  	[dreg:$0x0] =	wrdreg $0xFFFFFFFF;
	(pc) =	sbr.abs _section_cstart, $3  }
0xc1: {  	[dreg:$0x1] =	wrdreg $0xFFFFFFFF  }
0xc2: {  	_ =	task.clear_ibuf [dreg:s7], $0x2FFFF;
	_ =	strace $0x9FFFFFFF  }
0xc3: {  	(tm) =	ssettm $0x7FFFFFFF  }
tec
execute0_lowered:
.L_overlay_start_1:
0x0: {  	(tag) =	ssettag $0x1  }
0x1: {  	s2 =	rddreg [dreg:$0x0]  }
0x2: {  	s5 =	rddreg [dreg:$0x1]  }
0x3: {  	s0 =	srdreg.scid;
	s3 =	rddreg [dreg:$0x2]  }
0x4: {  	s4 =	simm.s32 $0x0;
	s12 =	simm.s32 $0x2508;
	s29 =	sand.u32 $0x1, s0  }
0x5: {  	s0 =	stileid.u32;
	[smem:$0x7FF] =	sst s4;
	s9 =	sadd.s32 $0xF200, s5  }
0x6: {  	s18 =	sadd.s32 $0xF800, s5;
	_ =	strace $0x80000047;
	[dreg:$0x4] =	wrdreg s9  }
0x7: {  	s14 =	simm.s32 $0x2780;
	s8 =	smul.u32 $0x4F0, s0;
	[dreg:$0x5] =	wrdreg s18  }
0x8: {  	s6 =	sshll.u32 s29, $0x4;
	s10 =	smul.u32 $0x2800, s0;
	[dreg:$0x14] =	wrdreg s12  }
0x9: {  	s9 =	simm.s32 $0x1DA0;
	[dreg:$0x15] =	wrdreg s14;
	s6 =	sor.u32 s0, s6  }
0xa: {  	[dreg:$0x11] =	wrdreg s9;
	s7 =	smul.u32 $0x278, s6;
	s8 =	sadd.s32 s8, s5  }
0xb: {  	s24 =	sshrl.u32 s10, $0x3;
	s30 =	sadd.s32 s10, s3;
	s10 =	simm.s32 $0x2018  }
0xc: {  	s19 =	smul.u32 $0x13880, s6;
	s20 =	sadd.s32 $0xA200, s8;
	[dreg:$0x12] =	wrdreg s10  }
0xd: {  	s6 =	smul.u32 $0x2710, s6;
	s1 =	sshrl.u32 s30, $0x3;
	[dreg:$0x7] =	wrdreg s20  }
0xe: {  	s11 =	sadd.s32 $0xFE00, s5;
	s8 =	simm.s32 $0x1B28;
	[dreg:$0xd] =	wrdreg s1  }
0xf: {  	s7 =	sadd.s32 s7, s5;
	s6 =	sadd.s32 s11, s6;
	[dreg:$0x10] =	wrdreg s8  }
0x10: {  	s5 =	sadd.s32 s24, s5;
	s7 =	sadd.s32 $0x5200, s7;
	[dreg:$0x8] =	wrdreg s6  }
0x11: {  	s5 =	sadd.s32 $0x5E000, s5;
	[dreg:$0x6] =	wrdreg s7  }
0x12: {  	s21 =	sshrl.u32 s19, $0x3;
	s6 =	simm.s32 $0x1638;
	[dreg:$0xc] =	wrdreg s5  }
0x13: {  	s22 =	sadd.s32 s11, s21;
	s11 =	simm.s32 $0x2290;
	[dreg:$0xe] =	wrdreg s6  }
0x14: {  	s23 =	sadd.s32 $0x9C4, s22;
	[dreg:$0x13] =	wrdreg s11  }
0x15: {  	s25 =	sadd.s32 $0x1388, s22;
	[dreg:$0x9] =	wrdreg s23  }
0x16: {  	s26 =	sadd.s32 $0x1D4C, s22;
	[dreg:$0xa] =	wrdreg s25  }
0x17: {  	s7 =	simm.s32 $0x18B0;
	[dreg:$0xb] =	wrdreg s26  }
0x18: {  	[dreg:$0xf] =	wrdreg s7  }
0x19: {  	s5 =	simm.s32 $0x3;
	s13 =	rddreg [dreg:$0x6]  }
0x1a: {  	[tilespmem:s4], [sflag:$0x3] =	stream.linear.gather [hbm4b:s13+s4], $0x13C0, $0x38;
	[tilespmem:$0xD870] =	vst v63  }
0x1b: {  	_ =	swait.ge [sflag:s5], $0x13C0  }
0x1c: {  	[sflag:s5] =	ssyncset.done $0x0  }
0x1d: {  	s6 =	simm.s32 $0x13C0;
	s15 =	rddreg [dreg:$0x7];
	[sflag:s5] =	ssyncadd.s32 $0xFFFFEC40  }
0x1e: {  	[tilespmem:s6], [sflag:$0x3] =	stream.linear.gather [hbm4b:s15+s4], $0x2780, $0x38;
	[tilespmem:$0xD870] =	vst v63  }
0x1f: {  	_ =	swait.ge [sflag:s5], $0x2780  }
0x20: {  	[sflag:s5] =	ssyncset.done $0x0  }
0x21: {  	s7 =	simm.s32 $0x8960;
	s16 =	rddreg [dreg:$0x4];
	[sflag:s5] =	ssyncadd.s32 $0xFFFFD880  }
0x22: {  	[tilespmem:s7], [sflag:$0x3] =	stream.linear.gather [hbm4b:s16+s4], $0x2710, $0x38;
	[tilespmem:$0xD870] =	vst v63  }
0x23: {  	_ =	swait.ge [sflag:s5], $0x2710  }
0x24: {  	s19 =	sshll.u32 s0, $0x6;
	s17 =	rddreg [dreg:$0x5];
	[sflag:s5] =	ssyncset.done $0x0  }
0x25: {  	s8 =	sor.u32 $0x1C03, s19;
	s18 =	rddreg [dreg:$0xd];
	[sflag:s5] =	ssyncadd.s32 $0xFFFFD8F0  }
0x26: {  	[spmem:s18], [sflag:s8] =	dma.local [hbm:s17], $0x500  }
0x27: {  	_ =	swait.ge [sflag:s5], $0x500  }
0x28: {  	[sflag:s5] =	ssyncset.done $0x0  }
0x29: {  	[sflag:s5] =	ssyncadd.s32 $0xFFFFFB00  }
0x2a: {  	s9 =	simm.s32 $0x271;
	[bflag:$0x0] =	sbarrier.arrive $0xFFFF  }
0x2b: {  	[spmem:s3] =	stream.indirect.scatter.add.f32 [tilespmem:s7], [sflag:$0x2], $0x10, s6, s9, $0xb8;
	[tilespmem:$0xD870] =	vst v63  }
0x2c: {  	s20 =	rddreg [dreg:$0xe]  }
0x2d: {  	[spmem:s3] =	stream.indirect.scatter.add.f32 [tilespmem:s7], [sflag:$0x2], $0x10, s20, s9, $0xb8;
	[tilespmem:$0xD870] =	vst v63  }
0x2e: {  	s21 =	rddreg [dreg:$0xf]  }
0x2f: {  	[spmem:s3] =	stream.indirect.scatter.add.f32 [tilespmem:s7], [sflag:$0x2], $0x10, s21, s9, $0xb8;
	[tilespmem:$0xD870] =	vst v63  }
0x30: {  	s22 =	rddreg [dreg:$0x10]  }
0x31: {  	[spmem:s3] =	stream.indirect.scatter.add.f32 [tilespmem:s7], [sflag:$0x2], $0x10, s22, s9, $0xb8;
	[tilespmem:$0xD870] =	vst v63  }
0x32: {  	s23 =	rddreg [dreg:$0x11]  }
0x33: {  	[spmem:s3] =	stream.indirect.scatter.add.f32 [tilespmem:s7], [sflag:$0x2], $0x10, s23, s9, $0xb8;
	[tilespmem:$0xD870] =	vst v63  }
0x34: {  	s24 =	rddreg [dreg:$0x12]  }
0x35: {  	[spmem:s3] =	stream.indirect.scatter.add.f32 [tilespmem:s7], [sflag:$0x2], $0x10, s24, s9, $0xb8;
	[tilespmem:$0xD870] =	vst v63  }
0x36: {  	s25 =	rddreg [dreg:$0x13]  }
0x37: {  	[spmem:s3] =	stream.indirect.scatter.add.f32 [tilespmem:s7], [sflag:$0x2], $0x10, s25, s9, $0xb8;
	[tilespmem:$0xD870] =	vst v63  }
0x38: {  	s26 =	rddreg [dreg:$0x14]  }
0x39: {  	[spmem:s3] =	stream.indirect.scatter.add.f32 [tilespmem:s7], [sflag:$0x2], $0x10, s26, s9, $0xb8;
	[tilespmem:$0xD870] =	vst v63  }
0x3a: {  	s0 =	rddreg [dreg:$0x15]  }
0x3b: {  	[spmem:s3] =	stream.indirect.scatter.add.f32 [tilespmem:s7], [sflag:$0x2], $0x10, s0, s9, $0xb8;
	[tilespmem:$0xD870] =	vst v63  }
0x3c: {  	s1 =	simm.s32 $0x29F8  }
0x3d: {  	[spmem:s3] =	stream.indirect.scatter.add.f32 [tilespmem:s7], [sflag:$0x2], $0x10, s1, s9, $0xb8;
	[tilespmem:$0xD870] =	vst v63  }
0x3e: {  	s11 =	simm.s32 $0x2C70  }
0x3f: {  	[spmem:s3] =	stream.indirect.scatter.add.f32 [tilespmem:s7], [sflag:$0x2], $0x10, s11, s9, $0xb8;
	[tilespmem:$0xD870] =	vst v63  }
0x40: {  	s12 =	simm.s32 $0x2EE8  }
0x41: {  	[spmem:s3] =	stream.indirect.scatter.add.f32 [tilespmem:s7], [sflag:$0x2], $0x10, s12, s9, $0xb8;
	[tilespmem:$0xD870] =	vst v63  }
0x42: {  	s13 =	simm.s32 $0x3160  }
0x43: {  	[spmem:s3] =	stream.indirect.scatter.add.f32 [tilespmem:s7], [sflag:$0x2], $0x10, s13, s9, $0xb8;
	[tilespmem:$0xD870] =	vst v63  }
0x44: {  	s14 =	simm.s32 $0x33D8  }
0x45: {  	[spmem:s3] =	stream.indirect.scatter.add.f32 [tilespmem:s7], [sflag:$0x2], $0x10, s14, s9, $0xb8;
	[tilespmem:$0xD870] =	vst v63  }
0x46: {  	s15 =	simm.s32 $0x3650  }
0x47: {  	[spmem:s3] =	stream.indirect.scatter.add.f32 [tilespmem:s7], [sflag:$0x2], $0x10, s15, s9, $0xb8;
	[tilespmem:$0xD870] =	vst v63  }
0x48: {  	s16 =	simm.s32 $0x38C8  }
0x49: {  	[spmem:s3] =	stream.indirect.scatter.add.f32 [tilespmem:s7], [sflag:$0x2], $0x10, s16, s9, $0xb8;
	[tilespmem:$0xD870] =	vst v63  }
0x4a: {  	s17 =	simm.s32 $0x3B40  }
0x4b: {  	[tilespmem:s17], [sflag:$0x1] =	stream.indirect.gather [hbm4b:s2+s9], $0x10, s4, s9, $0xb8;
	[tilespmem:$0xD870] =	vst v63  }
0x4c: {  	s19 =	simm.s32 $0x6250;
	s18 =	simm.s32 $0x278;
	s20 =	simm.s32 $0x1  }
0x4d: {  	[tilespmem:s19], [sflag:$0x1] =	stream.indirect.gather [hbm4b:s2+s9], $0x10, s18, s9, $0xb8;
	[tilespmem:$0xD870] =	vst v63  }
0x4e: {  	_ =	swait.ge [sflag:s20], $0x2710  }
0x4f: {  	[sflag:s20] =	ssyncset.done $0x0  }
0x50: {  	[sflag:s20] =	ssyncadd.s32 $0xFFFFD8F0  }
0x51: {  	_ =	swait.ge [sflag:s20], $0x2710  }
0x52: {  	[sflag:s20] =	ssyncset.done $0x0  }
0x53: {  	s21 =	rddreg [dreg:$0x8];
	[sflag:s20] =	ssyncadd.s32 $0xFFFFD8F0  }
0x54: {  	[hbm4b:s21+s4] =	stream.linear.scatter [tilespmem:s17], [sflag:$0x3], $0x4E20, $0x38;
	[tilespmem:$0xD870] =	vst v63  }
0x55: {  	_ =	swait.ge [sflag:s5], $0x4E20  }
0x56: {  	[sflag:s5] =	ssyncset.done $0x0  }
0x57: {  	s21 =	simm.s32 $0x4F0;
	[sflag:s5] =	ssyncadd.s32 $0xFFFFB1E0  }
0x58: {  	[tilespmem:s17], [sflag:$0x1] =	stream.indirect.gather [hbm4b:s2+s9], $0x10, s21, s9, $0xb8;
	[tilespmem:$0xD870] =	vst v63  }
0x59: {  	s22 =	simm.s32 $0x768  }
0x5a: {  	[tilespmem:s19], [sflag:$0x1] =	stream.indirect.gather [hbm4b:s2+s9], $0x10, s22, s9, $0xb8;
	[tilespmem:$0xD870] =	vst v63  }
0x5b: {  	_ =	swait.ge [sflag:s20], $0x2710  }
0x5c: {  	[sflag:s20] =	ssyncset.done $0x0  }
0x5d: {  	[sflag:s20] =	ssyncadd.s32 $0xFFFFD8F0  }
0x5e: {  	_ =	swait.ge [sflag:s20], $0x2710  }
0x5f: {  	[sflag:s20] =	ssyncset.done $0x0  }
0x60: {  	s23 =	rddreg [dreg:$0x9];
	[sflag:s20] =	ssyncadd.s32 $0xFFFFD8F0  }
0x61: {  	[hbm4b:s23+s4] =	stream.linear.scatter [tilespmem:s17], [sflag:$0x3], $0x4E20, $0x38;
	[tilespmem:$0xD870] =	vst v63  }
0x62: {  	_ =	swait.ge [sflag:s5], $0x4E20  }
0x63: {  	[sflag:s5] =	ssyncset.done $0x0  }
0x64: {  	s23 =	simm.s32 $0x9E0;
	[sflag:s5] =	ssyncadd.s32 $0xFFFFB1E0  }
0x65: {  	[tilespmem:s17], [sflag:$0x1] =	stream.indirect.gather [hbm4b:s2+s9], $0x10, s23, s9, $0xb8;
	[tilespmem:$0xD870] =	vst v63  }
0x66: {  	s24 =	simm.s32 $0xC58  }
0x67: {  	[tilespmem:s19], [sflag:$0x1] =	stream.indirect.gather [hbm4b:s2+s9], $0x10, s24, s9, $0xb8;
	[tilespmem:$0xD870] =	vst v63  }
0x68: {  	_ =	swait.ge [sflag:s20], $0x2710  }
0x69: {  	[sflag:s20] =	ssyncset.done $0x0  }
0x6a: {  	[sflag:s20] =	ssyncadd.s32 $0xFFFFD8F0  }
0x6b: {  	_ =	swait.ge [sflag:s20], $0x2710  }
0x6c: {  	[sflag:s20] =	ssyncset.done $0x0  }
0x6d: {  	s25 =	rddreg [dreg:$0xa];
	[sflag:s20] =	ssyncadd.s32 $0xFFFFD8F0  }
0x6e: {  	[hbm4b:s25+s4] =	stream.linear.scatter [tilespmem:s17], [sflag:$0x3], $0x4E20, $0x38;
	[tilespmem:$0xD870] =	vst v63  }
0x6f: {  	_ =	swait.ge [sflag:s5], $0x4E20  }
0x70: {  	[sflag:s5] =	ssyncset.done $0x0  }
0x71: {  	s25 =	simm.s32 $0xED0;
	[sflag:s5] =	ssyncadd.s32 $0xFFFFB1E0  }
0x72: {  	[tilespmem:s17], [sflag:$0x1] =	stream.indirect.gather [hbm4b:s2+s9], $0x10, s25, s9, $0xb8;
	[tilespmem:$0xD870] =	vst v63  }
0x73: {  	s26 =	simm.s32 $0x1148  }
0x74: {  	[tilespmem:s19], [sflag:$0x1] =	stream.indirect.gather [hbm4b:s2+s9], $0x10, s26, s9, $0xb8;
	[tilespmem:$0xD870] =	vst v63  }
0x75: {  	_ =	swait.ge [sflag:s20], $0x2710  }
0x76: {  	[sflag:s20] =	ssyncset.done $0x0  }
0x77: {  	[sflag:s20] =	ssyncadd.s32 $0xFFFFD8F0  }
0x78: {  	_ =	swait.ge [sflag:s20], $0x2710  }
0x79: {  	[sflag:s20] =	ssyncset.done $0x0  }
0x7a: {  	s28 =	rddreg [dreg:$0xb];
	[sflag:s20] =	ssyncadd.s32 $0xFFFFD8F0  }
0x7b: {  	[hbm4b:s28+s4] =	stream.linear.scatter [tilespmem:s17], [sflag:$0x3], $0x4E20, $0x38;
	[tilespmem:$0xD870] =	vst v63  }
0x7c: {  	_ =	swait.ge [sflag:s5], $0x4E20  }
0x7d: {  	[sflag:s5] =	ssyncset.done $0x0  }
0x7e: {  	s28 =	simm.s32 $0x2;
	[sflag:s5] =	ssyncadd.s32 $0xFFFFB1E0  }
0x7f: {  	_ =	swait.ge [sflag:s28], $0x2710  }
0x80: {  	[sflag:s28] =	ssyncset.done $0x0  }
0x81: {  	[sflag:s28] =	ssyncadd.s32 $0xFFFFD8F0  }
0x82: {  	_ =	swait.ge [sflag:s28], $0x2710  }
0x83: {  	[sflag:s28] =	ssyncset.done $0x0  }
0x84: {  	[sflag:s28] =	ssyncadd.s32 $0xFFFFD8F0  }
0x85: {  	_ =	swait.ge [sflag:s28], $0x2710  }
0x86: {  	[sflag:s28] =	ssyncset.done $0x0  }
0x87: {  	[sflag:s28] =	ssyncadd.s32 $0xFFFFD8F0  }
0x88: {  	_ =	swait.ge [sflag:s28], $0x2710  }
0x89: {  	[sflag:s28] =	ssyncset.done $0x0  }
0x8a: {  	[sflag:s28] =	ssyncadd.s32 $0xFFFFD8F0  }
0x8b: {  	_ =	swait.ge [sflag:s28], $0x2710  }
0x8c: {  	[sflag:s28] =	ssyncset.done $0x0  }
0x8d: {  	[sflag:s28] =	ssyncadd.s32 $0xFFFFD8F0  }
0x8e: {  	_ =	swait.ge [sflag:s28], $0x2710  }
0x8f: {  	[sflag:s28] =	ssyncset.done $0x0  }
0x90: {  	[sflag:s28] =	ssyncadd.s32 $0xFFFFD8F0  }
0x91: {  	_ =	swait.ge [sflag:s28], $0x2710  }
0x92: {  	[sflag:s28] =	ssyncset.done $0x0  }
0x93: {  	[sflag:s28] =	ssyncadd.s32 $0xFFFFD8F0  }
0x94: {  	_ =	swait.ge [sflag:s28], $0x2710  }
0x95: {  	[sflag:s28] =	ssyncset.done $0x0  }
0x96: {  	[sflag:s28] =	ssyncadd.s32 $0xFFFFD8F0  }
0x97: {  	_ =	swait.ge [sflag:s28], $0x2710  }
0x98: {  	[sflag:s28] =	ssyncset.done $0x0  }
0x99: {  	[sflag:s28] =	ssyncadd.s32 $0xFFFFD8F0  }
0x9a: {  	_ =	swait.ge [sflag:s28], $0x2710  }
0x9b: {  	[sflag:s28] =	ssyncset.done $0x0  }
0x9c: {  	[sflag:s28] =	ssyncadd.s32 $0xFFFFD8F0  }
0x9d: {  	_ =	swait.ge [sflag:s28], $0x2710  }
0x9e: {  	[sflag:s28] =	ssyncset.done $0x0  }
0x9f: {  	[sflag:s28] =	ssyncadd.s32 $0xFFFFD8F0  }
0xa0: {  	_ =	swait.ge [sflag:s28], $0x2710  }
0xa1: {  	[sflag:s28] =	ssyncset.done $0x0  }
0xa2: {  	[sflag:s28] =	ssyncadd.s32 $0xFFFFD8F0  }
0xa3: {  	_ =	swait.ge [sflag:s28], $0x2710  }
0xa4: {  	[sflag:s28] =	ssyncset.done $0x0  }
0xa5: {  	[sflag:s28] =	ssyncadd.s32 $0xFFFFD8F0  }
0xa6: {  	_ =	swait.ge [sflag:s28], $0x2710  }
0xa7: {  	s31 =	ssub.s32 $0x2, s29;
	[sflag:s28] =	ssyncset.done $0x0  }
0xa8: {  	p0 =	sne.s32 s29, $0x0;
	s29 =	sshrl.u32 s31, $0x1;
	[sflag:s28] =	ssyncadd.s32 $0xFFFFD8F0  }
0xa9: {  	s29 =	ssub.s32 s31, s29;
	_ =	swait.ge [sflag:s28], $0x2710  }
0xaa: {  	s10 =	smax.u32 s29, $0x1;
	[sflag:s28] =	ssyncset.done $0x0  }
0xab: {  	s31 =	sadd.s32 $0xFFFFFFFF, s10;
	[sflag:s28] =	ssyncadd.s32 $0xFFFFD8F0  }
0xac: {  	p1 =	sne.s32 s31, $0x0;
	_ =	swait.ge [sflag:s28], $0x2710  }
.Ltmp0:
0xad: {  	[sflag:s28] =	ssyncset.done $0x0;
	(pc) =	sbr.rel @!p1 .LBB2_2-.Ltmp0, $4  }
0xae: {  	[sflag:s28] =	ssyncadd.s32 $0xFFFFD8F0  }
0xaf: {  	[bflag:$0x0] =	sbarrier.arrive $0xFFFF  }
0xb0: {  	s30 =	sshrl.u32 @!p0 s30, $0x3;
	s29 =	simm.s32 @!p0 $0x3;
	s0 =	rddreg [dreg:$0xc]  }
0xb1: {  	[hbm:s0], [sflag:s8] =	dma.local @!p0 [spmem:s30], $0x500  }
.LBB2_1:
0xb2: {  	_ =	swait.ge @!p0 [sflag:s29], $0x500  }
0xb3: {  	[sflag:s29] =	ssyncset.done @!p0 $0x0  }
0xb4: {  	s0 =	rddreg [dreg:$0x6];
	[sflag:s29] =	ssyncadd.s32 @!p0 $0xFFFFFB00  }
0xb5: {  	[tilespmem:s4], [sflag:$0x3] =	stream.linear.gather [hbm4b:s0+s4], $0x13C0, $0x38;
	[tilespmem:$0xD870] =	vst v63  }
0xb6: {  	_ =	swait.ge [sflag:s5], $0x13C0  }
0xb7: {  	[sflag:s5] =	ssyncset.done $0x0  }
0xb8: {  	s10 =	rddreg [dreg:$0x7];
	[sflag:s5] =	ssyncadd.s32 $0xFFFFEC40  }
0xb9: {  	[tilespmem:s6], [sflag:$0x3] =	stream.linear.gather [hbm4b:s10+s4], $0x2780, $0x38;
	[tilespmem:$0xD870] =	vst v63  }
0xba: {  	_ =	swait.ge [sflag:s5], $0x2780  }
0xbb: {  	[sflag:s5] =	ssyncset.done $0x0  }
0xbc: {  	s1 =	rddreg [dreg:$0x4];
	[sflag:s5] =	ssyncadd.s32 $0xFFFFD880  }
0xbd: {  	[tilespmem:s7], [sflag:$0x3] =	stream.linear.gather [hbm4b:s1+s4], $0x2710, $0x38;
	[tilespmem:$0xD870] =	vst v63  }
0xbe: {  	_ =	swait.ge [sflag:s5], $0x2710  }
0xbf: {  	[sflag:s5] =	ssyncset.done $0x0;
	s10 =	rddreg [dreg:$0x5]  }
0xc0: {  	s1 =	rddreg [dreg:$0xd];
	[sflag:s5] =	ssyncadd.s32 $0xFFFFD8F0  }
0xc1: {  	[spmem:s1], [sflag:s8] =	dma.local [hbm:s10], $0x500  }
0xc2: {  	_ =	swait.ge [sflag:s5], $0x500  }
0xc3: {  	[sflag:s5] =	ssyncset.done $0x0  }
0xc4: {  	[sflag:s5] =	ssyncadd.s32 $0xFFFFFB00  }
0xc5: {  	[bflag:$0x0] =	sbarrier.arrive $0xFFFF  }
0xc6: {  	[spmem:s3] =	stream.indirect.scatter.add.f32 [tilespmem:s7], [sflag:$0x2], $0x10, s6, s9, $0xb8;
	[tilespmem:$0xD870] =	vst v63  }
0xc7: {  	s0 =	rddreg [dreg:$0xe]  }
0xc8: {  	[spmem:s3] =	stream.indirect.scatter.add.f32 [tilespmem:s7], [sflag:$0x2], $0x10, s0, s9, $0xb8;
	[tilespmem:$0xD870] =	vst v63  }
0xc9: {  	s10 =	rddreg [dreg:$0xf]  }
0xca: {  	[spmem:s3] =	stream.indirect.scatter.add.f32 [tilespmem:s7], [sflag:$0x2], $0x10, s10, s9, $0xb8;
	[tilespmem:$0xD870] =	vst v63  }
0xcb: {  	s1 =	rddreg [dreg:$0x10]  }
0xcc: {  	[spmem:s3] =	stream.indirect.scatter.add.f32 [tilespmem:s7], [sflag:$0x2], $0x10, s1, s9, $0xb8;
	[tilespmem:$0xD870] =	vst v63  }
0xcd: {  	s0 =	rddreg [dreg:$0x11]  }
0xce: {  	[spmem:s3] =	stream.indirect.scatter.add.f32 [tilespmem:s7], [sflag:$0x2], $0x10, s0, s9, $0xb8;
	[tilespmem:$0xD870] =	vst v63  }
0xcf: {  	s10 =	rddreg [dreg:$0x12]  }
0xd0: {  	[spmem:s3] =	stream.indirect.scatter.add.f32 [tilespmem:s7], [sflag:$0x2], $0x10, s10, s9, $0xb8;
	[tilespmem:$0xD870] =	vst v63  }
0xd1: {  	s1 =	rddreg [dreg:$0x13]  }
0xd2: {  	[spmem:s3] =	stream.indirect.scatter.add.f32 [tilespmem:s7], [sflag:$0x2], $0x10, s1, s9, $0xb8;
	[tilespmem:$0xD870] =	vst v63  }
0xd3: {  	s0 =	rddreg [dreg:$0x14]  }
0xd4: {  	[spmem:s3] =	stream.indirect.scatter.add.f32 [tilespmem:s7], [sflag:$0x2], $0x10, s0, s9, $0xb8;
	[tilespmem:$0xD870] =	vst v63  }
0xd5: {  	s10 =	rddreg [dreg:$0x15]  }
0xd6: {  	[spmem:s3] =	stream.indirect.scatter.add.f32 [tilespmem:s7], [sflag:$0x2], $0x10, s10, s9, $0xb8;
	[tilespmem:$0xD870] =	vst v63  }
0xd7: {  	s10 =	simm.s32 $0x29F8  }
0xd8: {  	[spmem:s3] =	stream.indirect.scatter.add.f32 [tilespmem:s7], [sflag:$0x2], $0x10, s10, s9, $0xb8;
	[tilespmem:$0xD870] =	vst v63  }
0xd9: {  	_ = 	snop  }
0xda: {  	[spmem:s3] =	stream.indirect.scatter.add.f32 [tilespmem:s7], [sflag:$0x2], $0x10, s11, s9, $0xb8;
	[tilespmem:$0xD870] =	vst v63  }
0xdb: {  	_ = 	snop  }
0xdc: {  	[spmem:s3] =	stream.indirect.scatter.add.f32 [tilespmem:s7], [sflag:$0x2], $0x10, s12, s9, $0xb8;
	[tilespmem:$0xD870] =	vst v63  }
0xdd: {  	_ = 	snop  }
0xde: {  	[spmem:s3] =	stream.indirect.scatter.add.f32 [tilespmem:s7], [sflag:$0x2], $0x10, s13, s9, $0xb8;
	[tilespmem:$0xD870] =	vst v63  }
0xdf: {  	_ = 	snop  }
0xe0: {  	[spmem:s3] =	stream.indirect.scatter.add.f32 [tilespmem:s7], [sflag:$0x2], $0x10, s14, s9, $0xb8;
	[tilespmem:$0xD870] =	vst v63  }
0xe1: {  	_ = 	snop  }
0xe2: {  	[spmem:s3] =	stream.indirect.scatter.add.f32 [tilespmem:s7], [sflag:$0x2], $0x10, s15, s9, $0xb8;
	[tilespmem:$0xD870] =	vst v63  }
0xe3: {  	_ = 	snop  }
0xe4: {  	[spmem:s3] =	stream.indirect.scatter.add.f32 [tilespmem:s7], [sflag:$0x2], $0x10, s16, s9, $0xb8;
	[tilespmem:$0xD870] =	vst v63  }
0xe5: {  	_ = 	snop  }
0xe6: {  	[tilespmem:s17], [sflag:$0x1] =	stream.indirect.gather [hbm4b:s2+s9], $0x10, s4, s9, $0xb8;
	[tilespmem:$0xD870] =	vst v63  }
0xe7: {  	_ = 	snop  }
0xe8: {  	[tilespmem:s19], [sflag:$0x1] =	stream.indirect.gather [hbm4b:s2+s9], $0x10, s18, s9, $0xb8;
	[tilespmem:$0xD870] =	vst v63  }
0xe9: {  	_ =	swait.ge [sflag:s20], $0x2710  }
0xea: {  	[sflag:s20] =	ssyncset.done $0x0  }
0xeb: {  	[sflag:s20] =	ssyncadd.s32 $0xFFFFD8F0  }
0xec: {  	_ =	swait.ge [sflag:s20], $0x2710  }
0xed: {  	[sflag:s20] =	ssyncset.done $0x0  }
0xee: {  	s1 =	rddreg [dreg:$0x8];
	[sflag:s20] =	ssyncadd.s32 $0xFFFFD8F0  }
0xef: {  	[hbm4b:s1+s4] =	stream.linear.scatter [tilespmem:s17], [sflag:$0x3], $0x4E20, $0x38;
	[tilespmem:$0xD870] =	vst v63  }
0xf0: {  	_ =	swait.ge [sflag:s5], $0x4E20  }
0xf1: {  	[sflag:s5] =	ssyncset.done $0x0  }
0xf2: {  	[sflag:s5] =	ssyncadd.s32 $0xFFFFB1E0  }
0xf3: {  	[tilespmem:s17], [sflag:$0x1] =	stream.indirect.gather [hbm4b:s2+s9], $0x10, s21, s9, $0xb8;
	[tilespmem:$0xD870] =	vst v63  }
0xf4: {  	_ = 	snop  }
0xf5: {  	[tilespmem:s19], [sflag:$0x1] =	stream.indirect.gather [hbm4b:s2+s9], $0x10, s22, s9, $0xb8;
	[tilespmem:$0xD870] =	vst v63  }
0xf6: {  	_ =	swait.ge [sflag:s20], $0x2710  }
0xf7: {  	[sflag:s20] =	ssyncset.done $0x0  }
0xf8: {  	[sflag:s20] =	ssyncadd.s32 $0xFFFFD8F0  }
0xf9: {  	_ =	swait.ge [sflag:s20], $0x2710  }
0xfa: {  	[sflag:s20] =	ssyncset.done $0x0  }
0xfb: {  	s10 =	rddreg [dreg:$0x9];
	[sflag:s20] =	ssyncadd.s32 $0xFFFFD8F0  }
0xfc: {  	[hbm4b:s10+s4] =	stream.linear.scatter [tilespmem:s17], [sflag:$0x3], $0x4E20, $0x38;
	[tilespmem:$0xD870] =	vst v63  }
0xfd: {  	_ =	swait.ge [sflag:s5], $0x4E20  }
0xfe: {  	[sflag:s5] =	ssyncset.done $0x0  }
0xff: {  	[sflag:s5] =	ssyncadd.s32 $0xFFFFB1E0  }
0x100: {  	[tilespmem:s17], [sflag:$0x1] =	stream.indirect.gather [hbm4b:s2+s9], $0x10, s23, s9, $0xb8;
	[tilespmem:$0xD870] =	vst v63  }
0x101: {  	_ = 	snop  }
0x102: {  	[tilespmem:s19], [sflag:$0x1] =	stream.indirect.gather [hbm4b:s2+s9], $0x10, s24, s9, $0xb8;
	[tilespmem:$0xD870] =	vst v63  }
0x103: {  	_ =	swait.ge [sflag:s20], $0x2710  }
0x104: {  	[sflag:s20] =	ssyncset.done $0x0  }
0x105: {  	[sflag:s20] =	ssyncadd.s32 $0xFFFFD8F0  }
0x106: {  	_ =	swait.ge [sflag:s20], $0x2710  }
0x107: {  	[sflag:s20] =	ssyncset.done $0x0  }
0x108: {  	s1 =	rddreg [dreg:$0xa];
	[sflag:s20] =	ssyncadd.s32 $0xFFFFD8F0  }
0x109: {  	[hbm4b:s1+s4] =	stream.linear.scatter [tilespmem:s17], [sflag:$0x3], $0x4E20, $0x38;
	[tilespmem:$0xD870] =	vst v63  }
0x10a: {  	_ =	swait.ge [sflag:s5], $0x4E20  }
0x10b: {  	[sflag:s5] =	ssyncset.done $0x0  }
0x10c: {  	[sflag:s5] =	ssyncadd.s32 $0xFFFFB1E0  }
0x10d: {  	[tilespmem:s17], [sflag:$0x1] =	stream.indirect.gather [hbm4b:s2+s9], $0x10, s25, s9, $0xb8;
	[tilespmem:$0xD870] =	vst v63  }
0x10e: {  	_ = 	snop  }
0x10f: {  	[tilespmem:s19], [sflag:$0x1] =	stream.indirect.gather [hbm4b:s2+s9], $0x10, s26, s9, $0xb8;
	[tilespmem:$0xD870] =	vst v63  }
0x110: {  	_ =	swait.ge [sflag:s20], $0x2710  }
0x111: {  	[sflag:s20] =	ssyncset.done $0x0  }
0x112: {  	[sflag:s20] =	ssyncadd.s32 $0xFFFFD8F0  }
0x113: {  	_ =	swait.ge [sflag:s20], $0x2710  }
0x114: {  	[sflag:s20] =	ssyncset.done $0x0  }
0x115: {  	s10 =	rddreg [dreg:$0xb];
	[sflag:s20] =	ssyncadd.s32 $0xFFFFD8F0  }
0x116: {  	[hbm4b:s10+s4] =	stream.linear.scatter [tilespmem:s17], [sflag:$0x3], $0x4E20, $0x38;
	[tilespmem:$0xD870] =	vst v63  }
0x117: {  	_ =	swait.ge [sflag:s5], $0x4E20  }
0x118: {  	[sflag:s5] =	ssyncset.done $0x0  }
0x119: {  	[sflag:s5] =	ssyncadd.s32 $0xFFFFB1E0  }
0x11a: {  	_ =	swait.ge [sflag:s28], $0x2710  }
0x11b: {  	[sflag:s28] =	ssyncset.done $0x0  }
0x11c: {  	[sflag:s28] =	ssyncadd.s32 $0xFFFFD8F0  }
0x11d: {  	_ =	swait.ge [sflag:s28], $0x2710  }
0x11e: {  	[sflag:s28] =	ssyncset.done $0x0  }
0x11f: {  	[sflag:s28] =	ssyncadd.s32 $0xFFFFD8F0  }
0x120: {  	_ =	swait.ge [sflag:s28], $0x2710  }
0x121: {  	[sflag:s28] =	ssyncset.done $0x0  }
0x122: {  	[sflag:s28] =	ssyncadd.s32 $0xFFFFD8F0  }
0x123: {  	_ =	swait.ge [sflag:s28], $0x2710  }
0x124: {  	[sflag:s28] =	ssyncset.done $0x0  }
0x125: {  	[sflag:s28] =	ssyncadd.s32 $0xFFFFD8F0  }
0x126: {  	_ =	swait.ge [sflag:s28], $0x2710  }
0x127: {  	[sflag:s28] =	ssyncset.done $0x0  }
0x128: {  	[sflag:s28] =	ssyncadd.s32 $0xFFFFD8F0  }
0x129: {  	_ =	swait.ge [sflag:s28], $0x2710  }
0x12a: {  	[sflag:s28] =	ssyncset.done $0x0  }
0x12b: {  	[sflag:s28] =	ssyncadd.s32 $0xFFFFD8F0  }
0x12c: {  	_ =	swait.ge [sflag:s28], $0x2710  }
0x12d: {  	[sflag:s28] =	ssyncset.done $0x0  }
0x12e: {  	[sflag:s28] =	ssyncadd.s32 $0xFFFFD8F0  }
0x12f: {  	_ =	swait.ge [sflag:s28], $0x2710  }
0x130: {  	[sflag:s28] =	ssyncset.done $0x0  }
0x131: {  	[sflag:s28] =	ssyncadd.s32 $0xFFFFD8F0  }
0x132: {  	_ =	swait.ge [sflag:s28], $0x2710  }
0x133: {  	[sflag:s28] =	ssyncset.done $0x0  }
0x134: {  	[sflag:s28] =	ssyncadd.s32 $0xFFFFD8F0  }
0x135: {  	_ =	swait.ge [sflag:s28], $0x2710  }
0x136: {  	[sflag:s28] =	ssyncset.done $0x0  }
0x137: {  	[sflag:s28] =	ssyncadd.s32 $0xFFFFD8F0  }
0x138: {  	_ =	swait.ge [sflag:s28], $0x2710  }
0x139: {  	[sflag:s28] =	ssyncset.done $0x0  }
0x13a: {  	[sflag:s28] =	ssyncadd.s32 $0xFFFFD8F0  }
0x13b: {  	_ =	swait.ge [sflag:s28], $0x2710  }
0x13c: {  	[sflag:s28] =	ssyncset.done $0x0  }
0x13d: {  	[sflag:s28] =	ssyncadd.s32 $0xFFFFD8F0  }
0x13e: {  	_ =	swait.ge [sflag:s28], $0x2710  }
0x13f: {  	[sflag:s28] =	ssyncset.done $0x0  }
0x140: {  	[sflag:s28] =	ssyncadd.s32 $0xFFFFD8F0  }
0x141: {  	_ =	swait.ge [sflag:s28], $0x2710  }
0x142: {  	[sflag:s28] =	ssyncset.done $0x0  }
0x143: {  	[sflag:s28] =	ssyncadd.s32 $0xFFFFD8F0  }
0x144: {  	_ =	swait.ge [sflag:s28], $0x2710  }
0x145: {  	[sflag:s28] =	ssyncset.done $0x0  }
0x146: {  	s31 =	sadd.s32 $0xFFFFFFFF, s31;
	[sflag:s28] =	ssyncadd.s32 $0xFFFFD8F0  }
0x147: {  	p1 =	sne.s32 s31, $0x0;
	_ =	swait.ge [sflag:s28], $0x2710  }
.Ltmp1:
0x148: {  	[sflag:s28] =	ssyncset.done $0x0;
	(pc) =	sbr.rel @p1 .LBB2_1-.Ltmp1, $4  }
0x149: {  	[sflag:s28] =	ssyncadd.s32 $0xFFFFD8F0  }
0x14a: {  	[bflag:$0x0] =	sbarrier.arrive $0xFFFF  }
0x14b: {  	s0 =	rddreg [dreg:$0xc]  }
0x14c: {  	[hbm:s0], [sflag:s8] =	dma.local @!p0 [spmem:s30], $0x500  }
.LBB2_2:
0x14d: {  	_ =	swait.ge @!p0 [sflag:s29], $0x500  }
0x14e: {  	[sflag:s29] =	ssyncset.done @!p0 $0x0  }
0x14f: {  	[sflag:s29] =	ssyncadd.s32 @!p0 $0xFFFFFB00  }
0x150: {  	_ =	sfence.sel $0x180000  }
0x151: {  	[bflag:$0x0] =	sbarrier.arrive $0xFFFF  }
0x152: {  	_ =	strace $0x90000047  }
0x153: {  	s0 =	stileid.u32;
	[bflag:$0x2] =	sbarrier.arrive $0xFFFF  }
0x154: {  	p0 =	sne.s32 s0, $0x0;
	s0 =	rddreg [dreg:$0x3]  }
0x155: {  	s0 =	sadd.s32 @!p0 $0x100000, s0  }
0x156: {  	[sflag:s0] =	ssyncadd.tile.s32 @!p0 $0x1;
	_ =	shalt  }
.Lfunc_end2:
_tile_overlayer_lowered:
.L_overlay_start_2:
0x157: {  	(tag) =	ssettag $0x2  }
0x158: {  	s0 =	rddreg [dreg:$0x0];
	s2 =	stileid.u32  }
0x159: {  	s1 =	rddreg [dreg:$0x1];
	p0 =	sne.s32 s2, $0x0  }
0x15a: {  	s3 =	rddreg [dreg:$0x2];
	[bflag:$0x3] =	sbarrier.arrive $0xFFFF;
	s2 =	simm.s32 @!p0 $0x1C03  }
0x15b: {  	[timem:s3], [sflag:s2] =	dma.local @!p0 [hbm:s0], s1  }
0x15c: {  	s0 =	simm.s32 @!p0 $0x3  }
0x15d: {  	_ =	swait.ge @!p0 [sflag:s0], s1  }
0x15e: {  	s1 =	ssub.s32 @!p0 $0x0, s1;
	[sflag:s0] =	ssyncset.done @!p0 $0x0  }
0x15f: {  	[sflag:s0] =	ssyncadd.s32 @!p0 s1  }
0x160: {  	[bflag:$0x3] =	sbarrier.arrive $0xFFFF  }
0x161: {  	_ =	shalt  }

</sc_bundles>
